<compile_context>
chip_gen: v7x
topology: tpu7x:2x2x1
jax: 0.10.2.dev20260603
libtpu: 0.0.44.dev20260713+nightly
codegen_flags: <defaults>
</compile_context>

<pallas_src>
import jax
import jax.numpy as jnp
import numpy as np
from jax import lax
from jax.experimental import pallas as pl
from jax.experimental.pallas import tpu as pltpu
from jax.experimental.pallas import tpu_sc as plsc

NC = 2
NS = 16
NW = NC * NS
LANES = 16

B, L = 4, 8192
N = B * L
TOK_PER_W = N // NW
T = 64
NCHUNK = TOK_PER_W // T
HALF = NCHUNK // 2
D = 256
DW = D // 2
NBLK = D // 32

RA = 2304
RA_W = RA // NW
RB = 128 * 128
RB_W = RB // NW
RB_CH = 128
REP_A = 2
REP_2 = NW

_IL = np.stack([np.arange(16), np.arange(16) + 16], axis=1).reshape(32)


def _prep_table(t, pad_rows=None):
    r = t.shape[0]
    bf = t.reshape(r, NBLK, 32)[:, :, _IL].reshape(r, D).astype(jnp.bfloat16)
    if pad_rows is not None and pad_rows > r:
        bf = jnp.concatenate(
            [bf, jnp.zeros((pad_rows - r, D), jnp.bfloat16)])
    return lax.bitcast_convert_type(
        bf.reshape(bf.shape[0], DW, 2), jnp.int32)


def _bsum(a, b):
    return plsc.bitcast(
        plsc.bitcast(a, jnp.bfloat16) + plsc.bitcast(b, jnp.bfloat16),
        jnp.int32)


def _build_body(src_t, dep_t, sp0_t, sp1_t, sp2_t,
                ca_hbm, cb_hbm, c2_hbm,
                src_v, dep_v, sp0_v, sp1_v, sp2_v, rb_a, rb_b,
                s0, s1, s2, s3, s4, soa, sob):
    wid = lax.axis_index("s") * NC + lax.axis_index("c")

    copies = (
        pltpu.make_async_copy(src_t, src_v, s0),
        pltpu.make_async_copy(dep_t, dep_v, s1),
        pltpu.make_async_copy(sp0_t, sp0_v, s2),
        pltpu.make_async_copy(sp1_t, sp1_v, s3),
        pltpu.make_async_copy(sp2_t, sp2_v, s4),
    )
    for dsc in copies:
        dsc.start()
    for dsc in copies:
        dsc.wait()

    c2 = pltpu.make_async_copy(
        sp2_v, c2_hbm.at[pl.ds(wid * 128, 128)], sob)
    c2.start()

    @plsc.parallel_loop(0, RA_W, unroll=4)
    def arow(k):
        r = wid * RA_W + k
        v = lax.shift_right_logical(r, 3)
        d = jnp.bitwise_and(r, 7)
        for blk in range(NBLK):
            sl = pl.ds(blk * LANES, LANES)
            rb_a[k, sl] = _bsum(src_v[v, sl], dep_v[d, sl])

    cas = [pltpu.make_async_copy(
        rb_a, ca_hbm.at[pl.ds(rep * RA + wid * RA_W, RA_W)], soa)
        for rep in range(REP_A)]
    for c in cas:
        c.start()

    for ch in range(RB_W // RB_CH):
        @plsc.parallel_loop(0, RB_CH, unroll=4)
        def brow(j):
            jj = ch * RB_CH + j
            i0 = wid * 4 + lax.shift_right_logical(jj, 7)
            i1 = jnp.bitwise_and(jj, 127)
            for blk in range(NBLK):
                sl = pl.ds(blk * LANES, LANES)
                rb_b[j, sl] = _bsum(sp0_v[i0, sl], sp1_v[i1, sl])

        pltpu.sync_copy(
            rb_b, cb_hbm.at[pl.ds(wid * RB_W + ch * RB_CH, RB_CH)])
    for c in cas:
        c.wait()
    c2.wait()


def _serve_body(vi, di, p0i, p1i, p2i, ca_t, cb_t, sp2_t,
                out_hbm,
                vi_v, di_v, p0_v, p1_v, p2_v, ia_v, ib_v,
                a0, a1, a2, b0, b1, b2, oa, ob,
                sa0, sa1, sa2, sb0, sb1, sb2, soa, sob):
    wid = lax.axis_index("s") * NC + lax.axis_index("c")
    base = wid * TOK_PER_W

    pltpu.sync_copy(vi.at[wid], vi_v)
    pltpu.sync_copy(di.at[wid], di_v)
    pltpu.sync_copy(p0i.at[wid], p0_v)
    pltpu.sync_copy(p1i.at[wid], p1_v)
    pltpu.sync_copy(p2i.at[wid], p2_v)

    ra_off = jnp.bitwise_and(wid, REP_A - 1) * RA
    r2_off = wid * 128

    def idxrow(c, carry):
        for g in range(T // LANES):
            sl = pl.ds(g * LANES, LANES)
            ia_v[c, sl] = vi_v[c, sl] * 8 + di_v[c, sl] + ra_off
            ib_v[c, sl] = p0_v[c, sl] * 128 + p1_v[c, sl]
            p2_v[c, sl] = p2_v[c, sl] + r2_off
        return carry

    lax.fori_loop(0, NCHUNK, idxrow, 0, unroll=False)

    sets = (
        ((a0, a1, a2), (sa0, sa1, sa2), oa, soa),
        ((b0, b1, b2), (sb0, sb1, sb2), ob, sob),
    )

    def gathers(c, p):
        bufs, sems, _, _ = sets[p]
        return (
            pltpu.make_async_copy(ca_t.at[ia_v.at[c]], bufs[0], sems[0]),
            pltpu.make_async_copy(cb_t.at[ib_v.at[c]], bufs[1], sems[1]),
            pltpu.make_async_copy(sp2_t.at[p2_v.at[c]], bufs[2], sems[2]),
        )

    def fire(c, p):
        for dsc in gathers(c, p):
            dsc.start()

    def wait_gathers(c, p):
        for dsc in gathers(c, p):
            dsc.wait()

    def out_copy(c, p):
        _, _, obuf, osem = sets[p]
        return pltpu.make_async_copy(
            obuf, out_hbm.at[pl.ds(base + c * T, T)], osem)

    hi16 = jnp.full((LANES,), -65536, dtype=jnp.int32)
    bf = jnp.bfloat16

    def process(c, p, k):
        bufs, _, obuf, _ = sets[p]
        wait_gathers(c, p)

        @pl.when(k > 0)
        def _():
            out_copy(c - 2, p).wait()

        g0, g1, g2 = bufs

        @plsc.parallel_loop(0, T, unroll=2)
        def row(r):
            for d in range(NBLK):
                sl = pl.ds(d * LANES, LANES)
                acc = (plsc.bitcast(g0[r, sl], bf)
                       + plsc.bitcast(g1[r, sl], bf)
                       ) + plsc.bitcast(g2[r, sl], bf)
                w = plsc.bitcast(acc, jnp.int32)
                even = lax.bitcast_convert_type(
                    jnp.left_shift(w, 16), jnp.float32)
                odd = lax.bitcast_convert_type(
                    jnp.bitwise_and(w, hi16), jnp.float32)
                obuf[r, pl.ds(d * 32, LANES)] = even
                obuf[r, pl.ds(d * 32 + LANES, LANES)] = odd
        out_copy(c, p).start()

    fire(0, 0)

    def pair(k, carry):
        c0 = 2 * k
        fire(c0 + 1, 1)
        process(c0, 0, k)

        @pl.when(k < HALF - 1)
        def _():
            fire(c0 + 2, 0)

        process(c0 + 1, 1, k)
        return carry

    lax.fori_loop(0, HALF, pair, 0, unroll=False)
    out_copy(NCHUNK - 2, 0).wait()
    out_copy(NCHUNK - 1, 1).wait()


@jax.jit
def _embed_sum(vi, di, p0i, p1i, p2i, src_t, dep_t, sp0_t, sp1_t, sp2_t):
    mesh = plsc.VectorSubcoreMesh(
        core_axis_name="c", subcore_axis_name="s",
        num_cores=NC, num_subcores=NS)
    params = pltpu.CompilerParams(needs_layout_passes=False)

    build = pl.kernel(
        _build_body,
        out_type=(jax.ShapeDtypeStruct((REP_A * RA, DW), jnp.int32),
                  jax.ShapeDtypeStruct((RB, DW), jnp.int32),
                  jax.ShapeDtypeStruct((REP_2 * 128, DW), jnp.int32)),
        mesh=mesh,
        compiler_params=params,
        scratch_types=(
            [pltpu.VMEM((RA // 8, DW), jnp.int32),
             pltpu.VMEM((8, DW), jnp.int32),
             pltpu.VMEM((128, DW), jnp.int32),
             pltpu.VMEM((128, DW), jnp.int32),
             pltpu.VMEM((128, DW), jnp.int32),
             pltpu.VMEM((RA_W, DW), jnp.int32),
             pltpu.VMEM((RB_CH, DW), jnp.int32)]
            + [pltpu.SemaphoreType.DMA] * 7
        ),
    )
    ca_t, cb_t, c2_t = build(src_t, dep_t, sp0_t, sp1_t, sp2_t)

    serve = pl.kernel(
        _serve_body,
        out_type=jax.ShapeDtypeStruct((N, D), jnp.float32),
        mesh=mesh,
        compiler_params=params,
        scratch_types=(
            [pltpu.VMEM((NCHUNK, T), jnp.int32)] * 7
            + [pltpu.VMEM((T, DW), jnp.int32)] * 6
            + [pltpu.VMEM((T, D), jnp.float32)] * 2
            + [pltpu.SemaphoreType.DMA] * 8
        ),
    )
    return serve(vi, di, p0i, p1i, p2i, ca_t, cb_t, c2_t)


def kernel(value, depth, position, src_table, depth_table, sp_table0,
           sp_table1, sp_table2):
    shp = (NW, NCHUNK, T)
    vi = value.reshape(shp).astype(jnp.int32)
    di = depth.reshape(shp).astype(jnp.int32)
    p0i = position[:, :, 0].reshape(shp).astype(jnp.int32)
    p1i = position[:, :, 1].reshape(shp).astype(jnp.int32)
    p2i = position[:, :, 2].reshape(shp).astype(jnp.int32)
    out = _embed_sum(vi, di, p0i, p1i, p2i,
                     _prep_table(src_table, pad_rows=RA // 8),
                     _prep_table(depth_table, pad_rows=8),
                     _prep_table(sp_table0), _prep_table(sp_table1),
                     _prep_table(sp_table2))
    return out.reshape(B, L, D)

# --- scband reference (transcript-rebuilt; emitter-appended) ---
"""Pipeline reference for scband-basic-embedding-44538810860310 (READ-ONLY COPY).

The authoritative reference and input builder live on the scoring server;
editing this copy changes nothing except your own understanding.
"""

import jax, jax.numpy as jnp
import numpy as np

NUM_VOCAB = 256
EMBED_DIM = 256
RESOLUTION = 64
SPATIAL_DIM = 3
TREE_DEPTH = 6  # int(log2(64))
B, L = 4, 8192


def _mk_table(k, n_rows):
    t = jax.random.normal(k, (n_rows, EMBED_DIM), dtype=jnp.float32) * 0.02
    # padding_idx=0: row 0 is zero
    return t.at[0].set(0.0)


def setup_inputs(seed: int = 0) -> dict:
    key = jax.random.key(seed)
    ks = jax.random.split(key, 8)
    value = jax.random.randint(ks[0], (B, L), 0, NUM_VOCAB + 1, dtype=jnp.int64) if jax.config.jax_enable_x64 else jax.random.randint(ks[0], (B, L), 0, NUM_VOCAB + 1, dtype=jnp.int32)
    depth = jax.random.randint(ks[1], (B, L), 0, TREE_DEPTH + 1, dtype=value.dtype)
    position = jax.random.randint(ks[2], (B, L, SPATIAL_DIM), 0, 2 * RESOLUTION, dtype=value.dtype)
    src_table = _mk_table(ks[3], NUM_VOCAB + 1)
    depth_table = _mk_table(ks[4], TREE_DEPTH + 1)
    sp_table0 = _mk_table(ks[5], 2 * RESOLUTION)
    sp_table1 = _mk_table(ks[6], 2 * RESOLUTION)
    sp_table2 = _mk_table(ks[7], 2 * RESOLUTION)
    return {
        "value": value,
        "depth": depth,
        "position": position,
        "src_table": src_table,
        "depth_table": depth_table,
        "sp_table0": sp_table0,
        "sp_table1": sp_table1,
        "sp_table2": sp_table2,
    }


def reference(value, depth, position, src_table, depth_table, sp_table0, sp_table1, sp_table2):
    # BasicEmbedding.source(value, depth, position)
    x = jnp.take(src_table, value, axis=0)
    # _embed_depth_position
    x = x + jnp.take(depth_table, depth, axis=0)
    x = x + jnp.take(sp_table0, position[:, :, 0], axis=0)
    x = x + jnp.take(sp_table1, position[:, :, 1], axis=0)
    x = x + jnp.take(sp_table2, position[:, :, 2], axis=0)
    return x

if __name__ == "__main__":
    import jax
    _d = setup_inputs()
    print(jax.jit(kernel)(*tuple(_d.values())))

</pallas_src>

<mosaic_0001>
#map = affine_map<(d0, d1) -> (0, 0)>
module attributes {stable_mosaic.version = 14 : i64} {
  func.func @_build_body(%arg0: i32, %arg1: i32, %arg2: memref<288x128xi32, #tpu.memory_space<hbm>>, %arg3: memref<8x128xi32, #tpu.memory_space<hbm>>, %arg4: memref<128x128xi32, #tpu.memory_space<hbm>>, %arg5: memref<128x128xi32, #tpu.memory_space<hbm>>, %arg6: memref<128x128xi32, #tpu.memory_space<hbm>>, %arg7: memref<4608x128xi32, #tpu.memory_space<hbm>>, %arg8: memref<16384x128xi32, #tpu.memory_space<hbm>>, %arg9: memref<4096x128xi32, #tpu.memory_space<hbm>>, %arg10: memref<288x128xi32, #tpu.memory_space<vmem>>, %arg11: memref<8x128xi32, #tpu.memory_space<vmem>>, %arg12: memref<128x128xi32, #tpu.memory_space<vmem>>, %arg13: memref<128x128xi32, #tpu.memory_space<vmem>>, %arg14: memref<128x128xi32, #tpu.memory_space<vmem>>, %arg15: memref<72x128xi32, #tpu.memory_space<vmem>>, %arg16: memref<128x128xi32, #tpu.memory_space<vmem>>, %arg17: memref<!tpu.dma_semaphore, #tpu.memory_space<semaphore_mem>>, %arg18: memref<!tpu.dma_semaphore, #tpu.memory_space<semaphore_mem>>, %arg19: memref<!tpu.dma_semaphore, #tpu.memory_space<semaphore_mem>>, %arg20: memref<!tpu.dma_semaphore, #tpu.memory_space<semaphore_mem>>, %arg21: memref<!tpu.dma_semaphore, #tpu.memory_space<semaphore_mem>>, %arg22: memref<!tpu.dma_semaphore, #tpu.memory_space<semaphore_mem>>, %arg23: memref<!tpu.dma_semaphore, #tpu.memory_space<semaphore_mem>>) attributes {dimension_semantics = [#tpu.dimension_semantics<core_parallel>, #tpu.dimension_semantics<subcore_parallel>], iteration_bounds = array<i64: 2, 16>, scalar_prefetch = 0 : i64, scratch_operands = 14 : i64, tpu.core_type = #tpu.core_type<sc_vector_subcore>, window_params = [{transform_indices = #map}, {transform_indices = #map}, {transform_indices = #map}, {transform_indices = #map}, {transform_indices = #map}, {transform_indices = #map}, {transform_indices = #map}, {transform_indices = #map}]} {
    %mul3A = arith.constant 2 : i32
    %mul3A_0 = arith.muli %arg1, %mul3A : i32
    %add3A = arith.addi %mul3A_0, %arg0 : i32
    tpu.enqueue_dma source(%arg2 : memref<288x128xi32, #tpu.memory_space<hbm>>) target(%arg10 : memref<288x128xi32, #tpu.memory_space<vmem>>) target_semaphore(%arg17 : memref<!tpu.dma_semaphore, #tpu.memory_space<semaphore_mem>>)
    tpu.enqueue_dma source(%arg3 : memref<8x128xi32, #tpu.memory_space<hbm>>) target(%arg11 : memref<8x128xi32, #tpu.memory_space<vmem>>) target_semaphore(%arg18 : memref<!tpu.dma_semaphore, #tpu.memory_space<semaphore_mem>>)
    tpu.enqueue_dma source(%arg4 : memref<128x128xi32, #tpu.memory_space<hbm>>) target(%arg12 : memref<128x128xi32, #tpu.memory_space<vmem>>) target_semaphore(%arg19 : memref<!tpu.dma_semaphore, #tpu.memory_space<semaphore_mem>>)
    tpu.enqueue_dma source(%arg5 : memref<128x128xi32, #tpu.memory_space<hbm>>) target(%arg13 : memref<128x128xi32, #tpu.memory_space<vmem>>) target_semaphore(%arg20 : memref<!tpu.dma_semaphore, #tpu.memory_space<semaphore_mem>>)
    tpu.enqueue_dma source(%arg6 : memref<128x128xi32, #tpu.memory_space<hbm>>) target(%arg14 : memref<128x128xi32, #tpu.memory_space<vmem>>) target_semaphore(%arg21 : memref<!tpu.dma_semaphore, #tpu.memory_space<semaphore_mem>>)
    tpu.wait_dma2 semaphore(%arg17 : memref<!tpu.dma_semaphore, #tpu.memory_space<semaphore_mem>>) src(%arg2 : memref<288x128xi32, #tpu.memory_space<hbm>>) dst(%arg10 : memref<288x128xi32, #tpu.memory_space<vmem>>)
    tpu.wait_dma2 semaphore(%arg18 : memref<!tpu.dma_semaphore, #tpu.memory_space<semaphore_mem>>) src(%arg3 : memref<8x128xi32, #tpu.memory_space<hbm>>) dst(%arg11 : memref<8x128xi32, #tpu.memory_space<vmem>>)
    tpu.wait_dma2 semaphore(%arg19 : memref<!tpu.dma_semaphore, #tpu.memory_space<semaphore_mem>>) src(%arg4 : memref<128x128xi32, #tpu.memory_space<hbm>>) dst(%arg12 : memref<128x128xi32, #tpu.memory_space<vmem>>)
    tpu.wait_dma2 semaphore(%arg20 : memref<!tpu.dma_semaphore, #tpu.memory_space<semaphore_mem>>) src(%arg5 : memref<128x128xi32, #tpu.memory_space<hbm>>) dst(%arg13 : memref<128x128xi32, #tpu.memory_space<vmem>>)
    tpu.wait_dma2 semaphore(%arg21 : memref<!tpu.dma_semaphore, #tpu.memory_space<semaphore_mem>>) src(%arg6 : memref<128x128xi32, #tpu.memory_space<hbm>>) dst(%arg14 : memref<128x128xi32, #tpu.memory_space<vmem>>)
    %mul3A_1 = arith.constant 128 : i32
    %mul3A_2 = arith.muli %add3A, %mul3A_1 : i32
    %dma_start3A = arith.constant 0 : i32
    %dma_start3A_3 = tpu.memref_slice %arg9[%mul3A_2, %dma_start3A] : memref<4096x128xi32, #tpu.memory_space<hbm>> -> memref<128x128xi32, #tpu.memory_space<hbm>>
    %dma_start3A_4 = arith.constant 0 : i32
    %dma_start3A_5 = tpu.memref_slice %arg9[%mul3A_2, %dma_start3A_4] : memref<4096x128xi32, #tpu.memory_space<hbm>> -> memref<128x128xi32, #tpu.memory_space<hbm>>
    tpu.enqueue_dma source(%arg14 : memref<128x128xi32, #tpu.memory_space<vmem>>) target(%dma_start3A_5 : memref<128x128xi32, #tpu.memory_space<hbm>>) target_semaphore(%arg23 : memref<!tpu.dma_semaphore, #tpu.memory_space<semaphore_mem>>)
    %parallel_loop3A = arith.constant 0 : i32
    %parallel_loop3A_6 = arith.constant 72 : i32
    %parallel_loop3A_7 = arith.constant 1 : i32
    scf.for %parallel_loop3A_63 = %parallel_loop3A to %parallel_loop3A_6 step %parallel_loop3A_7  : i32 {
      %parallel_loop3A_64 = arith.constant 72 : i32
      %parallel_loop3A_65 = arith.muli %add3A, %parallel_loop3A_64 : i32
      %parallel_loop3A_66 = arith.addi %parallel_loop3A_65, %parallel_loop3A_63 : i32
      %parallel_loop3A_67 = arith.constant 3 : i32
      %parallel_loop3A_68 = arith.shrui %parallel_loop3A_66, %parallel_loop3A_67 : i32
      %parallel_loop3A_69 = arith.constant 7 : i32
      %parallel_loop3A_70 = arith.andi %parallel_loop3A_66, %parallel_loop3A_69 : i32
      %parallel_loop3A_71 = arith.index_cast %parallel_loop3A_68 : i32 to index
      %parallel_loop3A_72 = arith.constant 0 : index
      %parallel_loop3A_73 = tpu.vector_load %arg10[%parallel_loop3A_71, %parallel_loop3A_72] {strides = array<i32>} : memref<288x128xi32, #tpu.memory_space<vmem>>, vector<16xi32>,
      %parallel_loop3A_74 = arith.index_cast %parallel_loop3A_70 : i32 to index
      %parallel_loop3A_75 = arith.constant 0 : index
      %parallel_loop3A_76 = tpu.vector_load %arg11[%parallel_loop3A_74, %parallel_loop3A_75] {strides = array<i32>} : memref<8x128xi32, #tpu.memory_space<vmem>>, vector<16xi32>,
      %parallel_loop3A_77 = vector.bitcast %parallel_loop3A_73 : vector<16xi32> to vector<32xbf16>
      %parallel_loop3A_78 = vector.bitcast %parallel_loop3A_76 : vector<16xi32> to vector<32xbf16>
      %parallel_loop3A_79 = arith.addf %parallel_loop3A_77, %parallel_loop3A_78 : vector<32xbf16>
      %parallel_loop3A_80 = vector.bitcast %parallel_loop3A_79 : vector<32xbf16> to vector<16xi32>
      %parallel_loop3A_81 = arith.index_cast %parallel_loop3A_63 : i32 to index
      %parallel_loop3A_82 = arith.constant 0 : index
      %parallel_loop3A_83 = tpu.vector_load %arg15[%parallel_loop3A_81, %parallel_loop3A_82] {strides = array<i32>} : memref<72x128xi32, #tpu.memory_space<vmem>>, vector<16xi32>,
      tpu.vector_store %arg15[%parallel_loop3A_81, %parallel_loop3A_82], %parallel_loop3A_80 {strides = array<i32>} : memref<72x128xi32, #tpu.memory_space<vmem>>, vector<16xi32>,
      %parallel_loop3A_84 = arith.index_cast %parallel_loop3A_68 : i32 to index
      %parallel_loop3A_85 = arith.constant 16 : index
      %parallel_loop3A_86 = tpu.vector_load %arg10[%parallel_loop3A_84, %parallel_loop3A_85] {strides = array<i32>} : memref<288x128xi32, #tpu.memory_space<vmem>>, vector<16xi32>,
      %parallel_loop3A_87 = arith.index_cast %parallel_loop3A_70 : i32 to index
      %parallel_loop3A_88 = arith.constant 16 : index
      %parallel_loop3A_89 = tpu.vector_load %arg11[%parallel_loop3A_87, %parallel_loop3A_88] {strides = array<i32>} : memref<8x128xi32, #tpu.memory_space<vmem>>, vector<16xi32>,
      %parallel_loop3A_90 = vector.bitcast %parallel_loop3A_86 : vector<16xi32> to vector<32xbf16>
      %parallel_loop3A_91 = vector.bitcast %parallel_loop3A_89 : vector<16xi32> to vector<32xbf16>
      %parallel_loop3A_92 = arith.addf %parallel_loop3A_90, %parallel_loop3A_91 : vector<32xbf16>
      %parallel_loop3A_93 = vector.bitcast %parallel_loop3A_92 : vector<32xbf16> to vector<16xi32>
      %parallel_loop3A_94 = arith.index_cast %parallel_loop3A_63 : i32 to index
      %parallel_loop3A_95 = arith.constant 16 : index
      %parallel_loop3A_96 = tpu.vector_load %arg15[%parallel_loop3A_94, %parallel_loop3A_95] {strides = array<i32>} : memref<72x128xi32, #tpu.memory_space<vmem>>, vector<16xi32>,
      tpu.vector_store %arg15[%parallel_loop3A_94, %parallel_loop3A_95], %parallel_loop3A_93 {strides = array<i32>} : memref<72x128xi32, #tpu.memory_space<vmem>>, vector<16xi32>,
      %parallel_loop3A_97 = arith.index_cast %parallel_loop3A_68 : i32 to index
      %parallel_loop3A_98 = arith.constant 32 : index
      %parallel_loop3A_99 = tpu.vector_load %arg10[%parallel_loop3A_97, %parallel_loop3A_98] {strides = array<i32>} : memref<288x128xi32, #tpu.memory_space<vmem>>, vector<16xi32>,
      %parallel_loop3A_100 = arith.index_cast %parallel_loop3A_70 : i32 to index
      %parallel_loop3A_101 = arith.constant 32 : index
      %parallel_loop3A_102 = tpu.vector_load %arg11[%parallel_loop3A_100, %parallel_loop3A_101] {strides = array<i32>} : memref<8x128xi32, #tpu.memory_space<vmem>>, vector<16xi32>,
      %parallel_loop3A_103 = vector.bitcast %parallel_loop3A_99 : vector<16xi32> to vector<32xbf16>
      %parallel_loop3A_104 = vector.bitcast %parallel_loop3A_102 : vector<16xi32> to vector<32xbf16>
      %parallel_loop3A_105 = arith.addf %parallel_loop3A_103, %parallel_loop3A_104 : vector<32xbf16>
      %parallel_loop3A_106 = vector.bitcast %parallel_loop3A_105 : vector<32xbf16> to vector<16xi32>
      %parallel_loop3A_107 = arith.index_cast %parallel_loop3A_63 : i32 to index
      %parallel_loop3A_108 = arith.constant 32 : index
      %parallel_loop3A_109 = tpu.vector_load %arg15[%parallel_loop3A_107, %parallel_loop3A_108] {strides = array<i32>} : memref<72x128xi32, #tpu.memory_space<vmem>>, vector<16xi32>,
      tpu.vector_store %arg15[%parallel_loop3A_107, %parallel_loop3A_108], %parallel_loop3A_106 {strides = array<i32>} : memref<72x128xi32, #tpu.memory_space<vmem>>, vector<16xi32>,
      %parallel_loop3A_110 = arith.index_cast %parallel_loop3A_68 : i32 to index
      %parallel_loop3A_111 = arith.constant 48 : index
      %parallel_loop3A_112 = tpu.vector_load %arg10[%parallel_loop3A_110, %parallel_loop3A_111] {strides = array<i32>} : memref<288x128xi32, #tpu.memory_space<vmem>>, vector<16xi32>,
      %parallel_loop3A_113 = arith.index_cast %parallel_loop3A_70 : i32 to index
      %parallel_loop3A_114 = arith.constant 48 : index
      %parallel_loop3A_115 = tpu.vector_load %arg11[%parallel_loop3A_113, %parallel_loop3A_114] {strides = array<i32>} : memref<8x128xi32, #tpu.memory_space<vmem>>, vector<16xi32>,
      %parallel_loop3A_116 = vector.bitcast %parallel_loop3A_112 : vector<16xi32> to vector<32xbf16>
      %parallel_loop3A_117 = vector.bitcast %parallel_loop3A_115 : vector<16xi32> to vector<32xbf16>
      %parallel_loop3A_118 = arith.addf %parallel_loop3A_116, %parallel_loop3A_117 : vector<32xbf16>
      %parallel_loop3A_119 = vector.bitcast %parallel_loop3A_118 : vector<32xbf16> to vector<16xi32>
      %parallel_loop3A_120 = arith.index_cast %parallel_loop3A_63 : i32 to index
      %parallel_loop3A_121 = arith.constant 48 : index
      %parallel_loop3A_122 = tpu.vector_load %arg15[%parallel_loop3A_120, %parallel_loop3A_121] {strides = array<i32>} : memref<72x128xi32, #tpu.memory_space<vmem>>, vector<16xi32>,
      tpu.vector_store %arg15[%parallel_loop3A_120, %parallel_loop3A_121], %parallel_loop3A_119 {strides = array<i32>} : memref<72x128xi32, #tpu.memory_space<vmem>>, vector<16xi32>,
      %parallel_loop3A_123 = arith.index_cast %parallel_loop3A_68 : i32 to index
      %parallel_loop3A_124 = arith.constant 64 : index
      %parallel_loop3A_125 = tpu.vector_load %arg10[%parallel_loop3A_123, %parallel_loop3A_124] {strides = array<i32>} : memref<288x128xi32, #tpu.memory_space<vmem>>, vector<16xi32>,
      %parallel_loop3A_126 = arith.index_cast %parallel_loop3A_70 : i32 to index
      %parallel_loop3A_127 = arith.constant 64 : index
      %parallel_loop3A_128 = tpu.vector_load %arg11[%parallel_loop3A_126, %parallel_loop3A_127] {strides = array<i32>} : memref<8x128xi32, #tpu.memory_space<vmem>>, vector<16xi32>,
      %parallel_loop3A_129 = vector.bitcast %parallel_loop3A_125 : vector<16xi32> to vector<32xbf16>
      %parallel_loop3A_130 = vector.bitcast %parallel_loop3A_128 : vector<16xi32> to vector<32xbf16>
      %parallel_loop3A_131 = arith.addf %parallel_loop3A_129, %parallel_loop3A_130 : vector<32xbf16>
      %parallel_loop3A_132 = vector.bitcast %parallel_loop3A_131 : vector<32xbf16> to vector<16xi32>
      %parallel_loop3A_133 = arith.index_cast %parallel_loop3A_63 : i32 to index
      %parallel_loop3A_134 = arith.constant 64 : index
      %parallel_loop3A_135 = tpu.vector_load %arg15[%parallel_loop3A_133, %parallel_loop3A_134] {strides = array<i32>} : memref<72x128xi32, #tpu.memory_space<vmem>>, vector<16xi32>,
      tpu.vector_store %arg15[%parallel_loop3A_133, %parallel_loop3A_134], %parallel_loop3A_132 {strides = array<i32>} : memref<72x128xi32, #tpu.memory_space<vmem>>, vector<16xi32>,
      %parallel_loop3A_136 = arith.index_cast %parallel_loop3A_68 : i32 to index
      %parallel_loop3A_137 = arith.constant 80 : index
      %parallel_loop3A_138 = tpu.vector_load %arg10[%parallel_loop3A_136, %parallel_loop3A_137] {strides = array<i32>} : memref<288x128xi32, #tpu.memory_space<vmem>>, vector<16xi32>,
      %parallel_loop3A_139 = arith.index_cast %parallel_loop3A_70 : i32 to index
      %parallel_loop3A_140 = arith.constant 80 : index
      %parallel_loop3A_141 = tpu.vector_load %arg11[%parallel_loop3A_139, %parallel_loop3A_140] {strides = array<i32>} : memref<8x128xi32, #tpu.memory_space<vmem>>, vector<16xi32>,
      %parallel_loop3A_142 = vector.bitcast %parallel_loop3A_138 : vector<16xi32> to vector<32xbf16>
      %parallel_loop3A_143 = vector.bitcast %parallel_loop3A_141 : vector<16xi32> to vector<32xbf16>
      %parallel_loop3A_144 = arith.addf %parallel_loop3A_142, %parallel_loop3A_143 : vector<32xbf16>
      %parallel_loop3A_145 = vector.bitcast %parallel_loop3A_144 : vector<32xbf16> to vector<16xi32>
      %parallel_loop3A_146 = arith.index_cast %parallel_loop3A_63 : i32 to index
      %parallel_loop3A_147 = arith.constant 80 : index
      %parallel_loop3A_148 = tpu.vector_load %arg15[%parallel_loop3A_146, %parallel_loop3A_147] {strides = array<i32>} : memref<72x128xi32, #tpu.memory_space<vmem>>, vector<16xi32>,
      tpu.vector_store %arg15[%parallel_loop3A_146, %parallel_loop3A_147], %parallel_loop3A_145 {strides = array<i32>} : memref<72x128xi32, #tpu.memory_space<vmem>>, vector<16xi32>,
      %parallel_loop3A_149 = arith.index_cast %parallel_loop3A_68 : i32 to index
      %parallel_loop3A_150 = arith.constant 96 : index
      %parallel_loop3A_151 = tpu.vector_load %arg10[%parallel_loop3A_149, %parallel_loop3A_150] {strides = array<i32>} : memref<288x128xi32, #tpu.memory_space<vmem>>, vector<16xi32>,
      %parallel_loop3A_152 = arith.index_cast %parallel_loop3A_70 : i32 to index
      %parallel_loop3A_153 = arith.constant 96 : index
      %parallel_loop3A_154 = tpu.vector_load %arg11[%parallel_loop3A_152, %parallel_loop3A_153] {strides = array<i32>} : memref<8x128xi32, #tpu.memory_space<vmem>>, vector<16xi32>,
      %parallel_loop3A_155 = vector.bitcast %parallel_loop3A_151 : vector<16xi32> to vector<32xbf16>
      %parallel_loop3A_156 = vector.bitcast %parallel_loop3A_154 : vector<16xi32> to vector<32xbf16>
      %parallel_loop3A_157 = arith.addf %parallel_loop3A_155, %parallel_loop3A_156 : vector<32xbf16>
      %parallel_loop3A_158 = vector.bitcast %parallel_loop3A_157 : vector<32xbf16> to vector<16xi32>
      %parallel_loop3A_159 = arith.index_cast %parallel_loop3A_63 : i32 to index
      %parallel_loop3A_160 = arith.constant 96 : index
      %parallel_loop3A_161 = tpu.vector_load %arg15[%parallel_loop3A_159, %parallel_loop3A_160] {strides = array<i32>} : memref<72x128xi32, #tpu.memory_space<vmem>>, vector<16xi32>,
      tpu.vector_store %arg15[%parallel_loop3A_159, %parallel_loop3A_160], %parallel_loop3A_158 {strides = array<i32>} : memref<72x128xi32, #tpu.memory_space<vmem>>, vector<16xi32>,
      %parallel_loop3A_162 = arith.index_cast %parallel_loop3A_68 : i32 to index
      %parallel_loop3A_163 = arith.constant 112 : index
      %parallel_loop3A_164 = tpu.vector_load %arg10[%parallel_loop3A_162, %parallel_loop3A_163] {strides = array<i32>} : memref<288x128xi32, #tpu.memory_space<vmem>>, vector<16xi32>,
      %parallel_loop3A_165 = arith.index_cast %parallel_loop3A_70 : i32 to index
      %parallel_loop3A_166 = arith.constant 112 : index
      %parallel_loop3A_167 = tpu.vector_load %arg11[%parallel_loop3A_165, %parallel_loop3A_166] {strides = array<i32>} : memref<8x128xi32, #tpu.memory_space<vmem>>, vector<16xi32>,
      %parallel_loop3A_168 = vector.bitcast %parallel_loop3A_164 : vector<16xi32> to vector<32xbf16>
      %parallel_loop3A_169 = vector.bitcast %parallel_loop3A_167 : vector<16xi32> to vector<32xbf16>
      %parallel_loop3A_170 = arith.addf %parallel_loop3A_168, %parallel_loop3A_169 : vector<32xbf16>
      %parallel_loop3A_171 = vector.bitcast %parallel_loop3A_170 : vector<32xbf16> to vector<16xi32>
      %parallel_loop3A_172 = arith.index_cast %parallel_loop3A_63 : i32 to index
      %parallel_loop3A_173 = arith.constant 112 : index
      %parallel_loop3A_174 = tpu.vector_load %arg15[%parallel_loop3A_172, %parallel_loop3A_173] {strides = array<i32>} : memref<72x128xi32, #tpu.memory_space<vmem>>, vector<16xi32>,
      tpu.vector_store %arg15[%parallel_loop3A_172, %parallel_loop3A_173], %parallel_loop3A_171 {strides = array<i32>} : memref<72x128xi32, #tpu.memory_space<vmem>>, vector<16xi32>,
    } {sc.loop_unroll_factor = 4 : i64, sc.parallel_access}
    %mul3A_8 = arith.constant 72 : i32
    %mul3A_9 = arith.muli %add3A, %mul3A_8 : i32
    %add3A_10 = arith.constant 0 : i32
    %add3A_11 = arith.addi %add3A_10, %mul3A_9 : i32
    %mul3A_12 = arith.constant 72 : i32
    %mul3A_13 = arith.muli %add3A, %mul3A_12 : i32
    %add3A_14 = arith.constant 2304 : i32
    %add3A_15 = arith.addi %add3A_14, %mul3A_13 : i32
    %dma_start3A_16 = arith.constant 0 : i32
    %dma_start3A_17 = tpu.memref_slice %arg7[%add3A_11, %dma_start3A_16] : memref<4608x128xi32, #tpu.memory_space<hbm>> -> memref<72x128xi32, #tpu.memory_space<hbm>>
    %dma_start3A_18 = arith.constant 0 : i32
    %dma_start3A_19 = tpu.memref_slice %arg7[%add3A_11, %dma_start3A_18] : memref<4608x128xi32, #tpu.memory_space<hbm>> -> memref<72x128xi32, #tpu.memory_space<hbm>>
    tpu.enqueue_dma source(%arg15 : memref<72x128xi32, #tpu.memory_space<vmem>>) target(%dma_start3A_19 : memref<72x128xi32, #tpu.memory_space<hbm>>) target_semaphore(%arg22 : memref<!tpu.dma_semaphore, #tpu.memory_space<semaphore_mem>>)
    %dma_start3A_20 = arith.constant 0 : i32
    %dma_start3A_21 = tpu.memref_slice %arg7[%add3A_15, %dma_start3A_20] : memref<4608x128xi32, #tpu.memory_space<hbm>> -> memref<72x128xi32, #tpu.memory_space<hbm>>
    %dma_start3A_22 = arith.constant 0 : i32
    %dma_start3A_23 = tpu.memref_slice %arg7[%add3A_15, %dma_start3A_22] : memref<4608x128xi32, #tpu.memory_space<hbm>> -> memref<72x128xi32, #tpu.memory_space<hbm>>
    tpu.enqueue_dma source(%arg15 : memref<72x128xi32, #tpu.memory_space<vmem>>) target(%dma_start3A_23 : memref<72x128xi32, #tpu.memory_space<hbm>>) target_semaphore(%arg22 : memref<!tpu.dma_semaphore, #tpu.memory_space<semaphore_mem>>)
    %parallel_loop3A_24 = arith.constant 0 : i32
    %parallel_loop3A_25 = arith.constant 128 : i32
    %parallel_loop3A_26 = arith.constant 1 : i32
    scf.for %parallel_loop3A_63 = %parallel_loop3A_24 to %parallel_loop3A_25 step %parallel_loop3A_26  : i32 {
      %parallel_loop3A_64 = arith.constant 0 : i32
      %parallel_loop3A_65 = arith.addi %parallel_loop3A_64, %parallel_loop3A_63 : i32
      %parallel_loop3A_66 = arith.constant 4 : i32
      %parallel_loop3A_67 = arith.muli %add3A, %parallel_loop3A_66 : i32
      %parallel_loop3A_68 = arith.constant 7 : i32
      %parallel_loop3A_69 = arith.shrui %parallel_loop3A_65, %parallel_loop3A_68 : i32
      %parallel_loop3A_70 = arith.addi %parallel_loop3A_67, %parallel_loop3A_69 : i32
      %parallel_loop3A_71 = arith.constant 127 : i32
      %parallel_loop3A_72 = arith.andi %parallel_loop3A_65, %parallel_loop3A_71 : i32
      %parallel_loop3A_73 = arith.index_cast %parallel_loop3A_70 : i32 to index
      %parallel_loop3A_74 = arith.constant 0 : index
      %parallel_loop3A_75 = tpu.vector_load %arg12[%parallel_loop3A_73, %parallel_loop3A_74] {strides = array<i32>} : memref<128x128xi32, #tpu.memory_space<vmem>>, vector<16xi32>,
      %parallel_loop3A_76 = arith.index_cast %parallel_loop3A_72 : i32 to index
      %parallel_loop3A_77 = arith.constant 0 : index
      %parallel_loop3A_78 = tpu.vector_load %arg13[%parallel_loop3A_76, %parallel_loop3A_77] {strides = array<i32>} : memref<128x128xi32, #tpu.memory_space<vmem>>, vector<16xi32>,
      %parallel_loop3A_79 = vector.bitcast %parallel_loop3A_75 : vector<16xi32> to vector<32xbf16>
      %parallel_loop3A_80 = vector.bitcast %parallel_loop3A_78 : vector<16xi32> to vector<32xbf16>
      %parallel_loop3A_81 = arith.addf %parallel_loop3A_79, %parallel_loop3A_80 : vector<32xbf16>
      %parallel_loop3A_82 = vector.bitcast %parallel_loop3A_81 : vector<32xbf16> to vector<16xi32>
      %parallel_loop3A_83 = arith.index_cast %parallel_loop3A_63 : i32 to index
      %parallel_loop3A_84 = arith.constant 0 : index
      %parallel_loop3A_85 = tpu.vector_load %arg16[%parallel_loop3A_83, %parallel_loop3A_84] {strides = array<i32>} : memref<128x128xi32, #tpu.memory_space<vmem>>, vector<16xi32>,
      tpu.vector_store %arg16[%parallel_loop3A_83, %parallel_loop3A_84], %parallel_loop3A_82 {strides = array<i32>} : memref<128x128xi32, #tpu.memory_space<vmem>>, vector<16xi32>,
      %parallel_loop3A_86 = arith.index_cast %parallel_loop3A_70 : i32 to index
      %parallel_loop3A_87 = arith.constant 16 : index
      %parallel_loop3A_88 = tpu.vector_load %arg12[%parallel_loop3A_86, %parallel_loop3A_87] {strides = array<i32>} : memref<128x128xi32, #tpu.memory_space<vmem>>, vector<16xi32>,
      %parallel_loop3A_89 = arith.index_cast %parallel_loop3A_72 : i32 to index
      %parallel_loop3A_90 = arith.constant 16 : index
      %parallel_loop3A_91 = tpu.vector_load %arg13[%parallel_loop3A_89, %parallel_loop3A_90] {strides = array<i32>} : memref<128x128xi32, #tpu.memory_space<vmem>>, vector<16xi32>,
      %parallel_loop3A_92 = vector.bitcast %parallel_loop3A_88 : vector<16xi32> to vector<32xbf16>
      %parallel_loop3A_93 = vector.bitcast %parallel_loop3A_91 : vector<16xi32> to vector<32xbf16>
      %parallel_loop3A_94 = arith.addf %parallel_loop3A_92, %parallel_loop3A_93 : vector<32xbf16>
      %parallel_loop3A_95 = vector.bitcast %parallel_loop3A_94 : vector<32xbf16> to vector<16xi32>
      %parallel_loop3A_96 = arith.index_cast %parallel_loop3A_63 : i32 to index
      %parallel_loop3A_97 = arith.constant 16 : index
      %parallel_loop3A_98 = tpu.vector_load %arg16[%parallel_loop3A_96, %parallel_loop3A_97] {strides = array<i32>} : memref<128x128xi32, #tpu.memory_space<vmem>>, vector<16xi32>,
      tpu.vector_store %arg16[%parallel_loop3A_96, %parallel_loop3A_97], %parallel_loop3A_95 {strides = array<i32>} : memref<128x128xi32, #tpu.memory_space<vmem>>, vector<16xi32>,
      %parallel_loop3A_99 = arith.index_cast %parallel_loop3A_70 : i32 to index
      %parallel_loop3A_100 = arith.constant 32 : index
      %parallel_loop3A_101 = tpu.vector_load %arg12[%parallel_loop3A_99, %parallel_loop3A_100] {strides = array<i32>} : memref<128x128xi32, #tpu.memory_space<vmem>>, vector<16xi32>,
      %parallel_loop3A_102 = arith.index_cast %parallel_loop3A_72 : i32 to index
      %parallel_loop3A_103 = arith.constant 32 : index
      %parallel_loop3A_104 = tpu.vector_load %arg13[%parallel_loop3A_102, %parallel_loop3A_103] {strides = array<i32>} : memref<128x128xi32, #tpu.memory_space<vmem>>, vector<16xi32>,
      %parallel_loop3A_105 = vector.bitcast %parallel_loop3A_101 : vector<16xi32> to vector<32xbf16>
      %parallel_loop3A_106 = vector.bitcast %parallel_loop3A_104 : vector<16xi32> to vector<32xbf16>
      %parallel_loop3A_107 = arith.addf %parallel_loop3A_105, %parallel_loop3A_106 : vector<32xbf16>
      %parallel_loop3A_108 = vector.bitcast %parallel_loop3A_107 : vector<32xbf16> to vector<16xi32>
      %parallel_loop3A_109 = arith.index_cast %parallel_loop3A_63 : i32 to index
      %parallel_loop3A_110 = arith.constant 32 : index
      %parallel_loop3A_111 = tpu.vector_load %arg16[%parallel_loop3A_109, %parallel_loop3A_110] {strides = array<i32>} : memref<128x128xi32, #tpu.memory_space<vmem>>, vector<16xi32>,
      tpu.vector_store %arg16[%parallel_loop3A_109, %parallel_loop3A_110], %parallel_loop3A_108 {strides = array<i32>} : memref<128x128xi32, #tpu.memory_space<vmem>>, vector<16xi32>,
      %parallel_loop3A_112 = arith.index_cast %parallel_loop3A_70 : i32 to index
      %parallel_loop3A_113 = arith.constant 48 : index
      %parallel_loop3A_114 = tpu.vector_load %arg12[%parallel_loop3A_112, %parallel_loop3A_113] {strides = array<i32>} : memref<128x128xi32, #tpu.memory_space<vmem>>, vector<16xi32>,
      %parallel_loop3A_115 = arith.index_cast %parallel_loop3A_72 : i32 to index
      %parallel_loop3A_116 = arith.constant 48 : index
      %parallel_loop3A_117 = tpu.vector_load %arg13[%parallel_loop3A_115, %parallel_loop3A_116] {strides = array<i32>} : memref<128x128xi32, #tpu.memory_space<vmem>>, vector<16xi32>,
      %parallel_loop3A_118 = vector.bitcast %parallel_loop3A_114 : vector<16xi32> to vector<32xbf16>
      %parallel_loop3A_119 = vector.bitcast %parallel_loop3A_117 : vector<16xi32> to vector<32xbf16>
      %parallel_loop3A_120 = arith.addf %parallel_loop3A_118, %parallel_loop3A_119 : vector<32xbf16>
      %parallel_loop3A_121 = vector.bitcast %parallel_loop3A_120 : vector<32xbf16> to vector<16xi32>
      %parallel_loop3A_122 = arith.index_cast %parallel_loop3A_63 : i32 to index
      %parallel_loop3A_123 = arith.constant 48 : index
      %parallel_loop3A_124 = tpu.vector_load %arg16[%parallel_loop3A_122, %parallel_loop3A_123] {strides = array<i32>} : memref<128x128xi32, #tpu.memory_space<vmem>>, vector<16xi32>,
      tpu.vector_store %arg16[%parallel_loop3A_122, %parallel_loop3A_123], %parallel_loop3A_121 {strides = array<i32>} : memref<128x128xi32, #tpu.memory_space<vmem>>, vector<16xi32>,
      %parallel_loop3A_125 = arith.index_cast %parallel_loop3A_70 : i32 to index
      %parallel_loop3A_126 = arith.constant 64 : index
      %parallel_loop3A_127 = tpu.vector_load %arg12[%parallel_loop3A_125, %parallel_loop3A_126] {strides = array<i32>} : memref<128x128xi32, #tpu.memory_space<vmem>>, vector<16xi32>,
      %parallel_loop3A_128 = arith.index_cast %parallel_loop3A_72 : i32 to index
      %parallel_loop3A_129 = arith.constant 64 : index
      %parallel_loop3A_130 = tpu.vector_load %arg13[%parallel_loop3A_128, %parallel_loop3A_129] {strides = array<i32>} : memref<128x128xi32, #tpu.memory_space<vmem>>, vector<16xi32>,
      %parallel_loop3A_131 = vector.bitcast %parallel_loop3A_127 : vector<16xi32> to vector<32xbf16>
      %parallel_loop3A_132 = vector.bitcast %parallel_loop3A_130 : vector<16xi32> to vector<32xbf16>
      %parallel_loop3A_133 = arith.addf %parallel_loop3A_131, %parallel_loop3A_132 : vector<32xbf16>
      %parallel_loop3A_134 = vector.bitcast %parallel_loop3A_133 : vector<32xbf16> to vector<16xi32>
      %parallel_loop3A_135 = arith.index_cast %parallel_loop3A_63 : i32 to index
      %parallel_loop3A_136 = arith.constant 64 : index
      %parallel_loop3A_137 = tpu.vector_load %arg16[%parallel_loop3A_135, %parallel_loop3A_136] {strides = array<i32>} : memref<128x128xi32, #tpu.memory_space<vmem>>, vector<16xi32>,
      tpu.vector_store %arg16[%parallel_loop3A_135, %parallel_loop3A_136], %parallel_loop3A_134 {strides = array<i32>} : memref<128x128xi32, #tpu.memory_space<vmem>>, vector<16xi32>,
      %parallel_loop3A_138 = arith.index_cast %parallel_loop3A_70 : i32 to index
      %parallel_loop3A_139 = arith.constant 80 : index
      %parallel_loop3A_140 = tpu.vector_load %arg12[%parallel_loop3A_138, %parallel_loop3A_139] {strides = array<i32>} : memref<128x128xi32, #tpu.memory_space<vmem>>, vector<16xi32>,
      %parallel_loop3A_141 = arith.index_cast %parallel_loop3A_72 : i32 to index
      %parallel_loop3A_142 = arith.constant 80 : index
      %parallel_loop3A_143 = tpu.vector_load %arg13[%parallel_loop3A_141, %parallel_loop3A_142] {strides = array<i32>} : memref<128x128xi32, #tpu.memory_space<vmem>>, vector<16xi32>,
      %parallel_loop3A_144 = vector.bitcast %parallel_loop3A_140 : vector<16xi32> to vector<32xbf16>
      %parallel_loop3A_145 = vector.bitcast %parallel_loop3A_143 : vector<16xi32> to vector<32xbf16>
      %parallel_loop3A_146 = arith.addf %parallel_loop3A_144, %parallel_loop3A_145 : vector<32xbf16>
      %parallel_loop3A_147 = vector.bitcast %parallel_loop3A_146 : vector<32xbf16> to vector<16xi32>
      %parallel_loop3A_148 = arith.index_cast %parallel_loop3A_63 : i32 to index
      %parallel_loop3A_149 = arith.constant 80 : index
      %parallel_loop3A_150 = tpu.vector_load %arg16[%parallel_loop3A_148, %parallel_loop3A_149] {strides = array<i32>} : memref<128x128xi32, #tpu.memory_space<vmem>>, vector<16xi32>,
      tpu.vector_store %arg16[%parallel_loop3A_148, %parallel_loop3A_149], %parallel_loop3A_147 {strides = array<i32>} : memref<128x128xi32, #tpu.memory_space<vmem>>, vector<16xi32>,
      %parallel_loop3A_151 = arith.index_cast %parallel_loop3A_70 : i32 to index
      %parallel_loop3A_152 = arith.constant 96 : index
      %parallel_loop3A_153 = tpu.vector_load %arg12[%parallel_loop3A_151, %parallel_loop3A_152] {strides = array<i32>} : memref<128x128xi32, #tpu.memory_space<vmem>>, vector<16xi32>,
      %parallel_loop3A_154 = arith.index_cast %parallel_loop3A_72 : i32 to index
      %parallel_loop3A_155 = arith.constant 96 : index
      %parallel_loop3A_156 = tpu.vector_load %arg13[%parallel_loop3A_154, %parallel_loop3A_155] {strides = array<i32>} : memref<128x128xi32, #tpu.memory_space<vmem>>, vector<16xi32>,
      %parallel_loop3A_157 = vector.bitcast %parallel_loop3A_153 : vector<16xi32> to vector<32xbf16>
      %parallel_loop3A_158 = vector.bitcast %parallel_loop3A_156 : vector<16xi32> to vector<32xbf16>
      %parallel_loop3A_159 = arith.addf %parallel_loop3A_157, %parallel_loop3A_158 : vector<32xbf16>
      %parallel_loop3A_160 = vector.bitcast %parallel_loop3A_159 : vector<32xbf16> to vector<16xi32>
      %parallel_loop3A_161 = arith.index_cast %parallel_loop3A_63 : i32 to index
      %parallel_loop3A_162 = arith.constant 96 : index
      %parallel_loop3A_163 = tpu.vector_load %arg16[%parallel_loop3A_161, %parallel_loop3A_162] {strides = array<i32>} : memref<128x128xi32, #tpu.memory_space<vmem>>, vector<16xi32>,
      tpu.vector_store %arg16[%parallel_loop3A_161, %parallel_loop3A_162], %parallel_loop3A_160 {strides = array<i32>} : memref<128x128xi32, #tpu.memory_space<vmem>>, vector<16xi32>,
      %parallel_loop3A_164 = arith.index_cast %parallel_loop3A_70 : i32 to index
      %parallel_loop3A_165 = arith.constant 112 : index
      %parallel_loop3A_166 = tpu.vector_load %arg12[%parallel_loop3A_164, %parallel_loop3A_165] {strides = array<i32>} : memref<128x128xi32, #tpu.memory_space<vmem>>, vector<16xi32>,
      %parallel_loop3A_167 = arith.index_cast %parallel_loop3A_72 : i32 to index
      %parallel_loop3A_168 = arith.constant 112 : index
      %parallel_loop3A_169 = tpu.vector_load %arg13[%parallel_loop3A_167, %parallel_loop3A_168] {strides = array<i32>} : memref<128x128xi32, #tpu.memory_space<vmem>>, vector<16xi32>,
      %parallel_loop3A_170 = vector.bitcast %parallel_loop3A_166 : vector<16xi32> to vector<32xbf16>
      %parallel_loop3A_171 = vector.bitcast %parallel_loop3A_169 : vector<16xi32> to vector<32xbf16>
      %parallel_loop3A_172 = arith.addf %parallel_loop3A_170, %parallel_loop3A_171 : vector<32xbf16>
      %parallel_loop3A_173 = vector.bitcast %parallel_loop3A_172 : vector<32xbf16> to vector<16xi32>
      %parallel_loop3A_174 = arith.index_cast %parallel_loop3A_63 : i32 to index
      %parallel_loop3A_175 = arith.constant 112 : index
      %parallel_loop3A_176 = tpu.vector_load %arg16[%parallel_loop3A_174, %parallel_loop3A_175] {strides = array<i32>} : memref<128x128xi32, #tpu.memory_space<vmem>>, vector<16xi32>,
      tpu.vector_store %arg16[%parallel_loop3A_174, %parallel_loop3A_175], %parallel_loop3A_173 {strides = array<i32>} : memref<128x128xi32, #tpu.memory_space<vmem>>, vector<16xi32>,
    } {sc.loop_unroll_factor = 4 : i64, sc.parallel_access}
    %mul3A_27 = arith.constant 512 : i32
    %mul3A_28 = arith.muli %add3A, %mul3A_27 : i32
    %add3A_29 = arith.constant 0 : i32
    %add3A_30 = arith.addi %mul3A_28, %add3A_29 : i32
    "tpu.region"() ({
      %run_scoped3A = tpu.sem_alloc : memref<!tpu.dma_semaphore, #tpu.memory_space<semaphore_mem>>
      %dma_start3A_63 = arith.constant 0 : i32
      %dma_start3A_64 = tpu.memref_slice %arg8[%add3A_30, %dma_start3A_63] : memref<16384x128xi32, #tpu.memory_space<hbm>> -> memref<128x128xi32, #tpu.memory_space<hbm>>
      %dma_start3A_65 = arith.constant 0 : i32
      %dma_start3A_66 = tpu.memref_slice %arg8[%add3A_30, %dma_start3A_65] : memref<16384x128xi32, #tpu.memory_space<hbm>> -> memref<128x128xi32, #tpu.memory_space<hbm>>
      tpu.enqueue_dma source(%arg16 : memref<128x128xi32, #tpu.memory_space<vmem>>) target(%dma_start3A_66 : memref<128x128xi32, #tpu.memory_space<hbm>>) target_semaphore(%run_scoped3A : memref<!tpu.dma_semaphore, #tpu.memory_space<semaphore_mem>>)
      %dma_wait3A_67 = arith.constant 0 : i32
      %dma_wait3A_68 = tpu.memref_slice %arg8[%add3A_30, %dma_wait3A_67] : memref<16384x128xi32, #tpu.memory_space<hbm>> -> memref<128x128xi32, #tpu.memory_space<hbm>>
      %dma_wait3A_69 = arith.constant 0 : i32
      %dma_wait3A_70 = tpu.memref_slice %arg8[%add3A_30, %dma_wait3A_69] : memref<16384x128xi32, #tpu.memory_space<hbm>> -> memref<128x128xi32, #tpu.memory_space<hbm>>
      tpu.wait_dma2 semaphore(%run_scoped3A : memref<!tpu.dma_semaphore, #tpu.memory_space<semaphore_mem>>) src(%arg16 : memref<128x128xi32, #tpu.memory_space<vmem>>) dst(%dma_wait3A_70 : memref<128x128xi32, #tpu.memory_space<hbm>>)
      tpu.yield
    }) : () -> ()
    %parallel_loop3A_31 = arith.constant 0 : i32
    %parallel_loop3A_32 = arith.constant 128 : i32
    %parallel_loop3A_33 = arith.constant 1 : i32
    scf.for %parallel_loop3A_63 = %parallel_loop3A_31 to %parallel_loop3A_32 step %parallel_loop3A_33  : i32 {
      %parallel_loop3A_64 = arith.constant 128 : i32
      %parallel_loop3A_65 = arith.addi %parallel_loop3A_64, %parallel_loop3A_63 : i32
      %parallel_loop3A_66 = arith.constant 4 : i32
      %parallel_loop3A_67 = arith.muli %add3A, %parallel_loop3A_66 : i32
      %parallel_loop3A_68 = arith.constant 7 : i32
      %parallel_loop3A_69 = arith.shrui %parallel_loop3A_65, %parallel_loop3A_68 : i32
      %parallel_loop3A_70 = arith.addi %parallel_loop3A_67, %parallel_loop3A_69 : i32
      %parallel_loop3A_71 = arith.constant 127 : i32
      %parallel_loop3A_72 = arith.andi %parallel_loop3A_65, %parallel_loop3A_71 : i32
      %parallel_loop3A_73 = arith.index_cast %parallel_loop3A_70 : i32 to index
      %parallel_loop3A_74 = arith.constant 0 : index
      %parallel_loop3A_75 = tpu.vector_load %arg12[%parallel_loop3A_73, %parallel_loop3A_74] {strides = array<i32>} : memref<128x128xi32, #tpu.memory_space<vmem>>, vector<16xi32>,
      %parallel_loop3A_76 = arith.index_cast %parallel_loop3A_72 : i32 to index
      %parallel_loop3A_77 = arith.constant 0 : index
      %parallel_loop3A_78 = tpu.vector_load %arg13[%parallel_loop3A_76, %parallel_loop3A_77] {strides = array<i32>} : memref<128x128xi32, #tpu.memory_space<vmem>>, vector<16xi32>,
      %parallel_loop3A_79 = vector.bitcast %parallel_loop3A_75 : vector<16xi32> to vector<32xbf16>
      %parallel_loop3A_80 = vector.bitcast %parallel_loop3A_78 : vector<16xi32> to vector<32xbf16>
      %parallel_loop3A_81 = arith.addf %parallel_loop3A_79, %parallel_loop3A_80 : vector<32xbf16>
      %parallel_loop3A_82 = vector.bitcast %parallel_loop3A_81 : vector<32xbf16> to vector<16xi32>
      %parallel_loop3A_83 = arith.index_cast %parallel_loop3A_63 : i32 to index
      %parallel_loop3A_84 = arith.constant 0 : index
      %parallel_loop3A_85 = tpu.vector_load %arg16[%parallel_loop3A_83, %parallel_loop3A_84] {strides = array<i32>} : memref<128x128xi32, #tpu.memory_space<vmem>>, vector<16xi32>,
      tpu.vector_store %arg16[%parallel_loop3A_83, %parallel_loop3A_84], %parallel_loop3A_82 {strides = array<i32>} : memref<128x128xi32, #tpu.memory_space<vmem>>, vector<16xi32>,
      %parallel_loop3A_86 = arith.index_cast %parallel_loop3A_70 : i32 to index
      %parallel_loop3A_87 = arith.constant 16 : index
      %parallel_loop3A_88 = tpu.vector_load %arg12[%parallel_loop3A_86, %parallel_loop3A_87] {strides = array<i32>} : memref<128x128xi32, #tpu.memory_space<vmem>>, vector<16xi32>,
      %parallel_loop3A_89 = arith.index_cast %parallel_loop3A_72 : i32 to index
      %parallel_loop3A_90 = arith.constant 16 : index
      %parallel_loop3A_91 = tpu.vector_load %arg13[%parallel_loop3A_89, %parallel_loop3A_90] {strides = array<i32>} : memref<128x128xi32, #tpu.memory_space<vmem>>, vector<16xi32>,
      %parallel_loop3A_92 = vector.bitcast %parallel_loop3A_88 : vector<16xi32> to vector<32xbf16>
      %parallel_loop3A_93 = vector.bitcast %parallel_loop3A_91 : vector<16xi32> to vector<32xbf16>
      %parallel_loop3A_94 = arith.addf %parallel_loop3A_92, %parallel_loop3A_93 : vector<32xbf16>
      %parallel_loop3A_95 = vector.bitcast %parallel_loop3A_94 : vector<32xbf16> to vector<16xi32>
      %parallel_loop3A_96 = arith.index_cast %parallel_loop3A_63 : i32 to index
      %parallel_loop3A_97 = arith.constant 16 : index
      %parallel_loop3A_98 = tpu.vector_load %arg16[%parallel_loop3A_96, %parallel_loop3A_97] {strides = array<i32>} : memref<128x128xi32, #tpu.memory_space<vmem>>, vector<16xi32>,
      tpu.vector_store %arg16[%parallel_loop3A_96, %parallel_loop3A_97], %parallel_loop3A_95 {strides = array<i32>} : memref<128x128xi32, #tpu.memory_space<vmem>>, vector<16xi32>,
      %parallel_loop3A_99 = arith.index_cast %parallel_loop3A_70 : i32 to index
      %parallel_loop3A_100 = arith.constant 32 : index
      %parallel_loop3A_101 = tpu.vector_load %arg12[%parallel_loop3A_99, %parallel_loop3A_100] {strides = array<i32>} : memref<128x128xi32, #tpu.memory_space<vmem>>, vector<16xi32>,
      %parallel_loop3A_102 = arith.index_cast %parallel_loop3A_72 : i32 to index
      %parallel_loop3A_103 = arith.constant 32 : index
      %parallel_loop3A_104 = tpu.vector_load %arg13[%parallel_loop3A_102, %parallel_loop3A_103] {strides = array<i32>} : memref<128x128xi32, #tpu.memory_space<vmem>>, vector<16xi32>,
      %parallel_loop3A_105 = vector.bitcast %parallel_loop3A_101 : vector<16xi32> to vector<32xbf16>
      %parallel_loop3A_106 = vector.bitcast %parallel_loop3A_104 : vector<16xi32> to vector<32xbf16>
      %parallel_loop3A_107 = arith.addf %parallel_loop3A_105, %parallel_loop3A_106 : vector<32xbf16>
      %parallel_loop3A_108 = vector.bitcast %parallel_loop3A_107 : vector<32xbf16> to vector<16xi32>
      %parallel_loop3A_109 = arith.index_cast %parallel_loop3A_63 : i32 to index
      %parallel_loop3A_110 = arith.constant 32 : index
      %parallel_loop3A_111 = tpu.vector_load %arg16[%parallel_loop3A_109, %parallel_loop3A_110] {strides = array<i32>} : memref<128x128xi32, #tpu.memory_space<vmem>>, vector<16xi32>,
      tpu.vector_store %arg16[%parallel_loop3A_109, %parallel_loop3A_110], %parallel_loop3A_108 {strides = array<i32>} : memref<128x128xi32, #tpu.memory_space<vmem>>, vector<16xi32>,
      %parallel_loop3A_112 = arith.index_cast %parallel_loop3A_70 : i32 to index
      %parallel_loop3A_113 = arith.constant 48 : index
      %parallel_loop3A_114 = tpu.vector_load %arg12[%parallel_loop3A_112, %parallel_loop3A_113] {strides = array<i32>} : memref<128x128xi32, #tpu.memory_space<vmem>>, vector<16xi32>,
      %parallel_loop3A_115 = arith.index_cast %parallel_loop3A_72 : i32 to index
      %parallel_loop3A_116 = arith.constant 48 : index
      %parallel_loop3A_117 = tpu.vector_load %arg13[%parallel_loop3A_115, %parallel_loop3A_116] {strides = array<i32>} : memref<128x128xi32, #tpu.memory_space<vmem>>, vector<16xi32>,
      %parallel_loop3A_118 = vector.bitcast %parallel_loop3A_114 : vector<16xi32> to vector<32xbf16>
      %parallel_loop3A_119 = vector.bitcast %parallel_loop3A_117 : vector<16xi32> to vector<32xbf16>
      %parallel_loop3A_120 = arith.addf %parallel_loop3A_118, %parallel_loop3A_119 : vector<32xbf16>
      %parallel_loop3A_121 = vector.bitcast %parallel_loop3A_120 : vector<32xbf16> to vector<16xi32>
      %parallel_loop3A_122 = arith.index_cast %parallel_loop3A_63 : i32 to index
      %parallel_loop3A_123 = arith.constant 48 : index
      %parallel_loop3A_124 = tpu.vector_load %arg16[%parallel_loop3A_122, %parallel_loop3A_123] {strides = array<i32>} : memref<128x128xi32, #tpu.memory_space<vmem>>, vector<16xi32>,
      tpu.vector_store %arg16[%parallel_loop3A_122, %parallel_loop3A_123], %parallel_loop3A_121 {strides = array<i32>} : memref<128x128xi32, #tpu.memory_space<vmem>>, vector<16xi32>,
      %parallel_loop3A_125 = arith.index_cast %parallel_loop3A_70 : i32 to index
      %parallel_loop3A_126 = arith.constant 64 : index
      %parallel_loop3A_127 = tpu.vector_load %arg12[%parallel_loop3A_125, %parallel_loop3A_126] {strides = array<i32>} : memref<128x128xi32, #tpu.memory_space<vmem>>, vector<16xi32>,
      %parallel_loop3A_128 = arith.index_cast %parallel_loop3A_72 : i32 to index
      %parallel_loop3A_129 = arith.constant 64 : index
      %parallel_loop3A_130 = tpu.vector_load %arg13[%parallel_loop3A_128, %parallel_loop3A_129] {strides = array<i32>} : memref<128x128xi32, #tpu.memory_space<vmem>>, vector<16xi32>,
      %parallel_loop3A_131 = vector.bitcast %parallel_loop3A_127 : vector<16xi32> to vector<32xbf16>
      %parallel_loop3A_132 = vector.bitcast %parallel_loop3A_130 : vector<16xi32> to vector<32xbf16>
      %parallel_loop3A_133 = arith.addf %parallel_loop3A_131, %parallel_loop3A_132 : vector<32xbf16>
      %parallel_loop3A_134 = vector.bitcast %parallel_loop3A_133 : vector<32xbf16> to vector<16xi32>
      %parallel_loop3A_135 = arith.index_cast %parallel_loop3A_63 : i32 to index
      %parallel_loop3A_136 = arith.constant 64 : index
      %parallel_loop3A_137 = tpu.vector_load %arg16[%parallel_loop3A_135, %parallel_loop3A_136] {strides = array<i32>} : memref<128x128xi32, #tpu.memory_space<vmem>>, vector<16xi32>,
      tpu.vector_store %arg16[%parallel_loop3A_135, %parallel_loop3A_136], %parallel_loop3A_134 {strides = array<i32>} : memref<128x128xi32, #tpu.memory_space<vmem>>, vector<16xi32>,
      %parallel_loop3A_138 = arith.index_cast %parallel_loop3A_70 : i32 to index
      %parallel_loop3A_139 = arith.constant 80 : index
      %parallel_loop3A_140 = tpu.vector_load %arg12[%parallel_loop3A_138, %parallel_loop3A_139] {strides = array<i32>} : memref<128x128xi32, #tpu.memory_space<vmem>>, vector<16xi32>,
      %parallel_loop3A_141 = arith.index_cast %parallel_loop3A_72 : i32 to index
      %parallel_loop3A_142 = arith.constant 80 : index
      %parallel_loop3A_143 = tpu.vector_load %arg13[%parallel_loop3A_141, %parallel_loop3A_142] {strides = array<i32>} : memref<128x128xi32, #tpu.memory_space<vmem>>, vector<16xi32>,
      %parallel_loop3A_144 = vector.bitcast %parallel_loop3A_140 : vector<16xi32> to vector<32xbf16>
      %parallel_loop3A_145 = vector.bitcast %parallel_loop3A_143 : vector<16xi32> to vector<32xbf16>
      %parallel_loop3A_146 = arith.addf %parallel_loop3A_144, %parallel_loop3A_145 : vector<32xbf16>
      %parallel_loop3A_147 = vector.bitcast %parallel_loop3A_146 : vector<32xbf16> to vector<16xi32>
      %parallel_loop3A_148 = arith.index_cast %parallel_loop3A_63 : i32 to index
      %parallel_loop3A_149 = arith.constant 80 : index
      %parallel_loop3A_150 = tpu.vector_load %arg16[%parallel_loop3A_148, %parallel_loop3A_149] {strides = array<i32>} : memref<128x128xi32, #tpu.memory_space<vmem>>, vector<16xi32>,
      tpu.vector_store %arg16[%parallel_loop3A_148, %parallel_loop3A_149], %parallel_loop3A_147 {strides = array<i32>} : memref<128x128xi32, #tpu.memory_space<vmem>>, vector<16xi32>,
      %parallel_loop3A_151 = arith.index_cast %parallel_loop3A_70 : i32 to index
      %parallel_loop3A_152 = arith.constant 96 : index
      %parallel_loop3A_153 = tpu.vector_load %arg12[%parallel_loop3A_151, %parallel_loop3A_152] {strides = array<i32>} : memref<128x128xi32, #tpu.memory_space<vmem>>, vector<16xi32>,
      %parallel_loop3A_154 = arith.index_cast %parallel_loop3A_72 : i32 to index
      %parallel_loop3A_155 = arith.constant 96 : index
      %parallel_loop3A_156 = tpu.vector_load %arg13[%parallel_loop3A_154, %parallel_loop3A_155] {strides = array<i32>} : memref<128x128xi32, #tpu.memory_space<vmem>>, vector<16xi32>,
      %parallel_loop3A_157 = vector.bitcast %parallel_loop3A_153 : vector<16xi32> to vector<32xbf16>
      %parallel_loop3A_158 = vector.bitcast %parallel_loop3A_156 : vector<16xi32> to vector<32xbf16>
      %parallel_loop3A_159 = arith.addf %parallel_loop3A_157, %parallel_loop3A_158 : vector<32xbf16>
      %parallel_loop3A_160 = vector.bitcast %parallel_loop3A_159 : vector<32xbf16> to vector<16xi32>
      %parallel_loop3A_161 = arith.index_cast %parallel_loop3A_63 : i32 to index
      %parallel_loop3A_162 = arith.constant 96 : index
      %parallel_loop3A_163 = tpu.vector_load %arg16[%parallel_loop3A_161, %parallel_loop3A_162] {strides = array<i32>} : memref<128x128xi32, #tpu.memory_space<vmem>>, vector<16xi32>,
      tpu.vector_store %arg16[%parallel_loop3A_161, %parallel_loop3A_162], %parallel_loop3A_160 {strides = array<i32>} : memref<128x128xi32, #tpu.memory_space<vmem>>, vector<16xi32>,
      %parallel_loop3A_164 = arith.index_cast %parallel_loop3A_70 : i32 to index
      %parallel_loop3A_165 = arith.constant 112 : index
      %parallel_loop3A_166 = tpu.vector_load %arg12[%parallel_loop3A_164, %parallel_loop3A_165] {strides = array<i32>} : memref<128x128xi32, #tpu.memory_space<vmem>>, vector<16xi32>,
      %parallel_loop3A_167 = arith.index_cast %parallel_loop3A_72 : i32 to index
      %parallel_loop3A_168 = arith.constant 112 : index
      %parallel_loop3A_169 = tpu.vector_load %arg13[%parallel_loop3A_167, %parallel_loop3A_168] {strides = array<i32>} : memref<128x128xi32, #tpu.memory_space<vmem>>, vector<16xi32>,
      %parallel_loop3A_170 = vector.bitcast %parallel_loop3A_166 : vector<16xi32> to vector<32xbf16>
      %parallel_loop3A_171 = vector.bitcast %parallel_loop3A_169 : vector<16xi32> to vector<32xbf16>
      %parallel_loop3A_172 = arith.addf %parallel_loop3A_170, %parallel_loop3A_171 : vector<32xbf16>
      %parallel_loop3A_173 = vector.bitcast %parallel_loop3A_172 : vector<32xbf16> to vector<16xi32>
      %parallel_loop3A_174 = arith.index_cast %parallel_loop3A_63 : i32 to index
      %parallel_loop3A_175 = arith.constant 112 : index
      %parallel_loop3A_176 = tpu.vector_load %arg16[%parallel_loop3A_174, %parallel_loop3A_175] {strides = array<i32>} : memref<128x128xi32, #tpu.memory_space<vmem>>, vector<16xi32>,
      tpu.vector_store %arg16[%parallel_loop3A_174, %parallel_loop3A_175], %parallel_loop3A_173 {strides = array<i32>} : memref<128x128xi32, #tpu.memory_space<vmem>>, vector<16xi32>,
    } {sc.loop_unroll_factor = 4 : i64, sc.parallel_access}
    %mul3A_34 = arith.constant 512 : i32
    %mul3A_35 = arith.muli %add3A, %mul3A_34 : i32
    %add3A_36 = arith.constant 128 : i32
    %add3A_37 = arith.addi %mul3A_35, %add3A_36 : i32
    "tpu.region"() ({
      %run_scoped3A = tpu.sem_alloc : memref<!tpu.dma_semaphore, #tpu.memory_space<semaphore_mem>>
      %dma_start3A_63 = arith.constant 0 : i32
      %dma_start3A_64 = tpu.memref_slice %arg8[%add3A_37, %dma_start3A_63] : memref<16384x128xi32, #tpu.memory_space<hbm>> -> memref<128x128xi32, #tpu.memory_space<hbm>>
      %dma_start3A_65 = arith.constant 0 : i32
      %dma_start3A_66 = tpu.memref_slice %arg8[%add3A_37, %dma_start3A_65] : memref<16384x128xi32, #tpu.memory_space<hbm>> -> memref<128x128xi32, #tpu.memory_space<hbm>>
      tpu.enqueue_dma source(%arg16 : memref<128x128xi32, #tpu.memory_space<vmem>>) target(%dma_start3A_66 : memref<128x128xi32, #tpu.memory_space<hbm>>) target_semaphore(%run_scoped3A : memref<!tpu.dma_semaphore, #tpu.memory_space<semaphore_mem>>)
      %dma_wait3A_67 = arith.constant 0 : i32
      %dma_wait3A_68 = tpu.memref_slice %arg8[%add3A_37, %dma_wait3A_67] : memref<16384x128xi32, #tpu.memory_space<hbm>> -> memref<128x128xi32, #tpu.memory_space<hbm>>
      %dma_wait3A_69 = arith.constant 0 : i32
      %dma_wait3A_70 = tpu.memref_slice %arg8[%add3A_37, %dma_wait3A_69] : memref<16384x128xi32, #tpu.memory_space<hbm>> -> memref<128x128xi32, #tpu.memory_space<hbm>>
      tpu.wait_dma2 semaphore(%run_scoped3A : memref<!tpu.dma_semaphore, #tpu.memory_space<semaphore_mem>>) src(%arg16 : memref<128x128xi32, #tpu.memory_space<vmem>>) dst(%dma_wait3A_70 : memref<128x128xi32, #tpu.memory_space<hbm>>)
      tpu.yield
    }) : () -> ()
    %parallel_loop3A_38 = arith.constant 0 : i32
    %parallel_loop3A_39 = arith.constant 128 : i32
    %parallel_loop3A_40 = arith.constant 1 : i32
    scf.for %parallel_loop3A_63 = %parallel_loop3A_38 to %parallel_loop3A_39 step %parallel_loop3A_40  : i32 {
      %parallel_loop3A_64 = arith.constant 256 : i32
      %parallel_loop3A_65 = arith.addi %parallel_loop3A_64, %parallel_loop3A_63 : i32
      %parallel_loop3A_66 = arith.constant 4 : i32
      %parallel_loop3A_67 = arith.muli %add3A, %parallel_loop3A_66 : i32
      %parallel_loop3A_68 = arith.constant 7 : i32
      %parallel_loop3A_69 = arith.shrui %parallel_loop3A_65, %parallel_loop3A_68 : i32
      %parallel_loop3A_70 = arith.addi %parallel_loop3A_67, %parallel_loop3A_69 : i32
      %parallel_loop3A_71 = arith.constant 127 : i32
      %parallel_loop3A_72 = arith.andi %parallel_loop3A_65, %parallel_loop3A_71 : i32
      %parallel_loop3A_73 = arith.index_cast %parallel_loop3A_70 : i32 to index
      %parallel_loop3A_74 = arith.constant 0 : index
      %parallel_loop3A_75 = tpu.vector_load %arg12[%parallel_loop3A_73, %parallel_loop3A_74] {strides = array<i32>} : memref<128x128xi32, #tpu.memory_space<vmem>>, vector<16xi32>,
      %parallel_loop3A_76 = arith.index_cast %parallel_loop3A_72 : i32 to index
      %parallel_loop3A_77 = arith.constant 0 : index
      %parallel_loop3A_78 = tpu.vector_load %arg13[%parallel_loop3A_76, %parallel_loop3A_77] {strides = array<i32>} : memref<128x128xi32, #tpu.memory_space<vmem>>, vector<16xi32>,
      %parallel_loop3A_79 = vector.bitcast %parallel_loop3A_75 : vector<16xi32> to vector<32xbf16>
      %parallel_loop3A_80 = vector.bitcast %parallel_loop3A_78 : vector<16xi32> to vector<32xbf16>
      %parallel_loop3A_81 = arith.addf %parallel_loop3A_79, %parallel_loop3A_80 : vector<32xbf16>
      %parallel_loop3A_82 = vector.bitcast %parallel_loop3A_81 : vector<32xbf16> to vector<16xi32>
      %parallel_loop3A_83 = arith.index_cast %parallel_loop3A_63 : i32 to index
      %parallel_loop3A_84 = arith.constant 0 : index
      %parallel_loop3A_85 = tpu.vector_load %arg16[%parallel_loop3A_83, %parallel_loop3A_84] {strides = array<i32>} : memref<128x128xi32, #tpu.memory_space<vmem>>, vector<16xi32>,
      tpu.vector_store %arg16[%parallel_loop3A_83, %parallel_loop3A_84], %parallel_loop3A_82 {strides = array<i32>} : memref<128x128xi32, #tpu.memory_space<vmem>>, vector<16xi32>,
      %parallel_loop3A_86 = arith.index_cast %parallel_loop3A_70 : i32 to index
      %parallel_loop3A_87 = arith.constant 16 : index
      %parallel_loop3A_88 = tpu.vector_load %arg12[%parallel_loop3A_86, %parallel_loop3A_87] {strides = array<i32>} : memref<128x128xi32, #tpu.memory_space<vmem>>, vector<16xi32>,
      %parallel_loop3A_89 = arith.index_cast %parallel_loop3A_72 : i32 to index
      %parallel_loop3A_90 = arith.constant 16 : index
      %parallel_loop3A_91 = tpu.vector_load %arg13[%parallel_loop3A_89, %parallel_loop3A_90] {strides = array<i32>} : memref<128x128xi32, #tpu.memory_space<vmem>>, vector<16xi32>,
      %parallel_loop3A_92 = vector.bitcast %parallel_loop3A_88 : vector<16xi32> to vector<32xbf16>
      %parallel_loop3A_93 = vector.bitcast %parallel_loop3A_91 : vector<16xi32> to vector<32xbf16>
      %parallel_loop3A_94 = arith.addf %parallel_loop3A_92, %parallel_loop3A_93 : vector<32xbf16>
      %parallel_loop3A_95 = vector.bitcast %parallel_loop3A_94 : vector<32xbf16> to vector<16xi32>
      %parallel_loop3A_96 = arith.index_cast %parallel_loop3A_63 : i32 to index
      %parallel_loop3A_97 = arith.constant 16 : index
      %parallel_loop3A_98 = tpu.vector_load %arg16[%parallel_loop3A_96, %parallel_loop3A_97] {strides = array<i32>} : memref<128x128xi32, #tpu.memory_space<vmem>>, vector<16xi32>,
      tpu.vector_store %arg16[%parallel_loop3A_96, %parallel_loop3A_97], %parallel_loop3A_95 {strides = array<i32>} : memref<128x128xi32, #tpu.memory_space<vmem>>, vector<16xi32>,
      %parallel_loop3A_99 = arith.index_cast %parallel_loop3A_70 : i32 to index
      %parallel_loop3A_100 = arith.constant 32 : index
      %parallel_loop3A_101 = tpu.vector_load %arg12[%parallel_loop3A_99, %parallel_loop3A_100] {strides = array<i32>} : memref<128x128xi32, #tpu.memory_space<vmem>>, vector<16xi32>,
      %parallel_loop3A_102 = arith.index_cast %parallel_loop3A_72 : i32 to index
      %parallel_loop3A_103 = arith.constant 32 : index
      %parallel_loop3A_104 = tpu.vector_load %arg13[%parallel_loop3A_102, %parallel_loop3A_103] {strides = array<i32>} : memref<128x128xi32, #tpu.memory_space<vmem>>, vector<16xi32>,
      %parallel_loop3A_105 = vector.bitcast %parallel_loop3A_101 : vector<16xi32> to vector<32xbf16>
      %parallel_loop3A_106 = vector.bitcast %parallel_loop3A_104 : vector<16xi32> to vector<32xbf16>
      %parallel_loop3A_107 = arith.addf %parallel_loop3A_105, %parallel_loop3A_106 : vector<32xbf16>
      %parallel_loop3A_108 = vector.bitcast %parallel_loop3A_107 : vector<32xbf16> to vector<16xi32>
      %parallel_loop3A_109 = arith.index_cast %parallel_loop3A_63 : i32 to index
      %parallel_loop3A_110 = arith.constant 32 : index
      %parallel_loop3A_111 = tpu.vector_load %arg16[%parallel_loop3A_109, %parallel_loop3A_110] {strides = array<i32>} : memref<128x128xi32, #tpu.memory_space<vmem>>, vector<16xi32>,
      tpu.vector_store %arg16[%parallel_loop3A_109, %parallel_loop3A_110], %parallel_loop3A_108 {strides = array<i32>} : memref<128x128xi32, #tpu.memory_space<vmem>>, vector<16xi32>,
      %parallel_loop3A_112 = arith.index_cast %parallel_loop3A_70 : i32 to index
      %parallel_loop3A_113 = arith.constant 48 : index
      %parallel_loop3A_114 = tpu.vector_load %arg12[%parallel_loop3A_112, %parallel_loop3A_113] {strides = array<i32>} : memref<128x128xi32, #tpu.memory_space<vmem>>, vector<16xi32>,
      %parallel_loop3A_115 = arith.index_cast %parallel_loop3A_72 : i32 to index
      %parallel_loop3A_116 = arith.constant 48 : index
      %parallel_loop3A_117 = tpu.vector_load %arg13[%parallel_loop3A_115, %parallel_loop3A_116] {strides = array<i32>} : memref<128x128xi32, #tpu.memory_space<vmem>>, vector<16xi32>,
      %parallel_loop3A_118 = vector.bitcast %parallel_loop3A_114 : vector<16xi32> to vector<32xbf16>
      %parallel_loop3A_119 = vector.bitcast %parallel_loop3A_117 : vector<16xi32> to vector<32xbf16>
      %parallel_loop3A_120 = arith.addf %parallel_loop3A_118, %parallel_loop3A_119 : vector<32xbf16>
      %parallel_loop3A_121 = vector.bitcast %parallel_loop3A_120 : vector<32xbf16> to vector<16xi32>
      %parallel_loop3A_122 = arith.index_cast %parallel_loop3A_63 : i32 to index
      %parallel_loop3A_123 = arith.constant 48 : index
      %parallel_loop3A_124 = tpu.vector_load %arg16[%parallel_loop3A_122, %parallel_loop3A_123] {strides = array<i32>} : memref<128x128xi32, #tpu.memory_space<vmem>>, vector<16xi32>,
      tpu.vector_store %arg16[%parallel_loop3A_122, %parallel_loop3A_123], %parallel_loop3A_121 {strides = array<i32>} : memref<128x128xi32, #tpu.memory_space<vmem>>, vector<16xi32>,
      %parallel_loop3A_125 = arith.index_cast %parallel_loop3A_70 : i32 to index
      %parallel_loop3A_126 = arith.constant 64 : index
      %parallel_loop3A_127 = tpu.vector_load %arg12[%parallel_loop3A_125, %parallel_loop3A_126] {strides = array<i32>} : memref<128x128xi32, #tpu.memory_space<vmem>>, vector<16xi32>,
      %parallel_loop3A_128 = arith.index_cast %parallel_loop3A_72 : i32 to index
      %parallel_loop3A_129 = arith.constant 64 : index
      %parallel_loop3A_130 = tpu.vector_load %arg13[%parallel_loop3A_128, %parallel_loop3A_129] {strides = array<i32>} : memref<128x128xi32, #tpu.memory_space<vmem>>, vector<16xi32>,
      %parallel_loop3A_131 = vector.bitcast %parallel_loop3A_127 : vector<16xi32> to vector<32xbf16>
      %parallel_loop3A_132 = vector.bitcast %parallel_loop3A_130 : vector<16xi32> to vector<32xbf16>
      %parallel_loop3A_133 = arith.addf %parallel_loop3A_131, %parallel_loop3A_132 : vector<32xbf16>
      %parallel_loop3A_134 = vector.bitcast %parallel_loop3A_133 : vector<32xbf16> to vector<16xi32>
      %parallel_loop3A_135 = arith.index_cast %parallel_loop3A_63 : i32 to index
      %parallel_loop3A_136 = arith.constant 64 : index
      %parallel_loop3A_137 = tpu.vector_load %arg16[%parallel_loop3A_135, %parallel_loop3A_136] {strides = array<i32>} : memref<128x128xi32, #tpu.memory_space<vmem>>, vector<16xi32>,
      tpu.vector_store %arg16[%parallel_loop3A_135, %parallel_loop3A_136], %parallel_loop3A_134 {strides = array<i32>} : memref<128x128xi32, #tpu.memory_space<vmem>>, vector<16xi32>,
      %parallel_loop3A_138 = arith.index_cast %parallel_loop3A_70 : i32 to index
      %parallel_loop3A_139 = arith.constant 80 : index
      %parallel_loop3A_140 = tpu.vector_load %arg12[%parallel_loop3A_138, %parallel_loop3A_139] {strides = array<i32>} : memref<128x128xi32, #tpu.memory_space<vmem>>, vector<16xi32>,
      %parallel_loop3A_141 = arith.index_cast %parallel_loop3A_72 : i32 to index
      %parallel_loop3A_142 = arith.constant 80 : index
      %parallel_loop3A_143 = tpu.vector_load %arg13[%parallel_loop3A_141, %parallel_loop3A_142] {strides = array<i32>} : memref<128x128xi32, #tpu.memory_space<vmem>>, vector<16xi32>,
      %parallel_loop3A_144 = vector.bitcast %parallel_loop3A_140 : vector<16xi32> to vector<32xbf16>
      %parallel_loop3A_145 = vector.bitcast %parallel_loop3A_143 : vector<16xi32> to vector<32xbf16>
      %parallel_loop3A_146 = arith.addf %parallel_loop3A_144, %parallel_loop3A_145 : vector<32xbf16>
      %parallel_loop3A_147 = vector.bitcast %parallel_loop3A_146 : vector<32xbf16> to vector<16xi32>
      %parallel_loop3A_148 = arith.index_cast %parallel_loop3A_63 : i32 to index
      %parallel_loop3A_149 = arith.constant 80 : index
      %parallel_loop3A_150 = tpu.vector_load %arg16[%parallel_loop3A_148, %parallel_loop3A_149] {strides = array<i32>} : memref<128x128xi32, #tpu.memory_space<vmem>>, vector<16xi32>,
      tpu.vector_store %arg16[%parallel_loop3A_148, %parallel_loop3A_149], %parallel_loop3A_147 {strides = array<i32>} : memref<128x128xi32, #tpu.memory_space<vmem>>, vector<16xi32>,
      %parallel_loop3A_151 = arith.index_cast %parallel_loop3A_70 : i32 to index
      %parallel_loop3A_152 = arith.constant 96 : index
      %parallel_loop3A_153 = tpu.vector_load %arg12[%parallel_loop3A_151, %parallel_loop3A_152] {strides = array<i32>} : memref<128x128xi32, #tpu.memory_space<vmem>>, vector<16xi32>,
      %parallel_loop3A_154 = arith.index_cast %parallel_loop3A_72 : i32 to index
      %parallel_loop3A_155 = arith.constant 96 : index
      %parallel_loop3A_156 = tpu.vector_load %arg13[%parallel_loop3A_154, %parallel_loop3A_155] {strides = array<i32>} : memref<128x128xi32, #tpu.memory_space<vmem>>, vector<16xi32>,
      %parallel_loop3A_157 = vector.bitcast %parallel_loop3A_153 : vector<16xi32> to vector<32xbf16>
      %parallel_loop3A_158 = vector.bitcast %parallel_loop3A_156 : vector<16xi32> to vector<32xbf16>
      %parallel_loop3A_159 = arith.addf %parallel_loop3A_157, %parallel_loop3A_158 : vector<32xbf16>
      %parallel_loop3A_160 = vector.bitcast %parallel_loop3A_159 : vector<32xbf16> to vector<16xi32>
      %parallel_loop3A_161 = arith.index_cast %parallel_loop3A_63 : i32 to index
      %parallel_loop3A_162 = arith.constant 96 : index
      %parallel_loop3A_163 = tpu.vector_load %arg16[%parallel_loop3A_161, %parallel_loop3A_162] {strides = array<i32>} : memref<128x128xi32, #tpu.memory_space<vmem>>, vector<16xi32>,
      tpu.vector_store %arg16[%parallel_loop3A_161, %parallel_loop3A_162], %parallel_loop3A_160 {strides = array<i32>} : memref<128x128xi32, #tpu.memory_space<vmem>>, vector<16xi32>,
      %parallel_loop3A_164 = arith.index_cast %parallel_loop3A_70 : i32 to index
      %parallel_loop3A_165 = arith.constant 112 : index
      %parallel_loop3A_166 = tpu.vector_load %arg12[%parallel_loop3A_164, %parallel_loop3A_165] {strides = array<i32>} : memref<128x128xi32, #tpu.memory_space<vmem>>, vector<16xi32>,
      %parallel_loop3A_167 = arith.index_cast %parallel_loop3A_72 : i32 to index
      %parallel_loop3A_168 = arith.constant 112 : index
      %parallel_loop3A_169 = tpu.vector_load %arg13[%parallel_loop3A_167, %parallel_loop3A_168] {strides = array<i32>} : memref<128x128xi32, #tpu.memory_space<vmem>>, vector<16xi32>,
      %parallel_loop3A_170 = vector.bitcast %parallel_loop3A_166 : vector<16xi32> to vector<32xbf16>
      %parallel_loop3A_171 = vector.bitcast %parallel_loop3A_169 : vector<16xi32> to vector<32xbf16>
      %parallel_loop3A_172 = arith.addf %parallel_loop3A_170, %parallel_loop3A_171 : vector<32xbf16>
      %parallel_loop3A_173 = vector.bitcast %parallel_loop3A_172 : vector<32xbf16> to vector<16xi32>
      %parallel_loop3A_174 = arith.index_cast %parallel_loop3A_63 : i32 to index
      %parallel_loop3A_175 = arith.constant 112 : index
      %parallel_loop3A_176 = tpu.vector_load %arg16[%parallel_loop3A_174, %parallel_loop3A_175] {strides = array<i32>} : memref<128x128xi32, #tpu.memory_space<vmem>>, vector<16xi32>,
      tpu.vector_store %arg16[%parallel_loop3A_174, %parallel_loop3A_175], %parallel_loop3A_173 {strides = array<i32>} : memref<128x128xi32, #tpu.memory_space<vmem>>, vector<16xi32>,
    } {sc.loop_unroll_factor = 4 : i64, sc.parallel_access}
    %mul3A_41 = arith.constant 512 : i32
    %mul3A_42 = arith.muli %add3A, %mul3A_41 : i32
    %add3A_43 = arith.constant 256 : i32
    %add3A_44 = arith.addi %mul3A_42, %add3A_43 : i32
    "tpu.region"() ({
      %run_scoped3A = tpu.sem_alloc : memref<!tpu.dma_semaphore, #tpu.memory_space<semaphore_mem>>
      %dma_start3A_63 = arith.constant 0 : i32
      %dma_start3A_64 = tpu.memref_slice %arg8[%add3A_44, %dma_start3A_63] : memref<16384x128xi32, #tpu.memory_space<hbm>> -> memref<128x128xi32, #tpu.memory_space<hbm>>
      %dma_start3A_65 = arith.constant 0 : i32
      %dma_start3A_66 = tpu.memref_slice %arg8[%add3A_44, %dma_start3A_65] : memref<16384x128xi32, #tpu.memory_space<hbm>> -> memref<128x128xi32, #tpu.memory_space<hbm>>
      tpu.enqueue_dma source(%arg16 : memref<128x128xi32, #tpu.memory_space<vmem>>) target(%dma_start3A_66 : memref<128x128xi32, #tpu.memory_space<hbm>>) target_semaphore(%run_scoped3A : memref<!tpu.dma_semaphore, #tpu.memory_space<semaphore_mem>>)
      %dma_wait3A_67 = arith.constant 0 : i32
      %dma_wait3A_68 = tpu.memref_slice %arg8[%add3A_44, %dma_wait3A_67] : memref<16384x128xi32, #tpu.memory_space<hbm>> -> memref<128x128xi32, #tpu.memory_space<hbm>>
      %dma_wait3A_69 = arith.constant 0 : i32
      %dma_wait3A_70 = tpu.memref_slice %arg8[%add3A_44, %dma_wait3A_69] : memref<16384x128xi32, #tpu.memory_space<hbm>> -> memref<128x128xi32, #tpu.memory_space<hbm>>
      tpu.wait_dma2 semaphore(%run_scoped3A : memref<!tpu.dma_semaphore, #tpu.memory_space<semaphore_mem>>) src(%arg16 : memref<128x128xi32, #tpu.memory_space<vmem>>) dst(%dma_wait3A_70 : memref<128x128xi32, #tpu.memory_space<hbm>>)
      tpu.yield
    }) : () -> ()
    %parallel_loop3A_45 = arith.constant 0 : i32
    %parallel_loop3A_46 = arith.constant 128 : i32
    %parallel_loop3A_47 = arith.constant 1 : i32
    scf.for %parallel_loop3A_63 = %parallel_loop3A_45 to %parallel_loop3A_46 step %parallel_loop3A_47  : i32 {
      %parallel_loop3A_64 = arith.constant 384 : i32
      %parallel_loop3A_65 = arith.addi %parallel_loop3A_64, %parallel_loop3A_63 : i32
      %parallel_loop3A_66 = arith.constant 4 : i32
      %parallel_loop3A_67 = arith.muli %add3A, %parallel_loop3A_66 : i32
      %parallel_loop3A_68 = arith.constant 7 : i32
      %parallel_loop3A_69 = arith.shrui %parallel_loop3A_65, %parallel_loop3A_68 : i32
      %parallel_loop3A_70 = arith.addi %parallel_loop3A_67, %parallel_loop3A_69 : i32
      %parallel_loop3A_71 = arith.constant 127 : i32
      %parallel_loop3A_72 = arith.andi %parallel_loop3A_65, %parallel_loop3A_71 : i32
      %parallel_loop3A_73 = arith.index_cast %parallel_loop3A_70 : i32 to index
      %parallel_loop3A_74 = arith.constant 0 : index
      %parallel_loop3A_75 = tpu.vector_load %arg12[%parallel_loop3A_73, %parallel_loop3A_74] {strides = array<i32>} : memref<128x128xi32, #tpu.memory_space<vmem>>, vector<16xi32>,
      %parallel_loop3A_76 = arith.index_cast %parallel_loop3A_72 : i32 to index
      %parallel_loop3A_77 = arith.constant 0 : index
      %parallel_loop3A_78 = tpu.vector_load %arg13[%parallel_loop3A_76, %parallel_loop3A_77] {strides = array<i32>} : memref<128x128xi32, #tpu.memory_space<vmem>>, vector<16xi32>,
      %parallel_loop3A_79 = vector.bitcast %parallel_loop3A_75 : vector<16xi32> to vector<32xbf16>
      %parallel_loop3A_80 = vector.bitcast %parallel_loop3A_78 : vector<16xi32> to vector<32xbf16>
      %parallel_loop3A_81 = arith.addf %parallel_loop3A_79, %parallel_loop3A_80 : vector<32xbf16>
      %parallel_loop3A_82 = vector.bitcast %parallel_loop3A_81 : vector<32xbf16> to vector<16xi32>
      %parallel_loop3A_83 = arith.index_cast %parallel_loop3A_63 : i32 to index
      %parallel_loop3A_84 = arith.constant 0 : index
      %parallel_loop3A_85 = tpu.vector_load %arg16[%parallel_loop3A_83, %parallel_loop3A_84] {strides = array<i32>} : memref<128x128xi32, #tpu.memory_space<vmem>>, vector<16xi32>,
      tpu.vector_store %arg16[%parallel_loop3A_83, %parallel_loop3A_84], %parallel_loop3A_82 {strides = array<i32>} : memref<128x128xi32, #tpu.memory_space<vmem>>, vector<16xi32>,
      %parallel_loop3A_86 = arith.index_cast %parallel_loop3A_70 : i32 to index
      %parallel_loop3A_87 = arith.constant 16 : index
      %parallel_loop3A_88 = tpu.vector_load %arg12[%parallel_loop3A_86, %parallel_loop3A_87] {strides = array<i32>} : memref<128x128xi32, #tpu.memory_space<vmem>>, vector<16xi32>,
      %parallel_loop3A_89 = arith.index_cast %parallel_loop3A_72 : i32 to index
      %parallel_loop3A_90 = arith.constant 16 : index
      %parallel_loop3A_91 = tpu.vector_load %arg13[%parallel_loop3A_89, %parallel_loop3A_90] {strides = array<i32>} : memref<128x128xi32, #tpu.memory_space<vmem>>, vector<16xi32>,
      %parallel_loop3A_92 = vector.bitcast %parallel_loop3A_88 : vector<16xi32> to vector<32xbf16>
      %parallel_loop3A_93 = vector.bitcast %parallel_loop3A_91 : vector<16xi32> to vector<32xbf16>
      %parallel_loop3A_94 = arith.addf %parallel_loop3A_92, %parallel_loop3A_93 : vector<32xbf16>
      %parallel_loop3A_95 = vector.bitcast %parallel_loop3A_94 : vector<32xbf16> to vector<16xi32>
      %parallel_loop3A_96 = arith.index_cast %parallel_loop3A_63 : i32 to index
      %parallel_loop3A_97 = arith.constant 16 : index
      %parallel_loop3A_98 = tpu.vector_load %arg16[%parallel_loop3A_96, %parallel_loop3A_97] {strides = array<i32>} : memref<128x128xi32, #tpu.memory_space<vmem>>, vector<16xi32>,
      tpu.vector_store %arg16[%parallel_loop3A_96, %parallel_loop3A_97], %parallel_loop3A_95 {strides = array<i32>} : memref<128x128xi32, #tpu.memory_space<vmem>>, vector<16xi32>,
      %parallel_loop3A_99 = arith.index_cast %parallel_loop3A_70 : i32 to index
      %parallel_loop3A_100 = arith.constant 32 : index
      %parallel_loop3A_101 = tpu.vector_load %arg12[%parallel_loop3A_99, %parallel_loop3A_100] {strides = array<i32>} : memref<128x128xi32, #tpu.memory_space<vmem>>, vector<16xi32>,
      %parallel_loop3A_102 = arith.index_cast %parallel_loop3A_72 : i32 to index
      %parallel_loop3A_103 = arith.constant 32 : index
      %parallel_loop3A_104 = tpu.vector_load %arg13[%parallel_loop3A_102, %parallel_loop3A_103] {strides = array<i32>} : memref<128x128xi32, #tpu.memory_space<vmem>>, vector<16xi32>,
      %parallel_loop3A_105 = vector.bitcast %parallel_loop3A_101 : vector<16xi32> to vector<32xbf16>
      %parallel_loop3A_106 = vector.bitcast %parallel_loop3A_104 : vector<16xi32> to vector<32xbf16>
      %parallel_loop3A_107 = arith.addf %parallel_loop3A_105, %parallel_loop3A_106 : vector<32xbf16>
      %parallel_loop3A_108 = vector.bitcast %parallel_loop3A_107 : vector<32xbf16> to vector<16xi32>
      %parallel_loop3A_109 = arith.index_cast %parallel_loop3A_63 : i32 to index
      %parallel_loop3A_110 = arith.constant 32 : index
      %parallel_loop3A_111 = tpu.vector_load %arg16[%parallel_loop3A_109, %parallel_loop3A_110] {strides = array<i32>} : memref<128x128xi32, #tpu.memory_space<vmem>>, vector<16xi32>,
      tpu.vector_store %arg16[%parallel_loop3A_109, %parallel_loop3A_110], %parallel_loop3A_108 {strides = array<i32>} : memref<128x128xi32, #tpu.memory_space<vmem>>, vector<16xi32>,
      %parallel_loop3A_112 = arith.index_cast %parallel_loop3A_70 : i32 to index
      %parallel_loop3A_113 = arith.constant 48 : index
      %parallel_loop3A_114 = tpu.vector_load %arg12[%parallel_loop3A_112, %parallel_loop3A_113] {strides = array<i32>} : memref<128x128xi32, #tpu.memory_space<vmem>>, vector<16xi32>,
      %parallel_loop3A_115 = arith.index_cast %parallel_loop3A_72 : i32 to index
      %parallel_loop3A_116 = arith.constant 48 : index
      %parallel_loop3A_117 = tpu.vector_load %arg13[%parallel_loop3A_115, %parallel_loop3A_116] {strides = array<i32>} : memref<128x128xi32, #tpu.memory_space<vmem>>, vector<16xi32>,
      %parallel_loop3A_118 = vector.bitcast %parallel_loop3A_114 : vector<16xi32> to vector<32xbf16>
      %parallel_loop3A_119 = vector.bitcast %parallel_loop3A_117 : vector<16xi32> to vector<32xbf16>
      %parallel_loop3A_120 = arith.addf %parallel_loop3A_118, %parallel_loop3A_119 : vector<32xbf16>
      %parallel_loop3A_121 = vector.bitcast %parallel_loop3A_120 : vector<32xbf16> to vector<16xi32>
      %parallel_loop3A_122 = arith.index_cast %parallel_loop3A_63 : i32 to index
      %parallel_loop3A_123 = arith.constant 48 : index
      %parallel_loop3A_124 = tpu.vector_load %arg16[%parallel_loop3A_122, %parallel_loop3A_123] {strides = array<i32>} : memref<128x128xi32, #tpu.memory_space<vmem>>, vector<16xi32>,
      tpu.vector_store %arg16[%parallel_loop3A_122, %parallel_loop3A_123], %parallel_loop3A_121 {strides = array<i32>} : memref<128x128xi32, #tpu.memory_space<vmem>>, vector<16xi32>,
      %parallel_loop3A_125 = arith.index_cast %parallel_loop3A_70 : i32 to index
      %parallel_loop3A_126 = arith.constant 64 : index
      %parallel_loop3A_127 = tpu.vector_load %arg12[%parallel_loop3A_125, %parallel_loop3A_126] {strides = array<i32>} : memref<128x128xi32, #tpu.memory_space<vmem>>, vector<16xi32>,
      %parallel_loop3A_128 = arith.index_cast %parallel_loop3A_72 : i32 to index
      %parallel_loop3A_129 = arith.constant 64 : index
      %parallel_loop3A_130 = tpu.vector_load %arg13[%parallel_loop3A_128, %parallel_loop3A_129] {strides = array<i32>} : memref<128x128xi32, #tpu.memory_space<vmem>>, vector<16xi32>,
      %parallel_loop3A_131 = vector.bitcast %parallel_loop3A_127 : vector<16xi32> to vector<32xbf16>
      %parallel_loop3A_132 = vector.bitcast %parallel_loop3A_130 : vector<16xi32> to vector<32xbf16>
      %parallel_loop3A_133 = arith.addf %parallel_loop3A_131, %parallel_loop3A_132 : vector<32xbf16>
      %parallel_loop3A_134 = vector.bitcast %parallel_loop3A_133 : vector<32xbf16> to vector<16xi32>
      %parallel_loop3A_135 = arith.index_cast %parallel_loop3A_63 : i32 to index
      %parallel_loop3A_136 = arith.constant 64 : index
      %parallel_loop3A_137 = tpu.vector_load %arg16[%parallel_loop3A_135, %parallel_loop3A_136] {strides = array<i32>} : memref<128x128xi32, #tpu.memory_space<vmem>>, vector<16xi32>,
      tpu.vector_store %arg16[%parallel_loop3A_135, %parallel_loop3A_136], %parallel_loop3A_134 {strides = array<i32>} : memref<128x128xi32, #tpu.memory_space<vmem>>, vector<16xi32>,
      %parallel_loop3A_138 = arith.index_cast %parallel_loop3A_70 : i32 to index
      %parallel_loop3A_139 = arith.constant 80 : index
      %parallel_loop3A_140 = tpu.vector_load %arg12[%parallel_loop3A_138, %parallel_loop3A_139] {strides = array<i32>} : memref<128x128xi32, #tpu.memory_space<vmem>>, vector<16xi32>,
      %parallel_loop3A_141 = arith.index_cast %parallel_loop3A_72 : i32 to index
      %parallel_loop3A_142 = arith.constant 80 : index
      %parallel_loop3A_143 = tpu.vector_load %arg13[%parallel_loop3A_141, %parallel_loop3A_142] {strides = array<i32>} : memref<128x128xi32, #tpu.memory_space<vmem>>, vector<16xi32>,
      %parallel_loop3A_144 = vector.bitcast %parallel_loop3A_140 : vector<16xi32> to vector<32xbf16>
      %parallel_loop3A_145 = vector.bitcast %parallel_loop3A_143 : vector<16xi32> to vector<32xbf16>
      %parallel_loop3A_146 = arith.addf %parallel_loop3A_144, %parallel_loop3A_145 : vector<32xbf16>
      %parallel_loop3A_147 = vector.bitcast %parallel_loop3A_146 : vector<32xbf16> to vector<16xi32>
      %parallel_loop3A_148 = arith.index_cast %parallel_loop3A_63 : i32 to index
      %parallel_loop3A_149 = arith.constant 80 : index
      %parallel_loop3A_150 = tpu.vector_load %arg16[%parallel_loop3A_148, %parallel_loop3A_149] {strides = array<i32>} : memref<128x128xi32, #tpu.memory_space<vmem>>, vector<16xi32>,
      tpu.vector_store %arg16[%parallel_loop3A_148, %parallel_loop3A_149], %parallel_loop3A_147 {strides = array<i32>} : memref<128x128xi32, #tpu.memory_space<vmem>>, vector<16xi32>,
      %parallel_loop3A_151 = arith.index_cast %parallel_loop3A_70 : i32 to index
      %parallel_loop3A_152 = arith.constant 96 : index
      %parallel_loop3A_153 = tpu.vector_load %arg12[%parallel_loop3A_151, %parallel_loop3A_152] {strides = array<i32>} : memref<128x128xi32, #tpu.memory_space<vmem>>, vector<16xi32>,
      %parallel_loop3A_154 = arith.index_cast %parallel_loop3A_72 : i32 to index
      %parallel_loop3A_155 = arith.constant 96 : index
      %parallel_loop3A_156 = tpu.vector_load %arg13[%parallel_loop3A_154, %parallel_loop3A_155] {strides = array<i32>} : memref<128x128xi32, #tpu.memory_space<vmem>>, vector<16xi32>,
      %parallel_loop3A_157 = vector.bitcast %parallel_loop3A_153 : vector<16xi32> to vector<32xbf16>
      %parallel_loop3A_158 = vector.bitcast %parallel_loop3A_156 : vector<16xi32> to vector<32xbf16>
      %parallel_loop3A_159 = arith.addf %parallel_loop3A_157, %parallel_loop3A_158 : vector<32xbf16>
      %parallel_loop3A_160 = vector.bitcast %parallel_loop3A_159 : vector<32xbf16> to vector<16xi32>
      %parallel_loop3A_161 = arith.index_cast %parallel_loop3A_63 : i32 to index
      %parallel_loop3A_162 = arith.constant 96 : index
      %parallel_loop3A_163 = tpu.vector_load %arg16[%parallel_loop3A_161, %parallel_loop3A_162] {strides = array<i32>} : memref<128x128xi32, #tpu.memory_space<vmem>>, vector<16xi32>,
      tpu.vector_store %arg16[%parallel_loop3A_161, %parallel_loop3A_162], %parallel_loop3A_160 {strides = array<i32>} : memref<128x128xi32, #tpu.memory_space<vmem>>, vector<16xi32>,
      %parallel_loop3A_164 = arith.index_cast %parallel_loop3A_70 : i32 to index
      %parallel_loop3A_165 = arith.constant 112 : index
      %parallel_loop3A_166 = tpu.vector_load %arg12[%parallel_loop3A_164, %parallel_loop3A_165] {strides = array<i32>} : memref<128x128xi32, #tpu.memory_space<vmem>>, vector<16xi32>,
      %parallel_loop3A_167 = arith.index_cast %parallel_loop3A_72 : i32 to index
      %parallel_loop3A_168 = arith.constant 112 : index
      %parallel_loop3A_169 = tpu.vector_load %arg13[%parallel_loop3A_167, %parallel_loop3A_168] {strides = array<i32>} : memref<128x128xi32, #tpu.memory_space<vmem>>, vector<16xi32>,
      %parallel_loop3A_170 = vector.bitcast %parallel_loop3A_166 : vector<16xi32> to vector<32xbf16>
      %parallel_loop3A_171 = vector.bitcast %parallel_loop3A_169 : vector<16xi32> to vector<32xbf16>
      %parallel_loop3A_172 = arith.addf %parallel_loop3A_170, %parallel_loop3A_171 : vector<32xbf16>
      %parallel_loop3A_173 = vector.bitcast %parallel_loop3A_172 : vector<32xbf16> to vector<16xi32>
      %parallel_loop3A_174 = arith.index_cast %parallel_loop3A_63 : i32 to index
      %parallel_loop3A_175 = arith.constant 112 : index
      %parallel_loop3A_176 = tpu.vector_load %arg16[%parallel_loop3A_174, %parallel_loop3A_175] {strides = array<i32>} : memref<128x128xi32, #tpu.memory_space<vmem>>, vector<16xi32>,
      tpu.vector_store %arg16[%parallel_loop3A_174, %parallel_loop3A_175], %parallel_loop3A_173 {strides = array<i32>} : memref<128x128xi32, #tpu.memory_space<vmem>>, vector<16xi32>,
    } {sc.loop_unroll_factor = 4 : i64, sc.parallel_access}
    %mul3A_48 = arith.constant 512 : i32
    %mul3A_49 = arith.muli %add3A, %mul3A_48 : i32
    %add3A_50 = arith.constant 384 : i32
    %add3A_51 = arith.addi %mul3A_49, %add3A_50 : i32
    "tpu.region"() ({
      %run_scoped3A = tpu.sem_alloc : memref<!tpu.dma_semaphore, #tpu.memory_space<semaphore_mem>>
      %dma_start3A_63 = arith.constant 0 : i32
      %dma_start3A_64 = tpu.memref_slice %arg8[%add3A_51, %dma_start3A_63] : memref<16384x128xi32, #tpu.memory_space<hbm>> -> memref<128x128xi32, #tpu.memory_space<hbm>>
      %dma_start3A_65 = arith.constant 0 : i32
      %dma_start3A_66 = tpu.memref_slice %arg8[%add3A_51, %dma_start3A_65] : memref<16384x128xi32, #tpu.memory_space<hbm>> -> memref<128x128xi32, #tpu.memory_space<hbm>>
      tpu.enqueue_dma source(%arg16 : memref<128x128xi32, #tpu.memory_space<vmem>>) target(%dma_start3A_66 : memref<128x128xi32, #tpu.memory_space<hbm>>) target_semaphore(%run_scoped3A : memref<!tpu.dma_semaphore, #tpu.memory_space<semaphore_mem>>)
      %dma_wait3A_67 = arith.constant 0 : i32
      %dma_wait3A_68 = tpu.memref_slice %arg8[%add3A_51, %dma_wait3A_67] : memref<16384x128xi32, #tpu.memory_space<hbm>> -> memref<128x128xi32, #tpu.memory_space<hbm>>
      %dma_wait3A_69 = arith.constant 0 : i32
      %dma_wait3A_70 = tpu.memref_slice %arg8[%add3A_51, %dma_wait3A_69] : memref<16384x128xi32, #tpu.memory_space<hbm>> -> memref<128x128xi32, #tpu.memory_space<hbm>>
      tpu.wait_dma2 semaphore(%run_scoped3A : memref<!tpu.dma_semaphore, #tpu.memory_space<semaphore_mem>>) src(%arg16 : memref<128x128xi32, #tpu.memory_space<vmem>>) dst(%dma_wait3A_70 : memref<128x128xi32, #tpu.memory_space<hbm>>)
      tpu.yield
    }) : () -> ()
    %dma_wait3A = arith.constant 0 : i32
    %dma_wait3A_52 = tpu.memref_slice %arg7[%add3A_11, %dma_wait3A] : memref<4608x128xi32, #tpu.memory_space<hbm>> -> memref<72x128xi32, #tpu.memory_space<hbm>>
    %dma_wait3A_53 = arith.constant 0 : i32
    %dma_wait3A_54 = tpu.memref_slice %arg7[%add3A_11, %dma_wait3A_53] : memref<4608x128xi32, #tpu.memory_space<hbm>> -> memref<72x128xi32, #tpu.memory_space<hbm>>
    tpu.wait_dma2 semaphore(%arg22 : memref<!tpu.dma_semaphore, #tpu.memory_space<semaphore_mem>>) src(%arg15 : memref<72x128xi32, #tpu.memory_space<vmem>>) dst(%dma_wait3A_54 : memref<72x128xi32, #tpu.memory_space<hbm>>)
    %dma_wait3A_55 = arith.constant 0 : i32
    %dma_wait3A_56 = tpu.memref_slice %arg7[%add3A_15, %dma_wait3A_55] : memref<4608x128xi32, #tpu.memory_space<hbm>> -> memref<72x128xi32, #tpu.memory_space<hbm>>
    %dma_wait3A_57 = arith.constant 0 : i32
    %dma_wait3A_58 = tpu.memref_slice %arg7[%add3A_15, %dma_wait3A_57] : memref<4608x128xi32, #tpu.memory_space<hbm>> -> memref<72x128xi32, #tpu.memory_space<hbm>>
    tpu.wait_dma2 semaphore(%arg22 : memref<!tpu.dma_semaphore, #tpu.memory_space<semaphore_mem>>) src(%arg15 : memref<72x128xi32, #tpu.memory_space<vmem>>) dst(%dma_wait3A_58 : memref<72x128xi32, #tpu.memory_space<hbm>>)
    %dma_wait3A_59 = arith.constant 0 : i32
    %dma_wait3A_60 = tpu.memref_slice %arg9[%mul3A_2, %dma_wait3A_59] : memref<4096x128xi32, #tpu.memory_space<hbm>> -> memref<128x128xi32, #tpu.memory_space<hbm>>
    %dma_wait3A_61 = arith.constant 0 : i32
    %dma_wait3A_62 = tpu.memref_slice %arg9[%mul3A_2, %dma_wait3A_61] : memref<4096x128xi32, #tpu.memory_space<hbm>> -> memref<128x128xi32, #tpu.memory_space<hbm>>
    tpu.wait_dma2 semaphore(%arg23 : memref<!tpu.dma_semaphore, #tpu.memory_space<semaphore_mem>>) src(%arg14 : memref<128x128xi32, #tpu.memory_space<vmem>>) dst(%dma_wait3A_62 : memref<128x128xi32, #tpu.memory_space<hbm>>)
    return
  }
}

#map = affine_map<(d0, d1) -> (0, 0, 0)>
#map1 = affine_map<(d0, d1) -> (0, 0)>
module attributes {stable_mosaic.version = 14 : i64} {
  func.func @_serve_body(%arg0: i32, %arg1: i32, %arg2: memref<32x16x64xi32, #tpu.memory_space<hbm>>, %arg3: memref<32x16x64xi32, #tpu.memory_space<hbm>>, %arg4: memref<32x16x64xi32, #tpu.memory_space<hbm>>, %arg5: memref<32x16x64xi32, #tpu.memory_space<hbm>>, %arg6: memref<32x16x64xi32, #tpu.memory_space<hbm>>, %arg7: memref<4608x128xi32, #tpu.memory_space<hbm>>, %arg8: memref<16384x128xi32, #tpu.memory_space<hbm>>, %arg9: memref<4096x128xi32, #tpu.memory_space<hbm>>, %arg10: memref<32768x256xf32, #tpu.memory_space<hbm>>, %arg11: memref<16x64xi32, #tpu.memory_space<vmem>>, %arg12: memref<16x64xi32, #tpu.memory_space<vmem>>, %arg13: memref<16x64xi32, #tpu.memory_space<vmem>>, %arg14: memref<16x64xi32, #tpu.memory_space<vmem>>, %arg15: memref<16x64xi32, #tpu.memory_space<vmem>>, %arg16: memref<16x64xi32, #tpu.memory_space<vmem>>, %arg17: memref<16x64xi32, #tpu.memory_space<vmem>>, %arg18: memref<64x128xi32, #tpu.memory_space<vmem>>, %arg19: memref<64x128xi32, #tpu.memory_space<vmem>>, %arg20: memref<64x128xi32, #tpu.memory_space<vmem>>, %arg21: memref<64x128xi32, #tpu.memory_space<vmem>>, %arg22: memref<64x128xi32, #tpu.memory_space<vmem>>, %arg23: memref<64x128xi32, #tpu.memory_space<vmem>>, %arg24: memref<64x256xf32, #tpu.memory_space<vmem>>, %arg25: memref<64x256xf32, #tpu.memory_space<vmem>>, %arg26: memref<!tpu.dma_semaphore, #tpu.memory_space<semaphore_mem>>, %arg27: memref<!tpu.dma_semaphore, #tpu.memory_space<semaphore_mem>>, %arg28: memref<!tpu.dma_semaphore, #tpu.memory_space<semaphore_mem>>, %arg29: memref<!tpu.dma_semaphore, #tpu.memory_space<semaphore_mem>>, %arg30: memref<!tpu.dma_semaphore, #tpu.memory_space<semaphore_mem>>, %arg31: memref<!tpu.dma_semaphore, #tpu.memory_space<semaphore_mem>>, %arg32: memref<!tpu.dma_semaphore, #tpu.memory_space<semaphore_mem>>, %arg33: memref<!tpu.dma_semaphore, #tpu.memory_space<semaphore_mem>>) attributes {dimension_semantics = [#tpu.dimension_semantics<core_parallel>, #tpu.dimension_semantics<subcore_parallel>], iteration_bounds = array<i64: 2, 16>, scalar_prefetch = 0 : i64, scratch_operands = 23 : i64, tpu.core_type = #tpu.core_type<sc_vector_subcore>, window_params = [{transform_indices = #map}, {transform_indices = #map}, {transform_indices = #map}, {transform_indices = #map}, {transform_indices = #map}, {transform_indices = #map1}, {transform_indices = #map1}, {transform_indices = #map1}, {transform_indices = #map1}]} {
    %mul3A = arith.constant 2 : i32
    %mul3A_0 = arith.muli %arg1, %mul3A : i32
    %add3A = arith.addi %mul3A_0, %arg0 : i32
    %mul3A_1 = arith.constant 1024 : i32
    %mul3A_2 = arith.muli %add3A, %mul3A_1 : i32
    "tpu.region"() ({
      %run_scoped3A = tpu.sem_alloc : memref<!tpu.dma_semaphore, #tpu.memory_space<semaphore_mem>>
      %dma_start3A_51 = arith.constant 0 : i32
      %dma_start3A_52 = arith.constant 0 : i32
      %dma_start3A_53 = tpu.memref_slice %arg2[%add3A, %dma_start3A_51, %dma_start3A_52] : memref<32x16x64xi32, #tpu.memory_space<hbm>> -> memref<1x16x64xi32, #tpu.memory_space<hbm>>
      %dma_start3A_54 = tpu.memref_squeeze %dma_start3A_53 : memref<1x16x64xi32, #tpu.memory_space<hbm>> -> memref<16x64xi32, #tpu.memory_space<hbm>>
      %dma_start3A_55 = arith.constant 0 : i32
      %dma_start3A_56 = arith.constant 0 : i32
      %dma_start3A_57 = tpu.memref_slice %arg2[%add3A, %dma_start3A_55, %dma_start3A_56] : memref<32x16x64xi32, #tpu.memory_space<hbm>> -> memref<1x16x64xi32, #tpu.memory_space<hbm>>
      %dma_start3A_58 = tpu.memref_squeeze %dma_start3A_57 : memref<1x16x64xi32, #tpu.memory_space<hbm>> -> memref<16x64xi32, #tpu.memory_space<hbm>>
      tpu.enqueue_dma source(%dma_start3A_58 : memref<16x64xi32, #tpu.memory_space<hbm>>) target(%arg11 : memref<16x64xi32, #tpu.memory_space<vmem>>) target_semaphore(%run_scoped3A : memref<!tpu.dma_semaphore, #tpu.memory_space<semaphore_mem>>)
      %dma_wait3A_59 = arith.constant 0 : i32
      %dma_wait3A_60 = arith.constant 0 : i32
      %dma_wait3A_61 = tpu.memref_slice %arg2[%add3A, %dma_wait3A_59, %dma_wait3A_60] : memref<32x16x64xi32, #tpu.memory_space<hbm>> -> memref<1x16x64xi32, #tpu.memory_space<hbm>>
      %dma_wait3A_62 = tpu.memref_squeeze %dma_wait3A_61 : memref<1x16x64xi32, #tpu.memory_space<hbm>> -> memref<16x64xi32, #tpu.memory_space<hbm>>
      %dma_wait3A_63 = arith.constant 0 : i32
      %dma_wait3A_64 = arith.constant 0 : i32
      %dma_wait3A_65 = tpu.memref_slice %arg2[%add3A, %dma_wait3A_63, %dma_wait3A_64] : memref<32x16x64xi32, #tpu.memory_space<hbm>> -> memref<1x16x64xi32, #tpu.memory_space<hbm>>
      %dma_wait3A_66 = tpu.memref_squeeze %dma_wait3A_65 : memref<1x16x64xi32, #tpu.memory_space<hbm>> -> memref<16x64xi32, #tpu.memory_space<hbm>>
      tpu.wait_dma2 semaphore(%run_scoped3A : memref<!tpu.dma_semaphore, #tpu.memory_space<semaphore_mem>>) src(%dma_wait3A_66 : memref<16x64xi32, #tpu.memory_space<hbm>>) dst(%arg11 : memref<16x64xi32, #tpu.memory_space<vmem>>)
      tpu.yield
    }) : () -> ()
    "tpu.region"() ({
      %run_scoped3A = tpu.sem_alloc : memref<!tpu.dma_semaphore, #tpu.memory_space<semaphore_mem>>
      %dma_start3A_51 = arith.constant 0 : i32
      %dma_start3A_52 = arith.constant 0 : i32
      %dma_start3A_53 = tpu.memref_slice %arg3[%add3A, %dma_start3A_51, %dma_start3A_52] : memref<32x16x64xi32, #tpu.memory_space<hbm>> -> memref<1x16x64xi32, #tpu.memory_space<hbm>>
      %dma_start3A_54 = tpu.memref_squeeze %dma_start3A_53 : memref<1x16x64xi32, #tpu.memory_space<hbm>> -> memref<16x64xi32, #tpu.memory_space<hbm>>
      %dma_start3A_55 = arith.constant 0 : i32
      %dma_start3A_56 = arith.constant 0 : i32
      %dma_start3A_57 = tpu.memref_slice %arg3[%add3A, %dma_start3A_55, %dma_start3A_56] : memref<32x16x64xi32, #tpu.memory_space<hbm>> -> memref<1x16x64xi32, #tpu.memory_space<hbm>>
      %dma_start3A_58 = tpu.memref_squeeze %dma_start3A_57 : memref<1x16x64xi32, #tpu.memory_space<hbm>> -> memref<16x64xi32, #tpu.memory_space<hbm>>
      tpu.enqueue_dma source(%dma_start3A_58 : memref<16x64xi32, #tpu.memory_space<hbm>>) target(%arg12 : memref<16x64xi32, #tpu.memory_space<vmem>>) target_semaphore(%run_scoped3A : memref<!tpu.dma_semaphore, #tpu.memory_space<semaphore_mem>>)
      %dma_wait3A_59 = arith.constant 0 : i32
      %dma_wait3A_60 = arith.constant 0 : i32
      %dma_wait3A_61 = tpu.memref_slice %arg3[%add3A, %dma_wait3A_59, %dma_wait3A_60] : memref<32x16x64xi32, #tpu.memory_space<hbm>> -> memref<1x16x64xi32, #tpu.memory_space<hbm>>
      %dma_wait3A_62 = tpu.memref_squeeze %dma_wait3A_61 : memref<1x16x64xi32, #tpu.memory_space<hbm>> -> memref<16x64xi32, #tpu.memory_space<hbm>>
      %dma_wait3A_63 = arith.constant 0 : i32
      %dma_wait3A_64 = arith.constant 0 : i32
      %dma_wait3A_65 = tpu.memref_slice %arg3[%add3A, %dma_wait3A_63, %dma_wait3A_64] : memref<32x16x64xi32, #tpu.memory_space<hbm>> -> memref<1x16x64xi32, #tpu.memory_space<hbm>>
      %dma_wait3A_66 = tpu.memref_squeeze %dma_wait3A_65 : memref<1x16x64xi32, #tpu.memory_space<hbm>> -> memref<16x64xi32, #tpu.memory_space<hbm>>
      tpu.wait_dma2 semaphore(%run_scoped3A : memref<!tpu.dma_semaphore, #tpu.memory_space<semaphore_mem>>) src(%dma_wait3A_66 : memref<16x64xi32, #tpu.memory_space<hbm>>) dst(%arg12 : memref<16x64xi32, #tpu.memory_space<vmem>>)
      tpu.yield
    }) : () -> ()
    "tpu.region"() ({
      %run_scoped3A = tpu.sem_alloc : memref<!tpu.dma_semaphore, #tpu.memory_space<semaphore_mem>>
      %dma_start3A_51 = arith.constant 0 : i32
      %dma_start3A_52 = arith.constant 0 : i32
      %dma_start3A_53 = tpu.memref_slice %arg4[%add3A, %dma_start3A_51, %dma_start3A_52] : memref<32x16x64xi32, #tpu.memory_space<hbm>> -> memref<1x16x64xi32, #tpu.memory_space<hbm>>
      %dma_start3A_54 = tpu.memref_squeeze %dma_start3A_53 : memref<1x16x64xi32, #tpu.memory_space<hbm>> -> memref<16x64xi32, #tpu.memory_space<hbm>>
      %dma_start3A_55 = arith.constant 0 : i32
      %dma_start3A_56 = arith.constant 0 : i32
      %dma_start3A_57 = tpu.memref_slice %arg4[%add3A, %dma_start3A_55, %dma_start3A_56] : memref<32x16x64xi32, #tpu.memory_space<hbm>> -> memref<1x16x64xi32, #tpu.memory_space<hbm>>
      %dma_start3A_58 = tpu.memref_squeeze %dma_start3A_57 : memref<1x16x64xi32, #tpu.memory_space<hbm>> -> memref<16x64xi32, #tpu.memory_space<hbm>>
      tpu.enqueue_dma source(%dma_start3A_58 : memref<16x64xi32, #tpu.memory_space<hbm>>) target(%arg13 : memref<16x64xi32, #tpu.memory_space<vmem>>) target_semaphore(%run_scoped3A : memref<!tpu.dma_semaphore, #tpu.memory_space<semaphore_mem>>)
      %dma_wait3A_59 = arith.constant 0 : i32
      %dma_wait3A_60 = arith.constant 0 : i32
      %dma_wait3A_61 = tpu.memref_slice %arg4[%add3A, %dma_wait3A_59, %dma_wait3A_60] : memref<32x16x64xi32, #tpu.memory_space<hbm>> -> memref<1x16x64xi32, #tpu.memory_space<hbm>>
      %dma_wait3A_62 = tpu.memref_squeeze %dma_wait3A_61 : memref<1x16x64xi32, #tpu.memory_space<hbm>> -> memref<16x64xi32, #tpu.memory_space<hbm>>
      %dma_wait3A_63 = arith.constant 0 : i32
      %dma_wait3A_64 = arith.constant 0 : i32
      %dma_wait3A_65 = tpu.memref_slice %arg4[%add3A, %dma_wait3A_63, %dma_wait3A_64] : memref<32x16x64xi32, #tpu.memory_space<hbm>> -> memref<1x16x64xi32, #tpu.memory_space<hbm>>
      %dma_wait3A_66 = tpu.memref_squeeze %dma_wait3A_65 : memref<1x16x64xi32, #tpu.memory_space<hbm>> -> memref<16x64xi32, #tpu.memory_space<hbm>>
      tpu.wait_dma2 semaphore(%run_scoped3A : memref<!tpu.dma_semaphore, #tpu.memory_space<semaphore_mem>>) src(%dma_wait3A_66 : memref<16x64xi32, #tpu.memory_space<hbm>>) dst(%arg13 : memref<16x64xi32, #tpu.memory_space<vmem>>)
      tpu.yield
    }) : () -> ()
    "tpu.region"() ({
      %run_scoped3A = tpu.sem_alloc : memref<!tpu.dma_semaphore, #tpu.memory_space<semaphore_mem>>
      %dma_start3A_51 = arith.constant 0 : i32
      %dma_start3A_52 = arith.constant 0 : i32
      %dma_start3A_53 = tpu.memref_slice %arg5[%add3A, %dma_start3A_51, %dma_start3A_52] : memref<32x16x64xi32, #tpu.memory_space<hbm>> -> memref<1x16x64xi32, #tpu.memory_space<hbm>>
      %dma_start3A_54 = tpu.memref_squeeze %dma_start3A_53 : memref<1x16x64xi32, #tpu.memory_space<hbm>> -> memref<16x64xi32, #tpu.memory_space<hbm>>
      %dma_start3A_55 = arith.constant 0 : i32
      %dma_start3A_56 = arith.constant 0 : i32
      %dma_start3A_57 = tpu.memref_slice %arg5[%add3A, %dma_start3A_55, %dma_start3A_56] : memref<32x16x64xi32, #tpu.memory_space<hbm>> -> memref<1x16x64xi32, #tpu.memory_space<hbm>>
      %dma_start3A_58 = tpu.memref_squeeze %dma_start3A_57 : memref<1x16x64xi32, #tpu.memory_space<hbm>> -> memref<16x64xi32, #tpu.memory_space<hbm>>
      tpu.enqueue_dma source(%dma_start3A_58 : memref<16x64xi32, #tpu.memory_space<hbm>>) target(%arg14 : memref<16x64xi32, #tpu.memory_space<vmem>>) target_semaphore(%run_scoped3A : memref<!tpu.dma_semaphore, #tpu.memory_space<semaphore_mem>>)
      %dma_wait3A_59 = arith.constant 0 : i32
      %dma_wait3A_60 = arith.constant 0 : i32
      %dma_wait3A_61 = tpu.memref_slice %arg5[%add3A, %dma_wait3A_59, %dma_wait3A_60] : memref<32x16x64xi32, #tpu.memory_space<hbm>> -> memref<1x16x64xi32, #tpu.memory_space<hbm>>
      %dma_wait3A_62 = tpu.memref_squeeze %dma_wait3A_61 : memref<1x16x64xi32, #tpu.memory_space<hbm>> -> memref<16x64xi32, #tpu.memory_space<hbm>>
      %dma_wait3A_63 = arith.constant 0 : i32
      %dma_wait3A_64 = arith.constant 0 : i32
      %dma_wait3A_65 = tpu.memref_slice %arg5[%add3A, %dma_wait3A_63, %dma_wait3A_64] : memref<32x16x64xi32, #tpu.memory_space<hbm>> -> memref<1x16x64xi32, #tpu.memory_space<hbm>>
      %dma_wait3A_66 = tpu.memref_squeeze %dma_wait3A_65 : memref<1x16x64xi32, #tpu.memory_space<hbm>> -> memref<16x64xi32, #tpu.memory_space<hbm>>
      tpu.wait_dma2 semaphore(%run_scoped3A : memref<!tpu.dma_semaphore, #tpu.memory_space<semaphore_mem>>) src(%dma_wait3A_66 : memref<16x64xi32, #tpu.memory_space<hbm>>) dst(%arg14 : memref<16x64xi32, #tpu.memory_space<vmem>>)
      tpu.yield
    }) : () -> ()
    "tpu.region"() ({
      %run_scoped3A = tpu.sem_alloc : memref<!tpu.dma_semaphore, #tpu.memory_space<semaphore_mem>>
      %dma_start3A_51 = arith.constant 0 : i32
      %dma_start3A_52 = arith.constant 0 : i32
      %dma_start3A_53 = tpu.memref_slice %arg6[%add3A, %dma_start3A_51, %dma_start3A_52] : memref<32x16x64xi32, #tpu.memory_space<hbm>> -> memref<1x16x64xi32, #tpu.memory_space<hbm>>
      %dma_start3A_54 = tpu.memref_squeeze %dma_start3A_53 : memref<1x16x64xi32, #tpu.memory_space<hbm>> -> memref<16x64xi32, #tpu.memory_space<hbm>>
      %dma_start3A_55 = arith.constant 0 : i32
      %dma_start3A_56 = arith.constant 0 : i32
      %dma_start3A_57 = tpu.memref_slice %arg6[%add3A, %dma_start3A_55, %dma_start3A_56] : memref<32x16x64xi32, #tpu.memory_space<hbm>> -> memref<1x16x64xi32, #tpu.memory_space<hbm>>
      %dma_start3A_58 = tpu.memref_squeeze %dma_start3A_57 : memref<1x16x64xi32, #tpu.memory_space<hbm>> -> memref<16x64xi32, #tpu.memory_space<hbm>>
      tpu.enqueue_dma source(%dma_start3A_58 : memref<16x64xi32, #tpu.memory_space<hbm>>) target(%arg15 : memref<16x64xi32, #tpu.memory_space<vmem>>) target_semaphore(%run_scoped3A : memref<!tpu.dma_semaphore, #tpu.memory_space<semaphore_mem>>)
      %dma_wait3A_59 = arith.constant 0 : i32
      %dma_wait3A_60 = arith.constant 0 : i32
      %dma_wait3A_61 = tpu.memref_slice %arg6[%add3A, %dma_wait3A_59, %dma_wait3A_60] : memref<32x16x64xi32, #tpu.memory_space<hbm>> -> memref<1x16x64xi32, #tpu.memory_space<hbm>>
      %dma_wait3A_62 = tpu.memref_squeeze %dma_wait3A_61 : memref<1x16x64xi32, #tpu.memory_space<hbm>> -> memref<16x64xi32, #tpu.memory_space<hbm>>
      %dma_wait3A_63 = arith.constant 0 : i32
      %dma_wait3A_64 = arith.constant 0 : i32
      %dma_wait3A_65 = tpu.memref_slice %arg6[%add3A, %dma_wait3A_63, %dma_wait3A_64] : memref<32x16x64xi32, #tpu.memory_space<hbm>> -> memref<1x16x64xi32, #tpu.memory_space<hbm>>
      %dma_wait3A_66 = tpu.memref_squeeze %dma_wait3A_65 : memref<1x16x64xi32, #tpu.memory_space<hbm>> -> memref<16x64xi32, #tpu.memory_space<hbm>>
      tpu.wait_dma2 semaphore(%run_scoped3A : memref<!tpu.dma_semaphore, #tpu.memory_space<semaphore_mem>>) src(%dma_wait3A_66 : memref<16x64xi32, #tpu.memory_space<hbm>>) dst(%arg15 : memref<16x64xi32, #tpu.memory_space<vmem>>)
      tpu.yield
    }) : () -> ()
    %and3A = arith.constant 1 : i32
    %and3A_3 = arith.andi %add3A, %and3A : i32
    %mul3A_4 = arith.constant 2304 : i32
    %mul3A_5 = arith.muli %and3A_3, %mul3A_4 : i32
    %mul3A_6 = arith.constant 128 : i32
    %mul3A_7 = arith.muli %add3A, %mul3A_6 : i32
    %scan3A = arith.constant 0 : i32
    %scan3A_8 = arith.constant 0 : i32
    %scan3A_9 = arith.constant 16 : i32
    %scan3A_10 = arith.addi %scan3A_8, %scan3A_9 : i32
    %scan3A_11 = arith.constant 1 : i32
    scf.for %scan3A_51 = %scan3A_8 to %scan3A_10 step %scan3A_11  : i32 {
      %get3A = arith.index_cast %scan3A_51 : i32 to index
      %get3A_52 = arith.constant 0 : index
      %get3A_53 = tpu.vector_load %arg11[%get3A, %get3A_52] {strides = array<i32>} : memref<16x64xi32, #tpu.memory_space<vmem>>, vector<16xi32>,
      %mul3A_54 = arith.constant 8 : i32
      %mul3A_55 = vector.broadcast %mul3A_54 : i32 to vector<16xi32>
      %mul3A_56 = arith.muli %get3A_53, %mul3A_55 : vector<16xi32>
      %get3A_57 = arith.index_cast %scan3A_51 : i32 to index
      %get3A_58 = arith.constant 0 : index
      %get3A_59 = tpu.vector_load %arg12[%get3A_57, %get3A_58] {strides = array<i32>} : memref<16x64xi32, #tpu.memory_space<vmem>>, vector<16xi32>,
      %add3A_60 = arith.addi %mul3A_56, %get3A_59 : vector<16xi32>
      %add3A_61 = vector.broadcast %mul3A_5 : i32 to vector<16xi32>
      %add3A_62 = arith.addi %add3A_60, %add3A_61 : vector<16xi32>
      %swap3A = arith.index_cast %scan3A_51 : i32 to index
      %swap3A_63 = arith.constant 0 : index
      %swap3A_64 = tpu.vector_load %arg16[%swap3A, %swap3A_63] {strides = array<i32>} : memref<16x64xi32, #tpu.memory_space<vmem>>, vector<16xi32>,
      tpu.vector_store %arg16[%swap3A, %swap3A_63], %add3A_62 {strides = array<i32>} : memref<16x64xi32, #tpu.memory_space<vmem>>, vector<16xi32>,
      %get3A_65 = arith.index_cast %scan3A_51 : i32 to index
      %get3A_66 = arith.constant 0 : index
      %get3A_67 = tpu.vector_load %arg13[%get3A_65, %get3A_66] {strides = array<i32>} : memref<16x64xi32, #tpu.memory_space<vmem>>, vector<16xi32>,
      %mul3A_68 = arith.constant 128 : i32
      %mul3A_69 = vector.broadcast %mul3A_68 : i32 to vector<16xi32>
      %mul3A_70 = arith.muli %get3A_67, %mul3A_69 : vector<16xi32>
      %get3A_71 = arith.index_cast %scan3A_51 : i32 to index
      %get3A_72 = arith.constant 0 : index
      %get3A_73 = tpu.vector_load %arg14[%get3A_71, %get3A_72] {strides = array<i32>} : memref<16x64xi32, #tpu.memory_space<vmem>>, vector<16xi32>,
      %add3A_74 = arith.addi %mul3A_70, %get3A_73 : vector<16xi32>
      %swap3A_75 = arith.index_cast %scan3A_51 : i32 to index
      %swap3A_76 = arith.constant 0 : index
      %swap3A_77 = tpu.vector_load %arg17[%swap3A_75, %swap3A_76] {strides = array<i32>} : memref<16x64xi32, #tpu.memory_space<vmem>>, vector<16xi32>,
      tpu.vector_store %arg17[%swap3A_75, %swap3A_76], %add3A_74 {strides = array<i32>} : memref<16x64xi32, #tpu.memory_space<vmem>>, vector<16xi32>,
      %get3A_78 = arith.index_cast %scan3A_51 : i32 to index
      %get3A_79 = arith.constant 0 : index
      %get3A_80 = tpu.vector_load %arg15[%get3A_78, %get3A_79] {strides = array<i32>} : memref<16x64xi32, #tpu.memory_space<vmem>>, vector<16xi32>,
      %add3A_81 = vector.broadcast %mul3A_7 : i32 to vector<16xi32>
      %add3A_82 = arith.addi %get3A_80, %add3A_81 : vector<16xi32>
      %swap3A_83 = arith.index_cast %scan3A_51 : i32 to index
      %swap3A_84 = arith.constant 0 : index
      %swap3A_85 = tpu.vector_load %arg15[%swap3A_83, %swap3A_84] {strides = array<i32>} : memref<16x64xi32, #tpu.memory_space<vmem>>, vector<16xi32>,
      tpu.vector_store %arg15[%swap3A_83, %swap3A_84], %add3A_82 {strides = array<i32>} : memref<16x64xi32, #tpu.memory_space<vmem>>, vector<16xi32>,
      %get3A_86 = arith.index_cast %scan3A_51 : i32 to index
      %get3A_87 = arith.constant 16 : index
      %get3A_88 = tpu.vector_load %arg11[%get3A_86, %get3A_87] {strides = array<i32>} : memref<16x64xi32, #tpu.memory_space<vmem>>, vector<16xi32>,
      %mul3A_89 = arith.constant 8 : i32
      %mul3A_90 = vector.broadcast %mul3A_89 : i32 to vector<16xi32>
      %mul3A_91 = arith.muli %get3A_88, %mul3A_90 : vector<16xi32>
      %get3A_92 = arith.index_cast %scan3A_51 : i32 to index
      %get3A_93 = arith.constant 16 : index
      %get3A_94 = tpu.vector_load %arg12[%get3A_92, %get3A_93] {strides = array<i32>} : memref<16x64xi32, #tpu.memory_space<vmem>>, vector<16xi32>,
      %add3A_95 = arith.addi %mul3A_91, %get3A_94 : vector<16xi32>
      %add3A_96 = vector.broadcast %mul3A_5 : i32 to vector<16xi32>
      %add3A_97 = arith.addi %add3A_95, %add3A_96 : vector<16xi32>
      %swap3A_98 = arith.index_cast %scan3A_51 : i32 to index
      %swap3A_99 = arith.constant 16 : index
      %swap3A_100 = tpu.vector_load %arg16[%swap3A_98, %swap3A_99] {strides = array<i32>} : memref<16x64xi32, #tpu.memory_space<vmem>>, vector<16xi32>,
      tpu.vector_store %arg16[%swap3A_98, %swap3A_99], %add3A_97 {strides = array<i32>} : memref<16x64xi32, #tpu.memory_space<vmem>>, vector<16xi32>,
      %get3A_101 = arith.index_cast %scan3A_51 : i32 to index
      %get3A_102 = arith.constant 16 : index
      %get3A_103 = tpu.vector_load %arg13[%get3A_101, %get3A_102] {strides = array<i32>} : memref<16x64xi32, #tpu.memory_space<vmem>>, vector<16xi32>,
      %mul3A_104 = arith.constant 128 : i32
      %mul3A_105 = vector.broadcast %mul3A_104 : i32 to vector<16xi32>
      %mul3A_106 = arith.muli %get3A_103, %mul3A_105 : vector<16xi32>
      %get3A_107 = arith.index_cast %scan3A_51 : i32 to index
      %get3A_108 = arith.constant 16 : index
      %get3A_109 = tpu.vector_load %arg14[%get3A_107, %get3A_108] {strides = array<i32>} : memref<16x64xi32, #tpu.memory_space<vmem>>, vector<16xi32>,
      %add3A_110 = arith.addi %mul3A_106, %get3A_109 : vector<16xi32>
      %swap3A_111 = arith.index_cast %scan3A_51 : i32 to index
      %swap3A_112 = arith.constant 16 : index
      %swap3A_113 = tpu.vector_load %arg17[%swap3A_111, %swap3A_112] {strides = array<i32>} : memref<16x64xi32, #tpu.memory_space<vmem>>, vector<16xi32>,
      tpu.vector_store %arg17[%swap3A_111, %swap3A_112], %add3A_110 {strides = array<i32>} : memref<16x64xi32, #tpu.memory_space<vmem>>, vector<16xi32>,
      %get3A_114 = arith.index_cast %scan3A_51 : i32 to index
      %get3A_115 = arith.constant 16 : index
      %get3A_116 = tpu.vector_load %arg15[%get3A_114, %get3A_115] {strides = array<i32>} : memref<16x64xi32, #tpu.memory_space<vmem>>, vector<16xi32>,
      %add3A_117 = vector.broadcast %mul3A_7 : i32 to vector<16xi32>
      %add3A_118 = arith.addi %get3A_116, %add3A_117 : vector<16xi32>
      %swap3A_119 = arith.index_cast %scan3A_51 : i32 to index
      %swap3A_120 = arith.constant 16 : index
      %swap3A_121 = tpu.vector_load %arg15[%swap3A_119, %swap3A_120] {strides = array<i32>} : memref<16x64xi32, #tpu.memory_space<vmem>>, vector<16xi32>,
      tpu.vector_store %arg15[%swap3A_119, %swap3A_120], %add3A_118 {strides = array<i32>} : memref<16x64xi32, #tpu.memory_space<vmem>>, vector<16xi32>,
      %get3A_122 = arith.index_cast %scan3A_51 : i32 to index
      %get3A_123 = arith.constant 32 : index
      %get3A_124 = tpu.vector_load %arg11[%get3A_122, %get3A_123] {strides = array<i32>} : memref<16x64xi32, #tpu.memory_space<vmem>>, vector<16xi32>,
      %mul3A_125 = arith.constant 8 : i32
      %mul3A_126 = vector.broadcast %mul3A_125 : i32 to vector<16xi32>
      %mul3A_127 = arith.muli %get3A_124, %mul3A_126 : vector<16xi32>
      %get3A_128 = arith.index_cast %scan3A_51 : i32 to index
      %get3A_129 = arith.constant 32 : index
      %get3A_130 = tpu.vector_load %arg12[%get3A_128, %get3A_129] {strides = array<i32>} : memref<16x64xi32, #tpu.memory_space<vmem>>, vector<16xi32>,
      %add3A_131 = arith.addi %mul3A_127, %get3A_130 : vector<16xi32>
      %add3A_132 = vector.broadcast %mul3A_5 : i32 to vector<16xi32>
      %add3A_133 = arith.addi %add3A_131, %add3A_132 : vector<16xi32>
      %swap3A_134 = arith.index_cast %scan3A_51 : i32 to index
      %swap3A_135 = arith.constant 32 : index
      %swap3A_136 = tpu.vector_load %arg16[%swap3A_134, %swap3A_135] {strides = array<i32>} : memref<16x64xi32, #tpu.memory_space<vmem>>, vector<16xi32>,
      tpu.vector_store %arg16[%swap3A_134, %swap3A_135], %add3A_133 {strides = array<i32>} : memref<16x64xi32, #tpu.memory_space<vmem>>, vector<16xi32>,
      %get3A_137 = arith.index_cast %scan3A_51 : i32 to index
      %get3A_138 = arith.constant 32 : index
      %get3A_139 = tpu.vector_load %arg13[%get3A_137, %get3A_138] {strides = array<i32>} : memref<16x64xi32, #tpu.memory_space<vmem>>, vector<16xi32>,
      %mul3A_140 = arith.constant 128 : i32
      %mul3A_141 = vector.broadcast %mul3A_140 : i32 to vector<16xi32>
      %mul3A_142 = arith.muli %get3A_139, %mul3A_141 : vector<16xi32>
      %get3A_143 = arith.index_cast %scan3A_51 : i32 to index
      %get3A_144 = arith.constant 32 : index
      %get3A_145 = tpu.vector_load %arg14[%get3A_143, %get3A_144] {strides = array<i32>} : memref<16x64xi32, #tpu.memory_space<vmem>>, vector<16xi32>,
      %add3A_146 = arith.addi %mul3A_142, %get3A_145 : vector<16xi32>
      %swap3A_147 = arith.index_cast %scan3A_51 : i32 to index
      %swap3A_148 = arith.constant 32 : index
      %swap3A_149 = tpu.vector_load %arg17[%swap3A_147, %swap3A_148] {strides = array<i32>} : memref<16x64xi32, #tpu.memory_space<vmem>>, vector<16xi32>,
      tpu.vector_store %arg17[%swap3A_147, %swap3A_148], %add3A_146 {strides = array<i32>} : memref<16x64xi32, #tpu.memory_space<vmem>>, vector<16xi32>,
      %get3A_150 = arith.index_cast %scan3A_51 : i32 to index
      %get3A_151 = arith.constant 32 : index
      %get3A_152 = tpu.vector_load %arg15[%get3A_150, %get3A_151] {strides = array<i32>} : memref<16x64xi32, #tpu.memory_space<vmem>>, vector<16xi32>,
      %add3A_153 = vector.broadcast %mul3A_7 : i32 to vector<16xi32>
      %add3A_154 = arith.addi %get3A_152, %add3A_153 : vector<16xi32>
      %swap3A_155 = arith.index_cast %scan3A_51 : i32 to index
      %swap3A_156 = arith.constant 32 : index
      %swap3A_157 = tpu.vector_load %arg15[%swap3A_155, %swap3A_156] {strides = array<i32>} : memref<16x64xi32, #tpu.memory_space<vmem>>, vector<16xi32>,
      tpu.vector_store %arg15[%swap3A_155, %swap3A_156], %add3A_154 {strides = array<i32>} : memref<16x64xi32, #tpu.memory_space<vmem>>, vector<16xi32>,
      %get3A_158 = arith.index_cast %scan3A_51 : i32 to index
      %get3A_159 = arith.constant 48 : index
      %get3A_160 = tpu.vector_load %arg11[%get3A_158, %get3A_159] {strides = array<i32>} : memref<16x64xi32, #tpu.memory_space<vmem>>, vector<16xi32>,
      %mul3A_161 = arith.constant 8 : i32
      %mul3A_162 = vector.broadcast %mul3A_161 : i32 to vector<16xi32>
      %mul3A_163 = arith.muli %get3A_160, %mul3A_162 : vector<16xi32>
      %get3A_164 = arith.index_cast %scan3A_51 : i32 to index
      %get3A_165 = arith.constant 48 : index
      %get3A_166 = tpu.vector_load %arg12[%get3A_164, %get3A_165] {strides = array<i32>} : memref<16x64xi32, #tpu.memory_space<vmem>>, vector<16xi32>,
      %add3A_167 = arith.addi %mul3A_163, %get3A_166 : vector<16xi32>
      %add3A_168 = vector.broadcast %mul3A_5 : i32 to vector<16xi32>
      %add3A_169 = arith.addi %add3A_167, %add3A_168 : vector<16xi32>
      %swap3A_170 = arith.index_cast %scan3A_51 : i32 to index
      %swap3A_171 = arith.constant 48 : index
      %swap3A_172 = tpu.vector_load %arg16[%swap3A_170, %swap3A_171] {strides = array<i32>} : memref<16x64xi32, #tpu.memory_space<vmem>>, vector<16xi32>,
      tpu.vector_store %arg16[%swap3A_170, %swap3A_171], %add3A_169 {strides = array<i32>} : memref<16x64xi32, #tpu.memory_space<vmem>>, vector<16xi32>,
      %get3A_173 = arith.index_cast %scan3A_51 : i32 to index
      %get3A_174 = arith.constant 48 : index
      %get3A_175 = tpu.vector_load %arg13[%get3A_173, %get3A_174] {strides = array<i32>} : memref<16x64xi32, #tpu.memory_space<vmem>>, vector<16xi32>,
      %mul3A_176 = arith.constant 128 : i32
      %mul3A_177 = vector.broadcast %mul3A_176 : i32 to vector<16xi32>
      %mul3A_178 = arith.muli %get3A_175, %mul3A_177 : vector<16xi32>
      %get3A_179 = arith.index_cast %scan3A_51 : i32 to index
      %get3A_180 = arith.constant 48 : index
      %get3A_181 = tpu.vector_load %arg14[%get3A_179, %get3A_180] {strides = array<i32>} : memref<16x64xi32, #tpu.memory_space<vmem>>, vector<16xi32>,
      %add3A_182 = arith.addi %mul3A_178, %get3A_181 : vector<16xi32>
      %swap3A_183 = arith.index_cast %scan3A_51 : i32 to index
      %swap3A_184 = arith.constant 48 : index
      %swap3A_185 = tpu.vector_load %arg17[%swap3A_183, %swap3A_184] {strides = array<i32>} : memref<16x64xi32, #tpu.memory_space<vmem>>, vector<16xi32>,
      tpu.vector_store %arg17[%swap3A_183, %swap3A_184], %add3A_182 {strides = array<i32>} : memref<16x64xi32, #tpu.memory_space<vmem>>, vector<16xi32>,
      %get3A_186 = arith.index_cast %scan3A_51 : i32 to index
      %get3A_187 = arith.constant 48 : index
      %get3A_188 = tpu.vector_load %arg15[%get3A_186, %get3A_187] {strides = array<i32>} : memref<16x64xi32, #tpu.memory_space<vmem>>, vector<16xi32>,
      %add3A_189 = vector.broadcast %mul3A_7 : i32 to vector<16xi32>
      %add3A_190 = arith.addi %get3A_188, %add3A_189 : vector<16xi32>
      %swap3A_191 = arith.index_cast %scan3A_51 : i32 to index
      %swap3A_192 = arith.constant 48 : index
      %swap3A_193 = tpu.vector_load %arg15[%swap3A_191, %swap3A_192] {strides = array<i32>} : memref<16x64xi32, #tpu.memory_space<vmem>>, vector<16xi32>,
      tpu.vector_store %arg15[%swap3A_191, %swap3A_192], %add3A_190 {strides = array<i32>} : memref<16x64xi32, #tpu.memory_space<vmem>>, vector<16xi32>,
    }
    %scan3A_12 = arith.constant 16 : i32
    %broadcast_in_dim3A = arith.constant -65536 : i32
    %broadcast_in_dim3A_13 = vector.broadcast %broadcast_in_dim3A : i32 to vector<16xi32>
    %dma_start3A = arith.constant 0 : i32
    %dma_start3A_14 = arith.constant 0 : i32
    %dma_start3A_15 = tpu.memref_slice %arg16[%dma_start3A, %dma_start3A_14] : memref<16x64xi32, #tpu.memory_space<vmem>> -> memref<1x64xi32, #tpu.memory_space<vmem>>
    %dma_start3A_16 = tpu.memref_squeeze %dma_start3A_15 : memref<1x64xi32, #tpu.memory_space<vmem>> -> memref<64xi32, #tpu.memory_space<vmem>>
    %dma_start3A_17 = arith.constant 0 : i32
    %dma_start3A_18 = arith.constant 0 : i32
    %dma_start3A_19 = tpu.memref_slice %arg7[%dma_start3A_17, %dma_start3A_18] : memref<4608x128xi32, #tpu.memory_space<hbm>> -> memref<4608x128xi32, #tpu.memory_space<hbm>>
    tpu.enqueue_indirect_dma source(%dma_start3A_19 : memref<4608x128xi32, #tpu.memory_space<hbm>>) target(%arg18 : memref<64x128xi32, #tpu.memory_space<vmem>>) offsets(%dma_start3A_16 : memref<64xi32, #tpu.memory_space<vmem>>) semaphore(%arg26 : memref<!tpu.dma_semaphore, #tpu.memory_space<semaphore_mem>>)
    %dma_start3A_20 = arith.constant 0 : i32
    %dma_start3A_21 = arith.constant 0 : i32
    %dma_start3A_22 = tpu.memref_slice %arg17[%dma_start3A_20, %dma_start3A_21] : memref<16x64xi32, #tpu.memory_space<vmem>> -> memref<1x64xi32, #tpu.memory_space<vmem>>
    %dma_start3A_23 = tpu.memref_squeeze %dma_start3A_22 : memref<1x64xi32, #tpu.memory_space<vmem>> -> memref<64xi32, #tpu.memory_space<vmem>>
    %dma_start3A_24 = arith.constant 0 : i32
    %dma_start3A_25 = arith.constant 0 : i32
    %dma_start3A_26 = tpu.memref_slice %arg8[%dma_start3A_24, %dma_start3A_25] : memref<16384x128xi32, #tpu.memory_space<hbm>> -> memref<16384x128xi32, #tpu.memory_space<hbm>>
    tpu.enqueue_indirect_dma source(%dma_start3A_26 : memref<16384x128xi32, #tpu.memory_space<hbm>>) target(%arg19 : memref<64x128xi32, #tpu.memory_space<vmem>>) offsets(%dma_start3A_23 : memref<64xi32, #tpu.memory_space<vmem>>) semaphore(%arg27 : memref<!tpu.dma_semaphore, #tpu.memory_space<semaphore_mem>>)
    %dma_start3A_27 = arith.constant 0 : i32
    %dma_start3A_28 = arith.constant 0 : i32
    %dma_start3A_29 = tpu.memref_slice %arg15[%dma_start3A_27, %dma_start3A_28] : memref<16x64xi32, #tpu.memory_space<vmem>> -> memref<1x64xi32, #tpu.memory_space<vmem>>
    %dma_start3A_30 = tpu.memref_squeeze %dma_start3A_29 : memref<1x64xi32, #tpu.memory_space<vmem>> -> memref<64xi32, #tpu.memory_space<vmem>>
    %dma_start3A_31 = arith.constant 0 : i32
    %dma_start3A_32 = arith.constant 0 : i32
    %dma_start3A_33 = tpu.memref_slice %arg9[%dma_start3A_31, %dma_start3A_32] : memref<4096x128xi32, #tpu.memory_space<hbm>> -> memref<4096x128xi32, #tpu.memory_space<hbm>>
    tpu.enqueue_indirect_dma source(%dma_start3A_33 : memref<4096x128xi32, #tpu.memory_space<hbm>>) target(%arg20 : memref<64x128xi32, #tpu.memory_space<vmem>>) offsets(%dma_start3A_30 : memref<64xi32, #tpu.memory_space<vmem>>) semaphore(%arg28 : memref<!tpu.dma_semaphore, #tpu.memory_space<semaphore_mem>>)
    %scan3A_34 = arith.constant 0 : i32
    %scan3A_35 = arith.constant 0 : i32
    %scan3A_36 = arith.constant 8 : i32
    %scan3A_37 = arith.addi %scan3A_35, %scan3A_36 : i32
    %scan3A_38 = arith.constant 1 : i32
    scf.for %scan3A_51 = %scan3A_35 to %scan3A_37 step %scan3A_38  : i32 {
      %mul3A_52 = arith.constant 2 : i32
      %mul3A_53 = arith.muli %mul3A_52, %scan3A_51 : i32
      %add3A_54 = arith.constant 1 : i32
      %add3A_55 = arith.addi %mul3A_53, %add3A_54 : i32
      %dma_start3A_56 = arith.constant 0 : i32
      %dma_start3A_57 = tpu.memref_slice %arg16[%add3A_55, %dma_start3A_56] : memref<16x64xi32, #tpu.memory_space<vmem>> -> memref<1x64xi32, #tpu.memory_space<vmem>>
      %dma_start3A_58 = tpu.memref_squeeze %dma_start3A_57 : memref<1x64xi32, #tpu.memory_space<vmem>> -> memref<64xi32, #tpu.memory_space<vmem>>
      %dma_start3A_59 = arith.constant 0 : i32
      %dma_start3A_60 = arith.constant 0 : i32
      %dma_start3A_61 = tpu.memref_slice %arg7[%dma_start3A_59, %dma_start3A_60] : memref<4608x128xi32, #tpu.memory_space<hbm>> -> memref<4608x128xi32, #tpu.memory_space<hbm>>
      tpu.enqueue_indirect_dma source(%dma_start3A_61 : memref<4608x128xi32, #tpu.memory_space<hbm>>) target(%arg21 : memref<64x128xi32, #tpu.memory_space<vmem>>) offsets(%dma_start3A_58 : memref<64xi32, #tpu.memory_space<vmem>>) semaphore(%arg29 : memref<!tpu.dma_semaphore, #tpu.memory_space<semaphore_mem>>)
      %dma_start3A_62 = arith.constant 0 : i32
      %dma_start3A_63 = tpu.memref_slice %arg17[%add3A_55, %dma_start3A_62] : memref<16x64xi32, #tpu.memory_space<vmem>> -> memref<1x64xi32, #tpu.memory_space<vmem>>
      %dma_start3A_64 = tpu.memref_squeeze %dma_start3A_63 : memref<1x64xi32, #tpu.memory_space<vmem>> -> memref<64xi32, #tpu.memory_space<vmem>>
      %dma_start3A_65 = arith.constant 0 : i32
      %dma_start3A_66 = arith.constant 0 : i32
      %dma_start3A_67 = tpu.memref_slice %arg8[%dma_start3A_65, %dma_start3A_66] : memref<16384x128xi32, #tpu.memory_space<hbm>> -> memref<16384x128xi32, #tpu.memory_space<hbm>>
      tpu.enqueue_indirect_dma source(%dma_start3A_67 : memref<16384x128xi32, #tpu.memory_space<hbm>>) target(%arg22 : memref<64x128xi32, #tpu.memory_space<vmem>>) offsets(%dma_start3A_64 : memref<64xi32, #tpu.memory_space<vmem>>) semaphore(%arg30 : memref<!tpu.dma_semaphore, #tpu.memory_space<semaphore_mem>>)
      %dma_start3A_68 = arith.constant 0 : i32
      %dma_start3A_69 = tpu.memref_slice %arg15[%add3A_55, %dma_start3A_68] : memref<16x64xi32, #tpu.memory_space<vmem>> -> memref<1x64xi32, #tpu.memory_space<vmem>>
      %dma_start3A_70 = tpu.memref_squeeze %dma_start3A_69 : memref<1x64xi32, #tpu.memory_space<vmem>> -> memref<64xi32, #tpu.memory_space<vmem>>
      %dma_start3A_71 = arith.constant 0 : i32
      %dma_start3A_72 = arith.constant 0 : i32
      %dma_start3A_73 = tpu.memref_slice %arg9[%dma_start3A_71, %dma_start3A_72] : memref<4096x128xi32, #tpu.memory_space<hbm>> -> memref<4096x128xi32, #tpu.memory_space<hbm>>
      tpu.enqueue_indirect_dma source(%dma_start3A_73 : memref<4096x128xi32, #tpu.memory_space<hbm>>) target(%arg23 : memref<64x128xi32, #tpu.memory_space<vmem>>) offsets(%dma_start3A_70 : memref<64xi32, #tpu.memory_space<vmem>>) semaphore(%arg31 : memref<!tpu.dma_semaphore, #tpu.memory_space<semaphore_mem>>)
      %dma_wait3A_74 = arith.constant 0 : i32
      %dma_wait3A_75 = tpu.memref_slice %arg16[%mul3A_53, %dma_wait3A_74] : memref<16x64xi32, #tpu.memory_space<vmem>> -> memref<1x64xi32, #tpu.memory_space<vmem>>
      %dma_wait3A_76 = tpu.memref_squeeze %dma_wait3A_75 : memref<1x64xi32, #tpu.memory_space<vmem>> -> memref<64xi32, #tpu.memory_space<vmem>>
      %dma_wait3A_77 = arith.constant 0 : i32
      %dma_wait3A_78 = arith.constant 0 : i32
      %dma_wait3A_79 = tpu.memref_slice %arg7[%dma_wait3A_77, %dma_wait3A_78] : memref<4608x128xi32, #tpu.memory_space<hbm>> -> memref<4608x128xi32, #tpu.memory_space<hbm>>
      tpu.wait_indirect_dma semaphore(%arg26 : memref<!tpu.dma_semaphore, #tpu.memory_space<semaphore_mem>>) src(%dma_wait3A_79 : memref<4608x128xi32, #tpu.memory_space<hbm>>) dst(%arg18 : memref<64x128xi32, #tpu.memory_space<vmem>>)
      %dma_wait3A_80 = arith.constant 0 : i32
      %dma_wait3A_81 = tpu.memref_slice %arg17[%mul3A_53, %dma_wait3A_80] : memref<16x64xi32, #tpu.memory_space<vmem>> -> memref<1x64xi32, #tpu.memory_space<vmem>>
      %dma_wait3A_82 = tpu.memref_squeeze %dma_wait3A_81 : memref<1x64xi32, #tpu.memory_space<vmem>> -> memref<64xi32, #tpu.memory_space<vmem>>
      %dma_wait3A_83 = arith.constant 0 : i32
      %dma_wait3A_84 = arith.constant 0 : i32
      %dma_wait3A_85 = tpu.memref_slice %arg8[%dma_wait3A_83, %dma_wait3A_84] : memref<16384x128xi32, #tpu.memory_space<hbm>> -> memref<16384x128xi32, #tpu.memory_space<hbm>>
      tpu.wait_indirect_dma semaphore(%arg27 : memref<!tpu.dma_semaphore, #tpu.memory_space<semaphore_mem>>) src(%dma_wait3A_85 : memref<16384x128xi32, #tpu.memory_space<hbm>>) dst(%arg19 : memref<64x128xi32, #tpu.memory_space<vmem>>)
      %dma_wait3A_86 = arith.constant 0 : i32
      %dma_wait3A_87 = tpu.memref_slice %arg15[%mul3A_53, %dma_wait3A_86] : memref<16x64xi32, #tpu.memory_space<vmem>> -> memref<1x64xi32, #tpu.memory_space<vmem>>
      %dma_wait3A_88 = tpu.memref_squeeze %dma_wait3A_87 : memref<1x64xi32, #tpu.memory_space<vmem>> -> memref<64xi32, #tpu.memory_space<vmem>>
      %dma_wait3A_89 = arith.constant 0 : i32
      %dma_wait3A_90 = arith.constant 0 : i32
      %dma_wait3A_91 = tpu.memref_slice %arg9[%dma_wait3A_89, %dma_wait3A_90] : memref<4096x128xi32, #tpu.memory_space<hbm>> -> memref<4096x128xi32, #tpu.memory_space<hbm>>
      tpu.wait_indirect_dma semaphore(%arg28 : memref<!tpu.dma_semaphore, #tpu.memory_space<semaphore_mem>>) src(%dma_wait3A_91 : memref<4096x128xi32, #tpu.memory_space<hbm>>) dst(%arg20 : memref<64x128xi32, #tpu.memory_space<vmem>>)
      %gt3A = arith.constant 0 : i32
      %gt3A_92 = arith.cmpi sgt, %scan3A_51, %gt3A : i32
      %convert_element_type3A = arith.extui %gt3A_92 : i1 to i32
      %cond3A = arith.constant 0 : i32
      %cond3A_93 = arith.cmpi ne, %convert_element_type3A, %cond3A : i32
      scf.if %cond3A_93 {
        %sub3A = arith.constant 2 : i32
        %sub3A_142 = arith.subi %mul3A_53, %sub3A : i32
        %mul3A_143 = arith.constant 64 : i32
        %mul3A_144 = arith.muli %sub3A_142, %mul3A_143 : i32
        %add3A_145 = arith.addi %mul3A_2, %mul3A_144 : i32
        %dma_wait3A_146 = arith.constant 0 : i32
        %dma_wait3A_147 = tpu.memref_slice %arg10[%add3A_145, %dma_wait3A_146] : memref<32768x256xf32, #tpu.memory_space<hbm>> -> memref<64x256xf32, #tpu.memory_space<hbm>>
        %dma_wait3A_148 = arith.constant 0 : i32
        %dma_wait3A_149 = tpu.memref_slice %arg10[%add3A_145, %dma_wait3A_148] : memref<32768x256xf32, #tpu.memory_space<hbm>> -> memref<64x256xf32, #tpu.memory_space<hbm>>
        tpu.wait_dma2 semaphore(%arg32 : memref<!tpu.dma_semaphore, #tpu.memory_space<semaphore_mem>>) src(%arg24 : memref<64x256xf32, #tpu.memory_space<vmem>>) dst(%dma_wait3A_149 : memref<64x256xf32, #tpu.memory_space<hbm>>)
      } else {
      }
      %parallel_loop3A = arith.constant 0 : i32
      %parallel_loop3A_94 = arith.constant 64 : i32
      %parallel_loop3A_95 = arith.constant 1 : i32
      scf.for %parallel_loop3A_142 = %parallel_loop3A to %parallel_loop3A_94 step %parallel_loop3A_95  : i32 {
        %parallel_loop3A_143 = arith.index_cast %parallel_loop3A_142 : i32 to index
        %parallel_loop3A_144 = arith.constant 0 : index
        %parallel_loop3A_145 = tpu.vector_load %arg18[%parallel_loop3A_143, %parallel_loop3A_144] {strides = array<i32>} : memref<64x128xi32, #tpu.memory_space<vmem>>, vector<16xi32>,
        %parallel_loop3A_146 = vector.bitcast %parallel_loop3A_145 : vector<16xi32> to vector<32xbf16>
        %parallel_loop3A_147 = arith.index_cast %parallel_loop3A_142 : i32 to index
        %parallel_loop3A_148 = arith.constant 0 : index
        %parallel_loop3A_149 = tpu.vector_load %arg19[%parallel_loop3A_147, %parallel_loop3A_148] {strides = array<i32>} : memref<64x128xi32, #tpu.memory_space<vmem>>, vector<16xi32>,
        %parallel_loop3A_150 = vector.bitcast %parallel_loop3A_149 : vector<16xi32> to vector<32xbf16>
        %parallel_loop3A_151 = arith.addf %parallel_loop3A_146, %parallel_loop3A_150 : vector<32xbf16>
        %parallel_loop3A_152 = arith.index_cast %parallel_loop3A_142 : i32 to index
        %parallel_loop3A_153 = arith.constant 0 : index
        %parallel_loop3A_154 = tpu.vector_load %arg20[%parallel_loop3A_152, %parallel_loop3A_153] {strides = array<i32>} : memref<64x128xi32, #tpu.memory_space<vmem>>, vector<16xi32>,
        %parallel_loop3A_155 = vector.bitcast %parallel_loop3A_154 : vector<16xi32> to vector<32xbf16>
        %parallel_loop3A_156 = arith.addf %parallel_loop3A_151, %parallel_loop3A_155 : vector<32xbf16>
        %parallel_loop3A_157 = vector.bitcast %parallel_loop3A_156 : vector<32xbf16> to vector<16xi32>
        %parallel_loop3A_158 = arith.constant 16 : i32
        %parallel_loop3A_159 = vector.broadcast %parallel_loop3A_158 : i32 to vector<16xi32>
        %parallel_loop3A_160 = arith.shli %parallel_loop3A_157, %parallel_loop3A_159 : vector<16xi32>
        %parallel_loop3A_161 = tpu.bitcast %parallel_loop3A_160 : vector<16xi32> -> vector<16xf32>
        %parallel_loop3A_162 = arith.andi %parallel_loop3A_157, %broadcast_in_dim3A_13 : vector<16xi32>
        %parallel_loop3A_163 = tpu.bitcast %parallel_loop3A_162 : vector<16xi32> -> vector<16xf32>
        %parallel_loop3A_164 = arith.index_cast %parallel_loop3A_142 : i32 to index
        %parallel_loop3A_165 = arith.constant 0 : index
        %parallel_loop3A_166 = tpu.vector_load %arg24[%parallel_loop3A_164, %parallel_loop3A_165] {strides = array<i32>} : memref<64x256xf32, #tpu.memory_space<vmem>>, vector<16xf32>,
        tpu.vector_store %arg24[%parallel_loop3A_164, %parallel_loop3A_165], %parallel_loop3A_161 {strides = array<i32>} : memref<64x256xf32, #tpu.memory_space<vmem>>, vector<16xf32>,
        %parallel_loop3A_167 = arith.index_cast %parallel_loop3A_142 : i32 to index
        %parallel_loop3A_168 = arith.constant 16 : index
        %parallel_loop3A_169 = tpu.vector_load %arg24[%parallel_loop3A_167, %parallel_loop3A_168] {strides = array<i32>} : memref<64x256xf32, #tpu.memory_space<vmem>>, vector<16xf32>,
        tpu.vector_store %arg24[%parallel_loop3A_167, %parallel_loop3A_168], %parallel_loop3A_163 {strides = array<i32>} : memref<64x256xf32, #tpu.memory_space<vmem>>, vector<16xf32>,
        %parallel_loop3A_170 = arith.index_cast %parallel_loop3A_142 : i32 to index
        %parallel_loop3A_171 = arith.constant 16 : index
        %parallel_loop3A_172 = tpu.vector_load %arg18[%parallel_loop3A_170, %parallel_loop3A_171] {strides = array<i32>} : memref<64x128xi32, #tpu.memory_space<vmem>>, vector<16xi32>,
        %parallel_loop3A_173 = vector.bitcast %parallel_loop3A_172 : vector<16xi32> to vector<32xbf16>
        %parallel_loop3A_174 = arith.index_cast %parallel_loop3A_142 : i32 to index
        %parallel_loop3A_175 = arith.constant 16 : index
        %parallel_loop3A_176 = tpu.vector_load %arg19[%parallel_loop3A_174, %parallel_loop3A_175] {strides = array<i32>} : memref<64x128xi32, #tpu.memory_space<vmem>>, vector<16xi32>,
        %parallel_loop3A_177 = vector.bitcast %parallel_loop3A_176 : vector<16xi32> to vector<32xbf16>
        %parallel_loop3A_178 = arith.addf %parallel_loop3A_173, %parallel_loop3A_177 : vector<32xbf16>
        %parallel_loop3A_179 = arith.index_cast %parallel_loop3A_142 : i32 to index
        %parallel_loop3A_180 = arith.constant 16 : index
        %parallel_loop3A_181 = tpu.vector_load %arg20[%parallel_loop3A_179, %parallel_loop3A_180] {strides = array<i32>} : memref<64x128xi32, #tpu.memory_space<vmem>>, vector<16xi32>,
        %parallel_loop3A_182 = vector.bitcast %parallel_loop3A_181 : vector<16xi32> to vector<32xbf16>
        %parallel_loop3A_183 = arith.addf %parallel_loop3A_178, %parallel_loop3A_182 : vector<32xbf16>
        %parallel_loop3A_184 = vector.bitcast %parallel_loop3A_183 : vector<32xbf16> to vector<16xi32>
        %parallel_loop3A_185 = arith.constant 16 : i32
        %parallel_loop3A_186 = vector.broadcast %parallel_loop3A_185 : i32 to vector<16xi32>
        %parallel_loop3A_187 = arith.shli %parallel_loop3A_184, %parallel_loop3A_186 : vector<16xi32>
        %parallel_loop3A_188 = tpu.bitcast %parallel_loop3A_187 : vector<16xi32> -> vector<16xf32>
        %parallel_loop3A_189 = arith.andi %parallel_loop3A_184, %broadcast_in_dim3A_13 : vector<16xi32>
        %parallel_loop3A_190 = tpu.bitcast %parallel_loop3A_189 : vector<16xi32> -> vector<16xf32>
        %parallel_loop3A_191 = arith.index_cast %parallel_loop3A_142 : i32 to index
        %parallel_loop3A_192 = arith.constant 32 : index
        %parallel_loop3A_193 = tpu.vector_load %arg24[%parallel_loop3A_191, %parallel_loop3A_192] {strides = array<i32>} : memref<64x256xf32, #tpu.memory_space<vmem>>, vector<16xf32>,
        tpu.vector_store %arg24[%parallel_loop3A_191, %parallel_loop3A_192], %parallel_loop3A_188 {strides = array<i32>} : memref<64x256xf32, #tpu.memory_space<vmem>>, vector<16xf32>,
        %parallel_loop3A_194 = arith.index_cast %parallel_loop3A_142 : i32 to index
        %parallel_loop3A_195 = arith.constant 48 : index
        %parallel_loop3A_196 = tpu.vector_load %arg24[%parallel_loop3A_194, %parallel_loop3A_195] {strides = array<i32>} : memref<64x256xf32, #tpu.memory_space<vmem>>, vector<16xf32>,
        tpu.vector_store %arg24[%parallel_loop3A_194, %parallel_loop3A_195], %parallel_loop3A_190 {strides = array<i32>} : memref<64x256xf32, #tpu.memory_space<vmem>>, vector<16xf32>,
        %parallel_loop3A_197 = arith.index_cast %parallel_loop3A_142 : i32 to index
        %parallel_loop3A_198 = arith.constant 32 : index
        %parallel_loop3A_199 = tpu.vector_load %arg18[%parallel_loop3A_197, %parallel_loop3A_198] {strides = array<i32>} : memref<64x128xi32, #tpu.memory_space<vmem>>, vector<16xi32>,
        %parallel_loop3A_200 = vector.bitcast %parallel_loop3A_199 : vector<16xi32> to vector<32xbf16>
        %parallel_loop3A_201 = arith.index_cast %parallel_loop3A_142 : i32 to index
        %parallel_loop3A_202 = arith.constant 32 : index
        %parallel_loop3A_203 = tpu.vector_load %arg19[%parallel_loop3A_201, %parallel_loop3A_202] {strides = array<i32>} : memref<64x128xi32, #tpu.memory_space<vmem>>, vector<16xi32>,
        %parallel_loop3A_204 = vector.bitcast %parallel_loop3A_203 : vector<16xi32> to vector<32xbf16>
        %parallel_loop3A_205 = arith.addf %parallel_loop3A_200, %parallel_loop3A_204 : vector<32xbf16>
        %parallel_loop3A_206 = arith.index_cast %parallel_loop3A_142 : i32 to index
        %parallel_loop3A_207 = arith.constant 32 : index
        %parallel_loop3A_208 = tpu.vector_load %arg20[%parallel_loop3A_206, %parallel_loop3A_207] {strides = array<i32>} : memref<64x128xi32, #tpu.memory_space<vmem>>, vector<16xi32>,
        %parallel_loop3A_209 = vector.bitcast %parallel_loop3A_208 : vector<16xi32> to vector<32xbf16>
        %parallel_loop3A_210 = arith.addf %parallel_loop3A_205, %parallel_loop3A_209 : vector<32xbf16>
        %parallel_loop3A_211 = vector.bitcast %parallel_loop3A_210 : vector<32xbf16> to vector<16xi32>
        %parallel_loop3A_212 = arith.constant 16 : i32
        %parallel_loop3A_213 = vector.broadcast %parallel_loop3A_212 : i32 to vector<16xi32>
        %parallel_loop3A_214 = arith.shli %parallel_loop3A_211, %parallel_loop3A_213 : vector<16xi32>
        %parallel_loop3A_215 = tpu.bitcast %parallel_loop3A_214 : vector<16xi32> -> vector<16xf32>
        %parallel_loop3A_216 = arith.andi %parallel_loop3A_211, %broadcast_in_dim3A_13 : vector<16xi32>
        %parallel_loop3A_217 = tpu.bitcast %parallel_loop3A_216 : vector<16xi32> -> vector<16xf32>
        %parallel_loop3A_218 = arith.index_cast %parallel_loop3A_142 : i32 to index
        %parallel_loop3A_219 = arith.constant 64 : index
        %parallel_loop3A_220 = tpu.vector_load %arg24[%parallel_loop3A_218, %parallel_loop3A_219] {strides = array<i32>} : memref<64x256xf32, #tpu.memory_space<vmem>>, vector<16xf32>,
        tpu.vector_store %arg24[%parallel_loop3A_218, %parallel_loop3A_219], %parallel_loop3A_215 {strides = array<i32>} : memref<64x256xf32, #tpu.memory_space<vmem>>, vector<16xf32>,
        %parallel_loop3A_221 = arith.index_cast %parallel_loop3A_142 : i32 to index
        %parallel_loop3A_222 = arith.constant 80 : index
        %parallel_loop3A_223 = tpu.vector_load %arg24[%parallel_loop3A_221, %parallel_loop3A_222] {strides = array<i32>} : memref<64x256xf32, #tpu.memory_space<vmem>>, vector<16xf32>,
        tpu.vector_store %arg24[%parallel_loop3A_221, %parallel_loop3A_222], %parallel_loop3A_217 {strides = array<i32>} : memref<64x256xf32, #tpu.memory_space<vmem>>, vector<16xf32>,
        %parallel_loop3A_224 = arith.index_cast %parallel_loop3A_142 : i32 to index
        %parallel_loop3A_225 = arith.constant 48 : index
        %parallel_loop3A_226 = tpu.vector_load %arg18[%parallel_loop3A_224, %parallel_loop3A_225] {strides = array<i32>} : memref<64x128xi32, #tpu.memory_space<vmem>>, vector<16xi32>,
        %parallel_loop3A_227 = vector.bitcast %parallel_loop3A_226 : vector<16xi32> to vector<32xbf16>
        %parallel_loop3A_228 = arith.index_cast %parallel_loop3A_142 : i32 to index
        %parallel_loop3A_229 = arith.constant 48 : index
        %parallel_loop3A_230 = tpu.vector_load %arg19[%parallel_loop3A_228, %parallel_loop3A_229] {strides = array<i32>} : memref<64x128xi32, #tpu.memory_space<vmem>>, vector<16xi32>,
        %parallel_loop3A_231 = vector.bitcast %parallel_loop3A_230 : vector<16xi32> to vector<32xbf16>
        %parallel_loop3A_232 = arith.addf %parallel_loop3A_227, %parallel_loop3A_231 : vector<32xbf16>
        %parallel_loop3A_233 = arith.index_cast %parallel_loop3A_142 : i32 to index
        %parallel_loop3A_234 = arith.constant 48 : index
        %parallel_loop3A_235 = tpu.vector_load %arg20[%parallel_loop3A_233, %parallel_loop3A_234] {strides = array<i32>} : memref<64x128xi32, #tpu.memory_space<vmem>>, vector<16xi32>,
        %parallel_loop3A_236 = vector.bitcast %parallel_loop3A_235 : vector<16xi32> to vector<32xbf16>
        %parallel_loop3A_237 = arith.addf %parallel_loop3A_232, %parallel_loop3A_236 : vector<32xbf16>
        %parallel_loop3A_238 = vector.bitcast %parallel_loop3A_237 : vector<32xbf16> to vector<16xi32>
        %parallel_loop3A_239 = arith.constant 16 : i32
        %parallel_loop3A_240 = vector.broadcast %parallel_loop3A_239 : i32 to vector<16xi32>
        %parallel_loop3A_241 = arith.shli %parallel_loop3A_238, %parallel_loop3A_240 : vector<16xi32>
        %parallel_loop3A_242 = tpu.bitcast %parallel_loop3A_241 : vector<16xi32> -> vector<16xf32>
        %parallel_loop3A_243 = arith.andi %parallel_loop3A_238, %broadcast_in_dim3A_13 : vector<16xi32>
        %parallel_loop3A_244 = tpu.bitcast %parallel_loop3A_243 : vector<16xi32> -> vector<16xf32>
        %parallel_loop3A_245 = arith.index_cast %parallel_loop3A_142 : i32 to index
        %parallel_loop3A_246 = arith.constant 96 : index
        %parallel_loop3A_247 = tpu.vector_load %arg24[%parallel_loop3A_245, %parallel_loop3A_246] {strides = array<i32>} : memref<64x256xf32, #tpu.memory_space<vmem>>, vector<16xf32>,
        tpu.vector_store %arg24[%parallel_loop3A_245, %parallel_loop3A_246], %parallel_loop3A_242 {strides = array<i32>} : memref<64x256xf32, #tpu.memory_space<vmem>>, vector<16xf32>,
        %parallel_loop3A_248 = arith.index_cast %parallel_loop3A_142 : i32 to index
        %parallel_loop3A_249 = arith.constant 112 : index
        %parallel_loop3A_250 = tpu.vector_load %arg24[%parallel_loop3A_248, %parallel_loop3A_249] {strides = array<i32>} : memref<64x256xf32, #tpu.memory_space<vmem>>, vector<16xf32>,
        tpu.vector_store %arg24[%parallel_loop3A_248, %parallel_loop3A_249], %parallel_loop3A_244 {strides = array<i32>} : memref<64x256xf32, #tpu.memory_space<vmem>>, vector<16xf32>,
        %parallel_loop3A_251 = arith.index_cast %parallel_loop3A_142 : i32 to index
        %parallel_loop3A_252 = arith.constant 64 : index
        %parallel_loop3A_253 = tpu.vector_load %arg18[%parallel_loop3A_251, %parallel_loop3A_252] {strides = array<i32>} : memref<64x128xi32, #tpu.memory_space<vmem>>, vector<16xi32>,
        %parallel_loop3A_254 = vector.bitcast %parallel_loop3A_253 : vector<16xi32> to vector<32xbf16>
        %parallel_loop3A_255 = arith.index_cast %parallel_loop3A_142 : i32 to index
        %parallel_loop3A_256 = arith.constant 64 : index
        %parallel_loop3A_257 = tpu.vector_load %arg19[%parallel_loop3A_255, %parallel_loop3A_256] {strides = array<i32>} : memref<64x128xi32, #tpu.memory_space<vmem>>, vector<16xi32>,
        %parallel_loop3A_258 = vector.bitcast %parallel_loop3A_257 : vector<16xi32> to vector<32xbf16>
        %parallel_loop3A_259 = arith.addf %parallel_loop3A_254, %parallel_loop3A_258 : vector<32xbf16>
        %parallel_loop3A_260 = arith.index_cast %parallel_loop3A_142 : i32 to index
        %parallel_loop3A_261 = arith.constant 64 : index
        %parallel_loop3A_262 = tpu.vector_load %arg20[%parallel_loop3A_260, %parallel_loop3A_261] {strides = array<i32>} : memref<64x128xi32, #tpu.memory_space<vmem>>, vector<16xi32>,
        %parallel_loop3A_263 = vector.bitcast %parallel_loop3A_262 : vector<16xi32> to vector<32xbf16>
        %parallel_loop3A_264 = arith.addf %parallel_loop3A_259, %parallel_loop3A_263 : vector<32xbf16>
        %parallel_loop3A_265 = vector.bitcast %parallel_loop3A_264 : vector<32xbf16> to vector<16xi32>
        %parallel_loop3A_266 = arith.constant 16 : i32
        %parallel_loop3A_267 = vector.broadcast %parallel_loop3A_266 : i32 to vector<16xi32>
        %parallel_loop3A_268 = arith.shli %parallel_loop3A_265, %parallel_loop3A_267 : vector<16xi32>
        %parallel_loop3A_269 = tpu.bitcast %parallel_loop3A_268 : vector<16xi32> -> vector<16xf32>
        %parallel_loop3A_270 = arith.andi %parallel_loop3A_265, %broadcast_in_dim3A_13 : vector<16xi32>
        %parallel_loop3A_271 = tpu.bitcast %parallel_loop3A_270 : vector<16xi32> -> vector<16xf32>
        %parallel_loop3A_272 = arith.index_cast %parallel_loop3A_142 : i32 to index
        %parallel_loop3A_273 = arith.constant 128 : index
        %parallel_loop3A_274 = tpu.vector_load %arg24[%parallel_loop3A_272, %parallel_loop3A_273] {strides = array<i32>} : memref<64x256xf32, #tpu.memory_space<vmem>>, vector<16xf32>,
        tpu.vector_store %arg24[%parallel_loop3A_272, %parallel_loop3A_273], %parallel_loop3A_269 {strides = array<i32>} : memref<64x256xf32, #tpu.memory_space<vmem>>, vector<16xf32>,
        %parallel_loop3A_275 = arith.index_cast %parallel_loop3A_142 : i32 to index
        %parallel_loop3A_276 = arith.constant 144 : index
        %parallel_loop3A_277 = tpu.vector_load %arg24[%parallel_loop3A_275, %parallel_loop3A_276] {strides = array<i32>} : memref<64x256xf32, #tpu.memory_space<vmem>>, vector<16xf32>,
        tpu.vector_store %arg24[%parallel_loop3A_275, %parallel_loop3A_276], %parallel_loop3A_271 {strides = array<i32>} : memref<64x256xf32, #tpu.memory_space<vmem>>, vector<16xf32>,
        %parallel_loop3A_278 = arith.index_cast %parallel_loop3A_142 : i32 to index
        %parallel_loop3A_279 = arith.constant 80 : index
        %parallel_loop3A_280 = tpu.vector_load %arg18[%parallel_loop3A_278, %parallel_loop3A_279] {strides = array<i32>} : memref<64x128xi32, #tpu.memory_space<vmem>>, vector<16xi32>,
        %parallel_loop3A_281 = vector.bitcast %parallel_loop3A_280 : vector<16xi32> to vector<32xbf16>
        %parallel_loop3A_282 = arith.index_cast %parallel_loop3A_142 : i32 to index
        %parallel_loop3A_283 = arith.constant 80 : index
        %parallel_loop3A_284 = tpu.vector_load %arg19[%parallel_loop3A_282, %parallel_loop3A_283] {strides = array<i32>} : memref<64x128xi32, #tpu.memory_space<vmem>>, vector<16xi32>,
        %parallel_loop3A_285 = vector.bitcast %parallel_loop3A_284 : vector<16xi32> to vector<32xbf16>
        %parallel_loop3A_286 = arith.addf %parallel_loop3A_281, %parallel_loop3A_285 : vector<32xbf16>
        %parallel_loop3A_287 = arith.index_cast %parallel_loop3A_142 : i32 to index
        %parallel_loop3A_288 = arith.constant 80 : index
        %parallel_loop3A_289 = tpu.vector_load %arg20[%parallel_loop3A_287, %parallel_loop3A_288] {strides = array<i32>} : memref<64x128xi32, #tpu.memory_space<vmem>>, vector<16xi32>,
        %parallel_loop3A_290 = vector.bitcast %parallel_loop3A_289 : vector<16xi32> to vector<32xbf16>
        %parallel_loop3A_291 = arith.addf %parallel_loop3A_286, %parallel_loop3A_290 : vector<32xbf16>
        %parallel_loop3A_292 = vector.bitcast %parallel_loop3A_291 : vector<32xbf16> to vector<16xi32>
        %parallel_loop3A_293 = arith.constant 16 : i32
        %parallel_loop3A_294 = vector.broadcast %parallel_loop3A_293 : i32 to vector<16xi32>
        %parallel_loop3A_295 = arith.shli %parallel_loop3A_292, %parallel_loop3A_294 : vector<16xi32>
        %parallel_loop3A_296 = tpu.bitcast %parallel_loop3A_295 : vector<16xi32> -> vector<16xf32>
        %parallel_loop3A_297 = arith.andi %parallel_loop3A_292, %broadcast_in_dim3A_13 : vector<16xi32>
        %parallel_loop3A_298 = tpu.bitcast %parallel_loop3A_297 : vector<16xi32> -> vector<16xf32>
        %parallel_loop3A_299 = arith.index_cast %parallel_loop3A_142 : i32 to index
        %parallel_loop3A_300 = arith.constant 160 : index
        %parallel_loop3A_301 = tpu.vector_load %arg24[%parallel_loop3A_299, %parallel_loop3A_300] {strides = array<i32>} : memref<64x256xf32, #tpu.memory_space<vmem>>, vector<16xf32>,
        tpu.vector_store %arg24[%parallel_loop3A_299, %parallel_loop3A_300], %parallel_loop3A_296 {strides = array<i32>} : memref<64x256xf32, #tpu.memory_space<vmem>>, vector<16xf32>,
        %parallel_loop3A_302 = arith.index_cast %parallel_loop3A_142 : i32 to index
        %parallel_loop3A_303 = arith.constant 176 : index
        %parallel_loop3A_304 = tpu.vector_load %arg24[%parallel_loop3A_302, %parallel_loop3A_303] {strides = array<i32>} : memref<64x256xf32, #tpu.memory_space<vmem>>, vector<16xf32>,
        tpu.vector_store %arg24[%parallel_loop3A_302, %parallel_loop3A_303], %parallel_loop3A_298 {strides = array<i32>} : memref<64x256xf32, #tpu.memory_space<vmem>>, vector<16xf32>,
        %parallel_loop3A_305 = arith.index_cast %parallel_loop3A_142 : i32 to index
        %parallel_loop3A_306 = arith.constant 96 : index
        %parallel_loop3A_307 = tpu.vector_load %arg18[%parallel_loop3A_305, %parallel_loop3A_306] {strides = array<i32>} : memref<64x128xi32, #tpu.memory_space<vmem>>, vector<16xi32>,
        %parallel_loop3A_308 = vector.bitcast %parallel_loop3A_307 : vector<16xi32> to vector<32xbf16>
        %parallel_loop3A_309 = arith.index_cast %parallel_loop3A_142 : i32 to index
        %parallel_loop3A_310 = arith.constant 96 : index
        %parallel_loop3A_311 = tpu.vector_load %arg19[%parallel_loop3A_309, %parallel_loop3A_310] {strides = array<i32>} : memref<64x128xi32, #tpu.memory_space<vmem>>, vector<16xi32>,
        %parallel_loop3A_312 = vector.bitcast %parallel_loop3A_311 : vector<16xi32> to vector<32xbf16>
        %parallel_loop3A_313 = arith.addf %parallel_loop3A_308, %parallel_loop3A_312 : vector<32xbf16>
        %parallel_loop3A_314 = arith.index_cast %parallel_loop3A_142 : i32 to index
        %parallel_loop3A_315 = arith.constant 96 : index
        %parallel_loop3A_316 = tpu.vector_load %arg20[%parallel_loop3A_314, %parallel_loop3A_315] {strides = array<i32>} : memref<64x128xi32, #tpu.memory_space<vmem>>, vector<16xi32>,
        %parallel_loop3A_317 = vector.bitcast %parallel_loop3A_316 : vector<16xi32> to vector<32xbf16>
        %parallel_loop3A_318 = arith.addf %parallel_loop3A_313, %parallel_loop3A_317 : vector<32xbf16>
        %parallel_loop3A_319 = vector.bitcast %parallel_loop3A_318 : vector<32xbf16> to vector<16xi32>
        %parallel_loop3A_320 = arith.constant 16 : i32
        %parallel_loop3A_321 = vector.broadcast %parallel_loop3A_320 : i32 to vector<16xi32>
        %parallel_loop3A_322 = arith.shli %parallel_loop3A_319, %parallel_loop3A_321 : vector<16xi32>
        %parallel_loop3A_323 = tpu.bitcast %parallel_loop3A_322 : vector<16xi32> -> vector<16xf32>
        %parallel_loop3A_324 = arith.andi %parallel_loop3A_319, %broadcast_in_dim3A_13 : vector<16xi32>
        %parallel_loop3A_325 = tpu.bitcast %parallel_loop3A_324 : vector<16xi32> -> vector<16xf32>
        %parallel_loop3A_326 = arith.index_cast %parallel_loop3A_142 : i32 to index
        %parallel_loop3A_327 = arith.constant 192 : index
        %parallel_loop3A_328 = tpu.vector_load %arg24[%parallel_loop3A_326, %parallel_loop3A_327] {strides = array<i32>} : memref<64x256xf32, #tpu.memory_space<vmem>>, vector<16xf32>,
        tpu.vector_store %arg24[%parallel_loop3A_326, %parallel_loop3A_327], %parallel_loop3A_323 {strides = array<i32>} : memref<64x256xf32, #tpu.memory_space<vmem>>, vector<16xf32>,
        %parallel_loop3A_329 = arith.index_cast %parallel_loop3A_142 : i32 to index
        %parallel_loop3A_330 = arith.constant 208 : index
        %parallel_loop3A_331 = tpu.vector_load %arg24[%parallel_loop3A_329, %parallel_loop3A_330] {strides = array<i32>} : memref<64x256xf32, #tpu.memory_space<vmem>>, vector<16xf32>,
        tpu.vector_store %arg24[%parallel_loop3A_329, %parallel_loop3A_330], %parallel_loop3A_325 {strides = array<i32>} : memref<64x256xf32, #tpu.memory_space<vmem>>, vector<16xf32>,
        %parallel_loop3A_332 = arith.index_cast %parallel_loop3A_142 : i32 to index
        %parallel_loop3A_333 = arith.constant 112 : index
        %parallel_loop3A_334 = tpu.vector_load %arg18[%parallel_loop3A_332, %parallel_loop3A_333] {strides = array<i32>} : memref<64x128xi32, #tpu.memory_space<vmem>>, vector<16xi32>,
        %parallel_loop3A_335 = vector.bitcast %parallel_loop3A_334 : vector<16xi32> to vector<32xbf16>
        %parallel_loop3A_336 = arith.index_cast %parallel_loop3A_142 : i32 to index
        %parallel_loop3A_337 = arith.constant 112 : index
        %parallel_loop3A_338 = tpu.vector_load %arg19[%parallel_loop3A_336, %parallel_loop3A_337] {strides = array<i32>} : memref<64x128xi32, #tpu.memory_space<vmem>>, vector<16xi32>,
        %parallel_loop3A_339 = vector.bitcast %parallel_loop3A_338 : vector<16xi32> to vector<32xbf16>
        %parallel_loop3A_340 = arith.addf %parallel_loop3A_335, %parallel_loop3A_339 : vector<32xbf16>
        %parallel_loop3A_341 = arith.index_cast %parallel_loop3A_142 : i32 to index
        %parallel_loop3A_342 = arith.constant 112 : index
        %parallel_loop3A_343 = tpu.vector_load %arg20[%parallel_loop3A_341, %parallel_loop3A_342] {strides = array<i32>} : memref<64x128xi32, #tpu.memory_space<vmem>>, vector<16xi32>,
        %parallel_loop3A_344 = vector.bitcast %parallel_loop3A_343 : vector<16xi32> to vector<32xbf16>
        %parallel_loop3A_345 = arith.addf %parallel_loop3A_340, %parallel_loop3A_344 : vector<32xbf16>
        %parallel_loop3A_346 = vector.bitcast %parallel_loop3A_345 : vector<32xbf16> to vector<16xi32>
        %parallel_loop3A_347 = arith.constant 16 : i32
        %parallel_loop3A_348 = vector.broadcast %parallel_loop3A_347 : i32 to vector<16xi32>
        %parallel_loop3A_349 = arith.shli %parallel_loop3A_346, %parallel_loop3A_348 : vector<16xi32>
        %parallel_loop3A_350 = tpu.bitcast %parallel_loop3A_349 : vector<16xi32> -> vector<16xf32>
        %parallel_loop3A_351 = arith.andi %parallel_loop3A_346, %broadcast_in_dim3A_13 : vector<16xi32>
        %parallel_loop3A_352 = tpu.bitcast %parallel_loop3A_351 : vector<16xi32> -> vector<16xf32>
        %parallel_loop3A_353 = arith.index_cast %parallel_loop3A_142 : i32 to index
        %parallel_loop3A_354 = arith.constant 224 : index
        %parallel_loop3A_355 = tpu.vector_load %arg24[%parallel_loop3A_353, %parallel_loop3A_354] {strides = array<i32>} : memref<64x256xf32, #tpu.memory_space<vmem>>, vector<16xf32>,
        tpu.vector_store %arg24[%parallel_loop3A_353, %parallel_loop3A_354], %parallel_loop3A_350 {strides = array<i32>} : memref<64x256xf32, #tpu.memory_space<vmem>>, vector<16xf32>,
        %parallel_loop3A_356 = arith.index_cast %parallel_loop3A_142 : i32 to index
        %parallel_loop3A_357 = arith.constant 240 : index
        %parallel_loop3A_358 = tpu.vector_load %arg24[%parallel_loop3A_356, %parallel_loop3A_357] {strides = array<i32>} : memref<64x256xf32, #tpu.memory_space<vmem>>, vector<16xf32>,
        tpu.vector_store %arg24[%parallel_loop3A_356, %parallel_loop3A_357], %parallel_loop3A_352 {strides = array<i32>} : memref<64x256xf32, #tpu.memory_space<vmem>>, vector<16xf32>,
      } {sc.loop_unroll_factor = 2 : i64, sc.parallel_access}
      %mul3A_96 = arith.constant 64 : i32
      %mul3A_97 = arith.muli %mul3A_53, %mul3A_96 : i32
      %add3A_98 = arith.addi %mul3A_2, %mul3A_97 : i32
      %dma_start3A_99 = arith.constant 0 : i32
      %dma_start3A_100 = tpu.memref_slice %arg10[%add3A_98, %dma_start3A_99] : memref<32768x256xf32, #tpu.memory_space<hbm>> -> memref<64x256xf32, #tpu.memory_space<hbm>>
      %dma_start3A_101 = arith.constant 0 : i32
      %dma_start3A_102 = tpu.memref_slice %arg10[%add3A_98, %dma_start3A_101] : memref<32768x256xf32, #tpu.memory_space<hbm>> -> memref<64x256xf32, #tpu.memory_space<hbm>>
      tpu.enqueue_dma source(%arg24 : memref<64x256xf32, #tpu.memory_space<vmem>>) target(%dma_start3A_102 : memref<64x256xf32, #tpu.memory_space<hbm>>) target_semaphore(%arg32 : memref<!tpu.dma_semaphore, #tpu.memory_space<semaphore_mem>>)
      %lt3A = arith.constant 7 : i32
      %lt3A_103 = arith.cmpi slt, %scan3A_51, %lt3A : i32
      %convert_element_type3A_104 = arith.extui %lt3A_103 : i1 to i32
      %cond3A_105 = arith.constant 0 : i32
      %cond3A_106 = arith.cmpi ne, %convert_element_type3A_104, %cond3A_105 : i32
      scf.if %cond3A_106 {
        %add3A_142 = arith.constant 2 : i32
        %add3A_143 = arith.addi %mul3A_53, %add3A_142 : i32
        %dma_start3A_144 = arith.constant 0 : i32
        %dma_start3A_145 = tpu.memref_slice %arg16[%add3A_143, %dma_start3A_144] : memref<16x64xi32, #tpu.memory_space<vmem>> -> memref<1x64xi32, #tpu.memory_space<vmem>>
        %dma_start3A_146 = tpu.memref_squeeze %dma_start3A_145 : memref<1x64xi32, #tpu.memory_space<vmem>> -> memref<64xi32, #tpu.memory_space<vmem>>
        %dma_start3A_147 = arith.constant 0 : i32
        %dma_start3A_148 = arith.constant 0 : i32
        %dma_start3A_149 = tpu.memref_slice %arg7[%dma_start3A_147, %dma_start3A_148] : memref<4608x128xi32, #tpu.memory_space<hbm>> -> memref<4608x128xi32, #tpu.memory_space<hbm>>
        tpu.enqueue_indirect_dma source(%dma_start3A_149 : memref<4608x128xi32, #tpu.memory_space<hbm>>) target(%arg18 : memref<64x128xi32, #tpu.memory_space<vmem>>) offsets(%dma_start3A_146 : memref<64xi32, #tpu.memory_space<vmem>>) semaphore(%arg26 : memref<!tpu.dma_semaphore, #tpu.memory_space<semaphore_mem>>)
        %dma_start3A_150 = arith.constant 0 : i32
        %dma_start3A_151 = tpu.memref_slice %arg17[%add3A_143, %dma_start3A_150] : memref<16x64xi32, #tpu.memory_space<vmem>> -> memref<1x64xi32, #tpu.memory_space<vmem>>
        %dma_start3A_152 = tpu.memref_squeeze %dma_start3A_151 : memref<1x64xi32, #tpu.memory_space<vmem>> -> memref<64xi32, #tpu.memory_space<vmem>>
        %dma_start3A_153 = arith.constant 0 : i32
        %dma_start3A_154 = arith.constant 0 : i32
        %dma_start3A_155 = tpu.memref_slice %arg8[%dma_start3A_153, %dma_start3A_154] : memref<16384x128xi32, #tpu.memory_space<hbm>> -> memref<16384x128xi32, #tpu.memory_space<hbm>>
        tpu.enqueue_indirect_dma source(%dma_start3A_155 : memref<16384x128xi32, #tpu.memory_space<hbm>>) target(%arg19 : memref<64x128xi32, #tpu.memory_space<vmem>>) offsets(%dma_start3A_152 : memref<64xi32, #tpu.memory_space<vmem>>) semaphore(%arg27 : memref<!tpu.dma_semaphore, #tpu.memory_space<semaphore_mem>>)
        %dma_start3A_156 = arith.constant 0 : i32
        %dma_start3A_157 = tpu.memref_slice %arg15[%add3A_143, %dma_start3A_156] : memref<16x64xi32, #tpu.memory_space<vmem>> -> memref<1x64xi32, #tpu.memory_space<vmem>>
        %dma_start3A_158 = tpu.memref_squeeze %dma_start3A_157 : memref<1x64xi32, #tpu.memory_space<vmem>> -> memref<64xi32, #tpu.memory_space<vmem>>
        %dma_start3A_159 = arith.constant 0 : i32
        %dma_start3A_160 = arith.constant 0 : i32
        %dma_start3A_161 = tpu.memref_slice %arg9[%dma_start3A_159, %dma_start3A_160] : memref<4096x128xi32, #tpu.memory_space<hbm>> -> memref<4096x128xi32, #tpu.memory_space<hbm>>
        tpu.enqueue_indirect_dma source(%dma_start3A_161 : memref<4096x128xi32, #tpu.memory_space<hbm>>) target(%arg20 : memref<64x128xi32, #tpu.memory_space<vmem>>) offsets(%dma_start3A_158 : memref<64xi32, #tpu.memory_space<vmem>>) semaphore(%arg28 : memref<!tpu.dma_semaphore, #tpu.memory_space<semaphore_mem>>)
      } else {
      }
      %add3A_107 = arith.constant 1 : i32
      %add3A_108 = arith.addi %mul3A_53, %add3A_107 : i32
      %dma_wait3A_109 = arith.constant 0 : i32
      %dma_wait3A_110 = tpu.memref_slice %arg16[%add3A_108, %dma_wait3A_109] : memref<16x64xi32, #tpu.memory_space<vmem>> -> memref<1x64xi32, #tpu.memory_space<vmem>>
      %dma_wait3A_111 = tpu.memref_squeeze %dma_wait3A_110 : memref<1x64xi32, #tpu.memory_space<vmem>> -> memref<64xi32, #tpu.memory_space<vmem>>
      %dma_wait3A_112 = arith.constant 0 : i32
      %dma_wait3A_113 = arith.constant 0 : i32
      %dma_wait3A_114 = tpu.memref_slice %arg7[%dma_wait3A_112, %dma_wait3A_113] : memref<4608x128xi32, #tpu.memory_space<hbm>> -> memref<4608x128xi32, #tpu.memory_space<hbm>>
      tpu.wait_indirect_dma semaphore(%arg29 : memref<!tpu.dma_semaphore, #tpu.memory_space<semaphore_mem>>) src(%dma_wait3A_114 : memref<4608x128xi32, #tpu.memory_space<hbm>>) dst(%arg21 : memref<64x128xi32, #tpu.memory_space<vmem>>)
      %dma_wait3A_115 = arith.constant 0 : i32
      %dma_wait3A_116 = tpu.memref_slice %arg17[%add3A_108, %dma_wait3A_115] : memref<16x64xi32, #tpu.memory_space<vmem>> -> memref<1x64xi32, #tpu.memory_space<vmem>>
      %dma_wait3A_117 = tpu.memref_squeeze %dma_wait3A_116 : memref<1x64xi32, #tpu.memory_space<vmem>> -> memref<64xi32, #tpu.memory_space<vmem>>
      %dma_wait3A_118 = arith.constant 0 : i32
      %dma_wait3A_119 = arith.constant 0 : i32
      %dma_wait3A_120 = tpu.memref_slice %arg8[%dma_wait3A_118, %dma_wait3A_119] : memref<16384x128xi32, #tpu.memory_space<hbm>> -> memref<16384x128xi32, #tpu.memory_space<hbm>>
      tpu.wait_indirect_dma semaphore(%arg30 : memref<!tpu.dma_semaphore, #tpu.memory_space<semaphore_mem>>) src(%dma_wait3A_120 : memref<16384x128xi32, #tpu.memory_space<hbm>>) dst(%arg22 : memref<64x128xi32, #tpu.memory_space<vmem>>)
      %dma_wait3A_121 = arith.constant 0 : i32
      %dma_wait3A_122 = tpu.memref_slice %arg15[%add3A_108, %dma_wait3A_121] : memref<16x64xi32, #tpu.memory_space<vmem>> -> memref<1x64xi32, #tpu.memory_space<vmem>>
      %dma_wait3A_123 = tpu.memref_squeeze %dma_wait3A_122 : memref<1x64xi32, #tpu.memory_space<vmem>> -> memref<64xi32, #tpu.memory_space<vmem>>
      %dma_wait3A_124 = arith.constant 0 : i32
      %dma_wait3A_125 = arith.constant 0 : i32
      %dma_wait3A_126 = tpu.memref_slice %arg9[%dma_wait3A_124, %dma_wait3A_125] : memref<4096x128xi32, #tpu.memory_space<hbm>> -> memref<4096x128xi32, #tpu.memory_space<hbm>>
      tpu.wait_indirect_dma semaphore(%arg31 : memref<!tpu.dma_semaphore, #tpu.memory_space<semaphore_mem>>) src(%dma_wait3A_126 : memref<4096x128xi32, #tpu.memory_space<hbm>>) dst(%arg23 : memref<64x128xi32, #tpu.memory_space<vmem>>)
      %gt3A_127 = arith.constant 0 : i32
      %gt3A_128 = arith.cmpi sgt, %scan3A_51, %gt3A_127 : i32
      %convert_element_type3A_129 = arith.extui %gt3A_128 : i1 to i32
      %cond3A_130 = arith.constant 0 : i32
      %cond3A_131 = arith.cmpi ne, %convert_element_type3A_129, %cond3A_130 : i32
      scf.if %cond3A_131 {
        %sub3A = arith.constant 2 : i32
        %sub3A_142 = arith.subi %add3A_108, %sub3A : i32
        %mul3A_143 = arith.constant 64 : i32
        %mul3A_144 = arith.muli %sub3A_142, %mul3A_143 : i32
        %add3A_145 = arith.addi %mul3A_2, %mul3A_144 : i32
        %dma_wait3A_146 = arith.constant 0 : i32
        %dma_wait3A_147 = tpu.memref_slice %arg10[%add3A_145, %dma_wait3A_146] : memref<32768x256xf32, #tpu.memory_space<hbm>> -> memref<64x256xf32, #tpu.memory_space<hbm>>
        %dma_wait3A_148 = arith.constant 0 : i32
        %dma_wait3A_149 = tpu.memref_slice %arg10[%add3A_145, %dma_wait3A_148] : memref<32768x256xf32, #tpu.memory_space<hbm>> -> memref<64x256xf32, #tpu.memory_space<hbm>>
        tpu.wait_dma2 semaphore(%arg33 : memref<!tpu.dma_semaphore, #tpu.memory_space<semaphore_mem>>) src(%arg25 : memref<64x256xf32, #tpu.memory_space<vmem>>) dst(%dma_wait3A_149 : memref<64x256xf32, #tpu.memory_space<hbm>>)
      } else {
      }
      %parallel_loop3A_132 = arith.constant 0 : i32
      %parallel_loop3A_133 = arith.constant 64 : i32
      %parallel_loop3A_134 = arith.constant 1 : i32
      scf.for %parallel_loop3A_142 = %parallel_loop3A_132 to %parallel_loop3A_133 step %parallel_loop3A_134  : i32 {
        %parallel_loop3A_143 = arith.index_cast %parallel_loop3A_142 : i32 to index
        %parallel_loop3A_144 = arith.constant 0 : index
        %parallel_loop3A_145 = tpu.vector_load %arg21[%parallel_loop3A_143, %parallel_loop3A_144] {strides = array<i32>} : memref<64x128xi32, #tpu.memory_space<vmem>>, vector<16xi32>,
        %parallel_loop3A_146 = vector.bitcast %parallel_loop3A_145 : vector<16xi32> to vector<32xbf16>
        %parallel_loop3A_147 = arith.index_cast %parallel_loop3A_142 : i32 to index
        %parallel_loop3A_148 = arith.constant 0 : index
        %parallel_loop3A_149 = tpu.vector_load %arg22[%parallel_loop3A_147, %parallel_loop3A_148] {strides = array<i32>} : memref<64x128xi32, #tpu.memory_space<vmem>>, vector<16xi32>,
        %parallel_loop3A_150 = vector.bitcast %parallel_loop3A_149 : vector<16xi32> to vector<32xbf16>
        %parallel_loop3A_151 = arith.addf %parallel_loop3A_146, %parallel_loop3A_150 : vector<32xbf16>
        %parallel_loop3A_152 = arith.index_cast %parallel_loop3A_142 : i32 to index
        %parallel_loop3A_153 = arith.constant 0 : index
        %parallel_loop3A_154 = tpu.vector_load %arg23[%parallel_loop3A_152, %parallel_loop3A_153] {strides = array<i32>} : memref<64x128xi32, #tpu.memory_space<vmem>>, vector<16xi32>,
        %parallel_loop3A_155 = vector.bitcast %parallel_loop3A_154 : vector<16xi32> to vector<32xbf16>
        %parallel_loop3A_156 = arith.addf %parallel_loop3A_151, %parallel_loop3A_155 : vector<32xbf16>
        %parallel_loop3A_157 = vector.bitcast %parallel_loop3A_156 : vector<32xbf16> to vector<16xi32>
        %parallel_loop3A_158 = arith.constant 16 : i32
        %parallel_loop3A_159 = vector.broadcast %parallel_loop3A_158 : i32 to vector<16xi32>
        %parallel_loop3A_160 = arith.shli %parallel_loop3A_157, %parallel_loop3A_159 : vector<16xi32>
        %parallel_loop3A_161 = tpu.bitcast %parallel_loop3A_160 : vector<16xi32> -> vector<16xf32>
        %parallel_loop3A_162 = arith.andi %parallel_loop3A_157, %broadcast_in_dim3A_13 : vector<16xi32>
        %parallel_loop3A_163 = tpu.bitcast %parallel_loop3A_162 : vector<16xi32> -> vector<16xf32>
        %parallel_loop3A_164 = arith.index_cast %parallel_loop3A_142 : i32 to index
        %parallel_loop3A_165 = arith.constant 0 : index
        %parallel_loop3A_166 = tpu.vector_load %arg25[%parallel_loop3A_164, %parallel_loop3A_165] {strides = array<i32>} : memref<64x256xf32, #tpu.memory_space<vmem>>, vector<16xf32>,
        tpu.vector_store %arg25[%parallel_loop3A_164, %parallel_loop3A_165], %parallel_loop3A_161 {strides = array<i32>} : memref<64x256xf32, #tpu.memory_space<vmem>>, vector<16xf32>,
        %parallel_loop3A_167 = arith.index_cast %parallel_loop3A_142 : i32 to index
        %parallel_loop3A_168 = arith.constant 16 : index
        %parallel_loop3A_169 = tpu.vector_load %arg25[%parallel_loop3A_167, %parallel_loop3A_168] {strides = array<i32>} : memref<64x256xf32, #tpu.memory_space<vmem>>, vector<16xf32>,
        tpu.vector_store %arg25[%parallel_loop3A_167, %parallel_loop3A_168], %parallel_loop3A_163 {strides = array<i32>} : memref<64x256xf32, #tpu.memory_space<vmem>>, vector<16xf32>,
        %parallel_loop3A_170 = arith.index_cast %parallel_loop3A_142 : i32 to index
        %parallel_loop3A_171 = arith.constant 16 : index
        %parallel_loop3A_172 = tpu.vector_load %arg21[%parallel_loop3A_170, %parallel_loop3A_171] {strides = array<i32>} : memref<64x128xi32, #tpu.memory_space<vmem>>, vector<16xi32>,
        %parallel_loop3A_173 = vector.bitcast %parallel_loop3A_172 : vector<16xi32> to vector<32xbf16>
        %parallel_loop3A_174 = arith.index_cast %parallel_loop3A_142 : i32 to index
        %parallel_loop3A_175 = arith.constant 16 : index
        %parallel_loop3A_176 = tpu.vector_load %arg22[%parallel_loop3A_174, %parallel_loop3A_175] {strides = array<i32>} : memref<64x128xi32, #tpu.memory_space<vmem>>, vector<16xi32>,
        %parallel_loop3A_177 = vector.bitcast %parallel_loop3A_176 : vector<16xi32> to vector<32xbf16>
        %parallel_loop3A_178 = arith.addf %parallel_loop3A_173, %parallel_loop3A_177 : vector<32xbf16>
        %parallel_loop3A_179 = arith.index_cast %parallel_loop3A_142 : i32 to index
        %parallel_loop3A_180 = arith.constant 16 : index
        %parallel_loop3A_181 = tpu.vector_load %arg23[%parallel_loop3A_179, %parallel_loop3A_180] {strides = array<i32>} : memref<64x128xi32, #tpu.memory_space<vmem>>, vector<16xi32>,
        %parallel_loop3A_182 = vector.bitcast %parallel_loop3A_181 : vector<16xi32> to vector<32xbf16>
        %parallel_loop3A_183 = arith.addf %parallel_loop3A_178, %parallel_loop3A_182 : vector<32xbf16>
        %parallel_loop3A_184 = vector.bitcast %parallel_loop3A_183 : vector<32xbf16> to vector<16xi32>
        %parallel_loop3A_185 = arith.constant 16 : i32
        %parallel_loop3A_186 = vector.broadcast %parallel_loop3A_185 : i32 to vector<16xi32>
        %parallel_loop3A_187 = arith.shli %parallel_loop3A_184, %parallel_loop3A_186 : vector<16xi32>
        %parallel_loop3A_188 = tpu.bitcast %parallel_loop3A_187 : vector<16xi32> -> vector<16xf32>
        %parallel_loop3A_189 = arith.andi %parallel_loop3A_184, %broadcast_in_dim3A_13 : vector<16xi32>
        %parallel_loop3A_190 = tpu.bitcast %parallel_loop3A_189 : vector<16xi32> -> vector<16xf32>
        %parallel_loop3A_191 = arith.index_cast %parallel_loop3A_142 : i32 to index
        %parallel_loop3A_192 = arith.constant 32 : index
        %parallel_loop3A_193 = tpu.vector_load %arg25[%parallel_loop3A_191, %parallel_loop3A_192] {strides = array<i32>} : memref<64x256xf32, #tpu.memory_space<vmem>>, vector<16xf32>,
        tpu.vector_store %arg25[%parallel_loop3A_191, %parallel_loop3A_192], %parallel_loop3A_188 {strides = array<i32>} : memref<64x256xf32, #tpu.memory_space<vmem>>, vector<16xf32>,
        %parallel_loop3A_194 = arith.index_cast %parallel_loop3A_142 : i32 to index
        %parallel_loop3A_195 = arith.constant 48 : index
        %parallel_loop3A_196 = tpu.vector_load %arg25[%parallel_loop3A_194, %parallel_loop3A_195] {strides = array<i32>} : memref<64x256xf32, #tpu.memory_space<vmem>>, vector<16xf32>,
        tpu.vector_store %arg25[%parallel_loop3A_194, %parallel_loop3A_195], %parallel_loop3A_190 {strides = array<i32>} : memref<64x256xf32, #tpu.memory_space<vmem>>, vector<16xf32>,
        %parallel_loop3A_197 = arith.index_cast %parallel_loop3A_142 : i32 to index
        %parallel_loop3A_198 = arith.constant 32 : index
        %parallel_loop3A_199 = tpu.vector_load %arg21[%parallel_loop3A_197, %parallel_loop3A_198] {strides = array<i32>} : memref<64x128xi32, #tpu.memory_space<vmem>>, vector<16xi32>,
        %parallel_loop3A_200 = vector.bitcast %parallel_loop3A_199 : vector<16xi32> to vector<32xbf16>
        %parallel_loop3A_201 = arith.index_cast %parallel_loop3A_142 : i32 to index
        %parallel_loop3A_202 = arith.constant 32 : index
        %parallel_loop3A_203 = tpu.vector_load %arg22[%parallel_loop3A_201, %parallel_loop3A_202] {strides = array<i32>} : memref<64x128xi32, #tpu.memory_space<vmem>>, vector<16xi32>,
        %parallel_loop3A_204 = vector.bitcast %parallel_loop3A_203 : vector<16xi32> to vector<32xbf16>
        %parallel_loop3A_205 = arith.addf %parallel_loop3A_200, %parallel_loop3A_204 : vector<32xbf16>
        %parallel_loop3A_206 = arith.index_cast %parallel_loop3A_142 : i32 to index
        %parallel_loop3A_207 = arith.constant 32 : index
        %parallel_loop3A_208 = tpu.vector_load %arg23[%parallel_loop3A_206, %parallel_loop3A_207] {strides = array<i32>} : memref<64x128xi32, #tpu.memory_space<vmem>>, vector<16xi32>,
        %parallel_loop3A_209 = vector.bitcast %parallel_loop3A_208 : vector<16xi32> to vector<32xbf16>
        %parallel_loop3A_210 = arith.addf %parallel_loop3A_205, %parallel_loop3A_209 : vector<32xbf16>
        %parallel_loop3A_211 = vector.bitcast %parallel_loop3A_210 : vector<32xbf16> to vector<16xi32>
        %parallel_loop3A_212 = arith.constant 16 : i32
        %parallel_loop3A_213 = vector.broadcast %parallel_loop3A_212 : i32 to vector<16xi32>
        %parallel_loop3A_214 = arith.shli %parallel_loop3A_211, %parallel_loop3A_213 : vector<16xi32>
        %parallel_loop3A_215 = tpu.bitcast %parallel_loop3A_214 : vector<16xi32> -> vector<16xf32>
        %parallel_loop3A_216 = arith.andi %parallel_loop3A_211, %broadcast_in_dim3A_13 : vector<16xi32>
        %parallel_loop3A_217 = tpu.bitcast %parallel_loop3A_216 : vector<16xi32> -> vector<16xf32>
        %parallel_loop3A_218 = arith.index_cast %parallel_loop3A_142 : i32 to index
        %parallel_loop3A_219 = arith.constant 64 : index
        %parallel_loop3A_220 = tpu.vector_load %arg25[%parallel_loop3A_218, %parallel_loop3A_219] {strides = array<i32>} : memref<64x256xf32, #tpu.memory_space<vmem>>, vector<16xf32>,
        tpu.vector_store %arg25[%parallel_loop3A_218, %parallel_loop3A_219], %parallel_loop3A_215 {strides = array<i32>} : memref<64x256xf32, #tpu.memory_space<vmem>>, vector<16xf32>,
        %parallel_loop3A_221 = arith.index_cast %parallel_loop3A_142 : i32 to index
        %parallel_loop3A_222 = arith.constant 80 : index
        %parallel_loop3A_223 = tpu.vector_load %arg25[%parallel_loop3A_221, %parallel_loop3A_222] {strides = array<i32>} : memref<64x256xf32, #tpu.memory_space<vmem>>, vector<16xf32>,
        tpu.vector_store %arg25[%parallel_loop3A_221, %parallel_loop3A_222], %parallel_loop3A_217 {strides = array<i32>} : memref<64x256xf32, #tpu.memory_space<vmem>>, vector<16xf32>,
        %parallel_loop3A_224 = arith.index_cast %parallel_loop3A_142 : i32 to index
        %parallel_loop3A_225 = arith.constant 48 : index
        %parallel_loop3A_226 = tpu.vector_load %arg21[%parallel_loop3A_224, %parallel_loop3A_225] {strides = array<i32>} : memref<64x128xi32, #tpu.memory_space<vmem>>, vector<16xi32>,
        %parallel_loop3A_227 = vector.bitcast %parallel_loop3A_226 : vector<16xi32> to vector<32xbf16>
        %parallel_loop3A_228 = arith.index_cast %parallel_loop3A_142 : i32 to index
        %parallel_loop3A_229 = arith.constant 48 : index
        %parallel_loop3A_230 = tpu.vector_load %arg22[%parallel_loop3A_228, %parallel_loop3A_229] {strides = array<i32>} : memref<64x128xi32, #tpu.memory_space<vmem>>, vector<16xi32>,
        %parallel_loop3A_231 = vector.bitcast %parallel_loop3A_230 : vector<16xi32> to vector<32xbf16>
        %parallel_loop3A_232 = arith.addf %parallel_loop3A_227, %parallel_loop3A_231 : vector<32xbf16>
        %parallel_loop3A_233 = arith.index_cast %parallel_loop3A_142 : i32 to index
        %parallel_loop3A_234 = arith.constant 48 : index
        %parallel_loop3A_235 = tpu.vector_load %arg23[%parallel_loop3A_233, %parallel_loop3A_234] {strides = array<i32>} : memref<64x128xi32, #tpu.memory_space<vmem>>, vector<16xi32>,
        %parallel_loop3A_236 = vector.bitcast %parallel_loop3A_235 : vector<16xi32> to vector<32xbf16>
        %parallel_loop3A_237 = arith.addf %parallel_loop3A_232, %parallel_loop3A_236 : vector<32xbf16>
        %parallel_loop3A_238 = vector.bitcast %parallel_loop3A_237 : vector<32xbf16> to vector<16xi32>
        %parallel_loop3A_239 = arith.constant 16 : i32
        %parallel_loop3A_240 = vector.broadcast %parallel_loop3A_239 : i32 to vector<16xi32>
        %parallel_loop3A_241 = arith.shli %parallel_loop3A_238, %parallel_loop3A_240 : vector<16xi32>
        %parallel_loop3A_242 = tpu.bitcast %parallel_loop3A_241 : vector<16xi32> -> vector<16xf32>
        %parallel_loop3A_243 = arith.andi %parallel_loop3A_238, %broadcast_in_dim3A_13 : vector<16xi32>
        %parallel_loop3A_244 = tpu.bitcast %parallel_loop3A_243 : vector<16xi32> -> vector<16xf32>
        %parallel_loop3A_245 = arith.index_cast %parallel_loop3A_142 : i32 to index
        %parallel_loop3A_246 = arith.constant 96 : index
        %parallel_loop3A_247 = tpu.vector_load %arg25[%parallel_loop3A_245, %parallel_loop3A_246] {strides = array<i32>} : memref<64x256xf32, #tpu.memory_space<vmem>>, vector<16xf32>,
        tpu.vector_store %arg25[%parallel_loop3A_245, %parallel_loop3A_246], %parallel_loop3A_242 {strides = array<i32>} : memref<64x256xf32, #tpu.memory_space<vmem>>, vector<16xf32>,
        %parallel_loop3A_248 = arith.index_cast %parallel_loop3A_142 : i32 to index
        %parallel_loop3A_249 = arith.constant 112 : index
        %parallel_loop3A_250 = tpu.vector_load %arg25[%parallel_loop3A_248, %parallel_loop3A_249] {strides = array<i32>} : memref<64x256xf32, #tpu.memory_space<vmem>>, vector<16xf32>,
        tpu.vector_store %arg25[%parallel_loop3A_248, %parallel_loop3A_249], %parallel_loop3A_244 {strides = array<i32>} : memref<64x256xf32, #tpu.memory_space<vmem>>, vector<16xf32>,
        %parallel_loop3A_251 = arith.index_cast %parallel_loop3A_142 : i32 to index
        %parallel_loop3A_252 = arith.constant 64 : index
        %parallel_loop3A_253 = tpu.vector_load %arg21[%parallel_loop3A_251, %parallel_loop3A_252] {strides = array<i32>} : memref<64x128xi32, #tpu.memory_space<vmem>>, vector<16xi32>,
        %parallel_loop3A_254 = vector.bitcast %parallel_loop3A_253 : vector<16xi32> to vector<32xbf16>
        %parallel_loop3A_255 = arith.index_cast %parallel_loop3A_142 : i32 to index
        %parallel_loop3A_256 = arith.constant 64 : index
        %parallel_loop3A_257 = tpu.vector_load %arg22[%parallel_loop3A_255, %parallel_loop3A_256] {strides = array<i32>} : memref<64x128xi32, #tpu.memory_space<vmem>>, vector<16xi32>,
        %parallel_loop3A_258 = vector.bitcast %parallel_loop3A_257 : vector<16xi32> to vector<32xbf16>
        %parallel_loop3A_259 = arith.addf %parallel_loop3A_254, %parallel_loop3A_258 : vector<32xbf16>
        %parallel_loop3A_260 = arith.index_cast %parallel_loop3A_142 : i32 to index
        %parallel_loop3A_261 = arith.constant 64 : index
        %parallel_loop3A_262 = tpu.vector_load %arg23[%parallel_loop3A_260, %parallel_loop3A_261] {strides = array<i32>} : memref<64x128xi32, #tpu.memory_space<vmem>>, vector<16xi32>,
        %parallel_loop3A_263 = vector.bitcast %parallel_loop3A_262 : vector<16xi32> to vector<32xbf16>
        %parallel_loop3A_264 = arith.addf %parallel_loop3A_259, %parallel_loop3A_263 : vector<32xbf16>
        %parallel_loop3A_265 = vector.bitcast %parallel_loop3A_264 : vector<32xbf16> to vector<16xi32>
        %parallel_loop3A_266 = arith.constant 16 : i32
        %parallel_loop3A_267 = vector.broadcast %parallel_loop3A_266 : i32 to vector<16xi32>
        %parallel_loop3A_268 = arith.shli %parallel_loop3A_265, %parallel_loop3A_267 : vector<16xi32>
        %parallel_loop3A_269 = tpu.bitcast %parallel_loop3A_268 : vector<16xi32> -> vector<16xf32>
        %parallel_loop3A_270 = arith.andi %parallel_loop3A_265, %broadcast_in_dim3A_13 : vector<16xi32>
        %parallel_loop3A_271 = tpu.bitcast %parallel_loop3A_270 : vector<16xi32> -> vector<16xf32>
        %parallel_loop3A_272 = arith.index_cast %parallel_loop3A_142 : i32 to index
        %parallel_loop3A_273 = arith.constant 128 : index
        %parallel_loop3A_274 = tpu.vector_load %arg25[%parallel_loop3A_272, %parallel_loop3A_273] {strides = array<i32>} : memref<64x256xf32, #tpu.memory_space<vmem>>, vector<16xf32>,
        tpu.vector_store %arg25[%parallel_loop3A_272, %parallel_loop3A_273], %parallel_loop3A_269 {strides = array<i32>} : memref<64x256xf32, #tpu.memory_space<vmem>>, vector<16xf32>,
        %parallel_loop3A_275 = arith.index_cast %parallel_loop3A_142 : i32 to index
        %parallel_loop3A_276 = arith.constant 144 : index
        %parallel_loop3A_277 = tpu.vector_load %arg25[%parallel_loop3A_275, %parallel_loop3A_276] {strides = array<i32>} : memref<64x256xf32, #tpu.memory_space<vmem>>, vector<16xf32>,
        tpu.vector_store %arg25[%parallel_loop3A_275, %parallel_loop3A_276], %parallel_loop3A_271 {strides = array<i32>} : memref<64x256xf32, #tpu.memory_space<vmem>>, vector<16xf32>,
        %parallel_loop3A_278 = arith.index_cast %parallel_loop3A_142 : i32 to index
        %parallel_loop3A_279 = arith.constant 80 : index
        %parallel_loop3A_280 = tpu.vector_load %arg21[%parallel_loop3A_278, %parallel_loop3A_279] {strides = array<i32>} : memref<64x128xi32, #tpu.memory_space<vmem>>, vector<16xi32>,
        %parallel_loop3A_281 = vector.bitcast %parallel_loop3A_280 : vector<16xi32> to vector<32xbf16>
        %parallel_loop3A_282 = arith.index_cast %parallel_loop3A_142 : i32 to index
        %parallel_loop3A_283 = arith.constant 80 : index
        %parallel_loop3A_284 = tpu.vector_load %arg22[%parallel_loop3A_282, %parallel_loop3A_283] {strides = array<i32>} : memref<64x128xi32, #tpu.memory_space<vmem>>, vector<16xi32>,
        %parallel_loop3A_285 = vector.bitcast %parallel_loop3A_284 : vector<16xi32> to vector<32xbf16>
        %parallel_loop3A_286 = arith.addf %parallel_loop3A_281, %parallel_loop3A_285 : vector<32xbf16>
        %parallel_loop3A_287 = arith.index_cast %parallel_loop3A_142 : i32 to index
        %parallel_loop3A_288 = arith.constant 80 : index
        %parallel_loop3A_289 = tpu.vector_load %arg23[%parallel_loop3A_287, %parallel_loop3A_288] {strides = array<i32>} : memref<64x128xi32, #tpu.memory_space<vmem>>, vector<16xi32>,
        %parallel_loop3A_290 = vector.bitcast %parallel_loop3A_289 : vector<16xi32> to vector<32xbf16>
        %parallel_loop3A_291 = arith.addf %parallel_loop3A_286, %parallel_loop3A_290 : vector<32xbf16>
        %parallel_loop3A_292 = vector.bitcast %parallel_loop3A_291 : vector<32xbf16> to vector<16xi32>
        %parallel_loop3A_293 = arith.constant 16 : i32
        %parallel_loop3A_294 = vector.broadcast %parallel_loop3A_293 : i32 to vector<16xi32>
        %parallel_loop3A_295 = arith.shli %parallel_loop3A_292, %parallel_loop3A_294 : vector<16xi32>
        %parallel_loop3A_296 = tpu.bitcast %parallel_loop3A_295 : vector<16xi32> -> vector<16xf32>
        %parallel_loop3A_297 = arith.andi %parallel_loop3A_292, %broadcast_in_dim3A_13 : vector<16xi32>
        %parallel_loop3A_298 = tpu.bitcast %parallel_loop3A_297 : vector<16xi32> -> vector<16xf32>
        %parallel_loop3A_299 = arith.index_cast %parallel_loop3A_142 : i32 to index
        %parallel_loop3A_300 = arith.constant 160 : index
        %parallel_loop3A_301 = tpu.vector_load %arg25[%parallel_loop3A_299, %parallel_loop3A_300] {strides = array<i32>} : memref<64x256xf32, #tpu.memory_space<vmem>>, vector<16xf32>,
        tpu.vector_store %arg25[%parallel_loop3A_299, %parallel_loop3A_300], %parallel_loop3A_296 {strides = array<i32>} : memref<64x256xf32, #tpu.memory_space<vmem>>, vector<16xf32>,
        %parallel_loop3A_302 = arith.index_cast %parallel_loop3A_142 : i32 to index
        %parallel_loop3A_303 = arith.constant 176 : index
        %parallel_loop3A_304 = tpu.vector_load %arg25[%parallel_loop3A_302, %parallel_loop3A_303] {strides = array<i32>} : memref<64x256xf32, #tpu.memory_space<vmem>>, vector<16xf32>,
        tpu.vector_store %arg25[%parallel_loop3A_302, %parallel_loop3A_303], %parallel_loop3A_298 {strides = array<i32>} : memref<64x256xf32, #tpu.memory_space<vmem>>, vector<16xf32>,
        %parallel_loop3A_305 = arith.index_cast %parallel_loop3A_142 : i32 to index
        %parallel_loop3A_306 = arith.constant 96 : index
        %parallel_loop3A_307 = tpu.vector_load %arg21[%parallel_loop3A_305, %parallel_loop3A_306] {strides = array<i32>} : memref<64x128xi32, #tpu.memory_space<vmem>>, vector<16xi32>,
        %parallel_loop3A_308 = vector.bitcast %parallel_loop3A_307 : vector<16xi32> to vector<32xbf16>
        %parallel_loop3A_309 = arith.index_cast %parallel_loop3A_142 : i32 to index
        %parallel_loop3A_310 = arith.constant 96 : index
        %parallel_loop3A_311 = tpu.vector_load %arg22[%parallel_loop3A_309, %parallel_loop3A_310] {strides = array<i32>} : memref<64x128xi32, #tpu.memory_space<vmem>>, vector<16xi32>,
        %parallel_loop3A_312 = vector.bitcast %parallel_loop3A_311 : vector<16xi32> to vector<32xbf16>
        %parallel_loop3A_313 = arith.addf %parallel_loop3A_308, %parallel_loop3A_312 : vector<32xbf16>
        %parallel_loop3A_314 = arith.index_cast %parallel_loop3A_142 : i32 to index
        %parallel_loop3A_315 = arith.constant 96 : index
        %parallel_loop3A_316 = tpu.vector_load %arg23[%parallel_loop3A_314, %parallel_loop3A_315] {strides = array<i32>} : memref<64x128xi32, #tpu.memory_space<vmem>>, vector<16xi32>,
        %parallel_loop3A_317 = vector.bitcast %parallel_loop3A_316 : vector<16xi32> to vector<32xbf16>
        %parallel_loop3A_318 = arith.addf %parallel_loop3A_313, %parallel_loop3A_317 : vector<32xbf16>
        %parallel_loop3A_319 = vector.bitcast %parallel_loop3A_318 : vector<32xbf16> to vector<16xi32>
        %parallel_loop3A_320 = arith.constant 16 : i32
        %parallel_loop3A_321 = vector.broadcast %parallel_loop3A_320 : i32 to vector<16xi32>
        %parallel_loop3A_322 = arith.shli %parallel_loop3A_319, %parallel_loop3A_321 : vector<16xi32>
        %parallel_loop3A_323 = tpu.bitcast %parallel_loop3A_322 : vector<16xi32> -> vector<16xf32>
        %parallel_loop3A_324 = arith.andi %parallel_loop3A_319, %broadcast_in_dim3A_13 : vector<16xi32>
        %parallel_loop3A_325 = tpu.bitcast %parallel_loop3A_324 : vector<16xi32> -> vector<16xf32>
        %parallel_loop3A_326 = arith.index_cast %parallel_loop3A_142 : i32 to index
        %parallel_loop3A_327 = arith.constant 192 : index
        %parallel_loop3A_328 = tpu.vector_load %arg25[%parallel_loop3A_326, %parallel_loop3A_327] {strides = array<i32>} : memref<64x256xf32, #tpu.memory_space<vmem>>, vector<16xf32>,
        tpu.vector_store %arg25[%parallel_loop3A_326, %parallel_loop3A_327], %parallel_loop3A_323 {strides = array<i32>} : memref<64x256xf32, #tpu.memory_space<vmem>>, vector<16xf32>,
        %parallel_loop3A_329 = arith.index_cast %parallel_loop3A_142 : i32 to index
        %parallel_loop3A_330 = arith.constant 208 : index
        %parallel_loop3A_331 = tpu.vector_load %arg25[%parallel_loop3A_329, %parallel_loop3A_330] {strides = array<i32>} : memref<64x256xf32, #tpu.memory_space<vmem>>, vector<16xf32>,
        tpu.vector_store %arg25[%parallel_loop3A_329, %parallel_loop3A_330], %parallel_loop3A_325 {strides = array<i32>} : memref<64x256xf32, #tpu.memory_space<vmem>>, vector<16xf32>,
        %parallel_loop3A_332 = arith.index_cast %parallel_loop3A_142 : i32 to index
        %parallel_loop3A_333 = arith.constant 112 : index
        %parallel_loop3A_334 = tpu.vector_load %arg21[%parallel_loop3A_332, %parallel_loop3A_333] {strides = array<i32>} : memref<64x128xi32, #tpu.memory_space<vmem>>, vector<16xi32>,
        %parallel_loop3A_335 = vector.bitcast %parallel_loop3A_334 : vector<16xi32> to vector<32xbf16>
        %parallel_loop3A_336 = arith.index_cast %parallel_loop3A_142 : i32 to index
        %parallel_loop3A_337 = arith.constant 112 : index
        %parallel_loop3A_338 = tpu.vector_load %arg22[%parallel_loop3A_336, %parallel_loop3A_337] {strides = array<i32>} : memref<64x128xi32, #tpu.memory_space<vmem>>, vector<16xi32>,
        %parallel_loop3A_339 = vector.bitcast %parallel_loop3A_338 : vector<16xi32> to vector<32xbf16>
        %parallel_loop3A_340 = arith.addf %parallel_loop3A_335, %parallel_loop3A_339 : vector<32xbf16>
        %parallel_loop3A_341 = arith.index_cast %parallel_loop3A_142 : i32 to index
        %parallel_loop3A_342 = arith.constant 112 : index
        %parallel_loop3A_343 = tpu.vector_load %arg23[%parallel_loop3A_341, %parallel_loop3A_342] {strides = array<i32>} : memref<64x128xi32, #tpu.memory_space<vmem>>, vector<16xi32>,
        %parallel_loop3A_344 = vector.bitcast %parallel_loop3A_343 : vector<16xi32> to vector<32xbf16>
        %parallel_loop3A_345 = arith.addf %parallel_loop3A_340, %parallel_loop3A_344 : vector<32xbf16>
        %parallel_loop3A_346 = vector.bitcast %parallel_loop3A_345 : vector<32xbf16> to vector<16xi32>
        %parallel_loop3A_347 = arith.constant 16 : i32
        %parallel_loop3A_348 = vector.broadcast %parallel_loop3A_347 : i32 to vector<16xi32>
        %parallel_loop3A_349 = arith.shli %parallel_loop3A_346, %parallel_loop3A_348 : vector<16xi32>
        %parallel_loop3A_350 = tpu.bitcast %parallel_loop3A_349 : vector<16xi32> -> vector<16xf32>
        %parallel_loop3A_351 = arith.andi %parallel_loop3A_346, %broadcast_in_dim3A_13 : vector<16xi32>
        %parallel_loop3A_352 = tpu.bitcast %parallel_loop3A_351 : vector<16xi32> -> vector<16xf32>
        %parallel_loop3A_353 = arith.index_cast %parallel_loop3A_142 : i32 to index
        %parallel_loop3A_354 = arith.constant 224 : index
        %parallel_loop3A_355 = tpu.vector_load %arg25[%parallel_loop3A_353, %parallel_loop3A_354] {strides = array<i32>} : memref<64x256xf32, #tpu.memory_space<vmem>>, vector<16xf32>,
        tpu.vector_store %arg25[%parallel_loop3A_353, %parallel_loop3A_354], %parallel_loop3A_350 {strides = array<i32>} : memref<64x256xf32, #tpu.memory_space<vmem>>, vector<16xf32>,
        %parallel_loop3A_356 = arith.index_cast %parallel_loop3A_142 : i32 to index
        %parallel_loop3A_357 = arith.constant 240 : index
        %parallel_loop3A_358 = tpu.vector_load %arg25[%parallel_loop3A_356, %parallel_loop3A_357] {strides = array<i32>} : memref<64x256xf32, #tpu.memory_space<vmem>>, vector<16xf32>,
        tpu.vector_store %arg25[%parallel_loop3A_356, %parallel_loop3A_357], %parallel_loop3A_352 {strides = array<i32>} : memref<64x256xf32, #tpu.memory_space<vmem>>, vector<16xf32>,
      } {sc.loop_unroll_factor = 2 : i64, sc.parallel_access}
      %mul3A_135 = arith.constant 64 : i32
      %mul3A_136 = arith.muli %add3A_108, %mul3A_135 : i32
      %add3A_137 = arith.addi %mul3A_2, %mul3A_136 : i32
      %dma_start3A_138 = arith.constant 0 : i32
      %dma_start3A_139 = tpu.memref_slice %arg10[%add3A_137, %dma_start3A_138] : memref<32768x256xf32, #tpu.memory_space<hbm>> -> memref<64x256xf32, #tpu.memory_space<hbm>>
      %dma_start3A_140 = arith.constant 0 : i32
      %dma_start3A_141 = tpu.memref_slice %arg10[%add3A_137, %dma_start3A_140] : memref<32768x256xf32, #tpu.memory_space<hbm>> -> memref<64x256xf32, #tpu.memory_space<hbm>>
      tpu.enqueue_dma source(%arg25 : memref<64x256xf32, #tpu.memory_space<vmem>>) target(%dma_start3A_141 : memref<64x256xf32, #tpu.memory_space<hbm>>) target_semaphore(%arg33 : memref<!tpu.dma_semaphore, #tpu.memory_space<semaphore_mem>>)
    }
    %scan3A_39 = arith.constant 8 : i32
    %add3A_40 = arith.constant 896 : i32
    %add3A_41 = arith.addi %mul3A_2, %add3A_40 : i32
    %dma_wait3A = arith.constant 0 : i32
    %dma_wait3A_42 = tpu.memref_slice %arg10[%add3A_41, %dma_wait3A] : memref<32768x256xf32, #tpu.memory_space<hbm>> -> memref<64x256xf32, #tpu.memory_space<hbm>>
    %dma_wait3A_43 = arith.constant 0 : i32
    %dma_wait3A_44 = tpu.memref_slice %arg10[%add3A_41, %dma_wait3A_43] : memref<32768x256xf32, #tpu.memory_space<hbm>> -> memref<64x256xf32, #tpu.memory_space<hbm>>
    tpu.wait_dma2 semaphore(%arg32 : memref<!tpu.dma_semaphore, #tpu.memory_space<semaphore_mem>>) src(%arg24 : memref<64x256xf32, #tpu.memory_space<vmem>>) dst(%dma_wait3A_44 : memref<64x256xf32, #tpu.memory_space<hbm>>)
    %add3A_45 = arith.constant 960 : i32
    %add3A_46 = arith.addi %mul3A_2, %add3A_45 : i32
    %dma_wait3A_47 = arith.constant 0 : i32
    %dma_wait3A_48 = tpu.memref_slice %arg10[%add3A_46, %dma_wait3A_47] : memref<32768x256xf32, #tpu.memory_space<hbm>> -> memref<64x256xf32, #tpu.memory_space<hbm>>
    %dma_wait3A_49 = arith.constant 0 : i32
    %dma_wait3A_50 = tpu.memref_slice %arg10[%add3A_46, %dma_wait3A_49] : memref<32768x256xf32, #tpu.memory_space<hbm>> -> memref<64x256xf32, #tpu.memory_space<hbm>>
    tpu.wait_dma2 semaphore(%arg33 : memref<!tpu.dma_semaphore, #tpu.memory_space<semaphore_mem>>) src(%arg25 : memref<64x256xf32, #tpu.memory_space<vmem>>) dst(%dma_wait3A_50 : memref<64x256xf32, #tpu.memory_space<hbm>>)
    return
  }
}

</mosaic_0001>

<sc_bundles>
// kernel: _embed_sum.4.cloned.1.call-start
scs
__scs_entry_jumppad:
0x0: {  	(pc) =	sbr.rel $0x88, $3  }
0x1: {  	(tag) =	ssettag $0x0;
	lr =	simm.s32 $0x1  }
0x2: {  	[smem:$0x3F97] =	sst lr;
	_ =	strace $0xD0000000  }
0x3: {  	_ = 	snop  }
0x4: {  	_ = 	snop  }
0x5: {  	_ = 	snop  }
0x6: {  	_ = 	snop  }
0x7: {  	_ = 	snop  }
__scs_overlays_trampoline_lowered:
0x8: {  	[smem:$0x3FA6] =	sst s0  }
0x9: {  	[smem:$0x3FA7] =	sst s1  }
0xa: {  	[smem:$0x3FA8] =	sst s2  }
0xb: {  	[smem:$0x3FA9] =	sst s3  }
0xc: {  	[smem:$0x3FAA] =	sst s4  }
0xd: {  	[smem:$0x3FAB] =	sst s5  }
0xe: {  	[smem:$0x3FAC] =	sst s6  }
0xf: {  	[smem:$0x3FAD] =	sst s7  }
0x10: {  	[smem:$0x3FAE] =	sst s8  }
0x11: {  	[smem:$0x3FAF] =	sst s9;
	s0 =	simm.s32 @!p0 $0x0  }
0x12: {  	s1 =	sld [smem:$0x3F95];
	s0 =	simm.s32 @p0 $0x1  }
0x13: {  	[smem:$0x3FB0] =	sst s0;
	s0 =	simm.s32 @!p1 $0x0  }
0x14: {  	s2 =	sld [smem:$0x3F94];
	s0 =	simm.s32 @p1 $0x1  }
0x15: {  	[smem:$0x3FB1] =	sst s0;
	s0 =	simm.s32 @!p2 $0x0  }
0x16: {  	s3 =	sld [smem:$0x3FDB];
	s0 =	simm.s32 @p2 $0x1  }
0x17: {  	s4 =	simm.s32 $0x1BF5;
	[smem:$0x3FB3] =	sst s0  }
0x18: {  	s0 =	sld [smem:$0x3F96];
	_ =	swait.ge [sflag:s4], $0x0  }
0x19: {  	s7 =	sld [smem:$0x3F97]  }
0x1a: {  	s8 =	sadd.s32 $0xFFFFE003, lr  }
0x1b: {  	s9 =	sadd.s32 $0xFFFFFEF7, lr;
	s5 =	simm.s32 $0xFFFFFFFF;
	p2 =	slt.u32 s8, $0xFFFFF086  }
0x1c: {  	p1 =	slt.u32 s9, $0xF7A;
	s5 =	simm.s32 @!p2 $0x0  }
0x1d: {  	s5 =	simm.s32 @p1 $0x1;
	p0 =	seq.s32 s7, s2  }
0x1e: {  	s7 =	smul.u32 @!p0 $0xF7A, s2;
	p2 =	seq.s32 @!p0 s5, $0x0  }
0x1f: {  	s9 =	smul.u32 $0xF7A, s1;
	s8 =	simm.s32 @!p0 $0x1BF5;
	p2 =	por !p2, p0  }
0x20: {  	[sflag:s8] =	ssyncset.s32 @!p0 $0xFFFFF086;
	s6 =	sadd.s32 @!p0 s3, s7;
	s7 =	simm.s32 @!p0 $0x108  }
0x21: {  	s3 =	sadd.s32 s3, s9;
	s6 =	sadd.s32 @!p0 $0x88, s6;
	s7 =	simm.s32 @p2 $0x1082  }
0x22: {  	[simem:s7], [sflag:s8] =	dma.local @!p0 [hbm:s6], $0xF7A  }
0x23: {  	s9 =	sor.u32 $0xD0000000, s2;
	s6 =	simm.s32 $0x108;
	_ =	swait.ge @!p0 [sflag:s8], $0x0  }
0x24: {  	s3 =	sadd.s32 $0x88, s3;
	s6 =	simm.s32 @!p1 $0x1082;
	[sflag:s4] =	ssyncset.s32 $0xFFFFF086  }
0x25: {  	[simem:s6], [sflag:s4] =	dma.local [hbm:s3], $0xF7A  }
0x26: {  	[smem:$0x3F97] =	sst s1;
	(tag) =	ssettag s2;
	_ =	strace s9  }
0x27: {  	s1 =	sld [smem:$0x3FA7]  }
0x28: {  	s2 =	sld [smem:$0x3FA8]  }
0x29: {  	s4 =	sld [smem:$0x3FAA]  }
0x2a: {  	p0 =	seq.s32 s5, $0x0;
	s5 =	sld [smem:$0x3FAB]  }
0x2b: {  	s6 =	sld [smem:$0x3FAC]  }
0x2c: {  	s7 =	sld [smem:$0x3FAD]  }
0x2d: {  	s3 =	simm.s32 $0x108;
	s8 =	sld [smem:$0x3FAE]  }
0x2e: {  	s3 =	simm.s32 @!p0 $0x1082;
	s9 =	sld [smem:$0x3FAF]  }
0x2f: {  	lr =	sadd.s32 s0, s3;
	s0 =	sld [smem:$0x3FA6]  }
0x30: {  	s3 =	sld [smem:$0x3FA9]  }
0x31: {  	[smem:$0x3FB2] =	sst s10  }
0x32: {  	s10 =	sld [smem:$0x3FB0];
	_ =	sdelay $0x3  }
0x33: {  	p0 =	seq.s32 s10, $0x1;
	s10 =	sld [smem:$0x3FB2];
	_ =	sdelay $0x3  }
0x34: {  	[smem:$0x3FB2] =	sst s10  }
0x35: {  	s10 =	sld [smem:$0x3FB1];
	_ =	sdelay $0x3  }
0x36: {  	p1 =	seq.s32 s10, $0x1;
	s10 =	sld [smem:$0x3FB2];
	_ =	sdelay $0x3  }
0x37: {  	[smem:$0x3FB2] =	sst s10  }
0x38: {  	s10 =	sld [smem:$0x3FB3]  }
0x39: {  	_ = 	snop;
	(pc) =	sbr.ind lr, $3  }
0x3a: {  	_ = 	snop  }
0x3b: {  	_ = 	snop  }
0x3c: {  	p2 =	seq.s32 s10, $0x1;
	s10 =	sld [smem:$0x3FB2]  }
0x3d: {  	_ =	shalt  }
0x3e: {  	_ =	shalt  }
0x3f: {  	_ =	shalt  }
0x40: {  	_ =	shalt  }
0x41: {  	_ =	shalt  }
0x42: {  	_ =	shalt  }
0x43: {  	_ =	shalt  }
0x44: {  	_ =	shalt  }
0x45: {  	_ =	shalt  }
0x46: {  	_ =	shalt  }
0x47: {  	_ =	shalt  }
0x48: {  	_ =	shalt  }
0x49: {  	_ =	shalt  }
0x4a: {  	_ =	shalt  }
0x4b: {  	_ =	shalt  }
0x4c: {  	_ =	shalt  }
0x4d: {  	_ =	shalt  }
0x4e: {  	_ =	shalt  }
0x4f: {  	_ =	shalt  }
0x50: {  	_ =	shalt  }
0x51: {  	_ =	shalt  }
0x52: {  	_ =	shalt  }
0x53: {  	_ =	shalt  }
0x54: {  	_ =	shalt  }
0x55: {  	_ =	shalt  }
0x56: {  	_ =	shalt  }
0x57: {  	_ =	shalt  }
0x58: {  	_ =	shalt  }
0x59: {  	_ =	shalt  }
0x5a: {  	_ =	shalt  }
0x5b: {  	_ =	shalt  }
0x5c: {  	_ =	shalt  }
0x5d: {  	_ =	shalt  }
0x5e: {  	_ =	shalt  }
0x5f: {  	_ =	shalt  }
0x60: {  	_ =	shalt  }
0x61: {  	_ =	shalt  }
0x62: {  	_ =	shalt  }
0x63: {  	_ =	shalt  }
0x64: {  	_ =	shalt  }
0x65: {  	_ =	shalt  }
0x66: {  	_ =	shalt  }
0x67: {  	_ =	shalt  }
0x68: {  	_ =	shalt  }
0x69: {  	_ =	shalt  }
0x6a: {  	_ =	shalt  }
0x6b: {  	_ =	shalt  }
0x6c: {  	_ =	shalt  }
0x6d: {  	_ =	shalt  }
0x6e: {  	_ =	shalt  }
0x6f: {  	_ =	shalt  }
0x70: {  	_ =	shalt  }
0x71: {  	_ =	shalt  }
0x72: {  	_ =	shalt  }
0x73: {  	_ =	shalt  }
0x74: {  	_ =	shalt  }
0x75: {  	_ =	shalt  }
0x76: {  	_ =	shalt  }
0x77: {  	_ =	shalt  }
0x78: {  	_ =	shalt  }
0x79: {  	_ =	shalt  }
0x7a: {  	_ =	shalt  }
0x7b: {  	_ =	shalt  }
0x7c: {  	_ =	shalt  }
0x7d: {  	_ =	shalt  }
0x7e: {  	_ =	shalt  }
0x7f: {  	_ =	shalt  }
0x80: {  	_ =	shalt  }
0x81: {  	_ =	shalt  }
0x82: {  	_ =	shalt  }
0x83: {  	_ =	shalt  }
0x84: {  	_ =	shalt  }
0x85: {  	_ =	shalt  }
0x86: {  	_ =	shalt  }
0x87: {  	_ =	shalt  }
.Lfunc_end0:
.L_simem_size_0:
called_computation_lowered:
.L_overlay_start_0:
0x88: {  	s2 =	sld [smem:$0x3FD9]  }
0x89: {  	s3 =	sld [smem:$0x3FFE];
	_ =	sdelay $0x1  }
0x8a: {  	s1 =	srdreg.scid  }
0x8b: {  	s0 =	sand.u32 $0x1, s1  }
0x8c: {  	s17 =	sshll.u32 s0, $0xA;
	s2 =	sadd.s32 s3, s2  }
0x8d: {  	s2 =	sadd.s32 s2, s17  }
0x8e: {  	[smem:$0x3FBE] =	sst s2  }
0x8f: {  	_ = 	snop  }
0x90: {  	s2 =	sld [smem:$0x3FC4]  }
0x91: {  	s18 =	sld [smem:$0x3FC3]  }
0x92: {  	s4 =	sld [smem:$0x3FC2]  }
0x93: {  	s5 =	sld [smem:$0x3FC1]  }
0x94: {  	s6 =	sld [smem:$0x3FC0];
	(tm) =	ssettm $0x1  }
0x95: {  	s7 =	sld [smem:$0x3FFB];
	_ =	sdelay $0x3  }
0x96: {  	_ =	strace s7  }
0x97: {  	s7 =	sld [smem:$0x3FFC];
	_ =	sdelay $0x3  }
0x98: {  	_ =	strace s7  }
0x99: {  	s7 =	sld [smem:$0x3FFD];
	_ =	sdelay $0x3  }
0x9a: {  	_ =	strace s7  }
0x9b: {  	_ =	strace $0x8FFFFFFF  }
0x9c: {  	s19 =	sld [smem:$0x3FDB];
	_ =	sdelay $0x1  }
0x9d: {  	s8 =	simm.s32 $_scs_section_size  }
0x9e: {  	s9 =	simm.s32 $_size__tile_overlayer_lowered;
	s10 =	simm.s32 $_tile_overlayer_lowered  }
0x9f: {  	s22 =	simm.s32 $0x1BFF;
	s21 =	sshll.u32 s10, $0x1;
	s7 =	sadd.s32 s8, s19  }
0xa0: {  	s11 =	simm.s32 $0x0;
	s20 =	sshll.u32 s9, $0x1;
	s9 =	sadd.s32 s21, s7  }
0xa1: {  	[timem:s11], [sflag:s22] =	dma.local [hbm:s9], s20  }
0xa2: {  	_ =	swait.ge [sflag:s22], s20  }
0xa3: {  	s8 =	ssub.s32 $0x0, s20;
	[sflag:s22] =	ssyncset.done $0x0  }
0xa4: {  	[sflag:s22] =	ssyncadd.s32 s8;
	_ =	sdelay $0x1  }
0xa5: {  	s23 =	simm.s32 $0x1B8B  }
0xa6: {  	_ =	swait.ge [sflag:s23], $0x1  }
0xa7: {  	[sflag:s23] =	ssyncset.done $0x0  }
0xa8: {  	s25 =	simm.s32 $0x1B8E;
	s24 =	sld [smem:$0x3FFE];
	[sflag:s23] =	ssyncadd.s32 $0xFFFFFFFF  }
0xa9: {  	s26 =	simm.s32 $execute0_lowered;
	[smem:$0x3FD2] =	sst s25  }
0xaa: {  	s9 =	sshll.u32 s26, $0x1;
	_ =	strace $0x80000046;
	[dreg:$0x1] =	wrdreg $0xFFFFFFFF  }
0xab: {  	s28 =	simm.s32 $_size_execute0_lowered;
	s7 =	sadd.s32 s7, s9;
	[dreg:$0x0] =	wrdreg $0x0  }
0xac: {  	s9 =	sshll.u32 s28, $0x1;
	[dreg:$0x2] =	wrdreg s7  }
0xad: {  	[dreg:$0x3] =	wrdreg s9  }
0xae: {  	[dreg:$0x4] =	wrdreg $0xC0  }
0xaf: {  	_ =	task [dreg:s11], $0x5FFFF  }
0xb0: {  	[dreg:$0x1] =	wrdreg $0xFFFFFFFF  }
0xb1: {  	[dreg:$0x0] =	wrdreg $0x60  }
0xb2: {  	[dreg:$0x2] =	wrdreg s2  }
0xb3: {  	[dreg:$0x3] =	wrdreg s18  }
0xb4: {  	[dreg:$0x4] =	wrdreg s4  }
0xb5: {  	[dreg:$0x5] =	wrdreg s5  }
0xb6: {  	[dreg:$0x6] =	wrdreg s6  }
0xb7: {  	[dreg:$0x7] =	wrdreg s24  }
0xb8: {  	[dreg:$0x8] =	wrdreg $0x9  }
0xb9: {  	_ =	task.clear_ibuf [dreg:s11], $0x9FFFF;
	_ =	strace $0x90000046  }
0xba: {  	s29 =	simm.s32 $0x9;
	_ =	strace $0x80000048  }
0xbb: {  	_ =	swait.ge [sflag:s29], $0x1  }
0xbc: {  	[sflag:s29] =	ssyncadd.s32 $0xFFFFFFFF  }
0xbd: {  	_ =	strace $0x90000048  }
0xbe: {  	_ =	sfence  }
0xbf: {  	s30 =	sld [smem:$0x0];
	_ =	sdelay $0x2  }
0xc0: {  	s31 =	sshll.u32 s1, $0xD;
	s1 =	sshrl.u32 s1, $0x2  }
0xc1: {  	s3 =	sand.u32 $0x4000, s31;
	s1 =	sadd.s32 s1, s30  }
0xc2: {  	s0 =	sor.u32 s3, s0;
	s1 =	sshll.u32 s1, $0x11  }
0xc3: {  	s0 =	sor.u32 s1, s0  }
0xc4: {  	s0 =	sadd.s32 $0x8F2B, s0  }
0xc5: {  	[sflag:s0] =	ssyncadd.remote.s32 $0x1  }
0xc6: {  	_ =	sfence.sel $0xFFFF  }
0xc7: {  	[dreg:$0x0] =	wrdreg $0xFFFFFFFF;
	(pc) =	sbr.abs _section_cstart, $3  }
0xc8: {  	[dreg:$0x1] =	wrdreg $0xFFFFFFFF  }
0xc9: {  	_ =	task.clear_ibuf [dreg:s11], $0x2FFFF;
	_ =	strace $0x9FFFFFFF  }
0xca: {  	(tm) =	ssettm $0x7FFFFFFF  }
0xcb: {  	_ =	shalt  }
tec
execute0_lowered:
.L_overlay_start_1:
0x0: {  	(tag) =	ssettag $0x1  }
0x1: {  	s0 =	srdreg.scid  }
0x2: {  	s9 =	stileid.u32;
	s1 =	rddreg [dreg:$0x5];
	s10 =	simm.s32 $0x0  }
0x3: {  	s0 =	sand.u32 $0x1, s0;
	s2 =	sshll.u32 s9, $0x1;
	s25 =	smul.u32 $0x900, s9  }
0x4: {  	s2 =	sor.u32 s0, s2;
	s6 =	ssub.s32 $0x2, s0;
	s0 =	smul.u32 $0x480, s0  }
0x5: {  	[smem:$0x7FF] =	sst s10;
	s4 =	sadd.s32 $0xC00, s1;
	s7 =	smul.u32 $0x2400, s2  }
0x6: {  	s3 =	sshll.u32 s2, $0xD;
	s5 =	sshll.u32 s2, $0xB;
	s2 =	smul.u32 $0x480, s2  }
0x7: {  	s3 =	sadd.s32 s3, s1;
	s1 =	sadd.s32 s5, s1;
	s0 =	sadd.s32 s0, s25  }
0x8: {  	_ =	strace $0x80000047;
	s1 =	sadd.s32 $0x52C00, s1;
	[dreg:$0x10] =	wrdreg s0  }
0x9: {  	s2 =	sadd.s32 s4, s2;
	[dreg:$0x8] =	wrdreg s1  }
0xa: {  	s26 =	sadd.s32 $0x12C00, s3;
	[dreg:$0x9] =	wrdreg s2  }
0xb: {  	s8 =	sshrl.u32 s6, $0x1;
	s28 =	sadd.s32 $0x13400, s3;
	[dreg:$0xb] =	wrdreg s26  }
0xc: {  	s6 =	ssub.s32 s6, s8;
	s29 =	sadd.s32 $0x13C00, s3;
	[dreg:$0xc] =	wrdreg s28  }
0xd: {  	s24 =	sshrl.u32 s7, $0x3;
	s30 =	sadd.s32 $0x14400, s3;
	[dreg:$0xd] =	wrdreg s29  }
0xe: {  	s31 =	smax.u32 s6, $0x1;
	s1 =	sadd.s32 s4, s24;
	[dreg:$0xe] =	wrdreg s30  }
0xf: {  	[dreg:$0xf] =	wrdreg s31;
	s1 =	sadd.s32 $0x9000, s1  }
0x10: {  	s11 =	sshrl.u32 s5, $0x2;
	s2 =	simm.s32 $0x0;
	[dreg:$0xa] =	wrdreg s1  }
.LBB2_1:
0x11: {  	[dreg:$0x11] =	wrdreg s2  }
0x12: {  	s0 =	rddreg [dreg:$0x0]  }
0x13: {  	[tilespmem:s10], [sflag:$0x1] =	stream.linear.gather [hbm4b:s0+s10], $0x9000, $0x38;
	[tilespmem:$0x1B800] =	vst v63  }
0x14: {  	s6 =	rddreg [dreg:$0x1];
	s1 =	simm.s32 $0x9000  }
0x15: {  	[tilespmem:s1], [sflag:$0x2] =	stream.linear.gather [hbm4b:s6+s10], $0x400, $0x38;
	[tilespmem:$0x1B800] =	vst v63  }
0x16: {  	s7 =	rddreg [dreg:$0x2];
	s8 =	simm.s32 $0x9400  }
0x17: {  	[tilespmem:s8], [sflag:$0x3] =	stream.linear.gather [hbm4b:s7+s10], $0x4000, $0x38;
	[tilespmem:$0x1B800] =	vst v63  }
0x18: {  	s9 =	rddreg [dreg:$0x3];
	s12 =	simm.s32 $0xD400  }
0x19: {  	[tilespmem:s12], [sflag:$0x4] =	stream.linear.gather [hbm4b:s9+s10], $0x4000, $0x38;
	[tilespmem:$0x1B800] =	vst v63  }
0x1a: {  	s13 =	rddreg [dreg:$0x4];
	s14 =	simm.s32 $0x11400;
	s15 =	simm.s32 $0x1  }
0x1b: {  	[tilespmem:s14], [sflag:$0x5] =	stream.linear.gather [hbm4b:s13+s10], $0x4000, $0x38;
	[tilespmem:$0x1B800] =	vst v63  }
0x1c: {  	_ =	swait.ge [sflag:s15], $0x9000  }
0x1d: {  	[sflag:s15] =	ssyncset.done $0x0  }
0x1e: {  	s16 =	simm.s32 $0x2;
	[sflag:s15] =	ssyncadd.s32 $0xFFFF7000  }
0x1f: {  	_ =	swait.ge [sflag:s16], $0x400  }
0x20: {  	[sflag:s16] =	ssyncset.done $0x0  }
0x21: {  	s17 =	simm.s32 $0x3;
	[sflag:s16] =	ssyncadd.s32 $0xFFFFFC00  }
0x22: {  	_ =	swait.ge [sflag:s17], $0x4000  }
0x23: {  	[sflag:s17] =	ssyncset.done $0x0  }
0x24: {  	s18 =	simm.s32 $0x4;
	[sflag:s17] =	ssyncadd.s32 $0xFFFFC000  }
0x25: {  	_ =	swait.ge [sflag:s18], $0x4000  }
0x26: {  	[sflag:s18] =	ssyncset.done $0x0  }
0x27: {  	s19 =	simm.s32 $0x5;
	[sflag:s18] =	ssyncadd.s32 $0xFFFFC000  }
0x28: {  	s21 =	simm.s32 $0x180;
	_ =	swait.ge [sflag:s19], $0x4000  }
0x29: {  	s18 =	sand.u32 $0x380, s21;
	[sflag:s19] =	ssyncset.done $0x0;
	s17 =	rddreg [dreg:$0x10]  }
0x2a: {  	s20 =	rddreg [dreg:$0x8];
	[sflag:s19] =	ssyncadd.s32 $0xFFFFC000;
	s23 =	sadd.s32 $0x30, s17  }
0x2b: {  	[hbm4b:s20+s10] =	stream.linear.scatter [tilespmem:s14], [sflag:$0x7], $0x4000, $0x38;
	[tilespmem:$0x1B800] =	vst v63  }
0x2c: {  	s8 =	sand.u32 $0x7FFFFF80, s23;
	v0 =	vld [tilespmem:s18+$0x9000]  }
0x2d: {  	v1 =	vld [tilespmem:s8+$0x0]  }
0x2e: {  	s5 =	sadd.s32 $0x10, s17  }
0x2f: {  	s22 =	simm.s32 $0x80;
	s9 =	sand.u32 $0x7FFFFF80, s5  }
0x30: {  	s24 =	simm.s32 $0x0;
	s0 =	sand.u32 $0x280, s22;
	v2 =	vld [tilespmem:s9+$0x0]  }
0x31: {  	s1 =	sand.u32 $0x200, s24;
	v3 =	vld [tilespmem:s0+$0x9000]  }
0x32: {  	s13 =	sand.u32 $0x7FFFFF80, s17;
	v4 =	vld [tilespmem:s1+$0x9000];
	v0 =	vadd.bf16 v0, v1  }
0x33: {  	s4 =	simm.s32 $0x15500;
	v1 =	vld [tilespmem:s13+$0x0]  }
0x34: {  	[tilespmem:s4+$0x80] =	vst v0  }
0x35: {  	s25 =	sadd.s32 $0x20, s17;
	v0 =	vld [tilespmem:s8+$0x10]  }
0x36: {  	s6 =	simm.s32 $0x100;
	s7 =	sand.u32 $0x7FFFFF80, s25;
	v2 =	vadd.bf16 v3, v2;
	v3 =	vld [tilespmem:s18+$0x9010]  }
0x37: {  	s6 =	sand.u32 $0x300, s6;
	v5 =	vld [tilespmem:s7+$0x0]  }
0x38: {  	v6 =	vld [tilespmem:s6+$0x9000];
	[tilespmem:s4+$0xFFFFFF80] =	vst v2;
	v1 =	vadd.bf16 v4, v1  }
0x39: {  	v2 =	vld [tilespmem:s9+$0x10]  }
0x3a: {  	v4 =	vld [tilespmem:s0+$0x9010];
	[tilespmem:s4+$0xFFFFFF00] =	vst v1  }
0x3b: {  	v1 =	vld [tilespmem:s13+$0x10];
	v0 =	vadd.bf16 v3, v0  }
0x3c: {  	v3 =	vld [tilespmem:s1+$0x9010]  }
0x3d: {  	v5 =	vadd.bf16 v6, v5;
	[tilespmem:s4+$0x90] =	vst v0  }
0x3e: {  	v0 =	vld [tilespmem:s8+$0x20]  }
0x3f: {  	[tilespmem:s4+$0x0] =	vst v5;
	v2 =	vadd.bf16 v4, v2;
	v4 =	vld [tilespmem:s18+$0x9020]  }
0x40: {  	v5 =	vld [tilespmem:s7+$0x10]  }
0x41: {  	v6 =	vld [tilespmem:s6+$0x9010];
	[tilespmem:s4+$0xFFFFFF90] =	vst v2;
	v1 =	vadd.bf16 v3, v1  }
0x42: {  	v2 =	vld [tilespmem:s9+$0x20]  }
0x43: {  	v3 =	vld [tilespmem:s0+$0x9020];
	[tilespmem:s4+$0xFFFFFF10] =	vst v1  }
0x44: {  	v1 =	vld [tilespmem:s13+$0x20];
	v0 =	vadd.bf16 v4, v0  }
0x45: {  	v4 =	vld [tilespmem:s1+$0x9020]  }
0x46: {  	v5 =	vadd.bf16 v6, v5;
	[tilespmem:s4+$0xA0] =	vst v0  }
0x47: {  	v0 =	vld [tilespmem:s8+$0x30]  }
0x48: {  	[tilespmem:s4+$0x10] =	vst v5;
	v2 =	vadd.bf16 v3, v2;
	v3 =	vld [tilespmem:s18+$0x9030]  }
0x49: {  	v5 =	vld [tilespmem:s7+$0x20]  }
0x4a: {  	[tilespmem:s4+$0xFFFFFFA0] =	vst v2;
	v2 =	vld [tilespmem:s6+$0x9020];
	v1 =	vadd.bf16 v4, v1  }
0x4b: {  	v4 =	vld [tilespmem:s9+$0x30]  }
0x4c: {  	v6 =	vld [tilespmem:s0+$0x9030];
	[tilespmem:s4+$0xFFFFFF20] =	vst v1  }
0x4d: {  	v1 =	vld [tilespmem:s13+$0x30];
	v0 =	vadd.bf16 v3, v0  }
0x4e: {  	v3 =	vld [tilespmem:s1+$0x9030]  }
0x4f: {  	v2 =	vadd.bf16 v2, v5;
	[tilespmem:s4+$0xB0] =	vst v0  }
0x50: {  	v0 =	vld [tilespmem:s8+$0x40]  }
0x51: {  	v4 =	vadd.bf16 v6, v4;
	[tilespmem:s4+$0x20] =	vst v2;
	v2 =	vld [tilespmem:s18+$0x9040]  }
0x52: {  	v5 =	vld [tilespmem:s7+$0x30]  }
0x53: {  	[tilespmem:s4+$0xFFFFFFB0] =	vst v4;
	v1 =	vadd.bf16 v3, v1;
	v3 =	vld [tilespmem:s6+$0x9030]  }
0x54: {  	v4 =	vld [tilespmem:s9+$0x40]  }
0x55: {  	s26 =	sor.u32 $0x40, s17;
	[tilespmem:s4+$0xFFFFFF30] =	vst v1;
	v1 =	vld [tilespmem:s0+$0x9040]  }
0x56: {  	v6 =	vld [tilespmem:s26+$0x0];
	v0 =	vadd.bf16 v2, v0  }
0x57: {  	v2 =	vld [tilespmem:s1+$0x9040]  }
0x58: {  	v3 =	vadd.bf16 v3, v5;
	[tilespmem:s4+$0xC0] =	vst v0  }
0x59: {  	v0 =	vld [tilespmem:s8+$0x50]  }
0x5a: {  	v1 =	vadd.bf16 v1, v4;
	[tilespmem:s4+$0x30] =	vst v3;
	v3 =	vld [tilespmem:s18+$0x9050]  }
0x5b: {  	v4 =	vld [tilespmem:s7+$0x40]  }
0x5c: {  	s29 =	sor.u32 $0x50, s5;
	v2 =	vadd.bf16 v2, v6;
	[tilespmem:s4+$0xFFFFFFC0] =	vst v1;
	v1 =	vld [tilespmem:s6+$0x9040]  }
0x5d: {  	v5 =	vld [tilespmem:s29+$0x0]  }
0x5e: {  	s30 =	sor.u32 $0x50, s17;
	[tilespmem:s4+$0xFFFFFF40] =	vst v2;
	v2 =	vld [tilespmem:s0+$0x9050]  }
0x5f: {  	v6 =	vld [tilespmem:s30+$0x0];
	v0 =	vadd.bf16 v3, v0  }
0x60: {  	v3 =	vld [tilespmem:s1+$0x9050]  }
0x61: {  	v1 =	vadd.bf16 v1, v4;
	[tilespmem:s4+$0xD0] =	vst v0  }
0x62: {  	v7 =	vld [tilespmem:s8+$0x60]  }
0x63: {  	v0 =	vadd.bf16 v2, v5;
	v5 =	vld [tilespmem:s18+$0x9060];
	[tilespmem:s4+$0x40] =	vst v1  }
0x64: {  	v2 =	vld [tilespmem:s7+$0x50]  }
0x65: {  	v1 =	vadd.bf16 v3, v6;
	[tilespmem:s4+$0xFFFFFFD0] =	vst v0;
	v4 =	vld [tilespmem:s6+$0x9050]  }
0x66: {  	s31 =	sor.u32 $0x60, s17;
	s28 =	sor.u32 $0x70, s17;
	v0 =	vld [tilespmem:s9+$0x60]  }
0x67: {  	s19 =	simm.s32 $0x15500;
	s21 =	sor.u32 $0x70, s5;
	s20 =	sor.u32 $0x70, s25;
	v3 =	vld [tilespmem:s0+$0x9060];
	[tilespmem:s4+$0xFFFFFF50] =	vst v1  }
0x68: {  	s10 =	simm.s32 $0x380;
	s8 =	sor.u32 $0x60, s25;
	s9 =	simm.s32 $0x0;
	v1 =	vld [tilespmem:s31+$0x0];
	v5 =	vadd.bf16 v5, v7  }
.LBB2_2:
0x69: {  	s30 =	sand.u32 $0x380, s10;
	v6 =	vld [tilespmem:s1+$0x9060];
	s17 =	sadd.s32 $0x40, s17  }
0x6a: {  	s7 =	sor.u32 $0x70, s23;
	v7 =	vld [tilespmem:s30+$0x9000];
	[tilespmem:s4+$0xE0] =	vst v5;
	s23 =	sadd.s32 $0x30, s17  }
0x6b: {  	s5 =	sadd.s32 $0xFFFFFE80, s10;
	s16 =	sand.u32 $0x7FFFFF80, s23;
	v2 =	vadd.bf16 v4, v2;
	v4 =	vld [tilespmem:s7+$0x0]  }
0x6c: {  	s7 =	sand.u32 $0x200, s5;
	v0 =	vadd.bf16 v3, v0;
	v3 =	vld [tilespmem:s16+$0x0]  }
0x6d: {  	s26 =	sadd.s32 $0x10, s17;
	v5 =	vld [tilespmem:s7+$0x9000];
	[tilespmem:s4+$0x50] =	vst v2  }
0x6e: {  	s14 =	sadd.s32 $0xFFFFFF00, s10;
	s13 =	sand.u32 $0x7FFFFF80, s26;
	v2 =	vld [tilespmem:s18+$0x9070];
	[tilespmem:s4+$0xFFFFFFE0] =	vst v0  }
0x6f: {  	s2 =	sadd.s32 $0x20, s17;
	s5 =	sand.u32 $0x280, s14;
	v1 =	vadd.bf16 v6, v1;
	v0 =	vld [tilespmem:s13+$0x0]  }
0x70: {  	s15 =	sand.u32 $0x7FFFFF80, s2;
	v6 =	vld [tilespmem:s5+$0x9000]  }
0x71: {  	s22 =	sadd.s32 $0xFFFFFF80, s10;
	s29 =	sand.u32 $0x7FFFFF80, s17;
	[tilespmem:s4+$0xFFFFFF60] =	vst v1;
	v1 =	vld [tilespmem:s15+$0x0]  }
0x72: {  	s22 =	sand.u32 $0x300, s22;
	v3 =	vadd.bf16 v7, v3;
	v7 =	vld [tilespmem:s29+$0x0]  }
0x73: {  	s4 =	sadd.s32 $0x200, s4;
	v2 =	vadd.bf16 v2, v4;
	v4 =	vld [tilespmem:s22+$0x9000]  }
0x74: {  	[tilespmem:s4+$0x80] =	vst v3  }
0x75: {  	[tilespmem:s19+$0xF0] =	vst v2;
	v2 =	vld [tilespmem:s8+$0x0]  }
0x76: {  	s18 =	smov.u32 s30;
	v0 =	vadd.bf16 v6, v0;
	v3 =	vld [tilespmem:s16+$0x10]  }
0x77: {  	v6 =	vld [tilespmem:s18+$0x9010]  }
0x78: {  	[tilespmem:s4+$0xFFFFFF80] =	vst v0;
	v0 =	vadd.bf16 v4, v1;
	v1 =	vld [tilespmem:s6+$0x9060];
	v4 =	vadd.bf16 v5, v7  }
0x79: {  	v5 =	vld [tilespmem:s13+$0x10]  }
0x7a: {  	v7 =	vld [tilespmem:s5+$0x9010];
	[tilespmem:s4+$0xFFFFFF00] =	vst v4  }
0x7b: {  	v4 =	vld [tilespmem:s29+$0x10]  }
0x7c: {  	[tilespmem:s4+$0x0] =	vst v0;
	v3 =	vadd.bf16 v6, v3;
	v6 =	vld [tilespmem:s7+$0x9010]  }
0x7d: {  	v0 =	vld [tilespmem:s15+$0x10]  }
0x7e: {  	v1 =	vadd.bf16 v1, v2;
	v2 =	vld [tilespmem:s22+$0x9010];
	[tilespmem:s4+$0x90] =	vst v3  }
0x7f: {  	v3 =	vadd.bf16 v7, v5;
	v5 =	vld [tilespmem:s16+$0x20]  }
0x80: {  	[tilespmem:s19+$0x60] =	vst v1;
	v1 =	vld [tilespmem:s18+$0x9020]  }
0x81: {  	[tilespmem:s4+$0xFFFFFF90] =	vst v3;
	v3 =	vld [tilespmem:s28+$0x0];
	v4 =	vadd.bf16 v6, v4  }
0x82: {  	v6 =	vld [tilespmem:s13+$0x20]  }
0x83: {  	v7 =	vld [tilespmem:s5+$0x9020];
	v0 =	vadd.bf16 v2, v0;
	[tilespmem:s4+$0xFFFFFF10] =	vst v4  }
0x84: {  	v2 =	vld [tilespmem:s1+$0x9070]  }
0x85: {  	s1 =	smov.u32 s7;
	v4 =	vld [tilespmem:s29+$0x20];
	[tilespmem:s4+$0x10] =	vst v0;
	v0 =	vadd.bf16 v1, v5  }
0x86: {  	v1 =	vld [tilespmem:s1+$0x9020]  }
0x87: {  	v5 =	vld [tilespmem:s15+$0x20];
	[tilespmem:s4+$0xA0] =	vst v0  }
0x88: {  	v0 =	vadd.bf16 v7, v6;
	v6 =	vld [tilespmem:s16+$0x30]  }
0x89: {  	v7 =	vld [tilespmem:s18+$0x9030]  }
0x8a: {  	v2 =	vadd.bf16 v2, v3;
	[tilespmem:s4+$0xFFFFFFA0] =	vst v0;
	v0 =	vld [tilespmem:s22+$0x9020]  }
0x8b: {  	v1 =	vadd.bf16 v1, v4;
	v3 =	vld [tilespmem:s13+$0x30]  }
0x8c: {  	[tilespmem:s19+$0xFFFFFF70] =	vst v2;
	v2 =	vld [tilespmem:s5+$0x9030]  }
0x8d: {  	[tilespmem:s4+$0xFFFFFF20] =	vst v1;
	v1 =	vld [tilespmem:s21+$0x0]  }
0x8e: {  	v4 =	vld [tilespmem:s29+$0x30];
	v6 =	vadd.bf16 v7, v6  }
0x8f: {  	v7 =	vld [tilespmem:s1+$0x9030];
	v0 =	vadd.bf16 v0, v5  }
0x90: {  	v5 =	vld [tilespmem:s0+$0x9070];
	[tilespmem:s4+$0xB0] =	vst v6  }
0x91: {  	[tilespmem:s4+$0x20] =	vst v0;
	v0 =	vld [tilespmem:s16+$0x40]  }
0x92: {  	v2 =	vadd.bf16 v2, v3;
	v3 =	vld [tilespmem:s18+$0x9040]  }
0x93: {  	v6 =	vld [tilespmem:s22+$0x9030]  }
0x94: {  	[tilespmem:s4+$0xFFFFFFB0] =	vst v2;
	v2 =	vld [tilespmem:s15+$0x30];
	v4 =	vadd.bf16 v7, v4  }
0x95: {  	s0 =	smov.u32 s5;
	v7 =	vld [tilespmem:s13+$0x40]  }
0x96: {  	s25 =	sor.u32 $0x40, s17;
	v1 =	vadd.bf16 v5, v1;
	[tilespmem:s4+$0xFFFFFF30] =	vst v4;
	v4 =	vld [tilespmem:s0+$0x9040]  }
0x97: {  	v5 =	vld [tilespmem:s25+$0x0];
	v0 =	vadd.bf16 v3, v0  }
0x98: {  	[tilespmem:s19+$0xFFFFFFF0] =	vst v1;
	v1 =	vld [tilespmem:s1+$0x9040]  }
0x99: {  	v3 =	vld [tilespmem:s20+$0x0];
	v2 =	vadd.bf16 v6, v2;
	[tilespmem:s4+$0xC0] =	vst v0  }
0x9a: {  	v0 =	vld [tilespmem:s16+$0x50]  }
0x9b: {  	v4 =	vadd.bf16 v4, v7;
	[tilespmem:s4+$0x30] =	vst v2;
	v2 =	vld [tilespmem:s18+$0x9050]  }
0x9c: {  	v6 =	vld [tilespmem:s15+$0x40]  }
0x9d: {  	s24 =	sor.u32 $0x50, s26;
	v1 =	vadd.bf16 v1, v5;
	[tilespmem:s4+$0xFFFFFFC0] =	vst v4;
	v4 =	vld [tilespmem:s22+$0x9040]  }
0x9e: {  	v5 =	vld [tilespmem:s24+$0x0]  }
0x9f: {  	s14 =	sor.u32 $0x50, s17;
	[tilespmem:s4+$0xFFFFFF40] =	vst v1;
	v1 =	vld [tilespmem:s0+$0x9050]  }
0xa0: {  	v7 =	vld [tilespmem:s14+$0x0];
	v0 =	vadd.bf16 v2, v0  }
0xa1: {  	v8 =	vld [tilespmem:s1+$0x9050]  }
0xa2: {  	v2 =	vadd.bf16 v4, v6;
	[tilespmem:s4+$0xD0] =	vst v0;
	v6 =	vld [tilespmem:s6+$0x9070]  }
0xa3: {  	s9 =	sadd.s32 $0x4, s9;
	v9 =	vld [tilespmem:s16+$0x60]  }
0xa4: {  	p0 =	slt.u32 s9, $0x44;
	v0 =	vadd.bf16 v1, v5;
	v5 =	vld [tilespmem:s18+$0x9060];
	[tilespmem:s4+$0x40] =	vst v2  }
.Ltmp0:
0xa5: {  	s3 =	sor.u32 $0x60, s17;
	s6 =	smov.u32 s22;
	v2 =	vld [tilespmem:s15+$0x50];
	(pc) =	sbr.rel @p0 .LBB2_2-.Ltmp0, $4  }
0xa6: {  	s10 =	sadd.s32 $0x200, s10;
	[dreg:$0x7] =	wrdreg s3;
	s12 =	sor.u32 $0x60, s2;
	v1 =	vadd.bf16 v8, v7;
	[tilespmem:s4+$0xFFFFFFD0] =	vst v0;
	v4 =	vld [tilespmem:s6+$0x9050]  }
0xa7: {  	s3 =	sor.u32 $0x70, s17;
	s31 =	sor.u32 $0x70, s26;
	s2 =	sor.u32 $0x70, s2;
	v0 =	vld [tilespmem:s13+$0x60];
	v6 =	vadd.bf16 v6, v3  }
0xa8: {  	s8 =	smov.u32 s12;
	s21 =	smov.u32 s31;
	s31 =	rddreg [dreg:$0x7];
	[tilespmem:s4+$0xFFFFFF50] =	vst v1;
	v3 =	vld [tilespmem:s0+$0x9060]  }
0xa9: {  	s28 =	smov.u32 s3;
	s20 =	smov.u32 s2;
	v1 =	vld [tilespmem:s31+$0x0];
	v5 =	vadd.bf16 v5, v9;
	[tilespmem:s19+$0x70] =	vst v6;
	s19 =	smov.u32 s4  }
0xaa: {  	_ = 	snop  }
0xab: {  	v6 =	vld [tilespmem:s1+$0x9060];
	v2 =	vadd.bf16 v4, v2;
	_ =	sdelay $0x1  }
0xac: {  	[tilespmem:s4+$0x50] =	vst v2  }
0xad: {  	v2 =	vld [tilespmem:s8+$0x0]  }
0xae: {  	v4 =	vld [tilespmem:s6+$0x9060]  }
0xaf: {  	s2 =	sor.u32 $0x70, s23;
	[tilespmem:s4+$0xE0] =	vst v5;
	v1 =	vadd.bf16 v6, v1  }
0xb0: {  	v5 =	vld [tilespmem:s2+$0x0]  }
0xb1: {  	v0 =	vadd.bf16 v3, v0;
	v3 =	vld [tilespmem:s18+$0x9070];
	[tilespmem:s4+$0xFFFFFF60] =	vst v1  }
0xb2: {  	v1 =	vld [tilespmem:s28+$0x0]  }
0xb3: {  	[tilespmem:s4+$0xFFFFFFE0] =	vst v0;
	v0 =	vadd.bf16 v4, v2;
	v2 =	vld [tilespmem:s1+$0x9070]  }
0xb4: {  	v4 =	vld [tilespmem:s21+$0x0]  }
0xb5: {  	[tilespmem:s19+$0x60] =	vst v0;
	v0 =	vld [tilespmem:s0+$0x9070]  }
0xb6: {  	v6 =	vld [tilespmem:s20+$0x0]  }
0xb7: {  	v7 =	vld [tilespmem:s6+$0x9070];
	_ =	sdelay $0x1  }
0xb8: {  	v3 =	vadd.bf16 v3, v5  }
0xb9: {  	v1 =	vadd.bf16 v2, v1  }
0xba: {  	[tilespmem:s19+$0xF0] =	vst v3;
	v0 =	vadd.bf16 v0, v4  }
0xbb: {  	[tilespmem:s19+$0xFFFFFF70] =	vst v1;
	v1 =	vadd.bf16 v7, v6  }
0xbc: {  	[tilespmem:s19+$0xFFFFFFF0] =	vst v0  }
0xbd: {  	[tilespmem:s19+$0x70] =	vst v1  }
0xbe: {  	s10 =	simm.s32 $0x0;
	s29 =	simm.s32 $0x15400;
	s28 =	rddreg [dreg:$0x9]  }
0xbf: {  	[hbm4b:s28+s10] =	stream.linear.scatter [tilespmem:s29], [sflag:$0x6], $0x2400, $0x38;
	[tilespmem:$0x1B800] =	vst v63  }
0xc0: {  	s30 =	rddreg [dreg:$0xa]  }
0xc1: {  	[hbm4b:s30+s10] =	stream.linear.scatter [tilespmem:s29], [sflag:$0x6], $0x2400, $0x38;
	[tilespmem:$0x1B800] =	vst v63  }
0xc2: {  	s31 =	simm.s32 $0xD500;
	v0 =	vld [tilespmem:s11+$0x9400]  }
0xc3: {  	v1 =	vld [tilespmem:s31+$0x80];
	_ =	sdelay $0x2  }
0xc4: {  	v2 =	vld [tilespmem:s31+$0xFFFFFF00];
	_ =	sdelay $0x1  }
0xc5: {  	v3 =	vld [tilespmem:s31+$0xFFFFFF80];
	v1 =	vadd.bf16 v1, v0  }
0xc6: {  	s0 =	simm.s32 $0x17900  }
0xc7: {  	v4 =	vld [tilespmem:s31+$0x0];
	[tilespmem:s0+$0x80] =	vst v1  }
0xc8: {  	v1 =	vadd.bf16 v2, v0;
	v2 =	vld [tilespmem:s11+$0x9410]  }
0xc9: {  	v5 =	vld [tilespmem:s31+$0x90]  }
0xca: {  	v3 =	vadd.bf16 v3, v0;
	[tilespmem:s0+$0xFFFFFF00] =	vst v1  }
0xcb: {  	v1 =	vld [tilespmem:s11+$0x9410]  }
0xcc: {  	v0 =	vadd.bf16 v4, v0;
	[tilespmem:s0+$0xFFFFFF80] =	vst v3;
	v3 =	vld [tilespmem:s31+$0xFFFFFF10]  }
0xcd: {  	v4 =	vld [tilespmem:s11+$0x9410]  }
0xce: {  	[tilespmem:s0+$0x0] =	vst v0;
	v0 =	vld [tilespmem:s31+$0xFFFFFF90];
	v2 =	vadd.bf16 v5, v2  }
0xcf: {  	v6 =	vld [tilespmem:s31+$0x10]  }
0xd0: {  	v5 =	vld [tilespmem:s11+$0x9410];
	[tilespmem:s0+$0x90] =	vst v2  }
0xd1: {  	v1 =	vadd.bf16 v3, v1;
	v2 =	vld [tilespmem:s11+$0x9420]  }
0xd2: {  	v3 =	vld [tilespmem:s31+$0xA0]  }
0xd3: {  	v0 =	vadd.bf16 v0, v4;
	[tilespmem:s0+$0xFFFFFF10] =	vst v1  }
0xd4: {  	v1 =	vld [tilespmem:s11+$0x9420]  }
0xd5: {  	[tilespmem:s0+$0xFFFFFF90] =	vst v0;
	v4 =	vld [tilespmem:s31+$0xFFFFFF20];
	v0 =	vadd.bf16 v6, v5  }
0xd6: {  	v5 =	vld [tilespmem:s11+$0x9420]  }
0xd7: {  	v6 =	vld [tilespmem:s31+$0xFFFFFFA0];
	[tilespmem:s0+$0x10] =	vst v0;
	v0 =	vadd.bf16 v3, v2  }
0xd8: {  	v2 =	vld [tilespmem:s11+$0x9420]  }
0xd9: {  	v3 =	vld [tilespmem:s31+$0x20];
	[tilespmem:s0+$0xA0] =	vst v0  }
0xda: {  	v0 =	vadd.bf16 v4, v1;
	v1 =	vld [tilespmem:s11+$0x9430]  }
0xdb: {  	v4 =	vld [tilespmem:s31+$0xB0]  }
0xdc: {  	[tilespmem:s0+$0xFFFFFF20] =	vst v0;
	v0 =	vadd.bf16 v6, v5  }
0xdd: {  	v5 =	vld [tilespmem:s11+$0x9430]  }
0xde: {  	v6 =	vld [tilespmem:s31+$0xFFFFFF30];
	[tilespmem:s0+$0xFFFFFFA0] =	vst v0;
	v0 =	vadd.bf16 v3, v2  }
0xdf: {  	v2 =	vld [tilespmem:s11+$0x9430]  }
0xe0: {  	v3 =	vld [tilespmem:s31+$0xFFFFFFB0];
	[tilespmem:s0+$0x20] =	vst v0;
	v0 =	vadd.bf16 v4, v1  }
0xe1: {  	v1 =	vld [tilespmem:s11+$0x9430]  }
0xe2: {  	v4 =	vld [tilespmem:s31+$0x30];
	[tilespmem:s0+$0xB0] =	vst v0  }
0xe3: {  	v0 =	vadd.bf16 v6, v5;
	v5 =	vld [tilespmem:s11+$0x9440]  }
0xe4: {  	v6 =	vld [tilespmem:s31+$0xC0]  }
0xe5: {  	[tilespmem:s0+$0xFFFFFF30] =	vst v0;
	v0 =	vadd.bf16 v3, v2  }
0xe6: {  	v2 =	vld [tilespmem:s11+$0x9440]  }
0xe7: {  	v3 =	vld [tilespmem:s31+$0xFFFFFF40];
	[tilespmem:s0+$0xFFFFFFB0] =	vst v0;
	v0 =	vadd.bf16 v4, v1  }
0xe8: {  	v1 =	vld [tilespmem:s11+$0x9440]  }
0xe9: {  	v4 =	vld [tilespmem:s31+$0xFFFFFFC0];
	[tilespmem:s0+$0x30] =	vst v0;
	v0 =	vadd.bf16 v6, v5  }
0xea: {  	v5 =	vld [tilespmem:s11+$0x9440]  }
0xeb: {  	v6 =	vld [tilespmem:s31+$0x40];
	[tilespmem:s0+$0xC0] =	vst v0  }
0xec: {  	v0 =	vadd.bf16 v3, v2;
	v2 =	vld [tilespmem:s11+$0x9450]  }
0xed: {  	s3 =	simm.s32 $0xD700;
	v3 =	vld [tilespmem:s31+$0xD0]  }
0xee: {  	v8 =	vld [tilespmem:s3+$0x80];
	[tilespmem:s0+$0xFFFFFF40] =	vst v0;
	v0 =	vadd.bf16 v4, v1  }
0xef: {  	v1 =	vld [tilespmem:s11+$0x9450]  }
0xf0: {  	v4 =	vld [tilespmem:s31+$0xFFFFFF50];
	[tilespmem:s0+$0xFFFFFFC0] =	vst v0  }
0xf1: {  	v0 =	vadd.bf16 v6, v5;
	v5 =	vld [tilespmem:s11+$0x9450]  }
0xf2: {  	v6 =	vld [tilespmem:s31+$0xFFFFFFD0];
	v2 =	vadd.bf16 v3, v2  }
0xf3: {  	v10 =	vld [tilespmem:s3+$0xFFFFFF80];
	[tilespmem:s0+$0x40] =	vst v0  }
0xf4: {  	v0 =	vld [tilespmem:s11+$0x9450];
	[tilespmem:s0+$0xD0] =	vst v2  }
0xf5: {  	v1 =	vadd.bf16 v4, v1;
	v2 =	vld [tilespmem:s11+$0x9460]  }
0xf6: {  	v3 =	vld [tilespmem:s31+$0xE0]  }
0xf7: {  	v4 =	vld [tilespmem:s31+$0x50];
	[tilespmem:s0+$0xFFFFFF50] =	vst v1;
	v1 =	vadd.bf16 v6, v5  }
0xf8: {  	v5 =	vld [tilespmem:s11+$0x9460]  }
0xf9: {  	v6 =	vld [tilespmem:s31+$0xFFFFFF60];
	[tilespmem:s0+$0xFFFFFFD0] =	vst v1  }
0xfa: {  	v1 =	vld [tilespmem:s11+$0x9460]  }
0xfb: {  	v2 =	vadd.bf16 v3, v2;
	v3 =	vld [tilespmem:s11+$0x9400]  }
0xfc: {  	v7 =	vld [tilespmem:s31+$0xFFFFFFE0];
	v0 =	vadd.bf16 v4, v0  }
0xfd: {  	v4 =	vld [tilespmem:s3+$0xFFFFFF00]  }
0xfe: {  	[tilespmem:s0+$0x50] =	vst v0;
	v0 =	vld [tilespmem:s3+$0x0]  }
0xff: {  	v11 =	vld [tilespmem:s11+$0x9460]  }
0x100: {  	[tilespmem:s0+$0xE0] =	vst v2;
	v5 =	vadd.bf16 v6, v5;
	v6 =	vld [tilespmem:s31+$0x60];
	v8 =	vadd.bf16 v8, v3  }
0x101: {  	s1 =	simm.s32 $0x17B00;
	v2 =	vld [tilespmem:s11+$0x9470]  }
0x102: {  	v9 =	vld [tilespmem:s31+$0xF0];
	v4 =	vadd.bf16 v4, v3;
	[tilespmem:s1+$0x80] =	vst v8  }
0x103: {  	[tilespmem:s0+$0xFFFFFF60] =	vst v5;
	v8 =	vld [tilespmem:s11+$0x9410]  }
0x104: {  	v10 =	vadd.bf16 v10, v3;
	[tilespmem:s1+$0xFFFFFF00] =	vst v4;
	v5 =	vld [tilespmem:s3+$0x90]  }
0x105: {  	v12 =	vld [tilespmem:s11+$0x9410]  }
0x106: {  	v0 =	vadd.bf16 v0, v3;
	[tilespmem:s1+$0xFFFFFF80] =	vst v10;
	v3 =	vld [tilespmem:s3+$0xFFFFFF10]  }
0x107: {  	v10 =	vld [tilespmem:s11+$0x9410]  }
0x108: {  	[tilespmem:s1+$0x0] =	vst v0;
	v0 =	vld [tilespmem:s3+$0xFFFFFF90]  }
0x109: {  	v4 =	vld [tilespmem:s11+$0x9470];
	v5 =	vadd.bf16 v5, v8  }
0x10a: {  	v13 =	vld [tilespmem:s3+$0x10]  }
0x10b: {  	v8 =	vld [tilespmem:s11+$0x9410];
	v3 =	vadd.bf16 v3, v12;
	[tilespmem:s1+$0x90] =	vst v5  }
0x10c: {  	v5 =	vld [tilespmem:s11+$0x9420]  }
0x10d: {  	v0 =	vadd.bf16 v0, v10;
	[tilespmem:s1+$0xFFFFFF10] =	vst v3;
	v46 =	vld [tilespmem:s3+$0xA0]  }
0x10e: {  	v47 =	vld [tilespmem:s11+$0x9420]  }
0x10f: {  	[tilespmem:s1+$0xFFFFFF90] =	vst v0;
	v0 =	vld [tilespmem:s3+$0xFFFFFF20]  }
0x110: {  	v3 =	vld [tilespmem:s31+$0xFFFFFF70];
	v8 =	vadd.bf16 v13, v8  }
0x111: {  	v48 =	vld [tilespmem:s11+$0x9420]  }
0x112: {  	[tilespmem:s1+$0x10] =	vst v8;
	v8 =	vld [tilespmem:s3+$0xFFFFFFA0];
	v5 =	vadd.bf16 v46, v5  }
0x113: {  	v1 =	vadd.bf16 v7, v1;
	v49 =	vld [tilespmem:s11+$0x9420]  }
0x114: {  	v7 =	vld [tilespmem:s3+$0x20];
	v0 =	vadd.bf16 v0, v47;
	[tilespmem:s1+$0xA0] =	vst v5  }
0x115: {  	[tilespmem:s0+$0xFFFFFFE0] =	vst v1;
	v5 =	vld [tilespmem:s11+$0x9430]  }
0x116: {  	[tilespmem:s1+$0xFFFFFF20] =	vst v0;
	v1 =	vld [tilespmem:s3+$0xB0]  }
0x117: {  	v50 =	vld [tilespmem:s11+$0x9430];
	v0 =	vadd.bf16 v8, v48  }
0x118: {  	v51 =	vld [tilespmem:s3+$0xFFFFFF30]  }
0x119: {  	v8 =	vld [tilespmem:s11+$0x9470];
	[tilespmem:s1+$0xFFFFFFA0] =	vst v0;
	v0 =	vadd.bf16 v7, v49  }
0x11a: {  	v7 =	vld [tilespmem:s11+$0x9430]  }
0x11b: {  	v52 =	vld [tilespmem:s3+$0xFFFFFFB0];
	[tilespmem:s1+$0x20] =	vst v0;
	v0 =	vadd.bf16 v1, v5  }
0x11c: {  	v1 =	vld [tilespmem:s11+$0x9430]  }
0x11d: {  	v5 =	vld [tilespmem:s3+$0x30];
	[tilespmem:s1+$0xB0] =	vst v0  }
0x11e: {  	v0 =	vadd.bf16 v51, v50;
	v53 =	vld [tilespmem:s11+$0x9440]  }
0x11f: {  	v54 =	vld [tilespmem:s3+$0xC0]  }
0x120: {  	[tilespmem:s1+$0xFFFFFF30] =	vst v0;
	v0 =	vadd.bf16 v52, v7;
	v7 =	vld [tilespmem:s31+$0xFFFFFFF0]  }
0x121: {  	v55 =	vld [tilespmem:s11+$0x9440]  }
0x122: {  	[tilespmem:s1+$0xFFFFFFB0] =	vst v0;
	v0 =	vld [tilespmem:s3+$0xFFFFFF40];
	v1 =	vadd.bf16 v5, v1  }
0x123: {  	v5 =	vld [tilespmem:s11+$0x9440]  }
0x124: {  	[tilespmem:s1+$0x30] =	vst v1;
	v1 =	vld [tilespmem:s3+$0xFFFFFFC0];
	v10 =	vadd.bf16 v54, v53  }
0x125: {  	v56 =	vld [tilespmem:s11+$0x9440]  }
0x126: {  	v6 =	vadd.bf16 v6, v11;
	v57 =	vld [tilespmem:s3+$0x40];
	[tilespmem:s1+$0xC0] =	vst v10  }
0x127: {  	v0 =	vadd.bf16 v0, v55;
	v58 =	vld [tilespmem:s11+$0x9450]  }
0x128: {  	[tilespmem:s0+$0x60] =	vst v6;
	v6 =	vld [tilespmem:s3+$0xD0]  }
0x129: {  	[tilespmem:s1+$0xFFFFFF40] =	vst v0;
	v1 =	vadd.bf16 v1, v5;
	v0 =	vld [tilespmem:s11+$0x9470]  }
0x12a: {  	v5 =	vld [tilespmem:s11+$0x9450]  }
0x12b: {  	v10 =	vadd.bf16 v57, v56;
	[tilespmem:s1+$0xFFFFFFC0] =	vst v1;
	v1 =	vld [tilespmem:s3+$0xFFFFFF50]  }
0x12c: {  	v59 =	vld [tilespmem:s11+$0x9450]  }
0x12d: {  	[tilespmem:s1+$0x40] =	vst v10;
	v60 =	vld [tilespmem:s3+$0xFFFFFFD0];
	v6 =	vadd.bf16 v6, v58  }
0x12e: {  	v61 =	vld [tilespmem:s11+$0x9450]  }
0x12f: {  	v2 =	vadd.bf16 v9, v2;
	[tilespmem:s1+$0xD0] =	vst v6;
	v6 =	vld [tilespmem:s3+$0x50]  }
0x130: {  	v62 =	vld [tilespmem:s11+$0x9460];
	v1 =	vadd.bf16 v1, v5  }
0x131: {  	[tilespmem:s0+$0xF0] =	vst v2;
	v2 =	vadd.bf16 v3, v4;
	v63 =	vld [tilespmem:s3+$0xE0]  }
0x132: {  	v4 =	vadd.bf16 v60, v59;
	[tilespmem:s1+$0xFFFFFF50] =	vst v1;
	v1 =	vld [tilespmem:s31+$0x70]  }
0x133: {  	[tilespmem:s0+$0xFFFFFF70] =	vst v2;
	v2 =	vadd.bf16 v7, v8;
	v3 =	vld [tilespmem:s11+$0x9460]  }
0x134: {  	[tilespmem:s1+$0xFFFFFFD0] =	vst v4;
	v5 =	vld [tilespmem:s3+$0xFFFFFF60];
	v6 =	vadd.bf16 v6, v61  }
0x135: {  	[tilespmem:s0+$0xFFFFFFF0] =	vst v2;
	v2 =	vld [tilespmem:s11+$0x9460]  }
0x136: {  	s5 =	simm.s32 $0x8;
	s4 =	simm.s32 $0xD700;
	s6 =	simm.s32 $0x4;
	v4 =	vld [tilespmem:s3+$0xFFFFFFE0];
	[tilespmem:s1+$0x50] =	vst v6;
	v6 =	vadd.bf16 v63, v62  }
.LBB2_4:
0x137: {  	v7 =	vld [tilespmem:s11+$0x9400];
	s3 =	sadd.s32 $0x200, s3;
	v0 =	vadd.bf16 v1, v0  }
0x138: {  	v1 =	vld [tilespmem:s3+$0x80];
	[tilespmem:s1+$0xE0] =	vst v6  }
0x139: {  	v3 =	vadd.bf16 v5, v3;
	v5 =	vld [tilespmem:s11+$0x9470];
	[tilespmem:s0+$0x70] =	vst v0;
	s0 =	smov.u32 s1  }
0x13a: {  	v0 =	vld [tilespmem:s4+$0xF0]  }
0x13b: {  	v6 =	vld [tilespmem:s3+$0xFFFFFF00];
	[tilespmem:s1+$0xFFFFFF60] =	vst v3;
	v2 =	vadd.bf16 v4, v2  }
0x13c: {  	v3 =	vld [tilespmem:s3+$0xFFFFFF80]  }
0x13d: {  	v4 =	vld [tilespmem:s3+$0x0];
	v1 =	vadd.bf16 v1, v7;
	[tilespmem:s1+$0xFFFFFFE0] =	vst v2  }
0x13e: {  	s1 =	sadd.s32 $0x200, s1;
	v2 =	vld [tilespmem:s11+$0x9460]  }
0x13f: {  	s6 =	sadd.s32 $0x4, s6;
	[tilespmem:s1+$0x80] =	vst v1;
	v1 =	vld [tilespmem:s4+$0x60];
	v0 =	vadd.bf16 v0, v5  }
0x140: {  	p0 =	slt.u32 s6, $0x7C;
	v5 =	vadd.bf16 v6, v7;
	v6 =	vld [tilespmem:s11+$0x9410]  }
0x141: {  	v3 =	vadd.bf16 v3, v7;
	v8 =	vld [tilespmem:s3+$0x90];
	[tilespmem:s0+$0xF0] =	vst v0  }
0x142: {  	[tilespmem:s1+$0xFFFFFF00] =	vst v5;
	v0 =	vadd.bf16 v4, v7;
	v4 =	vld [tilespmem:s11+$0x9470]  }
0x143: {  	v5 =	vld [tilespmem:s11+$0x9410];
	[tilespmem:s1+$0xFFFFFF80] =	vst v3  }
0x144: {  	v3 =	vld [tilespmem:s3+$0xFFFFFF10];
	[tilespmem:s1+$0x0] =	vst v0;
	v0 =	vadd.bf16 v1, v2  }
0x145: {  	v1 =	vld [tilespmem:s11+$0x9410]  }
0x146: {  	v2 =	vld [tilespmem:s3+$0xFFFFFF90];
	v6 =	vadd.bf16 v8, v6;
	[tilespmem:s0+$0x60] =	vst v0  }
0x147: {  	v0 =	vld [tilespmem:s11+$0x9410]  }
0x148: {  	v7 =	vld [tilespmem:s3+$0x10];
	[tilespmem:s1+$0x90] =	vst v6  }
0x149: {  	v3 =	vadd.bf16 v3, v5;
	v5 =	vld [tilespmem:s11+$0x9420]  }
0x14a: {  	v6 =	vld [tilespmem:s3+$0xA0]  }
0x14b: {  	[tilespmem:s1+$0xFFFFFF10] =	vst v3;
	v1 =	vadd.bf16 v2, v1;
	v2 =	vld [tilespmem:s4+$0xFFFFFF70]  }
0x14c: {  	v3 =	vld [tilespmem:s11+$0x9420]  }
0x14d: {  	v8 =	vld [tilespmem:s3+$0xFFFFFF20];
	[tilespmem:s1+$0xFFFFFF90] =	vst v1;
	v0 =	vadd.bf16 v7, v0  }
0x14e: {  	v1 =	vld [tilespmem:s11+$0x9420]  }
0x14f: {  	v7 =	vld [tilespmem:s3+$0xFFFFFFA0];
	[tilespmem:s1+$0x10] =	vst v0;
	v0 =	vadd.bf16 v6, v5  }
0x150: {  	v5 =	vld [tilespmem:s11+$0x9420];
	v2 =	vadd.bf16 v2, v4  }
0x151: {  	v4 =	vld [tilespmem:s3+$0x20];
	[tilespmem:s1+$0xA0] =	vst v0  }
0x152: {  	v0 =	vadd.bf16 v8, v3;
	v3 =	vld [tilespmem:s11+$0x9430];
	[tilespmem:s0+$0xFFFFFF70] =	vst v2  }
0x153: {  	v2 =	vld [tilespmem:s3+$0xB0]  }
0x154: {  	[tilespmem:s1+$0xFFFFFF20] =	vst v0;
	v0 =	vadd.bf16 v7, v1;
	v1 =	vld [tilespmem:s11+$0x9470]  }
0x155: {  	v6 =	vld [tilespmem:s11+$0x9430]  }
0x156: {  	v7 =	vld [tilespmem:s3+$0xFFFFFF30];
	[tilespmem:s1+$0xFFFFFFA0] =	vst v0;
	v0 =	vadd.bf16 v4, v5  }
0x157: {  	v4 =	vld [tilespmem:s11+$0x9430]  }
0x158: {  	v5 =	vld [tilespmem:s3+$0xFFFFFFB0];
	[tilespmem:s1+$0x20] =	vst v0;
	v0 =	vadd.bf16 v2, v3  }
0x159: {  	v2 =	vld [tilespmem:s11+$0x9430]  }
0x15a: {  	v3 =	vld [tilespmem:s3+$0x30];
	[tilespmem:s1+$0xB0] =	vst v0  }
0x15b: {  	v0 =	vadd.bf16 v7, v6;
	v6 =	vld [tilespmem:s11+$0x9440]  }
0x15c: {  	v7 =	vld [tilespmem:s3+$0xC0]  }
0x15d: {  	[tilespmem:s1+$0xFFFFFF30] =	vst v0;
	v0 =	vadd.bf16 v5, v4;
	v4 =	vld [tilespmem:s4+$0xFFFFFFF0]  }
0x15e: {  	v5 =	vld [tilespmem:s11+$0x9440]  }
0x15f: {  	v8 =	vld [tilespmem:s3+$0xFFFFFF40];
	[tilespmem:s1+$0xFFFFFFB0] =	vst v0;
	v0 =	vadd.bf16 v3, v2  }
0x160: {  	v2 =	vld [tilespmem:s11+$0x9440]  }
0x161: {  	v3 =	vld [tilespmem:s3+$0xFFFFFFC0];
	[tilespmem:s1+$0x30] =	vst v0;
	v0 =	vadd.bf16 v7, v6  }
0x162: {  	v6 =	vld [tilespmem:s11+$0x9440];
	v1 =	vadd.bf16 v4, v1  }
0x163: {  	v4 =	vld [tilespmem:s3+$0x40];
	[tilespmem:s1+$0xC0] =	vst v0  }
0x164: {  	v0 =	vadd.bf16 v8, v5;
	v5 =	vld [tilespmem:s11+$0x9450];
	[tilespmem:s0+$0xFFFFFFF0] =	vst v1  }
0x165: {  	v1 =	vld [tilespmem:s3+$0xD0]  }
0x166: {  	[tilespmem:s1+$0xFFFFFF40] =	vst v0;
	v2 =	vadd.bf16 v3, v2;
	v0 =	vld [tilespmem:s11+$0x9470]  }
0x167: {  	v3 =	vld [tilespmem:s11+$0x9450]  }
0x168: {  	v7 =	vld [tilespmem:s3+$0xFFFFFF50];
	[tilespmem:s1+$0xFFFFFFC0] =	vst v2;
	v2 =	vadd.bf16 v4, v6  }
0x169: {  	v4 =	vld [tilespmem:s11+$0x9450]  }
0x16a: {  	v6 =	vld [tilespmem:s3+$0xFFFFFFD0];
	[tilespmem:s1+$0x40] =	vst v2;
	v1 =	vadd.bf16 v1, v5  }
0x16b: {  	v2 =	vld [tilespmem:s11+$0x9450]  }
0x16c: {  	v8 =	vld [tilespmem:s3+$0x50];
	[tilespmem:s1+$0xD0] =	vst v1  }
0x16d: {  	v1 =	vadd.bf16 v7, v3;
	v7 =	vld [tilespmem:s11+$0x9460]  }
0x16e: {  	v9 =	vld [tilespmem:s3+$0xE0]  }
.Ltmp1:
0x16f: {  	[tilespmem:s1+$0xFFFFFF50] =	vst v1;
	v4 =	vadd.bf16 v6, v4;
	v1 =	vld [tilespmem:s4+$0x70];
	s4 =	smov.u32 s3;
	(pc) =	sbr.rel @p0 .LBB2_4-.Ltmp1, $4  }
0x170: {  	v3 =	vld [tilespmem:s11+$0x9460]  }
0x171: {  	v5 =	vld [tilespmem:s3+$0xFFFFFF60];
	[tilespmem:s1+$0xFFFFFFD0] =	vst v4;
	v6 =	vadd.bf16 v8, v2  }
0x172: {  	v2 =	vld [tilespmem:s11+$0x9460]  }
0x173: {  	v4 =	vld [tilespmem:s3+$0xFFFFFFE0];
	[tilespmem:s1+$0x50] =	vst v6;
	v6 =	vadd.bf16 v9, v7  }
0x174: {  	v7 =	vld [tilespmem:s11+$0x9460]  }
0x175: {  	v8 =	vld [tilespmem:s4+$0x60]  }
0x176: {  	[tilespmem:s1+$0xE0] =	vst v6;
	v3 =	vadd.bf16 v5, v3  }
0x177: {  	v5 =	vld [tilespmem:s11+$0x9470]  }
0x178: {  	v6 =	vld [tilespmem:s4+$0xF0];
	[tilespmem:s1+$0xFFFFFF60] =	vst v3;
	v2 =	vadd.bf16 v4, v2  }
0x179: {  	v3 =	vld [tilespmem:s11+$0x9470]  }
0x17a: {  	v4 =	vld [tilespmem:s4+$0xFFFFFF70];
	[tilespmem:s1+$0xFFFFFFE0] =	vst v2;
	v2 =	vadd.bf16 v8, v7  }
0x17b: {  	v7 =	vld [tilespmem:s11+$0x9470]  }
0x17c: {  	[tilespmem:s1+$0x60] =	vst v2;
	v2 =	vld [tilespmem:s4+$0xFFFFFFF0]  }
0x17d: {  	v8 =	vld [tilespmem:s11+$0x9470]  }
0x17e: {  	v9 =	vld [tilespmem:s4+$0x70]  }
0x17f: {  	v0 =	vadd.bf16 v1, v0  }
0x180: {  	v1 =	vadd.bf16 v6, v5  }
0x181: {  	[tilespmem:s0+$0x70] =	vst v0;
	v0 =	vadd.bf16 v4, v3  }
0x182: {  	[tilespmem:s1+$0xF0] =	vst v1;
	v1 =	vadd.bf16 v2, v7  }
0x183: {  	[tilespmem:s1+$0xFFFFFF70] =	vst v0;
	v0 =	vadd.bf16 v9, v8  }
0x184: {  	[tilespmem:s1+$0xFFFFFFF0] =	vst v1  }
0x185: {  	[tilespmem:s1+$0x70] =	vst v0  }
0x186: {  	s2 =	simm.s32 $0x17800;
	s0 =	rddreg [dreg:$0xb]  }
0x187: {  	[hbm4b:s0+s10] =	stream.linear.scatter [tilespmem:s2], [sflag:$0x8], $0x4000, $0x38;
	[tilespmem:$0x1B800] =	vst v63  }
0x188: {  	_ =	swait.ge [sflag:s5], $0x4000  }
0x189: {  	[sflag:s5] =	ssyncset.done $0x0  }
0x18a: {  	[sflag:s5] =	ssyncadd.s32 $0xFFFFC000  }
0x18b: {  	s31 =	simm.s32 $0xD500;
	v0 =	vld [tilespmem:s11+$0x9480]  }
0x18c: {  	v1 =	vld [tilespmem:s31+$0x80];
	_ =	sdelay $0x2  }
0x18d: {  	v2 =	vld [tilespmem:s31+$0xFFFFFF00];
	_ =	sdelay $0x1  }
0x18e: {  	v3 =	vld [tilespmem:s31+$0xFFFFFF80];
	v1 =	vadd.bf16 v1, v0  }
0x18f: {  	s0 =	simm.s32 $0x17900  }
0x190: {  	v4 =	vld [tilespmem:s31+$0x0];
	[tilespmem:s0+$0x80] =	vst v1  }
0x191: {  	v1 =	vadd.bf16 v2, v0;
	v2 =	vld [tilespmem:s11+$0x9490]  }
0x192: {  	v5 =	vld [tilespmem:s31+$0x90]  }
0x193: {  	v3 =	vadd.bf16 v3, v0;
	[tilespmem:s0+$0xFFFFFF00] =	vst v1  }
0x194: {  	v1 =	vld [tilespmem:s11+$0x9490]  }
0x195: {  	v0 =	vadd.bf16 v4, v0;
	[tilespmem:s0+$0xFFFFFF80] =	vst v3;
	v3 =	vld [tilespmem:s31+$0xFFFFFF10]  }
0x196: {  	v4 =	vld [tilespmem:s11+$0x9490]  }
0x197: {  	[tilespmem:s0+$0x0] =	vst v0;
	v0 =	vld [tilespmem:s31+$0xFFFFFF90];
	v2 =	vadd.bf16 v5, v2  }
0x198: {  	v6 =	vld [tilespmem:s31+$0x10]  }
0x199: {  	v5 =	vld [tilespmem:s11+$0x9490];
	[tilespmem:s0+$0x90] =	vst v2  }
0x19a: {  	v1 =	vadd.bf16 v3, v1;
	v2 =	vld [tilespmem:s11+$0x94A0]  }
0x19b: {  	v3 =	vld [tilespmem:s31+$0xA0]  }
0x19c: {  	v0 =	vadd.bf16 v0, v4;
	[tilespmem:s0+$0xFFFFFF10] =	vst v1  }
0x19d: {  	v1 =	vld [tilespmem:s11+$0x94A0]  }
0x19e: {  	[tilespmem:s0+$0xFFFFFF90] =	vst v0;
	v4 =	vld [tilespmem:s31+$0xFFFFFF20];
	v0 =	vadd.bf16 v6, v5  }
0x19f: {  	v5 =	vld [tilespmem:s11+$0x94A0]  }
0x1a0: {  	v6 =	vld [tilespmem:s31+$0xFFFFFFA0];
	[tilespmem:s0+$0x10] =	vst v0;
	v0 =	vadd.bf16 v3, v2  }
0x1a1: {  	v2 =	vld [tilespmem:s11+$0x94A0]  }
0x1a2: {  	v3 =	vld [tilespmem:s31+$0x20];
	[tilespmem:s0+$0xA0] =	vst v0  }
0x1a3: {  	v0 =	vadd.bf16 v4, v1;
	v1 =	vld [tilespmem:s11+$0x94B0]  }
0x1a4: {  	v4 =	vld [tilespmem:s31+$0xB0]  }
0x1a5: {  	[tilespmem:s0+$0xFFFFFF20] =	vst v0;
	v0 =	vadd.bf16 v6, v5  }
0x1a6: {  	v5 =	vld [tilespmem:s11+$0x94B0]  }
0x1a7: {  	v6 =	vld [tilespmem:s31+$0xFFFFFF30];
	[tilespmem:s0+$0xFFFFFFA0] =	vst v0;
	v0 =	vadd.bf16 v3, v2  }
0x1a8: {  	v2 =	vld [tilespmem:s11+$0x94B0]  }
0x1a9: {  	v3 =	vld [tilespmem:s31+$0xFFFFFFB0];
	[tilespmem:s0+$0x20] =	vst v0;
	v0 =	vadd.bf16 v4, v1  }
0x1aa: {  	v1 =	vld [tilespmem:s11+$0x94B0]  }
0x1ab: {  	v4 =	vld [tilespmem:s31+$0x30];
	[tilespmem:s0+$0xB0] =	vst v0  }
0x1ac: {  	v0 =	vadd.bf16 v6, v5;
	v5 =	vld [tilespmem:s11+$0x94C0]  }
0x1ad: {  	v6 =	vld [tilespmem:s31+$0xC0]  }
0x1ae: {  	[tilespmem:s0+$0xFFFFFF30] =	vst v0;
	v0 =	vadd.bf16 v3, v2  }
0x1af: {  	v2 =	vld [tilespmem:s11+$0x94C0]  }
0x1b0: {  	v3 =	vld [tilespmem:s31+$0xFFFFFF40];
	[tilespmem:s0+$0xFFFFFFB0] =	vst v0;
	v0 =	vadd.bf16 v4, v1  }
0x1b1: {  	v1 =	vld [tilespmem:s11+$0x94C0]  }
0x1b2: {  	v4 =	vld [tilespmem:s31+$0xFFFFFFC0];
	[tilespmem:s0+$0x30] =	vst v0;
	v0 =	vadd.bf16 v6, v5  }
0x1b3: {  	v5 =	vld [tilespmem:s11+$0x94C0]  }
0x1b4: {  	v6 =	vld [tilespmem:s31+$0x40];
	[tilespmem:s0+$0xC0] =	vst v0  }
0x1b5: {  	v0 =	vadd.bf16 v3, v2;
	v2 =	vld [tilespmem:s11+$0x94D0]  }
0x1b6: {  	s3 =	simm.s32 $0xD700;
	v3 =	vld [tilespmem:s31+$0xD0]  }
0x1b7: {  	v8 =	vld [tilespmem:s3+$0x80];
	[tilespmem:s0+$0xFFFFFF40] =	vst v0;
	v0 =	vadd.bf16 v4, v1  }
0x1b8: {  	v1 =	vld [tilespmem:s11+$0x94D0]  }
0x1b9: {  	v4 =	vld [tilespmem:s31+$0xFFFFFF50];
	[tilespmem:s0+$0xFFFFFFC0] =	vst v0  }
0x1ba: {  	v0 =	vadd.bf16 v6, v5;
	v5 =	vld [tilespmem:s11+$0x94D0]  }
0x1bb: {  	v6 =	vld [tilespmem:s31+$0xFFFFFFD0];
	v2 =	vadd.bf16 v3, v2  }
0x1bc: {  	v10 =	vld [tilespmem:s3+$0xFFFFFF80];
	[tilespmem:s0+$0x40] =	vst v0  }
0x1bd: {  	v0 =	vld [tilespmem:s11+$0x94D0];
	[tilespmem:s0+$0xD0] =	vst v2  }
0x1be: {  	v1 =	vadd.bf16 v4, v1;
	v2 =	vld [tilespmem:s11+$0x94E0]  }
0x1bf: {  	v3 =	vld [tilespmem:s31+$0xE0]  }
0x1c0: {  	v4 =	vld [tilespmem:s31+$0x50];
	[tilespmem:s0+$0xFFFFFF50] =	vst v1;
	v1 =	vadd.bf16 v6, v5  }
0x1c1: {  	v5 =	vld [tilespmem:s11+$0x94E0]  }
0x1c2: {  	v6 =	vld [tilespmem:s31+$0xFFFFFF60];
	[tilespmem:s0+$0xFFFFFFD0] =	vst v1  }
0x1c3: {  	v1 =	vld [tilespmem:s11+$0x94E0]  }
0x1c4: {  	v2 =	vadd.bf16 v3, v2;
	v3 =	vld [tilespmem:s11+$0x9480]  }
0x1c5: {  	v7 =	vld [tilespmem:s31+$0xFFFFFFE0];
	v0 =	vadd.bf16 v4, v0  }
0x1c6: {  	v4 =	vld [tilespmem:s3+$0xFFFFFF00]  }
0x1c7: {  	[tilespmem:s0+$0x50] =	vst v0;
	v0 =	vld [tilespmem:s3+$0x0]  }
0x1c8: {  	v11 =	vld [tilespmem:s11+$0x94E0]  }
0x1c9: {  	[tilespmem:s0+$0xE0] =	vst v2;
	v5 =	vadd.bf16 v6, v5;
	v6 =	vld [tilespmem:s31+$0x60];
	v8 =	vadd.bf16 v8, v3  }
0x1ca: {  	s1 =	simm.s32 $0x17B00;
	v2 =	vld [tilespmem:s11+$0x94F0]  }
0x1cb: {  	v45 =	vld [tilespmem:s31+$0xF0];
	v4 =	vadd.bf16 v4, v3;
	[tilespmem:s1+$0x80] =	vst v8  }
0x1cc: {  	[tilespmem:s0+$0xFFFFFF60] =	vst v5;
	v8 =	vld [tilespmem:s11+$0x9490]  }
0x1cd: {  	v10 =	vadd.bf16 v10, v3;
	[tilespmem:s1+$0xFFFFFF00] =	vst v4;
	v5 =	vld [tilespmem:s3+$0x90]  }
0x1ce: {  	v12 =	vld [tilespmem:s11+$0x9490]  }
0x1cf: {  	v0 =	vadd.bf16 v0, v3;
	[tilespmem:s1+$0xFFFFFF80] =	vst v10;
	v3 =	vld [tilespmem:s3+$0xFFFFFF10]  }
0x1d0: {  	v10 =	vld [tilespmem:s11+$0x9490]  }
0x1d1: {  	[tilespmem:s1+$0x0] =	vst v0;
	v0 =	vld [tilespmem:s3+$0xFFFFFF90]  }
0x1d2: {  	v4 =	vld [tilespmem:s11+$0x94F0];
	v5 =	vadd.bf16 v5, v8  }
0x1d3: {  	v13 =	vld [tilespmem:s3+$0x10]  }
0x1d4: {  	v8 =	vld [tilespmem:s11+$0x9490];
	v3 =	vadd.bf16 v3, v12;
	[tilespmem:s1+$0x90] =	vst v5  }
0x1d5: {  	v5 =	vld [tilespmem:s11+$0x94A0]  }
0x1d6: {  	v0 =	vadd.bf16 v0, v10;
	[tilespmem:s1+$0xFFFFFF10] =	vst v3;
	v46 =	vld [tilespmem:s3+$0xA0]  }
0x1d7: {  	v47 =	vld [tilespmem:s11+$0x94A0]  }
0x1d8: {  	[tilespmem:s1+$0xFFFFFF90] =	vst v0;
	v0 =	vld [tilespmem:s3+$0xFFFFFF20]  }
0x1d9: {  	v3 =	vld [tilespmem:s31+$0xFFFFFF70];
	v8 =	vadd.bf16 v13, v8  }
0x1da: {  	v48 =	vld [tilespmem:s11+$0x94A0]  }
0x1db: {  	[tilespmem:s1+$0x10] =	vst v8;
	v8 =	vld [tilespmem:s3+$0xFFFFFFA0];
	v5 =	vadd.bf16 v46, v5  }
0x1dc: {  	v1 =	vadd.bf16 v7, v1;
	v49 =	vld [tilespmem:s11+$0x94A0]  }
0x1dd: {  	v7 =	vld [tilespmem:s3+$0x20];
	v0 =	vadd.bf16 v0, v47;
	[tilespmem:s1+$0xA0] =	vst v5  }
0x1de: {  	[tilespmem:s0+$0xFFFFFFE0] =	vst v1;
	v5 =	vld [tilespmem:s11+$0x94B0]  }
0x1df: {  	[tilespmem:s1+$0xFFFFFF20] =	vst v0;
	v1 =	vld [tilespmem:s3+$0xB0]  }
0x1e0: {  	v50 =	vld [tilespmem:s11+$0x94B0];
	v0 =	vadd.bf16 v8, v48  }
0x1e1: {  	v51 =	vld [tilespmem:s3+$0xFFFFFF30]  }
0x1e2: {  	v8 =	vld [tilespmem:s11+$0x94F0];
	[tilespmem:s1+$0xFFFFFFA0] =	vst v0;
	v0 =	vadd.bf16 v7, v49  }
0x1e3: {  	v7 =	vld [tilespmem:s11+$0x94B0]  }
0x1e4: {  	v52 =	vld [tilespmem:s3+$0xFFFFFFB0];
	[tilespmem:s1+$0x20] =	vst v0;
	v0 =	vadd.bf16 v1, v5  }
0x1e5: {  	v1 =	vld [tilespmem:s11+$0x94B0]  }
0x1e6: {  	v5 =	vld [tilespmem:s3+$0x30];
	[tilespmem:s1+$0xB0] =	vst v0  }
0x1e7: {  	v0 =	vadd.bf16 v51, v50;
	v53 =	vld [tilespmem:s11+$0x94C0]  }
0x1e8: {  	v54 =	vld [tilespmem:s3+$0xC0]  }
0x1e9: {  	[tilespmem:s1+$0xFFFFFF30] =	vst v0;
	v0 =	vadd.bf16 v52, v7;
	v7 =	vld [tilespmem:s31+$0xFFFFFFF0]  }
0x1ea: {  	v55 =	vld [tilespmem:s11+$0x94C0]  }
0x1eb: {  	[tilespmem:s1+$0xFFFFFFB0] =	vst v0;
	v0 =	vld [tilespmem:s3+$0xFFFFFF40];
	v1 =	vadd.bf16 v5, v1  }
0x1ec: {  	v5 =	vld [tilespmem:s11+$0x94C0]  }
0x1ed: {  	[tilespmem:s1+$0x30] =	vst v1;
	v1 =	vld [tilespmem:s3+$0xFFFFFFC0];
	v10 =	vadd.bf16 v54, v53  }
0x1ee: {  	v56 =	vld [tilespmem:s11+$0x94C0]  }
0x1ef: {  	v6 =	vadd.bf16 v6, v11;
	v57 =	vld [tilespmem:s3+$0x40];
	[tilespmem:s1+$0xC0] =	vst v10  }
0x1f0: {  	v0 =	vadd.bf16 v0, v55;
	v58 =	vld [tilespmem:s11+$0x94D0]  }
0x1f1: {  	[tilespmem:s0+$0x60] =	vst v6;
	v6 =	vld [tilespmem:s3+$0xD0]  }
0x1f2: {  	[tilespmem:s1+$0xFFFFFF40] =	vst v0;
	v1 =	vadd.bf16 v1, v5;
	v0 =	vld [tilespmem:s11+$0x94F0]  }
0x1f3: {  	v5 =	vld [tilespmem:s11+$0x94D0]  }
0x1f4: {  	v10 =	vadd.bf16 v57, v56;
	[tilespmem:s1+$0xFFFFFFC0] =	vst v1;
	v1 =	vld [tilespmem:s3+$0xFFFFFF50]  }
0x1f5: {  	v59 =	vld [tilespmem:s11+$0x94D0]  }
0x1f6: {  	[tilespmem:s1+$0x40] =	vst v10;
	v60 =	vld [tilespmem:s3+$0xFFFFFFD0];
	v6 =	vadd.bf16 v6, v58  }
0x1f7: {  	v61 =	vld [tilespmem:s11+$0x94D0]  }
0x1f8: {  	v2 =	vadd.bf16 v45, v2;
	[tilespmem:s1+$0xD0] =	vst v6;
	v6 =	vld [tilespmem:s3+$0x50]  }
0x1f9: {  	v62 =	vld [tilespmem:s11+$0x94E0];
	v1 =	vadd.bf16 v1, v5  }
0x1fa: {  	[tilespmem:s0+$0xF0] =	vst v2;
	v2 =	vadd.bf16 v3, v4;
	v63 =	vld [tilespmem:s3+$0xE0]  }
0x1fb: {  	v4 =	vadd.bf16 v60, v59;
	[tilespmem:s1+$0xFFFFFF50] =	vst v1;
	v1 =	vld [tilespmem:s31+$0x70]  }
0x1fc: {  	[tilespmem:s0+$0xFFFFFF70] =	vst v2;
	v2 =	vadd.bf16 v7, v8;
	v3 =	vld [tilespmem:s11+$0x94E0]  }
0x1fd: {  	[tilespmem:s1+$0xFFFFFFD0] =	vst v4;
	v5 =	vld [tilespmem:s3+$0xFFFFFF60];
	v6 =	vadd.bf16 v6, v61  }
0x1fe: {  	[tilespmem:s0+$0xFFFFFFF0] =	vst v2;
	v2 =	vld [tilespmem:s11+$0x94E0]  }
0x1ff: {  	s6 =	simm.s32 $0x4;
	s4 =	simm.s32 $0xD700;
	v4 =	vld [tilespmem:s3+$0xFFFFFFE0];
	[tilespmem:s1+$0x50] =	vst v6;
	v6 =	vadd.bf16 v63, v62  }
.LBB2_6:
0x200: {  	v7 =	vld [tilespmem:s11+$0x9480];
	s3 =	sadd.s32 $0x200, s3;
	v0 =	vadd.bf16 v1, v0  }
0x201: {  	v1 =	vld [tilespmem:s3+$0x80];
	[tilespmem:s1+$0xE0] =	vst v6  }
0x202: {  	v3 =	vadd.bf16 v5, v3;
	v5 =	vld [tilespmem:s11+$0x94F0];
	[tilespmem:s0+$0x70] =	vst v0;
	s0 =	smov.u32 s1  }
0x203: {  	v0 =	vld [tilespmem:s4+$0xF0]  }
0x204: {  	v6 =	vld [tilespmem:s3+$0xFFFFFF00];
	[tilespmem:s1+$0xFFFFFF60] =	vst v3;
	v2 =	vadd.bf16 v4, v2  }
0x205: {  	v3 =	vld [tilespmem:s3+$0xFFFFFF80]  }
0x206: {  	v4 =	vld [tilespmem:s3+$0x0];
	v1 =	vadd.bf16 v1, v7;
	[tilespmem:s1+$0xFFFFFFE0] =	vst v2  }
0x207: {  	s1 =	sadd.s32 $0x200, s1;
	v2 =	vld [tilespmem:s11+$0x94E0]  }
0x208: {  	s6 =	sadd.s32 $0x4, s6;
	[tilespmem:s1+$0x80] =	vst v1;
	v1 =	vld [tilespmem:s4+$0x60];
	v0 =	vadd.bf16 v0, v5  }
0x209: {  	p0 =	slt.u32 s6, $0x7C;
	v5 =	vadd.bf16 v6, v7;
	v6 =	vld [tilespmem:s11+$0x9490]  }
0x20a: {  	v3 =	vadd.bf16 v3, v7;
	v8 =	vld [tilespmem:s3+$0x90];
	[tilespmem:s0+$0xF0] =	vst v0  }
0x20b: {  	[tilespmem:s1+$0xFFFFFF00] =	vst v5;
	v0 =	vadd.bf16 v4, v7;
	v4 =	vld [tilespmem:s11+$0x94F0]  }
0x20c: {  	v5 =	vld [tilespmem:s11+$0x9490];
	[tilespmem:s1+$0xFFFFFF80] =	vst v3  }
0x20d: {  	v3 =	vld [tilespmem:s3+$0xFFFFFF10];
	[tilespmem:s1+$0x0] =	vst v0;
	v0 =	vadd.bf16 v1, v2  }
0x20e: {  	v1 =	vld [tilespmem:s11+$0x9490]  }
0x20f: {  	v2 =	vld [tilespmem:s3+$0xFFFFFF90];
	v6 =	vadd.bf16 v8, v6;
	[tilespmem:s0+$0x60] =	vst v0  }
0x210: {  	v0 =	vld [tilespmem:s11+$0x9490]  }
0x211: {  	v7 =	vld [tilespmem:s3+$0x10];
	[tilespmem:s1+$0x90] =	vst v6  }
0x212: {  	v3 =	vadd.bf16 v3, v5;
	v5 =	vld [tilespmem:s11+$0x94A0]  }
0x213: {  	v6 =	vld [tilespmem:s3+$0xA0]  }
0x214: {  	[tilespmem:s1+$0xFFFFFF10] =	vst v3;
	v1 =	vadd.bf16 v2, v1;
	v2 =	vld [tilespmem:s4+$0xFFFFFF70]  }
0x215: {  	v3 =	vld [tilespmem:s11+$0x94A0]  }
0x216: {  	v8 =	vld [tilespmem:s3+$0xFFFFFF20];
	[tilespmem:s1+$0xFFFFFF90] =	vst v1;
	v0 =	vadd.bf16 v7, v0  }
0x217: {  	v1 =	vld [tilespmem:s11+$0x94A0]  }
0x218: {  	v7 =	vld [tilespmem:s3+$0xFFFFFFA0];
	[tilespmem:s1+$0x10] =	vst v0;
	v0 =	vadd.bf16 v6, v5  }
0x219: {  	v5 =	vld [tilespmem:s11+$0x94A0];
	v2 =	vadd.bf16 v2, v4  }
0x21a: {  	v4 =	vld [tilespmem:s3+$0x20];
	[tilespmem:s1+$0xA0] =	vst v0  }
0x21b: {  	v0 =	vadd.bf16 v8, v3;
	v3 =	vld [tilespmem:s11+$0x94B0];
	[tilespmem:s0+$0xFFFFFF70] =	vst v2  }
0x21c: {  	v2 =	vld [tilespmem:s3+$0xB0]  }
0x21d: {  	[tilespmem:s1+$0xFFFFFF20] =	vst v0;
	v0 =	vadd.bf16 v7, v1;
	v1 =	vld [tilespmem:s11+$0x94F0]  }
0x21e: {  	v6 =	vld [tilespmem:s11+$0x94B0]  }
0x21f: {  	v7 =	vld [tilespmem:s3+$0xFFFFFF30];
	[tilespmem:s1+$0xFFFFFFA0] =	vst v0;
	v0 =	vadd.bf16 v4, v5  }
0x220: {  	v4 =	vld [tilespmem:s11+$0x94B0]  }
0x221: {  	v5 =	vld [tilespmem:s3+$0xFFFFFFB0];
	[tilespmem:s1+$0x20] =	vst v0;
	v0 =	vadd.bf16 v2, v3  }
0x222: {  	v2 =	vld [tilespmem:s11+$0x94B0]  }
0x223: {  	v3 =	vld [tilespmem:s3+$0x30];
	[tilespmem:s1+$0xB0] =	vst v0  }
0x224: {  	v0 =	vadd.bf16 v7, v6;
	v6 =	vld [tilespmem:s11+$0x94C0]  }
0x225: {  	v7 =	vld [tilespmem:s3+$0xC0]  }
0x226: {  	[tilespmem:s1+$0xFFFFFF30] =	vst v0;
	v0 =	vadd.bf16 v5, v4;
	v4 =	vld [tilespmem:s4+$0xFFFFFFF0]  }
0x227: {  	v5 =	vld [tilespmem:s11+$0x94C0]  }
0x228: {  	v8 =	vld [tilespmem:s3+$0xFFFFFF40];
	[tilespmem:s1+$0xFFFFFFB0] =	vst v0;
	v0 =	vadd.bf16 v3, v2  }
0x229: {  	v2 =	vld [tilespmem:s11+$0x94C0]  }
0x22a: {  	v3 =	vld [tilespmem:s3+$0xFFFFFFC0];
	[tilespmem:s1+$0x30] =	vst v0;
	v0 =	vadd.bf16 v7, v6  }
0x22b: {  	v6 =	vld [tilespmem:s11+$0x94C0];
	v1 =	vadd.bf16 v4, v1  }
0x22c: {  	v4 =	vld [tilespmem:s3+$0x40];
	[tilespmem:s1+$0xC0] =	vst v0  }
0x22d: {  	v0 =	vadd.bf16 v8, v5;
	v5 =	vld [tilespmem:s11+$0x94D0];
	[tilespmem:s0+$0xFFFFFFF0] =	vst v1  }
0x22e: {  	v1 =	vld [tilespmem:s3+$0xD0]  }
0x22f: {  	[tilespmem:s1+$0xFFFFFF40] =	vst v0;
	v2 =	vadd.bf16 v3, v2;
	v0 =	vld [tilespmem:s11+$0x94F0]  }
0x230: {  	v3 =	vld [tilespmem:s11+$0x94D0]  }
0x231: {  	v7 =	vld [tilespmem:s3+$0xFFFFFF50];
	[tilespmem:s1+$0xFFFFFFC0] =	vst v2;
	v2 =	vadd.bf16 v4, v6  }
0x232: {  	v4 =	vld [tilespmem:s11+$0x94D0]  }
0x233: {  	v6 =	vld [tilespmem:s3+$0xFFFFFFD0];
	[tilespmem:s1+$0x40] =	vst v2;
	v1 =	vadd.bf16 v1, v5  }
0x234: {  	v2 =	vld [tilespmem:s11+$0x94D0]  }
0x235: {  	v8 =	vld [tilespmem:s3+$0x50];
	[tilespmem:s1+$0xD0] =	vst v1  }
0x236: {  	v1 =	vadd.bf16 v7, v3;
	v7 =	vld [tilespmem:s11+$0x94E0]  }
0x237: {  	v9 =	vld [tilespmem:s3+$0xE0]  }
.Ltmp2:
0x238: {  	[tilespmem:s1+$0xFFFFFF50] =	vst v1;
	v4 =	vadd.bf16 v6, v4;
	v1 =	vld [tilespmem:s4+$0x70];
	s4 =	smov.u32 s3;
	(pc) =	sbr.rel @p0 .LBB2_6-.Ltmp2, $4  }
0x239: {  	v3 =	vld [tilespmem:s11+$0x94E0]  }
0x23a: {  	v5 =	vld [tilespmem:s3+$0xFFFFFF60];
	[tilespmem:s1+$0xFFFFFFD0] =	vst v4;
	v6 =	vadd.bf16 v8, v2  }
0x23b: {  	v2 =	vld [tilespmem:s11+$0x94E0]  }
0x23c: {  	v4 =	vld [tilespmem:s3+$0xFFFFFFE0];
	[tilespmem:s1+$0x50] =	vst v6;
	v6 =	vadd.bf16 v9, v7  }
0x23d: {  	v7 =	vld [tilespmem:s11+$0x94E0]  }
0x23e: {  	v8 =	vld [tilespmem:s4+$0x60]  }
0x23f: {  	[tilespmem:s1+$0xE0] =	vst v6;
	v3 =	vadd.bf16 v5, v3  }
0x240: {  	v5 =	vld [tilespmem:s11+$0x94F0]  }
0x241: {  	v6 =	vld [tilespmem:s4+$0xF0];
	[tilespmem:s1+$0xFFFFFF60] =	vst v3;
	v2 =	vadd.bf16 v4, v2  }
0x242: {  	v3 =	vld [tilespmem:s11+$0x94F0]  }
0x243: {  	v4 =	vld [tilespmem:s4+$0xFFFFFF70];
	[tilespmem:s1+$0xFFFFFFE0] =	vst v2;
	v2 =	vadd.bf16 v8, v7  }
0x244: {  	v7 =	vld [tilespmem:s11+$0x94F0]  }
0x245: {  	[tilespmem:s1+$0x60] =	vst v2;
	v2 =	vld [tilespmem:s4+$0xFFFFFFF0]  }
0x246: {  	v8 =	vld [tilespmem:s11+$0x94F0]  }
0x247: {  	v9 =	vld [tilespmem:s4+$0x70]  }
0x248: {  	v0 =	vadd.bf16 v1, v0  }
0x249: {  	v1 =	vadd.bf16 v6, v5  }
0x24a: {  	[tilespmem:s0+$0x70] =	vst v0;
	v0 =	vadd.bf16 v4, v3  }
0x24b: {  	[tilespmem:s1+$0xF0] =	vst v1;
	v1 =	vadd.bf16 v2, v7  }
0x24c: {  	[tilespmem:s1+$0xFFFFFF70] =	vst v0;
	v0 =	vadd.bf16 v9, v8  }
0x24d: {  	[tilespmem:s1+$0xFFFFFFF0] =	vst v1  }
0x24e: {  	[tilespmem:s1+$0x70] =	vst v0  }
0x24f: {  	s0 =	rddreg [dreg:$0xc]  }
0x250: {  	[hbm4b:s0+s10] =	stream.linear.scatter [tilespmem:s2], [sflag:$0x8], $0x4000, $0x38;
	[tilespmem:$0x1B800] =	vst v63  }
0x251: {  	_ =	swait.ge [sflag:s5], $0x4000  }
0x252: {  	[sflag:s5] =	ssyncset.done $0x0  }
0x253: {  	[sflag:s5] =	ssyncadd.s32 $0xFFFFC000  }
0x254: {  	s31 =	simm.s32 $0xD500;
	v0 =	vld [tilespmem:s11+$0x9500]  }
0x255: {  	v1 =	vld [tilespmem:s31+$0x80];
	_ =	sdelay $0x2  }
0x256: {  	v2 =	vld [tilespmem:s31+$0xFFFFFF00];
	_ =	sdelay $0x1  }
0x257: {  	v3 =	vld [tilespmem:s31+$0xFFFFFF80];
	v1 =	vadd.bf16 v1, v0  }
0x258: {  	s0 =	simm.s32 $0x17900  }
0x259: {  	v4 =	vld [tilespmem:s31+$0x0];
	[tilespmem:s0+$0x80] =	vst v1  }
0x25a: {  	v1 =	vadd.bf16 v2, v0;
	v2 =	vld [tilespmem:s11+$0x9510]  }
0x25b: {  	v5 =	vld [tilespmem:s31+$0x90]  }
0x25c: {  	v3 =	vadd.bf16 v3, v0;
	[tilespmem:s0+$0xFFFFFF00] =	vst v1  }
0x25d: {  	v1 =	vld [tilespmem:s11+$0x9510]  }
0x25e: {  	v0 =	vadd.bf16 v4, v0;
	[tilespmem:s0+$0xFFFFFF80] =	vst v3;
	v3 =	vld [tilespmem:s31+$0xFFFFFF10]  }
0x25f: {  	v4 =	vld [tilespmem:s11+$0x9510]  }
0x260: {  	[tilespmem:s0+$0x0] =	vst v0;
	v0 =	vld [tilespmem:s31+$0xFFFFFF90];
	v2 =	vadd.bf16 v5, v2  }
0x261: {  	v6 =	vld [tilespmem:s31+$0x10]  }
0x262: {  	v5 =	vld [tilespmem:s11+$0x9510];
	[tilespmem:s0+$0x90] =	vst v2  }
0x263: {  	v1 =	vadd.bf16 v3, v1;
	v2 =	vld [tilespmem:s11+$0x9520]  }
0x264: {  	v3 =	vld [tilespmem:s31+$0xA0]  }
0x265: {  	v0 =	vadd.bf16 v0, v4;
	[tilespmem:s0+$0xFFFFFF10] =	vst v1  }
0x266: {  	v1 =	vld [tilespmem:s11+$0x9520]  }
0x267: {  	[tilespmem:s0+$0xFFFFFF90] =	vst v0;
	v4 =	vld [tilespmem:s31+$0xFFFFFF20];
	v0 =	vadd.bf16 v6, v5  }
0x268: {  	v5 =	vld [tilespmem:s11+$0x9520]  }
0x269: {  	v6 =	vld [tilespmem:s31+$0xFFFFFFA0];
	[tilespmem:s0+$0x10] =	vst v0;
	v0 =	vadd.bf16 v3, v2  }
0x26a: {  	v2 =	vld [tilespmem:s11+$0x9520]  }
0x26b: {  	v3 =	vld [tilespmem:s31+$0x20];
	[tilespmem:s0+$0xA0] =	vst v0  }
0x26c: {  	v0 =	vadd.bf16 v4, v1;
	v1 =	vld [tilespmem:s11+$0x9530]  }
0x26d: {  	v4 =	vld [tilespmem:s31+$0xB0]  }
0x26e: {  	[tilespmem:s0+$0xFFFFFF20] =	vst v0;
	v0 =	vadd.bf16 v6, v5  }
0x26f: {  	v5 =	vld [tilespmem:s11+$0x9530]  }
0x270: {  	v6 =	vld [tilespmem:s31+$0xFFFFFF30];
	[tilespmem:s0+$0xFFFFFFA0] =	vst v0;
	v0 =	vadd.bf16 v3, v2  }
0x271: {  	v2 =	vld [tilespmem:s11+$0x9530]  }
0x272: {  	v3 =	vld [tilespmem:s31+$0xFFFFFFB0];
	[tilespmem:s0+$0x20] =	vst v0;
	v0 =	vadd.bf16 v4, v1  }
0x273: {  	v1 =	vld [tilespmem:s11+$0x9530]  }
0x274: {  	v4 =	vld [tilespmem:s31+$0x30];
	[tilespmem:s0+$0xB0] =	vst v0  }
0x275: {  	v0 =	vadd.bf16 v6, v5;
	v5 =	vld [tilespmem:s11+$0x9540]  }
0x276: {  	v6 =	vld [tilespmem:s31+$0xC0]  }
0x277: {  	[tilespmem:s0+$0xFFFFFF30] =	vst v0;
	v0 =	vadd.bf16 v3, v2  }
0x278: {  	v2 =	vld [tilespmem:s11+$0x9540]  }
0x279: {  	v3 =	vld [tilespmem:s31+$0xFFFFFF40];
	[tilespmem:s0+$0xFFFFFFB0] =	vst v0;
	v0 =	vadd.bf16 v4, v1  }
0x27a: {  	v1 =	vld [tilespmem:s11+$0x9540]  }
0x27b: {  	v4 =	vld [tilespmem:s31+$0xFFFFFFC0];
	[tilespmem:s0+$0x30] =	vst v0;
	v0 =	vadd.bf16 v6, v5  }
0x27c: {  	v5 =	vld [tilespmem:s11+$0x9540]  }
0x27d: {  	v6 =	vld [tilespmem:s31+$0x40];
	[tilespmem:s0+$0xC0] =	vst v0  }
0x27e: {  	v0 =	vadd.bf16 v3, v2;
	v2 =	vld [tilespmem:s11+$0x9550]  }
0x27f: {  	s3 =	simm.s32 $0xD700;
	v3 =	vld [tilespmem:s31+$0xD0]  }
0x280: {  	v8 =	vld [tilespmem:s3+$0x80];
	[tilespmem:s0+$0xFFFFFF40] =	vst v0;
	v0 =	vadd.bf16 v4, v1  }
0x281: {  	v1 =	vld [tilespmem:s11+$0x9550]  }
0x282: {  	v4 =	vld [tilespmem:s31+$0xFFFFFF50];
	[tilespmem:s0+$0xFFFFFFC0] =	vst v0  }
0x283: {  	v0 =	vadd.bf16 v6, v5;
	v5 =	vld [tilespmem:s11+$0x9550]  }
0x284: {  	v6 =	vld [tilespmem:s31+$0xFFFFFFD0];
	v2 =	vadd.bf16 v3, v2  }
0x285: {  	v10 =	vld [tilespmem:s3+$0xFFFFFF80];
	[tilespmem:s0+$0x40] =	vst v0  }
0x286: {  	v0 =	vld [tilespmem:s11+$0x9550];
	[tilespmem:s0+$0xD0] =	vst v2  }
0x287: {  	v1 =	vadd.bf16 v4, v1;
	v2 =	vld [tilespmem:s11+$0x9560]  }
0x288: {  	v3 =	vld [tilespmem:s31+$0xE0]  }
0x289: {  	v4 =	vld [tilespmem:s31+$0x50];
	[tilespmem:s0+$0xFFFFFF50] =	vst v1;
	v1 =	vadd.bf16 v6, v5  }
0x28a: {  	v5 =	vld [tilespmem:s11+$0x9560]  }
0x28b: {  	v6 =	vld [tilespmem:s31+$0xFFFFFF60];
	[tilespmem:s0+$0xFFFFFFD0] =	vst v1  }
0x28c: {  	v1 =	vld [tilespmem:s11+$0x9560]  }
0x28d: {  	v2 =	vadd.bf16 v3, v2;
	v3 =	vld [tilespmem:s11+$0x9500]  }
0x28e: {  	v7 =	vld [tilespmem:s31+$0xFFFFFFE0];
	v0 =	vadd.bf16 v4, v0  }
0x28f: {  	v4 =	vld [tilespmem:s3+$0xFFFFFF00]  }
0x290: {  	[tilespmem:s0+$0x50] =	vst v0;
	v0 =	vld [tilespmem:s3+$0x0]  }
0x291: {  	v11 =	vld [tilespmem:s11+$0x9560]  }
0x292: {  	[tilespmem:s0+$0xE0] =	vst v2;
	v5 =	vadd.bf16 v6, v5;
	v6 =	vld [tilespmem:s31+$0x60];
	v8 =	vadd.bf16 v8, v3  }
0x293: {  	s1 =	simm.s32 $0x17B00;
	v2 =	vld [tilespmem:s11+$0x9570]  }
0x294: {  	v45 =	vld [tilespmem:s31+$0xF0];
	v4 =	vadd.bf16 v4, v3;
	[tilespmem:s1+$0x80] =	vst v8  }
0x295: {  	[tilespmem:s0+$0xFFFFFF60] =	vst v5;
	v8 =	vld [tilespmem:s11+$0x9510]  }
0x296: {  	v10 =	vadd.bf16 v10, v3;
	[tilespmem:s1+$0xFFFFFF00] =	vst v4;
	v5 =	vld [tilespmem:s3+$0x90]  }
0x297: {  	v12 =	vld [tilespmem:s11+$0x9510]  }
0x298: {  	v0 =	vadd.bf16 v0, v3;
	[tilespmem:s1+$0xFFFFFF80] =	vst v10;
	v3 =	vld [tilespmem:s3+$0xFFFFFF10]  }
0x299: {  	v10 =	vld [tilespmem:s11+$0x9510]  }
0x29a: {  	[tilespmem:s1+$0x0] =	vst v0;
	v0 =	vld [tilespmem:s3+$0xFFFFFF90]  }
0x29b: {  	v4 =	vld [tilespmem:s11+$0x9570];
	v5 =	vadd.bf16 v5, v8  }
0x29c: {  	v13 =	vld [tilespmem:s3+$0x10]  }
0x29d: {  	v8 =	vld [tilespmem:s11+$0x9510];
	v3 =	vadd.bf16 v3, v12;
	[tilespmem:s1+$0x90] =	vst v5  }
0x29e: {  	v5 =	vld [tilespmem:s11+$0x9520]  }
0x29f: {  	v0 =	vadd.bf16 v0, v10;
	[tilespmem:s1+$0xFFFFFF10] =	vst v3;
	v46 =	vld [tilespmem:s3+$0xA0]  }
0x2a0: {  	v47 =	vld [tilespmem:s11+$0x9520]  }
0x2a1: {  	[tilespmem:s1+$0xFFFFFF90] =	vst v0;
	v0 =	vld [tilespmem:s3+$0xFFFFFF20]  }
0x2a2: {  	v3 =	vld [tilespmem:s31+$0xFFFFFF70];
	v8 =	vadd.bf16 v13, v8  }
0x2a3: {  	v48 =	vld [tilespmem:s11+$0x9520]  }
0x2a4: {  	[tilespmem:s1+$0x10] =	vst v8;
	v8 =	vld [tilespmem:s3+$0xFFFFFFA0];
	v5 =	vadd.bf16 v46, v5  }
0x2a5: {  	v1 =	vadd.bf16 v7, v1;
	v49 =	vld [tilespmem:s11+$0x9520]  }
0x2a6: {  	v7 =	vld [tilespmem:s3+$0x20];
	v0 =	vadd.bf16 v0, v47;
	[tilespmem:s1+$0xA0] =	vst v5  }
0x2a7: {  	[tilespmem:s0+$0xFFFFFFE0] =	vst v1;
	v5 =	vld [tilespmem:s11+$0x9530]  }
0x2a8: {  	[tilespmem:s1+$0xFFFFFF20] =	vst v0;
	v1 =	vld [tilespmem:s3+$0xB0]  }
0x2a9: {  	v50 =	vld [tilespmem:s11+$0x9530];
	v0 =	vadd.bf16 v8, v48  }
0x2aa: {  	v51 =	vld [tilespmem:s3+$0xFFFFFF30]  }
0x2ab: {  	v8 =	vld [tilespmem:s11+$0x9570];
	[tilespmem:s1+$0xFFFFFFA0] =	vst v0;
	v0 =	vadd.bf16 v7, v49  }
0x2ac: {  	v7 =	vld [tilespmem:s11+$0x9530]  }
0x2ad: {  	v52 =	vld [tilespmem:s3+$0xFFFFFFB0];
	[tilespmem:s1+$0x20] =	vst v0;
	v0 =	vadd.bf16 v1, v5  }
0x2ae: {  	v1 =	vld [tilespmem:s11+$0x9530]  }
0x2af: {  	v5 =	vld [tilespmem:s3+$0x30];
	[tilespmem:s1+$0xB0] =	vst v0  }
0x2b0: {  	v0 =	vadd.bf16 v51, v50;
	v53 =	vld [tilespmem:s11+$0x9540]  }
0x2b1: {  	v54 =	vld [tilespmem:s3+$0xC0]  }
0x2b2: {  	[tilespmem:s1+$0xFFFFFF30] =	vst v0;
	v0 =	vadd.bf16 v52, v7;
	v7 =	vld [tilespmem:s31+$0xFFFFFFF0]  }
0x2b3: {  	v55 =	vld [tilespmem:s11+$0x9540]  }
0x2b4: {  	[tilespmem:s1+$0xFFFFFFB0] =	vst v0;
	v0 =	vld [tilespmem:s3+$0xFFFFFF40];
	v1 =	vadd.bf16 v5, v1  }
0x2b5: {  	v5 =	vld [tilespmem:s11+$0x9540]  }
0x2b6: {  	[tilespmem:s1+$0x30] =	vst v1;
	v1 =	vld [tilespmem:s3+$0xFFFFFFC0];
	v10 =	vadd.bf16 v54, v53  }
0x2b7: {  	v56 =	vld [tilespmem:s11+$0x9540]  }
0x2b8: {  	v6 =	vadd.bf16 v6, v11;
	v57 =	vld [tilespmem:s3+$0x40];
	[tilespmem:s1+$0xC0] =	vst v10  }
0x2b9: {  	v0 =	vadd.bf16 v0, v55;
	v58 =	vld [tilespmem:s11+$0x9550]  }
0x2ba: {  	[tilespmem:s0+$0x60] =	vst v6;
	v6 =	vld [tilespmem:s3+$0xD0]  }
0x2bb: {  	[tilespmem:s1+$0xFFFFFF40] =	vst v0;
	v1 =	vadd.bf16 v1, v5;
	v0 =	vld [tilespmem:s11+$0x9570]  }
0x2bc: {  	v5 =	vld [tilespmem:s11+$0x9550]  }
0x2bd: {  	v10 =	vadd.bf16 v57, v56;
	[tilespmem:s1+$0xFFFFFFC0] =	vst v1;
	v1 =	vld [tilespmem:s3+$0xFFFFFF50]  }
0x2be: {  	v59 =	vld [tilespmem:s11+$0x9550]  }
0x2bf: {  	[tilespmem:s1+$0x40] =	vst v10;
	v60 =	vld [tilespmem:s3+$0xFFFFFFD0];
	v6 =	vadd.bf16 v6, v58  }
0x2c0: {  	v61 =	vld [tilespmem:s11+$0x9550]  }
0x2c1: {  	v2 =	vadd.bf16 v45, v2;
	[tilespmem:s1+$0xD0] =	vst v6;
	v6 =	vld [tilespmem:s3+$0x50]  }
0x2c2: {  	v62 =	vld [tilespmem:s11+$0x9560];
	v1 =	vadd.bf16 v1, v5  }
0x2c3: {  	[tilespmem:s0+$0xF0] =	vst v2;
	v2 =	vadd.bf16 v3, v4;
	v63 =	vld [tilespmem:s3+$0xE0]  }
0x2c4: {  	v4 =	vadd.bf16 v60, v59;
	[tilespmem:s1+$0xFFFFFF50] =	vst v1;
	v1 =	vld [tilespmem:s31+$0x70]  }
0x2c5: {  	[tilespmem:s0+$0xFFFFFF70] =	vst v2;
	v2 =	vadd.bf16 v7, v8;
	v3 =	vld [tilespmem:s11+$0x9560]  }
0x2c6: {  	[tilespmem:s1+$0xFFFFFFD0] =	vst v4;
	v5 =	vld [tilespmem:s3+$0xFFFFFF60];
	v6 =	vadd.bf16 v6, v61  }
0x2c7: {  	[tilespmem:s0+$0xFFFFFFF0] =	vst v2;
	v2 =	vld [tilespmem:s11+$0x9560]  }
0x2c8: {  	s6 =	simm.s32 $0x4;
	s4 =	simm.s32 $0xD700;
	v4 =	vld [tilespmem:s3+$0xFFFFFFE0];
	[tilespmem:s1+$0x50] =	vst v6;
	v6 =	vadd.bf16 v63, v62  }
.LBB2_8:
0x2c9: {  	v7 =	vld [tilespmem:s11+$0x9500];
	s3 =	sadd.s32 $0x200, s3;
	v0 =	vadd.bf16 v1, v0  }
0x2ca: {  	v1 =	vld [tilespmem:s3+$0x80];
	[tilespmem:s1+$0xE0] =	vst v6  }
0x2cb: {  	v3 =	vadd.bf16 v5, v3;
	v5 =	vld [tilespmem:s11+$0x9570];
	[tilespmem:s0+$0x70] =	vst v0;
	s0 =	smov.u32 s1  }
0x2cc: {  	v0 =	vld [tilespmem:s4+$0xF0]  }
0x2cd: {  	v6 =	vld [tilespmem:s3+$0xFFFFFF00];
	[tilespmem:s1+$0xFFFFFF60] =	vst v3;
	v2 =	vadd.bf16 v4, v2  }
0x2ce: {  	v3 =	vld [tilespmem:s3+$0xFFFFFF80]  }
0x2cf: {  	v4 =	vld [tilespmem:s3+$0x0];
	v1 =	vadd.bf16 v1, v7;
	[tilespmem:s1+$0xFFFFFFE0] =	vst v2  }
0x2d0: {  	s1 =	sadd.s32 $0x200, s1;
	v2 =	vld [tilespmem:s11+$0x9560]  }
0x2d1: {  	s6 =	sadd.s32 $0x4, s6;
	[tilespmem:s1+$0x80] =	vst v1;
	v1 =	vld [tilespmem:s4+$0x60];
	v0 =	vadd.bf16 v0, v5  }
0x2d2: {  	p0 =	slt.u32 s6, $0x7C;
	v5 =	vadd.bf16 v6, v7;
	v6 =	vld [tilespmem:s11+$0x9510]  }
0x2d3: {  	v3 =	vadd.bf16 v3, v7;
	v8 =	vld [tilespmem:s3+$0x90];
	[tilespmem:s0+$0xF0] =	vst v0  }
0x2d4: {  	[tilespmem:s1+$0xFFFFFF00] =	vst v5;
	v0 =	vadd.bf16 v4, v7;
	v4 =	vld [tilespmem:s11+$0x9570]  }
0x2d5: {  	v5 =	vld [tilespmem:s11+$0x9510];
	[tilespmem:s1+$0xFFFFFF80] =	vst v3  }
0x2d6: {  	v3 =	vld [tilespmem:s3+$0xFFFFFF10];
	[tilespmem:s1+$0x0] =	vst v0;
	v0 =	vadd.bf16 v1, v2  }
0x2d7: {  	v1 =	vld [tilespmem:s11+$0x9510]  }
0x2d8: {  	v2 =	vld [tilespmem:s3+$0xFFFFFF90];
	v6 =	vadd.bf16 v8, v6;
	[tilespmem:s0+$0x60] =	vst v0  }
0x2d9: {  	v0 =	vld [tilespmem:s11+$0x9510]  }
0x2da: {  	v7 =	vld [tilespmem:s3+$0x10];
	[tilespmem:s1+$0x90] =	vst v6  }
0x2db: {  	v3 =	vadd.bf16 v3, v5;
	v5 =	vld [tilespmem:s11+$0x9520]  }
0x2dc: {  	v6 =	vld [tilespmem:s3+$0xA0]  }
0x2dd: {  	[tilespmem:s1+$0xFFFFFF10] =	vst v3;
	v1 =	vadd.bf16 v2, v1;
	v2 =	vld [tilespmem:s4+$0xFFFFFF70]  }
0x2de: {  	v3 =	vld [tilespmem:s11+$0x9520]  }
0x2df: {  	v8 =	vld [tilespmem:s3+$0xFFFFFF20];
	[tilespmem:s1+$0xFFFFFF90] =	vst v1;
	v0 =	vadd.bf16 v7, v0  }
0x2e0: {  	v1 =	vld [tilespmem:s11+$0x9520]  }
0x2e1: {  	v7 =	vld [tilespmem:s3+$0xFFFFFFA0];
	[tilespmem:s1+$0x10] =	vst v0;
	v0 =	vadd.bf16 v6, v5  }
0x2e2: {  	v5 =	vld [tilespmem:s11+$0x9520];
	v2 =	vadd.bf16 v2, v4  }
0x2e3: {  	v4 =	vld [tilespmem:s3+$0x20];
	[tilespmem:s1+$0xA0] =	vst v0  }
0x2e4: {  	v0 =	vadd.bf16 v8, v3;
	v3 =	vld [tilespmem:s11+$0x9530];
	[tilespmem:s0+$0xFFFFFF70] =	vst v2  }
0x2e5: {  	v2 =	vld [tilespmem:s3+$0xB0]  }
0x2e6: {  	[tilespmem:s1+$0xFFFFFF20] =	vst v0;
	v0 =	vadd.bf16 v7, v1;
	v1 =	vld [tilespmem:s11+$0x9570]  }
0x2e7: {  	v6 =	vld [tilespmem:s11+$0x9530]  }
0x2e8: {  	v7 =	vld [tilespmem:s3+$0xFFFFFF30];
	[tilespmem:s1+$0xFFFFFFA0] =	vst v0;
	v0 =	vadd.bf16 v4, v5  }
0x2e9: {  	v4 =	vld [tilespmem:s11+$0x9530]  }
0x2ea: {  	v5 =	vld [tilespmem:s3+$0xFFFFFFB0];
	[tilespmem:s1+$0x20] =	vst v0;
	v0 =	vadd.bf16 v2, v3  }
0x2eb: {  	v2 =	vld [tilespmem:s11+$0x9530]  }
0x2ec: {  	v3 =	vld [tilespmem:s3+$0x30];
	[tilespmem:s1+$0xB0] =	vst v0  }
0x2ed: {  	v0 =	vadd.bf16 v7, v6;
	v6 =	vld [tilespmem:s11+$0x9540]  }
0x2ee: {  	v7 =	vld [tilespmem:s3+$0xC0]  }
0x2ef: {  	[tilespmem:s1+$0xFFFFFF30] =	vst v0;
	v0 =	vadd.bf16 v5, v4;
	v4 =	vld [tilespmem:s4+$0xFFFFFFF0]  }
0x2f0: {  	v5 =	vld [tilespmem:s11+$0x9540]  }
0x2f1: {  	v8 =	vld [tilespmem:s3+$0xFFFFFF40];
	[tilespmem:s1+$0xFFFFFFB0] =	vst v0;
	v0 =	vadd.bf16 v3, v2  }
0x2f2: {  	v2 =	vld [tilespmem:s11+$0x9540]  }
0x2f3: {  	v3 =	vld [tilespmem:s3+$0xFFFFFFC0];
	[tilespmem:s1+$0x30] =	vst v0;
	v0 =	vadd.bf16 v7, v6  }
0x2f4: {  	v6 =	vld [tilespmem:s11+$0x9540];
	v1 =	vadd.bf16 v4, v1  }
0x2f5: {  	v4 =	vld [tilespmem:s3+$0x40];
	[tilespmem:s1+$0xC0] =	vst v0  }
0x2f6: {  	v0 =	vadd.bf16 v8, v5;
	v5 =	vld [tilespmem:s11+$0x9550];
	[tilespmem:s0+$0xFFFFFFF0] =	vst v1  }
0x2f7: {  	v1 =	vld [tilespmem:s3+$0xD0]  }
0x2f8: {  	[tilespmem:s1+$0xFFFFFF40] =	vst v0;
	v2 =	vadd.bf16 v3, v2;
	v0 =	vld [tilespmem:s11+$0x9570]  }
0x2f9: {  	v3 =	vld [tilespmem:s11+$0x9550]  }
0x2fa: {  	v7 =	vld [tilespmem:s3+$0xFFFFFF50];
	[tilespmem:s1+$0xFFFFFFC0] =	vst v2;
	v2 =	vadd.bf16 v4, v6  }
0x2fb: {  	v4 =	vld [tilespmem:s11+$0x9550]  }
0x2fc: {  	v6 =	vld [tilespmem:s3+$0xFFFFFFD0];
	[tilespmem:s1+$0x40] =	vst v2;
	v1 =	vadd.bf16 v1, v5  }
0x2fd: {  	v2 =	vld [tilespmem:s11+$0x9550]  }
0x2fe: {  	v8 =	vld [tilespmem:s3+$0x50];
	[tilespmem:s1+$0xD0] =	vst v1  }
0x2ff: {  	v1 =	vadd.bf16 v7, v3;
	v7 =	vld [tilespmem:s11+$0x9560]  }
0x300: {  	v9 =	vld [tilespmem:s3+$0xE0]  }
.Ltmp3:
0x301: {  	[tilespmem:s1+$0xFFFFFF50] =	vst v1;
	v4 =	vadd.bf16 v6, v4;
	v1 =	vld [tilespmem:s4+$0x70];
	s4 =	smov.u32 s3;
	(pc) =	sbr.rel @p0 .LBB2_8-.Ltmp3, $4  }
0x302: {  	v3 =	vld [tilespmem:s11+$0x9560]  }
0x303: {  	v5 =	vld [tilespmem:s3+$0xFFFFFF60];
	[tilespmem:s1+$0xFFFFFFD0] =	vst v4;
	v6 =	vadd.bf16 v8, v2  }
0x304: {  	v2 =	vld [tilespmem:s11+$0x9560]  }
0x305: {  	v4 =	vld [tilespmem:s3+$0xFFFFFFE0];
	[tilespmem:s1+$0x50] =	vst v6;
	v6 =	vadd.bf16 v9, v7  }
0x306: {  	v7 =	vld [tilespmem:s11+$0x9560]  }
0x307: {  	v8 =	vld [tilespmem:s4+$0x60]  }
0x308: {  	[tilespmem:s1+$0xE0] =	vst v6;
	v3 =	vadd.bf16 v5, v3  }
0x309: {  	v5 =	vld [tilespmem:s11+$0x9570]  }
0x30a: {  	v6 =	vld [tilespmem:s4+$0xF0];
	[tilespmem:s1+$0xFFFFFF60] =	vst v3;
	v2 =	vadd.bf16 v4, v2  }
0x30b: {  	v3 =	vld [tilespmem:s11+$0x9570]  }
0x30c: {  	v4 =	vld [tilespmem:s4+$0xFFFFFF70];
	[tilespmem:s1+$0xFFFFFFE0] =	vst v2;
	v2 =	vadd.bf16 v8, v7  }
0x30d: {  	v7 =	vld [tilespmem:s11+$0x9570]  }
0x30e: {  	[tilespmem:s1+$0x60] =	vst v2;
	v2 =	vld [tilespmem:s4+$0xFFFFFFF0]  }
0x30f: {  	v8 =	vld [tilespmem:s11+$0x9570]  }
0x310: {  	v9 =	vld [tilespmem:s4+$0x70]  }
0x311: {  	v0 =	vadd.bf16 v1, v0  }
0x312: {  	v1 =	vadd.bf16 v6, v5  }
0x313: {  	[tilespmem:s0+$0x70] =	vst v0;
	v0 =	vadd.bf16 v4, v3  }
0x314: {  	[tilespmem:s1+$0xF0] =	vst v1;
	v1 =	vadd.bf16 v2, v7  }
0x315: {  	[tilespmem:s1+$0xFFFFFF70] =	vst v0;
	v0 =	vadd.bf16 v9, v8  }
0x316: {  	[tilespmem:s1+$0xFFFFFFF0] =	vst v1  }
0x317: {  	[tilespmem:s1+$0x70] =	vst v0  }
0x318: {  	s0 =	rddreg [dreg:$0xd]  }
0x319: {  	[hbm4b:s0+s10] =	stream.linear.scatter [tilespmem:s2], [sflag:$0x8], $0x4000, $0x38;
	[tilespmem:$0x1B800] =	vst v63  }
0x31a: {  	_ =	swait.ge [sflag:s5], $0x4000  }
0x31b: {  	[sflag:s5] =	ssyncset.done $0x0  }
0x31c: {  	[sflag:s5] =	ssyncadd.s32 $0xFFFFC000  }
0x31d: {  	s31 =	simm.s32 $0xD500;
	v0 =	vld [tilespmem:s11+$0x9580]  }
0x31e: {  	v1 =	vld [tilespmem:s31+$0x80];
	_ =	sdelay $0x2  }
0x31f: {  	v2 =	vld [tilespmem:s31+$0xFFFFFF00];
	_ =	sdelay $0x1  }
0x320: {  	v3 =	vld [tilespmem:s31+$0xFFFFFF80];
	v1 =	vadd.bf16 v1, v0  }
0x321: {  	s0 =	simm.s32 $0x17900  }
0x322: {  	v4 =	vld [tilespmem:s31+$0x0];
	[tilespmem:s0+$0x80] =	vst v1  }
0x323: {  	v1 =	vadd.bf16 v2, v0;
	v2 =	vld [tilespmem:s11+$0x9590]  }
0x324: {  	v5 =	vld [tilespmem:s31+$0x90]  }
0x325: {  	v3 =	vadd.bf16 v3, v0;
	[tilespmem:s0+$0xFFFFFF00] =	vst v1  }
0x326: {  	v1 =	vld [tilespmem:s11+$0x9590]  }
0x327: {  	v0 =	vadd.bf16 v4, v0;
	[tilespmem:s0+$0xFFFFFF80] =	vst v3;
	v3 =	vld [tilespmem:s31+$0xFFFFFF10]  }
0x328: {  	v4 =	vld [tilespmem:s11+$0x9590]  }
0x329: {  	[tilespmem:s0+$0x0] =	vst v0;
	v0 =	vld [tilespmem:s31+$0xFFFFFF90];
	v2 =	vadd.bf16 v5, v2  }
0x32a: {  	v6 =	vld [tilespmem:s31+$0x10]  }
0x32b: {  	v5 =	vld [tilespmem:s11+$0x9590];
	[tilespmem:s0+$0x90] =	vst v2  }
0x32c: {  	v1 =	vadd.bf16 v3, v1;
	v2 =	vld [tilespmem:s11+$0x95A0]  }
0x32d: {  	v3 =	vld [tilespmem:s31+$0xA0]  }
0x32e: {  	v0 =	vadd.bf16 v0, v4;
	[tilespmem:s0+$0xFFFFFF10] =	vst v1  }
0x32f: {  	v1 =	vld [tilespmem:s11+$0x95A0]  }
0x330: {  	[tilespmem:s0+$0xFFFFFF90] =	vst v0;
	v4 =	vld [tilespmem:s31+$0xFFFFFF20];
	v0 =	vadd.bf16 v6, v5  }
0x331: {  	v5 =	vld [tilespmem:s11+$0x95A0]  }
0x332: {  	v6 =	vld [tilespmem:s31+$0xFFFFFFA0];
	[tilespmem:s0+$0x10] =	vst v0;
	v0 =	vadd.bf16 v3, v2  }
0x333: {  	v2 =	vld [tilespmem:s11+$0x95A0]  }
0x334: {  	v3 =	vld [tilespmem:s31+$0x20];
	[tilespmem:s0+$0xA0] =	vst v0  }
0x335: {  	v0 =	vadd.bf16 v4, v1;
	v1 =	vld [tilespmem:s11+$0x95B0]  }
0x336: {  	v4 =	vld [tilespmem:s31+$0xB0]  }
0x337: {  	[tilespmem:s0+$0xFFFFFF20] =	vst v0;
	v0 =	vadd.bf16 v6, v5  }
0x338: {  	v5 =	vld [tilespmem:s11+$0x95B0]  }
0x339: {  	v6 =	vld [tilespmem:s31+$0xFFFFFF30];
	[tilespmem:s0+$0xFFFFFFA0] =	vst v0;
	v0 =	vadd.bf16 v3, v2  }
0x33a: {  	v2 =	vld [tilespmem:s11+$0x95B0]  }
0x33b: {  	v3 =	vld [tilespmem:s31+$0xFFFFFFB0];
	[tilespmem:s0+$0x20] =	vst v0;
	v0 =	vadd.bf16 v4, v1  }
0x33c: {  	v1 =	vld [tilespmem:s11+$0x95B0]  }
0x33d: {  	v4 =	vld [tilespmem:s31+$0x30];
	[tilespmem:s0+$0xB0] =	vst v0  }
0x33e: {  	v0 =	vadd.bf16 v6, v5;
	v5 =	vld [tilespmem:s11+$0x95C0]  }
0x33f: {  	v6 =	vld [tilespmem:s31+$0xC0]  }
0x340: {  	[tilespmem:s0+$0xFFFFFF30] =	vst v0;
	v0 =	vadd.bf16 v3, v2  }
0x341: {  	v2 =	vld [tilespmem:s11+$0x95C0]  }
0x342: {  	v3 =	vld [tilespmem:s31+$0xFFFFFF40];
	[tilespmem:s0+$0xFFFFFFB0] =	vst v0;
	v0 =	vadd.bf16 v4, v1  }
0x343: {  	v1 =	vld [tilespmem:s11+$0x95C0]  }
0x344: {  	v4 =	vld [tilespmem:s31+$0xFFFFFFC0];
	[tilespmem:s0+$0x30] =	vst v0;
	v0 =	vadd.bf16 v6, v5  }
0x345: {  	v5 =	vld [tilespmem:s11+$0x95C0]  }
0x346: {  	v6 =	vld [tilespmem:s31+$0x40];
	[tilespmem:s0+$0xC0] =	vst v0  }
0x347: {  	v0 =	vadd.bf16 v3, v2;
	v2 =	vld [tilespmem:s11+$0x95D0]  }
0x348: {  	s3 =	simm.s32 $0xD700;
	v3 =	vld [tilespmem:s31+$0xD0]  }
0x349: {  	v8 =	vld [tilespmem:s3+$0x80];
	[tilespmem:s0+$0xFFFFFF40] =	vst v0;
	v0 =	vadd.bf16 v4, v1  }
0x34a: {  	v1 =	vld [tilespmem:s11+$0x95D0]  }
0x34b: {  	v4 =	vld [tilespmem:s31+$0xFFFFFF50];
	[tilespmem:s0+$0xFFFFFFC0] =	vst v0  }
0x34c: {  	v0 =	vadd.bf16 v6, v5;
	v5 =	vld [tilespmem:s11+$0x95D0]  }
0x34d: {  	v6 =	vld [tilespmem:s31+$0xFFFFFFD0];
	v2 =	vadd.bf16 v3, v2  }
0x34e: {  	v10 =	vld [tilespmem:s3+$0xFFFFFF80];
	[tilespmem:s0+$0x40] =	vst v0  }
0x34f: {  	v0 =	vld [tilespmem:s11+$0x95D0];
	[tilespmem:s0+$0xD0] =	vst v2  }
0x350: {  	v1 =	vadd.bf16 v4, v1;
	v2 =	vld [tilespmem:s11+$0x95E0]  }
0x351: {  	v3 =	vld [tilespmem:s31+$0xE0]  }
0x352: {  	v4 =	vld [tilespmem:s31+$0x50];
	[tilespmem:s0+$0xFFFFFF50] =	vst v1;
	v1 =	vadd.bf16 v6, v5  }
0x353: {  	v5 =	vld [tilespmem:s11+$0x95E0]  }
0x354: {  	v6 =	vld [tilespmem:s31+$0xFFFFFF60];
	[tilespmem:s0+$0xFFFFFFD0] =	vst v1  }
0x355: {  	v1 =	vld [tilespmem:s11+$0x95E0]  }
0x356: {  	v2 =	vadd.bf16 v3, v2;
	v3 =	vld [tilespmem:s11+$0x9580]  }
0x357: {  	v7 =	vld [tilespmem:s31+$0xFFFFFFE0];
	v0 =	vadd.bf16 v4, v0  }
0x358: {  	v4 =	vld [tilespmem:s3+$0xFFFFFF00]  }
0x359: {  	[tilespmem:s0+$0x50] =	vst v0;
	v0 =	vld [tilespmem:s3+$0x0]  }
0x35a: {  	v11 =	vld [tilespmem:s11+$0x95E0]  }
0x35b: {  	[tilespmem:s0+$0xE0] =	vst v2;
	v5 =	vadd.bf16 v6, v5;
	v6 =	vld [tilespmem:s31+$0x60];
	v8 =	vadd.bf16 v8, v3  }
0x35c: {  	s1 =	simm.s32 $0x17B00;
	v2 =	vld [tilespmem:s11+$0x95F0]  }
0x35d: {  	v45 =	vld [tilespmem:s31+$0xF0];
	v4 =	vadd.bf16 v4, v3;
	[tilespmem:s1+$0x80] =	vst v8  }
0x35e: {  	[tilespmem:s0+$0xFFFFFF60] =	vst v5;
	v8 =	vld [tilespmem:s11+$0x9590]  }
0x35f: {  	v10 =	vadd.bf16 v10, v3;
	[tilespmem:s1+$0xFFFFFF00] =	vst v4;
	v5 =	vld [tilespmem:s3+$0x90]  }
0x360: {  	v12 =	vld [tilespmem:s11+$0x9590]  }
0x361: {  	v0 =	vadd.bf16 v0, v3;
	[tilespmem:s1+$0xFFFFFF80] =	vst v10;
	v3 =	vld [tilespmem:s3+$0xFFFFFF10]  }
0x362: {  	v10 =	vld [tilespmem:s11+$0x9590]  }
0x363: {  	[tilespmem:s1+$0x0] =	vst v0;
	v0 =	vld [tilespmem:s3+$0xFFFFFF90]  }
0x364: {  	v4 =	vld [tilespmem:s11+$0x95F0];
	v5 =	vadd.bf16 v5, v8  }
0x365: {  	v13 =	vld [tilespmem:s3+$0x10]  }
0x366: {  	v8 =	vld [tilespmem:s11+$0x9590];
	v3 =	vadd.bf16 v3, v12;
	[tilespmem:s1+$0x90] =	vst v5  }
0x367: {  	v5 =	vld [tilespmem:s11+$0x95A0]  }
0x368: {  	v0 =	vadd.bf16 v0, v10;
	[tilespmem:s1+$0xFFFFFF10] =	vst v3;
	v46 =	vld [tilespmem:s3+$0xA0]  }
0x369: {  	v47 =	vld [tilespmem:s11+$0x95A0]  }
0x36a: {  	[tilespmem:s1+$0xFFFFFF90] =	vst v0;
	v0 =	vld [tilespmem:s3+$0xFFFFFF20]  }
0x36b: {  	v3 =	vld [tilespmem:s31+$0xFFFFFF70];
	v8 =	vadd.bf16 v13, v8  }
0x36c: {  	v48 =	vld [tilespmem:s11+$0x95A0]  }
0x36d: {  	[tilespmem:s1+$0x10] =	vst v8;
	v8 =	vld [tilespmem:s3+$0xFFFFFFA0];
	v5 =	vadd.bf16 v46, v5  }
0x36e: {  	v1 =	vadd.bf16 v7, v1;
	v49 =	vld [tilespmem:s11+$0x95A0]  }
0x36f: {  	v7 =	vld [tilespmem:s3+$0x20];
	v0 =	vadd.bf16 v0, v47;
	[tilespmem:s1+$0xA0] =	vst v5  }
0x370: {  	[tilespmem:s0+$0xFFFFFFE0] =	vst v1;
	v5 =	vld [tilespmem:s11+$0x95B0]  }
0x371: {  	[tilespmem:s1+$0xFFFFFF20] =	vst v0;
	v1 =	vld [tilespmem:s3+$0xB0]  }
0x372: {  	v50 =	vld [tilespmem:s11+$0x95B0];
	v0 =	vadd.bf16 v8, v48  }
0x373: {  	v51 =	vld [tilespmem:s3+$0xFFFFFF30]  }
0x374: {  	v8 =	vld [tilespmem:s11+$0x95F0];
	[tilespmem:s1+$0xFFFFFFA0] =	vst v0;
	v0 =	vadd.bf16 v7, v49  }
0x375: {  	v7 =	vld [tilespmem:s11+$0x95B0]  }
0x376: {  	v52 =	vld [tilespmem:s3+$0xFFFFFFB0];
	[tilespmem:s1+$0x20] =	vst v0;
	v0 =	vadd.bf16 v1, v5  }
0x377: {  	v1 =	vld [tilespmem:s11+$0x95B0]  }
0x378: {  	v5 =	vld [tilespmem:s3+$0x30];
	[tilespmem:s1+$0xB0] =	vst v0  }
0x379: {  	v0 =	vadd.bf16 v51, v50;
	v53 =	vld [tilespmem:s11+$0x95C0]  }
0x37a: {  	v54 =	vld [tilespmem:s3+$0xC0]  }
0x37b: {  	[tilespmem:s1+$0xFFFFFF30] =	vst v0;
	v0 =	vadd.bf16 v52, v7;
	v7 =	vld [tilespmem:s31+$0xFFFFFFF0]  }
0x37c: {  	v55 =	vld [tilespmem:s11+$0x95C0]  }
0x37d: {  	[tilespmem:s1+$0xFFFFFFB0] =	vst v0;
	v0 =	vld [tilespmem:s3+$0xFFFFFF40];
	v1 =	vadd.bf16 v5, v1  }
0x37e: {  	v5 =	vld [tilespmem:s11+$0x95C0]  }
0x37f: {  	[tilespmem:s1+$0x30] =	vst v1;
	v1 =	vld [tilespmem:s3+$0xFFFFFFC0];
	v10 =	vadd.bf16 v54, v53  }
0x380: {  	v56 =	vld [tilespmem:s11+$0x95C0]  }
0x381: {  	v6 =	vadd.bf16 v6, v11;
	v57 =	vld [tilespmem:s3+$0x40];
	[tilespmem:s1+$0xC0] =	vst v10  }
0x382: {  	v0 =	vadd.bf16 v0, v55;
	v58 =	vld [tilespmem:s11+$0x95D0]  }
0x383: {  	[tilespmem:s0+$0x60] =	vst v6;
	v6 =	vld [tilespmem:s3+$0xD0]  }
0x384: {  	[tilespmem:s1+$0xFFFFFF40] =	vst v0;
	v1 =	vadd.bf16 v1, v5;
	v0 =	vld [tilespmem:s11+$0x95F0]  }
0x385: {  	v5 =	vld [tilespmem:s11+$0x95D0]  }
0x386: {  	v10 =	vadd.bf16 v57, v56;
	[tilespmem:s1+$0xFFFFFFC0] =	vst v1;
	v1 =	vld [tilespmem:s3+$0xFFFFFF50]  }
0x387: {  	v59 =	vld [tilespmem:s11+$0x95D0]  }
0x388: {  	[tilespmem:s1+$0x40] =	vst v10;
	v60 =	vld [tilespmem:s3+$0xFFFFFFD0];
	v6 =	vadd.bf16 v6, v58  }
0x389: {  	v61 =	vld [tilespmem:s11+$0x95D0]  }
0x38a: {  	v2 =	vadd.bf16 v45, v2;
	[tilespmem:s1+$0xD0] =	vst v6;
	v6 =	vld [tilespmem:s3+$0x50]  }
0x38b: {  	v62 =	vld [tilespmem:s11+$0x95E0];
	v1 =	vadd.bf16 v1, v5  }
0x38c: {  	[tilespmem:s0+$0xF0] =	vst v2;
	v2 =	vadd.bf16 v3, v4;
	v63 =	vld [tilespmem:s3+$0xE0]  }
0x38d: {  	v4 =	vadd.bf16 v60, v59;
	[tilespmem:s1+$0xFFFFFF50] =	vst v1;
	v1 =	vld [tilespmem:s31+$0x70]  }
0x38e: {  	[tilespmem:s0+$0xFFFFFF70] =	vst v2;
	v2 =	vadd.bf16 v7, v8;
	v3 =	vld [tilespmem:s11+$0x95E0]  }
0x38f: {  	[tilespmem:s1+$0xFFFFFFD0] =	vst v4;
	v5 =	vld [tilespmem:s3+$0xFFFFFF60];
	v6 =	vadd.bf16 v6, v61  }
0x390: {  	[tilespmem:s0+$0xFFFFFFF0] =	vst v2;
	v2 =	vld [tilespmem:s11+$0x95E0]  }
0x391: {  	s6 =	simm.s32 $0x4;
	s4 =	simm.s32 $0xD700;
	v4 =	vld [tilespmem:s3+$0xFFFFFFE0];
	[tilespmem:s1+$0x50] =	vst v6;
	v6 =	vadd.bf16 v63, v62  }
.LBB2_10:
0x392: {  	v7 =	vld [tilespmem:s11+$0x9580];
	s3 =	sadd.s32 $0x200, s3;
	v0 =	vadd.bf16 v1, v0  }
0x393: {  	v1 =	vld [tilespmem:s3+$0x80];
	[tilespmem:s1+$0xE0] =	vst v6  }
0x394: {  	v3 =	vadd.bf16 v5, v3;
	v5 =	vld [tilespmem:s11+$0x95F0];
	[tilespmem:s0+$0x70] =	vst v0;
	s0 =	smov.u32 s1  }
0x395: {  	v0 =	vld [tilespmem:s4+$0xF0]  }
0x396: {  	v6 =	vld [tilespmem:s3+$0xFFFFFF00];
	[tilespmem:s1+$0xFFFFFF60] =	vst v3;
	v2 =	vadd.bf16 v4, v2  }
0x397: {  	v3 =	vld [tilespmem:s3+$0xFFFFFF80]  }
0x398: {  	v4 =	vld [tilespmem:s3+$0x0];
	v1 =	vadd.bf16 v1, v7;
	[tilespmem:s1+$0xFFFFFFE0] =	vst v2  }
0x399: {  	s1 =	sadd.s32 $0x200, s1;
	v2 =	vld [tilespmem:s11+$0x95E0]  }
0x39a: {  	s6 =	sadd.s32 $0x4, s6;
	[tilespmem:s1+$0x80] =	vst v1;
	v1 =	vld [tilespmem:s4+$0x60];
	v0 =	vadd.bf16 v0, v5  }
0x39b: {  	p0 =	slt.u32 s6, $0x7C;
	v5 =	vadd.bf16 v6, v7;
	v6 =	vld [tilespmem:s11+$0x9590]  }
0x39c: {  	v3 =	vadd.bf16 v3, v7;
	v8 =	vld [tilespmem:s3+$0x90];
	[tilespmem:s0+$0xF0] =	vst v0  }
0x39d: {  	[tilespmem:s1+$0xFFFFFF00] =	vst v5;
	v0 =	vadd.bf16 v4, v7;
	v4 =	vld [tilespmem:s11+$0x95F0]  }
0x39e: {  	v5 =	vld [tilespmem:s11+$0x9590];
	[tilespmem:s1+$0xFFFFFF80] =	vst v3  }
0x39f: {  	v3 =	vld [tilespmem:s3+$0xFFFFFF10];
	[tilespmem:s1+$0x0] =	vst v0;
	v0 =	vadd.bf16 v1, v2  }
0x3a0: {  	v1 =	vld [tilespmem:s11+$0x9590]  }
0x3a1: {  	v2 =	vld [tilespmem:s3+$0xFFFFFF90];
	v6 =	vadd.bf16 v8, v6;
	[tilespmem:s0+$0x60] =	vst v0  }
0x3a2: {  	v0 =	vld [tilespmem:s11+$0x9590]  }
0x3a3: {  	v7 =	vld [tilespmem:s3+$0x10];
	[tilespmem:s1+$0x90] =	vst v6  }
0x3a4: {  	v3 =	vadd.bf16 v3, v5;
	v5 =	vld [tilespmem:s11+$0x95A0]  }
0x3a5: {  	v6 =	vld [tilespmem:s3+$0xA0]  }
0x3a6: {  	[tilespmem:s1+$0xFFFFFF10] =	vst v3;
	v1 =	vadd.bf16 v2, v1;
	v2 =	vld [tilespmem:s4+$0xFFFFFF70]  }
0x3a7: {  	v3 =	vld [tilespmem:s11+$0x95A0]  }
0x3a8: {  	v8 =	vld [tilespmem:s3+$0xFFFFFF20];
	[tilespmem:s1+$0xFFFFFF90] =	vst v1;
	v0 =	vadd.bf16 v7, v0  }
0x3a9: {  	v1 =	vld [tilespmem:s11+$0x95A0]  }
0x3aa: {  	v7 =	vld [tilespmem:s3+$0xFFFFFFA0];
	[tilespmem:s1+$0x10] =	vst v0;
	v0 =	vadd.bf16 v6, v5  }
0x3ab: {  	v5 =	vld [tilespmem:s11+$0x95A0];
	v2 =	vadd.bf16 v2, v4  }
0x3ac: {  	v4 =	vld [tilespmem:s3+$0x20];
	[tilespmem:s1+$0xA0] =	vst v0  }
0x3ad: {  	v0 =	vadd.bf16 v8, v3;
	v3 =	vld [tilespmem:s11+$0x95B0];
	[tilespmem:s0+$0xFFFFFF70] =	vst v2  }
0x3ae: {  	v2 =	vld [tilespmem:s3+$0xB0]  }
0x3af: {  	[tilespmem:s1+$0xFFFFFF20] =	vst v0;
	v0 =	vadd.bf16 v7, v1;
	v1 =	vld [tilespmem:s11+$0x95F0]  }
0x3b0: {  	v6 =	vld [tilespmem:s11+$0x95B0]  }
0x3b1: {  	v7 =	vld [tilespmem:s3+$0xFFFFFF30];
	[tilespmem:s1+$0xFFFFFFA0] =	vst v0;
	v0 =	vadd.bf16 v4, v5  }
0x3b2: {  	v4 =	vld [tilespmem:s11+$0x95B0]  }
0x3b3: {  	v5 =	vld [tilespmem:s3+$0xFFFFFFB0];
	[tilespmem:s1+$0x20] =	vst v0;
	v0 =	vadd.bf16 v2, v3  }
0x3b4: {  	v2 =	vld [tilespmem:s11+$0x95B0]  }
0x3b5: {  	v3 =	vld [tilespmem:s3+$0x30];
	[tilespmem:s1+$0xB0] =	vst v0  }
0x3b6: {  	v0 =	vadd.bf16 v7, v6;
	v6 =	vld [tilespmem:s11+$0x95C0]  }
0x3b7: {  	v7 =	vld [tilespmem:s3+$0xC0]  }
0x3b8: {  	[tilespmem:s1+$0xFFFFFF30] =	vst v0;
	v0 =	vadd.bf16 v5, v4;
	v4 =	vld [tilespmem:s4+$0xFFFFFFF0]  }
0x3b9: {  	v5 =	vld [tilespmem:s11+$0x95C0]  }
0x3ba: {  	v8 =	vld [tilespmem:s3+$0xFFFFFF40];
	[tilespmem:s1+$0xFFFFFFB0] =	vst v0;
	v0 =	vadd.bf16 v3, v2  }
0x3bb: {  	v2 =	vld [tilespmem:s11+$0x95C0]  }
0x3bc: {  	v3 =	vld [tilespmem:s3+$0xFFFFFFC0];
	[tilespmem:s1+$0x30] =	vst v0;
	v0 =	vadd.bf16 v7, v6  }
0x3bd: {  	v6 =	vld [tilespmem:s11+$0x95C0];
	v1 =	vadd.bf16 v4, v1  }
0x3be: {  	v4 =	vld [tilespmem:s3+$0x40];
	[tilespmem:s1+$0xC0] =	vst v0  }
0x3bf: {  	v0 =	vadd.bf16 v8, v5;
	v5 =	vld [tilespmem:s11+$0x95D0];
	[tilespmem:s0+$0xFFFFFFF0] =	vst v1  }
0x3c0: {  	v1 =	vld [tilespmem:s3+$0xD0]  }
0x3c1: {  	[tilespmem:s1+$0xFFFFFF40] =	vst v0;
	v2 =	vadd.bf16 v3, v2;
	v0 =	vld [tilespmem:s11+$0x95F0]  }
0x3c2: {  	v3 =	vld [tilespmem:s11+$0x95D0]  }
0x3c3: {  	v7 =	vld [tilespmem:s3+$0xFFFFFF50];
	[tilespmem:s1+$0xFFFFFFC0] =	vst v2;
	v2 =	vadd.bf16 v4, v6  }
0x3c4: {  	v4 =	vld [tilespmem:s11+$0x95D0]  }
0x3c5: {  	v6 =	vld [tilespmem:s3+$0xFFFFFFD0];
	[tilespmem:s1+$0x40] =	vst v2;
	v1 =	vadd.bf16 v1, v5  }
0x3c6: {  	v2 =	vld [tilespmem:s11+$0x95D0]  }
0x3c7: {  	v8 =	vld [tilespmem:s3+$0x50];
	[tilespmem:s1+$0xD0] =	vst v1  }
0x3c8: {  	v1 =	vadd.bf16 v7, v3;
	v7 =	vld [tilespmem:s11+$0x95E0]  }
0x3c9: {  	v9 =	vld [tilespmem:s3+$0xE0]  }
.Ltmp4:
0x3ca: {  	[tilespmem:s1+$0xFFFFFF50] =	vst v1;
	v4 =	vadd.bf16 v6, v4;
	v1 =	vld [tilespmem:s4+$0x70];
	s4 =	smov.u32 s3;
	(pc) =	sbr.rel @p0 .LBB2_10-.Ltmp4, $4  }
0x3cb: {  	v3 =	vld [tilespmem:s11+$0x95E0]  }
0x3cc: {  	v5 =	vld [tilespmem:s3+$0xFFFFFF60];
	[tilespmem:s1+$0xFFFFFFD0] =	vst v4;
	v6 =	vadd.bf16 v8, v2  }
0x3cd: {  	v2 =	vld [tilespmem:s11+$0x95E0]  }
0x3ce: {  	v4 =	vld [tilespmem:s3+$0xFFFFFFE0];
	[tilespmem:s1+$0x50] =	vst v6;
	v6 =	vadd.bf16 v9, v7  }
0x3cf: {  	v7 =	vld [tilespmem:s11+$0x95E0]  }
0x3d0: {  	v8 =	vld [tilespmem:s4+$0x60]  }
0x3d1: {  	[tilespmem:s1+$0xE0] =	vst v6;
	v3 =	vadd.bf16 v5, v3  }
0x3d2: {  	v54 =	vld [tilespmem:s11+$0x95F0]  }
0x3d3: {  	v6 =	vld [tilespmem:s4+$0xF0];
	[tilespmem:s1+$0xFFFFFF60] =	vst v3;
	v2 =	vadd.bf16 v4, v2  }
0x3d4: {  	v3 =	vld [tilespmem:s11+$0x95F0]  }
0x3d5: {  	v55 =	vadd.bf16 v8, v7;
	v56 =	vld [tilespmem:s4+$0xFFFFFF70];
	[tilespmem:s1+$0xFFFFFFE0] =	vst v2  }
0x3d6: {  	v57 =	vld [tilespmem:s11+$0x95F0]  }
0x3d7: {  	[tilespmem:s1+$0x60] =	vst v55;
	v58 =	vld [tilespmem:s4+$0xFFFFFFF0]  }
0x3d8: {  	v59 =	vld [tilespmem:s11+$0x95F0]  }
0x3d9: {  	v9 =	vld [tilespmem:s4+$0x70]  }
0x3da: {  	v0 =	vadd.bf16 v1, v0  }
0x3db: {  	v60 =	vadd.bf16 v6, v54  }
0x3dc: {  	[tilespmem:s0+$0x70] =	vst v0;
	v61 =	vadd.bf16 v56, v3  }
0x3dd: {  	[tilespmem:s1+$0xF0] =	vst v60;
	v62 =	vadd.bf16 v58, v57  }
0x3de: {  	[tilespmem:s1+$0xFFFFFF70] =	vst v61;
	v63 =	vadd.bf16 v9, v59  }
0x3df: {  	[tilespmem:s1+$0xFFFFFFF0] =	vst v62  }
0x3e0: {  	[tilespmem:s1+$0x70] =	vst v63  }
0x3e1: {  	s0 =	rddreg [dreg:$0xe]  }
0x3e2: {  	[hbm4b:s0+s10] =	stream.linear.scatter [tilespmem:s2], [sflag:$0x8], $0x4000, $0x38;
	[tilespmem:$0x1B800] =	vst v63  }
0x3e3: {  	_ =	swait.ge [sflag:s5], $0x4000  }
0x3e4: {  	[sflag:s5] =	ssyncset.done $0x0  }
0x3e5: {  	s28 =	simm.s32 $0x6;
	[sflag:s5] =	ssyncadd.s32 $0xFFFFC000  }
0x3e6: {  	_ =	swait.ge [sflag:s28], $0x2400  }
0x3e7: {  	[sflag:s28] =	ssyncset.done $0x0  }
0x3e8: {  	[sflag:s28] =	ssyncadd.s32 $0xFFFFDC00  }
0x3e9: {  	_ =	swait.ge [sflag:s28], $0x2400  }
0x3ea: {  	[sflag:s28] =	ssyncset.done $0x0  }
0x3eb: {  	s29 =	simm.s32 $0x7;
	[sflag:s28] =	ssyncadd.s32 $0xFFFFDC00  }
0x3ec: {  	_ =	swait.ge [sflag:s29], $0x4000  }
0x3ed: {  	s30 =	rddreg [dreg:$0x11]  }
0x3ee: {  	s31 =	rddreg [dreg:$0xf];
	s2 =	sadd.s32 $0x1, s30  }
0x3ef: {  	p0 =	sne.s32 s2, s31  }
.Ltmp5:
0x3f0: {  	_ = 	snop;
	(pc) =	sbr.rel @p0 .LBB2_1-.Ltmp5, $3  }
0x3f1: {  	_ =	sdelay $0x1  }
0x3f2: {  	[sflag:s29] =	ssyncset.done $0x0  }
0x3f3: {  	[sflag:s29] =	ssyncadd.s32 $0xFFFFC000  }
0x3f4: {  	_ =	sfence.sel $0x180000  }
0x3f5: {  	[bflag:$0x0] =	sbarrier.arrive $0xFFFF  }
0x3f6: {  	_ =	strace $0x90000047  }
0x3f7: {  	s0 =	stileid.u32;
	[bflag:$0x2] =	sbarrier.arrive $0xFFFF  }
0x3f8: {  	p0 =	sne.s32 s0, $0x0;
	s0 =	rddreg [dreg:$0x6]  }
0x3f9: {  	s0 =	sadd.s32 @!p0 $0x100000, s0  }
0x3fa: {  	[sflag:s0] =	ssyncadd.tile.s32 @!p0 $0x1;
	_ =	shalt  }
.Lfunc_end2:
_tile_overlayer_lowered:
.L_overlay_start_2:
0x3fb: {  	(tag) =	ssettag $0x2  }
0x3fc: {  	s0 =	rddreg [dreg:$0x0];
	s2 =	stileid.u32  }
0x3fd: {  	s1 =	rddreg [dreg:$0x1];
	p0 =	sne.s32 s2, $0x0  }
0x3fe: {  	s3 =	rddreg [dreg:$0x2];
	[bflag:$0x3] =	sbarrier.arrive $0xFFFF;
	s2 =	simm.s32 @!p0 $0x1C08  }
0x3ff: {  	[timem:s3], [sflag:s2] =	dma.local @!p0 [hbm:s0], s1  }
0x400: {  	s0 =	simm.s32 @!p0 $0x8  }
0x401: {  	_ =	swait.ge @!p0 [sflag:s0], s1  }
0x402: {  	s1 =	ssub.s32 @!p0 $0x0, s1;
	[sflag:s0] =	ssyncset.done @!p0 $0x0  }
0x403: {  	[sflag:s0] =	ssyncadd.s32 @!p0 s1  }
0x404: {  	[bflag:$0x3] =	sbarrier.arrive $0xFFFF  }
0x405: {  	_ =	shalt  }

// kernel: _embed_sum.7.cloned.1.call-start
scs
__scs_entry_jumppad:
0x0: {  	(pc) =	sbr.rel $0x88, $3  }
0x1: {  	(tag) =	ssettag $0x0;
	lr =	simm.s32 $0x1  }
0x2: {  	[smem:$0x3F97] =	sst lr;
	_ =	strace $0xD0000000  }
0x3: {  	_ = 	snop  }
0x4: {  	_ = 	snop  }
0x5: {  	_ = 	snop  }
0x6: {  	_ = 	snop  }
0x7: {  	_ = 	snop  }
__scs_overlays_trampoline_lowered:
0x8: {  	[smem:$0x3FA6] =	sst s0  }
0x9: {  	[smem:$0x3FA7] =	sst s1  }
0xa: {  	[smem:$0x3FA8] =	sst s2  }
0xb: {  	[smem:$0x3FA9] =	sst s3  }
0xc: {  	[smem:$0x3FAA] =	sst s4  }
0xd: {  	[smem:$0x3FAB] =	sst s5  }
0xe: {  	[smem:$0x3FAC] =	sst s6  }
0xf: {  	[smem:$0x3FAD] =	sst s7  }
0x10: {  	[smem:$0x3FAE] =	sst s8  }
0x11: {  	[smem:$0x3FAF] =	sst s9;
	s0 =	simm.s32 @!p0 $0x0  }
0x12: {  	s1 =	sld [smem:$0x3F95];
	s0 =	simm.s32 @p0 $0x1  }
0x13: {  	[smem:$0x3FB0] =	sst s0;
	s0 =	simm.s32 @!p1 $0x0  }
0x14: {  	s2 =	sld [smem:$0x3F94];
	s0 =	simm.s32 @p1 $0x1  }
0x15: {  	[smem:$0x3FB1] =	sst s0;
	s0 =	simm.s32 @!p2 $0x0  }
0x16: {  	s3 =	sld [smem:$0x3FDB];
	s0 =	simm.s32 @p2 $0x1  }
0x17: {  	s4 =	simm.s32 $0x1BF5;
	[smem:$0x3FB3] =	sst s0  }
0x18: {  	s0 =	sld [smem:$0x3F96];
	_ =	swait.ge [sflag:s4], $0x0  }
0x19: {  	s7 =	sld [smem:$0x3F97]  }
0x1a: {  	s8 =	sadd.s32 $0xFFFFE003, lr  }
0x1b: {  	s9 =	sadd.s32 $0xFFFFFEF7, lr;
	s5 =	simm.s32 $0xFFFFFFFF;
	p2 =	slt.u32 s8, $0xFFFFF086  }
0x1c: {  	p1 =	slt.u32 s9, $0xF7A;
	s5 =	simm.s32 @!p2 $0x0  }
0x1d: {  	s5 =	simm.s32 @p1 $0x1;
	p0 =	seq.s32 s7, s2  }
0x1e: {  	s7 =	smul.u32 @!p0 $0xF7A, s2;
	p2 =	seq.s32 @!p0 s5, $0x0  }
0x1f: {  	s9 =	smul.u32 $0xF7A, s1;
	s8 =	simm.s32 @!p0 $0x1BF5;
	p2 =	por !p2, p0  }
0x20: {  	[sflag:s8] =	ssyncset.s32 @!p0 $0xFFFFF086;
	s6 =	sadd.s32 @!p0 s3, s7;
	s7 =	simm.s32 @!p0 $0x108  }
0x21: {  	s3 =	sadd.s32 s3, s9;
	s6 =	sadd.s32 @!p0 $0x88, s6;
	s7 =	simm.s32 @p2 $0x1082  }
0x22: {  	[simem:s7], [sflag:s8] =	dma.local @!p0 [hbm:s6], $0xF7A  }
0x23: {  	s9 =	sor.u32 $0xD0000000, s2;
	s6 =	simm.s32 $0x108;
	_ =	swait.ge @!p0 [sflag:s8], $0x0  }
0x24: {  	s3 =	sadd.s32 $0x88, s3;
	s6 =	simm.s32 @!p1 $0x1082;
	[sflag:s4] =	ssyncset.s32 $0xFFFFF086  }
0x25: {  	[simem:s6], [sflag:s4] =	dma.local [hbm:s3], $0xF7A  }
0x26: {  	[smem:$0x3F97] =	sst s1;
	(tag) =	ssettag s2;
	_ =	strace s9  }
0x27: {  	s1 =	sld [smem:$0x3FA7]  }
0x28: {  	s2 =	sld [smem:$0x3FA8]  }
0x29: {  	s4 =	sld [smem:$0x3FAA]  }
0x2a: {  	p0 =	seq.s32 s5, $0x0;
	s5 =	sld [smem:$0x3FAB]  }
0x2b: {  	s6 =	sld [smem:$0x3FAC]  }
0x2c: {  	s7 =	sld [smem:$0x3FAD]  }
0x2d: {  	s3 =	simm.s32 $0x108;
	s8 =	sld [smem:$0x3FAE]  }
0x2e: {  	s3 =	simm.s32 @!p0 $0x1082;
	s9 =	sld [smem:$0x3FAF]  }
0x2f: {  	lr =	sadd.s32 s0, s3;
	s0 =	sld [smem:$0x3FA6]  }
0x30: {  	s3 =	sld [smem:$0x3FA9]  }
0x31: {  	[smem:$0x3FB2] =	sst s10  }
0x32: {  	s10 =	sld [smem:$0x3FB0];
	_ =	sdelay $0x3  }
0x33: {  	p0 =	seq.s32 s10, $0x1;
	s10 =	sld [smem:$0x3FB2];
	_ =	sdelay $0x3  }
0x34: {  	[smem:$0x3FB2] =	sst s10  }
0x35: {  	s10 =	sld [smem:$0x3FB1];
	_ =	sdelay $0x3  }
0x36: {  	p1 =	seq.s32 s10, $0x1;
	s10 =	sld [smem:$0x3FB2];
	_ =	sdelay $0x3  }
0x37: {  	[smem:$0x3FB2] =	sst s10  }
0x38: {  	s10 =	sld [smem:$0x3FB3]  }
0x39: {  	_ = 	snop;
	(pc) =	sbr.ind lr, $3  }
0x3a: {  	_ = 	snop  }
0x3b: {  	_ = 	snop  }
0x3c: {  	p2 =	seq.s32 s10, $0x1;
	s10 =	sld [smem:$0x3FB2]  }
0x3d: {  	_ =	shalt  }
0x3e: {  	_ =	shalt  }
0x3f: {  	_ =	shalt  }
0x40: {  	_ =	shalt  }
0x41: {  	_ =	shalt  }
0x42: {  	_ =	shalt  }
0x43: {  	_ =	shalt  }
0x44: {  	_ =	shalt  }
0x45: {  	_ =	shalt  }
0x46: {  	_ =	shalt  }
0x47: {  	_ =	shalt  }
0x48: {  	_ =	shalt  }
0x49: {  	_ =	shalt  }
0x4a: {  	_ =	shalt  }
0x4b: {  	_ =	shalt  }
0x4c: {  	_ =	shalt  }
0x4d: {  	_ =	shalt  }
0x4e: {  	_ =	shalt  }
0x4f: {  	_ =	shalt  }
0x50: {  	_ =	shalt  }
0x51: {  	_ =	shalt  }
0x52: {  	_ =	shalt  }
0x53: {  	_ =	shalt  }
0x54: {  	_ =	shalt  }
0x55: {  	_ =	shalt  }
0x56: {  	_ =	shalt  }
0x57: {  	_ =	shalt  }
0x58: {  	_ =	shalt  }
0x59: {  	_ =	shalt  }
0x5a: {  	_ =	shalt  }
0x5b: {  	_ =	shalt  }
0x5c: {  	_ =	shalt  }
0x5d: {  	_ =	shalt  }
0x5e: {  	_ =	shalt  }
0x5f: {  	_ =	shalt  }
0x60: {  	_ =	shalt  }
0x61: {  	_ =	shalt  }
0x62: {  	_ =	shalt  }
0x63: {  	_ =	shalt  }
0x64: {  	_ =	shalt  }
0x65: {  	_ =	shalt  }
0x66: {  	_ =	shalt  }
0x67: {  	_ =	shalt  }
0x68: {  	_ =	shalt  }
0x69: {  	_ =	shalt  }
0x6a: {  	_ =	shalt  }
0x6b: {  	_ =	shalt  }
0x6c: {  	_ =	shalt  }
0x6d: {  	_ =	shalt  }
0x6e: {  	_ =	shalt  }
0x6f: {  	_ =	shalt  }
0x70: {  	_ =	shalt  }
0x71: {  	_ =	shalt  }
0x72: {  	_ =	shalt  }
0x73: {  	_ =	shalt  }
0x74: {  	_ =	shalt  }
0x75: {  	_ =	shalt  }
0x76: {  	_ =	shalt  }
0x77: {  	_ =	shalt  }
0x78: {  	_ =	shalt  }
0x79: {  	_ =	shalt  }
0x7a: {  	_ =	shalt  }
0x7b: {  	_ =	shalt  }
0x7c: {  	_ =	shalt  }
0x7d: {  	_ =	shalt  }
0x7e: {  	_ =	shalt  }
0x7f: {  	_ =	shalt  }
0x80: {  	_ =	shalt  }
0x81: {  	_ =	shalt  }
0x82: {  	_ =	shalt  }
0x83: {  	_ =	shalt  }
0x84: {  	_ =	shalt  }
0x85: {  	_ =	shalt  }
0x86: {  	_ =	shalt  }
0x87: {  	_ =	shalt  }
.Lfunc_end0:
.L_simem_size_0:
called_computation.1_lowered:
.L_overlay_start_0:
0x88: {  	s2 =	sld [smem:$0x3FD9]  }
0x89: {  	s3 =	sld [smem:$0x3FFE];
	_ =	sdelay $0x1  }
0x8a: {  	s1 =	srdreg.scid  }
0x8b: {  	s0 =	sand.u32 $0x1, s1  }
0x8c: {  	s17 =	sshll.u32 s0, $0xA;
	s2 =	sadd.s32 s3, s2  }
0x8d: {  	s2 =	sadd.s32 s2, s17  }
0x8e: {  	[smem:$0x3FBE] =	sst s2  }
0x8f: {  	_ = 	snop  }
0x90: {  	s2 =	sld [smem:$0x3FC9]  }
0x91: {  	s18 =	sld [smem:$0x3FC8]  }
0x92: {  	s4 =	sld [smem:$0x3FC7]  }
0x93: {  	s5 =	sld [smem:$0x3FC6]  }
0x94: {  	s6 =	sld [smem:$0x3FC5]  }
0x95: {  	s7 =	sld [smem:$0x3FD0];
	(tm) =	ssettm $0x1  }
0x96: {  	s8 =	sld [smem:$0x3FFB];
	_ =	sdelay $0x3  }
0x97: {  	_ =	strace s8  }
0x98: {  	s8 =	sld [smem:$0x3FFC];
	_ =	sdelay $0x3  }
0x99: {  	_ =	strace s8  }
0x9a: {  	s8 =	sld [smem:$0x3FFD];
	_ =	sdelay $0x3  }
0x9b: {  	_ =	strace s8  }
0x9c: {  	_ =	strace $0x8FFFFFFF  }
0x9d: {  	s19 =	sld [smem:$0x3FDB];
	_ =	sdelay $0x1  }
0x9e: {  	s9 =	simm.s32 $_scs_section_size  }
0x9f: {  	s10 =	simm.s32 $_size__tile_overlayer_lowered;
	s11 =	simm.s32 $_tile_overlayer_lowered  }
0xa0: {  	s22 =	simm.s32 $0x1BFF;
	s21 =	sshll.u32 s11, $0x1;
	s8 =	sadd.s32 s9, s19  }
0xa1: {  	s12 =	simm.s32 $0x0;
	s20 =	sshll.u32 s10, $0x1;
	s10 =	sadd.s32 s21, s8  }
0xa2: {  	[timem:s12], [sflag:s22] =	dma.local [hbm:s10], s20  }
0xa3: {  	_ =	swait.ge [sflag:s22], s20  }
0xa4: {  	s9 =	ssub.s32 $0x0, s20;
	[sflag:s22] =	ssyncset.done $0x0  }
0xa5: {  	[sflag:s22] =	ssyncadd.s32 s9;
	_ =	sdelay $0x1  }
0xa6: {  	s23 =	simm.s32 $0x1B8B  }
0xa7: {  	_ =	swait.ge [sflag:s23], $0x1  }
0xa8: {  	[sflag:s23] =	ssyncset.done $0x0  }
0xa9: {  	s25 =	simm.s32 $0x1B8E;
	s24 =	sld [smem:$0x3FFE];
	[sflag:s23] =	ssyncadd.s32 $0xFFFFFFFF  }
0xaa: {  	s26 =	simm.s32 $execute0_lowered;
	[smem:$0x3FD2] =	sst s25  }
0xab: {  	s10 =	sshll.u32 s26, $0x1;
	_ =	strace $0x80000049;
	[dreg:$0x1] =	wrdreg $0xFFFFFFFF  }
0xac: {  	s28 =	simm.s32 $_size_execute0_lowered;
	s8 =	sadd.s32 s8, s10;
	[dreg:$0x0] =	wrdreg $0x0  }
0xad: {  	s10 =	sshll.u32 s28, $0x1;
	[dreg:$0x2] =	wrdreg s8  }
0xae: {  	[dreg:$0x3] =	wrdreg s10  }
0xaf: {  	[dreg:$0x4] =	wrdreg $0xC0  }
0xb0: {  	_ =	task [dreg:s12], $0x5FFFF  }
0xb1: {  	[dreg:$0x1] =	wrdreg $0xFFFFFFFF  }
0xb2: {  	[dreg:$0x0] =	wrdreg $0x60  }
0xb3: {  	[dreg:$0x2] =	wrdreg s2  }
0xb4: {  	[dreg:$0x3] =	wrdreg s18  }
0xb5: {  	[dreg:$0x4] =	wrdreg s4  }
0xb6: {  	[dreg:$0x5] =	wrdreg s5  }
0xb7: {  	[dreg:$0x6] =	wrdreg s6  }
0xb8: {  	[dreg:$0x7] =	wrdreg s24  }
0xb9: {  	[dreg:$0x8] =	wrdreg s7  }
0xba: {  	[dreg:$0x9] =	wrdreg $0x9  }
0xbb: {  	_ =	task.clear_ibuf [dreg:s12], $0xAFFFF;
	_ =	strace $0x90000049  }
0xbc: {  	s29 =	simm.s32 $0x9;
	_ =	strace $0x8000004B  }
0xbd: {  	_ =	swait.ge [sflag:s29], $0x1  }
0xbe: {  	[sflag:s29] =	ssyncadd.s32 $0xFFFFFFFF  }
0xbf: {  	_ =	strace $0x9000004B  }
0xc0: {  	_ =	sfence  }
0xc1: {  	s30 =	sld [smem:$0x0];
	_ =	sdelay $0x2  }
0xc2: {  	s31 =	sshll.u32 s1, $0xD;
	s1 =	sshrl.u32 s1, $0x2  }
0xc3: {  	s3 =	sand.u32 $0x4000, s31;
	s1 =	sadd.s32 s1, s30  }
0xc4: {  	s0 =	sor.u32 s3, s0;
	s1 =	sshll.u32 s1, $0x11  }
0xc5: {  	s0 =	sor.u32 s1, s0  }
0xc6: {  	s0 =	sadd.s32 $0x8F2B, s0  }
0xc7: {  	[sflag:s0] =	ssyncadd.remote.s32 $0x1  }
0xc8: {  	_ =	sfence.sel $0xFFFF  }
0xc9: {  	[dreg:$0x0] =	wrdreg $0xFFFFFFFF;
	(pc) =	sbr.abs _section_cstart, $3  }
0xca: {  	[dreg:$0x1] =	wrdreg $0xFFFFFFFF  }
0xcb: {  	_ =	task.clear_ibuf [dreg:s12], $0x2FFFF;
	_ =	strace $0x9FFFFFFF  }
0xcc: {  	(tm) =	ssettm $0x7FFFFFFF  }
0xcd: {  	_ =	shalt  }
tec
execute0_lowered:
.L_overlay_start_1:
0x0: {  	(tag) =	ssettag $0x1  }
0x1: {  	s0 =	rddreg [dreg:$0x0]  }
0x2: {  	s1 =	rddreg [dreg:$0x1]  }
0x3: {  	s2 =	rddreg [dreg:$0x2]  }
0x4: {  	s6 =	rddreg [dreg:$0x3]  }
0x5: {  	s7 =	rddreg [dreg:$0x4]  }
0x6: {  	s5 =	rddreg [dreg:$0x5]  }
0x7: {  	s8 =	rddreg [dreg:$0x6];
	s3 =	simm.s32 $0x0  }
0x8: {  	s4 =	srdreg.scid;
	s11 =	stileid.u32;
	s18 =	simm.s32 $0x40  }
0x9: {  	s30 =	simm.s32 $0x3;
	s14 =	simm.s32 $0x6;
	[smem:$0x7FF] =	sst s3  }
0xa: {  	s3 =	sadd.s32 $0xC00, s5;
	s9 =	sand.u32 $0x1, s4;
	s4 =	sadd.s32 $0x12C00, s5  }
0xb: {  	s11 =	sshll.u32 s11, $0x1;
	s5 =	sadd.s32 $0x52C00, s5;
	_ =	strace $0x8000004A  }
0xc: {  	s10 =	ssub.s32 $0x2, s9;
	s11 =	sor.u32 s9, s11;
	p0 =	seq.s32 s9, $0x1  }
0xd: {  	s9 =	simm.s32 $0x2000;
	s12 =	sshrl.u32 s10, $0x1;
	s13 =	sshll.u32 s11, $0x8  }
0xe: {  	s23 =	sshll.u32 s11, $0xF;
	s29 =	sshll.u32 s11, $0x7;
	s0 =	sadd.s32 s0, s13  }
0xf: {  	s10 =	ssub.s32 s10, s12;
	s24 =	sadd.s32 s1, s13;
	[dreg:$0x8] =	wrdreg s0  }
0x10: {  	s25 =	sadd.s32 s2, s13;
	s26 =	sadd.s32 s6, s13;
	[dreg:$0x9] =	wrdreg s24  }
0x11: {  	s1 =	simm.s32 $0x900;
	s28 =	sadd.s32 s7, s13;
	[dreg:$0xa] =	wrdreg s25  }
0x12: {  	s11 =	sadd.s32 s8, s23;
	s2 =	simm.s32 $0x5;
	[dreg:$0xb] =	wrdreg s26  }
0x13: {  	[dreg:$0xc] =	wrdreg s28;
	s1 =	simm.s32 @!p0 $0x0;
	s31 =	smax.u32 s10, $0x1  }
0x14: {  	v1 =	vmov s29;
	s7 =	simm.s32 $0x0;
	s0 =	simm.s32 $0x4;
	[dreg:$0xd] =	wrdreg s31;
	v0 =	vmov s1  }
.LBB2_1:
0x15: {  	[dreg:$0xe] =	wrdreg s7  }
0x16: {  	s1 =	simm.s32 $0x0;
	s6 =	rddreg [dreg:$0x8];
	s23 =	simm.s32 $0x9  }
0x17: {  	[tilespmem:s1], [sflag:$0x9] =	stream.linear.gather [hbm4b:s6+s1], $0x800, $0x38;
	[tilespmem:$0x17800] =	vst v63  }
0x18: {  	_ =	swait.ge [sflag:s23], $0x800  }
0x19: {  	[sflag:s23] =	ssyncset.done $0x0  }
0x1a: {  	s8 =	simm.s32 $0x800;
	s24 =	rddreg [dreg:$0x9];
	[sflag:s23] =	ssyncadd.s32 $0xFFFFF800  }
0x1b: {  	[tilespmem:s8], [sflag:$0x9] =	stream.linear.gather [hbm4b:s24+s1], $0x800, $0x38;
	[tilespmem:$0x17800] =	vst v63  }
0x1c: {  	_ =	swait.ge [sflag:s23], $0x800  }
0x1d: {  	[sflag:s23] =	ssyncset.done $0x0  }
0x1e: {  	s26 =	simm.s32 $0x1000;
	s25 =	rddreg [dreg:$0xa];
	[sflag:s23] =	ssyncadd.s32 $0xFFFFF800  }
0x1f: {  	[tilespmem:s26], [sflag:$0x9] =	stream.linear.gather [hbm4b:s25+s1], $0x800, $0x38;
	[tilespmem:$0x17800] =	vst v63  }
0x20: {  	_ =	swait.ge [sflag:s23], $0x800  }
0x21: {  	[sflag:s23] =	ssyncset.done $0x0  }
0x22: {  	s29 =	simm.s32 $0x1800;
	s28 =	rddreg [dreg:$0xb];
	[sflag:s23] =	ssyncadd.s32 $0xFFFFF800  }
0x23: {  	[tilespmem:s29], [sflag:$0x9] =	stream.linear.gather [hbm4b:s28+s1], $0x800, $0x38;
	[tilespmem:$0x17800] =	vst v63  }
0x24: {  	_ =	swait.ge [sflag:s23], $0x800  }
0x25: {  	[sflag:s23] =	ssyncset.done $0x0  }
0x26: {  	s31 =	rddreg [dreg:$0xc];
	[sflag:s23] =	ssyncadd.s32 $0xFFFFF800  }
0x27: {  	[tilespmem:s9], [sflag:$0x9] =	stream.linear.gather [hbm4b:s31+s1], $0x800, $0x38;
	[tilespmem:$0x17800] =	vst v63  }
0x28: {  	_ =	swait.ge [sflag:s23], $0x800  }
0x29: {  	[sflag:s23] =	ssyncset.done $0x0  }
0x2a: {  	s1 =	simm.s32 $0x0;
	[sflag:s23] =	ssyncadd.s32 $0xFFFFF800  }
0x2b: {  	v2 =	vld [tilespmem:s1+$0x2000]  }
0x2c: {  	v3 =	vld [tilespmem:s1+$0x2010]  }
0x2d: {  	v4 =	vld [tilespmem:s1+$0x2020]  }
0x2e: {  	v5 =	vld [tilespmem:s1+$0x2030]  }
0x2f: {  	v6 =	vld [tilespmem:s1+$0x0]  }
0x30: {  	v7 =	vld [tilespmem:s1+$0x800]  }
0x31: {  	v8 =	vld [tilespmem:s1+$0x1000];
	v2 =	vadd.s32 v1, v2  }
0x32: {  	[tilespmem:s1+$0x2000] =	vst v2;
	v2 =	vadd.s32 v1, v3;
	v3 =	vld [tilespmem:s1+$0x10]  }
0x33: {  	[tilespmem:s1+$0x2010] =	vst v2;
	v2 =	vadd.s32 v1, v4;
	v4 =	vld [tilespmem:s1+$0x810]  }
0x34: {  	v9 =	vld [tilespmem:s1+$0x1010]  }
0x35: {  	v10 =	vld [tilespmem:s1+$0x1020];
	[tilespmem:s1+$0x2020] =	vst v2;
	v2 =	vadd.s32 v1, v5  }
0x36: {  	v5 =	vadd.s32 v0, v7;
	[tilespmem:s1+$0x2030] =	vst v2;
	v2 =	vshll.u32 v6, $0x3;
	v6 =	vld [tilespmem:s1+$0x20]  }
0x37: {  	v2 =	vadd.s32 v2, v5;
	v5 =	vld [tilespmem:s1+$0x820]  }
0x38: {  	v11 =	vld [tilespmem:s1+$0x30];
	[tilespmem:s1+$0x2800] =	vst v2;
	v2 =	vshll.u32 v3, $0x3;
	v3 =	vadd.s32 v0, v4  }
0x39: {  	v2 =	vadd.s32 v2, v3;
	v3 =	vld [tilespmem:s1+$0x830]  }
0x3a: {  	v12 =	vld [tilespmem:s1+$0x1030]  }
0x3b: {  	v13 =	vld [tilespmem:s1+$0x1800]  }
0x3c: {  	v4 =	vld [tilespmem:s1+$0x1810];
	[tilespmem:s1+$0x2810] =	vst v2;
	v2 =	vshll.u32 v6, $0x3;
	v5 =	vadd.s32 v0, v5  }
0x3d: {  	v6 =	vld [tilespmem:s1+$0x1820];
	v2 =	vadd.s32 v2, v5  }
0x3e: {  	s6 =	simm.s32 $0x80;
	v7 =	vld [tilespmem:s1+$0x1830];
	[tilespmem:s1+$0x2820] =	vst v2;
	v2 =	vshll.u32 v11, $0x3;
	v11 =	vadd.s32 v0, v3  }
0x3f: {  	v14 =	vshll.u32 v8, $0x7;
	v8 =	vshll.u32 v10, $0x7;
	v5 =	vld [tilespmem:s6+$0x2000];
	v11 =	vadd.s32 v2, v11  }
0x40: {  	s7 =	simm.s32 $0x400;
	v10 =	vadd.s32 v13, v14;
	v3 =	vshll.u32 v9, $0x7;
	v9 =	vshll.u32 v12, $0x7;
	v2 =	vld [tilespmem:s6+$0x2010];
	[tilespmem:s1+$0x2830] =	vst v11  }
.LBB2_2:
0x41: {  	p0 =	sne.s32 s7, $0x1E00;
	v11 =	vld [tilespmem:s6+$0x2020];
	[tilespmem:s1+$0x3000] =	vst v10;
	v3 =	vadd.s32 v4, v3  }
0x42: {  	v4 =	vld [tilespmem:s6+$0x2030];
	[tilespmem:s1+$0x3010] =	vst v3;
	v3 =	vadd.s32 v6, v8  }
0x43: {  	v6 =	vld [tilespmem:s6+$0x0];
	[tilespmem:s1+$0x3020] =	vst v3;
	v3 =	vadd.s32 v7, v9  }
0x44: {  	v7 =	vld [tilespmem:s6+$0x800];
	v5 =	vadd.s32 v1, v5;
	[tilespmem:s1+$0x3030] =	vst v3;
	s1 =	smov.u32 s6  }
0x45: {  	v3 =	vld [tilespmem:s1+$0x1000];
	[tilespmem:s1+$0x2000] =	vst v5;
	v2 =	vadd.s32 v1, v2  }
0x46: {  	v5 =	vld [tilespmem:s1+$0x10];
	[tilespmem:s1+$0x2010] =	vst v2;
	v2 =	vadd.s32 v1, v11  }
0x47: {  	v8 =	vld [tilespmem:s1+$0x810];
	[tilespmem:s1+$0x2020] =	vst v2;
	v2 =	vadd.s32 v1, v4  }
0x48: {  	v4 =	vshll.u32 v6, $0x3;
	v6 =	vld [tilespmem:s1+$0x1010];
	[tilespmem:s1+$0x2030] =	vst v2  }
0x49: {  	v2 =	vadd.s32 v0, v7;
	v7 =	vld [tilespmem:s1+$0x20]  }
0x4a: {  	v2 =	vadd.s32 v4, v2;
	v10 =	vshll.u32 v3, $0x7;
	v4 =	vld [tilespmem:s1+$0x820]  }
0x4b: {  	[tilespmem:s1+$0x2800] =	vst v2;
	v2 =	vshll.u32 v5, $0x3;
	v5 =	vld [tilespmem:s1+$0x1020]  }
0x4c: {  	v3 =	vadd.s32 v0, v8;
	v9 =	vld [tilespmem:s1+$0x30]  }
0x4d: {  	v2 =	vadd.s32 v2, v3;
	v3 =	vshll.u32 v6, $0x7;
	v11 =	vld [tilespmem:s1+$0x830]  }
0x4e: {  	[tilespmem:s1+$0x2810] =	vst v2;
	v2 =	vshll.u32 v7, $0x3;
	v12 =	vld [tilespmem:s1+$0x1030]  }
0x4f: {  	v13 =	vld [tilespmem:s1+$0x1800];
	v6 =	vadd.s32 v0, v4  }
.Ltmp0:
0x50: {  	v4 =	vld [tilespmem:s1+$0x1810];
	v2 =	vadd.s32 v2, v6;
	v8 =	vshll.u32 v5, $0x7;
	(pc) =	sbr.rel @p0 .LBB2_2-.Ltmp0, $4  }
0x51: {  	[tilespmem:s1+$0x2820] =	vst v2;
	v6 =	vld [tilespmem:s1+$0x1820];
	v2 =	vshll.u32 v9, $0x3  }
0x52: {  	s6 =	sshra.s32 s7, $0x2;
	v9 =	vadd.s32 v0, v11;
	v7 =	vld [tilespmem:s1+$0x1830]  }
0x53: {  	v5 =	vld [tilespmem:s6+$0x2000];
	v11 =	vadd.s32 v2, v9;
	v9 =	vshll.u32 v12, $0x7  }
0x54: {  	s7 =	sadd.s32 $0x200, s7;
	v2 =	vld [tilespmem:s6+$0x2010];
	v10 =	vadd.s32 v13, v10;
	[tilespmem:s1+$0x2830] =	vst v11  }
0x55: {  	v11 =	vld [tilespmem:s6+$0x2020];
	[tilespmem:s1+$0x3000] =	vst v10;
	v3 =	vadd.s32 v4, v3  }
0x56: {  	v49 =	vld [tilespmem:s6+$0x2030];
	[tilespmem:s1+$0x3010] =	vst v3;
	v3 =	vadd.s32 v6, v8  }
0x57: {  	v50 =	vld [tilespmem:s6+$0x0];
	[tilespmem:s1+$0x3020] =	vst v3;
	v3 =	vadd.s32 v7, v9  }
0x58: {  	v51 =	vld [tilespmem:s6+$0x800];
	[tilespmem:s1+$0x3030] =	vst v3  }
0x59: {  	v3 =	vadd.s32 v1, v5;
	v52 =	vld [tilespmem:s6+$0x1000]  }
0x5a: {  	[tilespmem:s6+$0x2000] =	vst v3;
	v3 =	vld [tilespmem:s6+$0x10]  }
0x5b: {  	v53 =	vld [tilespmem:s6+$0x810]  }
0x5c: {  	v54 =	vld [tilespmem:s6+$0x1010]  }
0x5d: {  	v56 =	vld [tilespmem:s6+$0x20]  }
0x5e: {  	v57 =	vld [tilespmem:s6+$0x820]  }
0x5f: {  	v2 =	vadd.s32 v1, v2;
	v58 =	vld [tilespmem:s6+$0x30]  }
0x60: {  	v59 =	vld [tilespmem:s6+$0x830];
	[tilespmem:s6+$0x2010] =	vst v2;
	v2 =	vadd.s32 v1, v11  }
0x61: {  	v10 =	vld [tilespmem:s6+$0x1800];
	[tilespmem:s6+$0x2020] =	vst v2;
	v2 =	vadd.s32 v1, v49  }
0x62: {  	v60 =	vld [tilespmem:s6+$0x1810];
	[tilespmem:s6+$0x2030] =	vst v2;
	v2 =	vshll.u32 v50, $0x3;
	v55 =	vadd.s32 v0, v51  }
0x63: {  	v61 =	vld [tilespmem:s6+$0x1820];
	v2 =	vadd.s32 v2, v55;
	v3 =	vshll.u32 v3, $0x3;
	v8 =	vadd.s32 v0, v53  }
0x64: {  	[tilespmem:s6+$0x2800] =	vst v2;
	v2 =	vld [tilespmem:s6+$0x1020];
	v3 =	vadd.s32 v3, v8  }
0x65: {  	v7 =	vshll.u32 v56, $0x3;
	v6 =	vadd.s32 v0, v57;
	[tilespmem:s6+$0x2810] =	vst v3;
	v3 =	vld [tilespmem:s6+$0x1030]  }
0x66: {  	v63 =	vld [tilespmem:s6+$0x1830];
	v5 =	vshll.u32 v52, $0x7;
	v6 =	vadd.s32 v7, v6  }
0x67: {  	v4 =	vshll.u32 v54, $0x7;
	v5 =	vadd.s32 v10, v5;
	[tilespmem:s6+$0x2820] =	vst v6  }
0x68: {  	v62 =	vshll.u32 v58, $0x3;
	v8 =	vadd.s32 v0, v59;
	v4 =	vadd.s32 v60, v4;
	[tilespmem:s6+$0x3000] =	vst v5  }
0x69: {  	v7 =	vadd.s32 v62, v8;
	[tilespmem:s6+$0x3010] =	vst v4;
	v2 =	vshll.u32 v2, $0x7  }
0x6a: {  	[tilespmem:s6+$0x2830] =	vst v7;
	v3 =	vshll.u32 v3, $0x7;
	v2 =	vadd.s32 v61, v2  }
0x6b: {  	[tilespmem:s6+$0x3020] =	vst v2;
	v2 =	vadd.s32 v63, v3  }
0x6c: {  	s25 =	simm.s32 $0x2800;
	s26 =	simm.s32 $0x3800;
	[tilespmem:s6+$0x3030] =	vst v2  }
0x6d: {  	[tilespmem:s26], [sflag:$0x1] =	stream.indirect.gather [hbm4b:s3+s18], $0x80, s25, s18, $0xb8;
	[tilespmem:$0x17800] =	vst v63  }
0x6e: {  	s28 =	simm.s32 $0x3000;
	s29 =	simm.s32 $0x5800  }
0x6f: {  	[tilespmem:s29], [sflag:$0x2] =	stream.indirect.gather [hbm4b:s4+s18], $0x80, s28, s18, $0xb8;
	[tilespmem:$0x17800] =	vst v63  }
0x70: {  	s31 =	simm.s32 $0x7800;
	s22 =	simm.s32 $0x0  }
0x71: {  	[tilespmem:s31], [sflag:$0x3] =	stream.indirect.gather [hbm4b:s5+s18], $0x80, s9, s18, $0xb8;
	[tilespmem:$0x17800] =	vst v63  }
.LBB2_4:
0x72: {  	s23 =	sshllo.u32 s22, $0x1  }
0x73: {  	s1 =	sshll.u32 s23, $0x7  }
0x74: {  	s7 =	simm.s32 $0x9800;
	s6 =	sadd.s32 $0x2800, s1  }
0x75: {  	[tilespmem:s7], [sflag:$0x4] =	stream.indirect.gather [hbm4b:s3+s18], $0x80, s6, s18, $0xb8;
	[tilespmem:$0x17800] =	vst v63  }
0x76: {  	s12 =	simm.s32 $0xB800;
	s10 =	sadd.s32 $0x3000, s1  }
0x77: {  	[tilespmem:s12], [sflag:$0x5] =	stream.indirect.gather [hbm4b:s4+s18], $0x80, s10, s18, $0xb8;
	[tilespmem:$0x17800] =	vst v63  }
0x78: {  	s13 =	simm.s32 $0xD800;
	s15 =	simm.s32 $0x1;
	s1 =	sadd.s32 $0x2000, s1  }
0x79: {  	[tilespmem:s13], [sflag:$0x6] =	stream.indirect.gather [hbm4b:s5+s18], $0x80, s1, s18, $0xb8;
	[tilespmem:$0x17800] =	vst v63  }
0x7a: {  	_ =	swait.ge [sflag:s15], $0x2000  }
0x7b: {  	[sflag:s15] =	ssyncset.done $0x0  }
0x7c: {  	s16 =	simm.s32 $0x2;
	[sflag:s15] =	ssyncadd.s32 $0xFFFFE000  }
0x7d: {  	_ =	swait.ge [sflag:s16], $0x2000  }
0x7e: {  	[sflag:s16] =	ssyncset.done $0x0  }
0x7f: {  	[sflag:s16] =	ssyncadd.s32 $0xFFFFE000  }
0x80: {  	_ =	swait.ge [sflag:s30], $0x2000  }
0x81: {  	p0 =	seq.s32 s22, $0x0;
	[sflag:s30] =	ssyncset.done $0x0  }
0x82: {  	s1 =	simm.s32 @!p0 $0x7;
	[sflag:s30] =	ssyncadd.s32 $0xFFFFE000  }
0x83: {  	_ =	swait.ge @!p0 [sflag:s1], $0x4000  }
0x84: {  	[sflag:s1] =	ssyncset.done @!p0 $0x0  }
0x85: {  	[sflag:s1] =	ssyncadd.s32 @!p0 $0xFFFFC000;
	s1 =	simm.s32 $0x3880  }
0x86: {  	s15 =	simm.s32 $0x5880;
	v2 =	vld [tilespmem:s1+$0x0]  }
0x87: {  	v3 =	vld [tilespmem:s15+$0x0]  }
0x88: {  	s25 =	simm.s32 $0x7880  }
0x89: {  	v4 =	vld [tilespmem:s25+$0x0];
	_ =	sdelay $0x2  }
0x8a: {  	v2 =	vadd.bf16 v3, v2  }
0x8b: {  	s8 =	simm.s32 $0x0  }
0x8c: {  	s19 =	simm.s32 $0x80;
	s17 =	sand.u32 $0x3800, s8;
	v2 =	vadd.bf16 v4, v2  }
0x8d: {  	s6 =	sadd.s32 $0xF800, s17;
	s7 =	sand.u32 $0x380, s19  }
0x8e: {  	s26 =	sor.u32 s7, s6;
	v3 =	vshll.u32 v2, $0x10  }
0x8f: {  	v2 =	vand.u32 $0xFFFF0000, v2;
	[tilespmem:s26+$0x0] =	vst v3  }
0x90: {  	[tilespmem:s26+$0x10] =	vst v2  }
0x91: {  	v2 =	vld [tilespmem:s1+$0x10]  }
0x92: {  	v3 =	vld [tilespmem:s15+$0x10];
	_ =	sdelay $0x1  }
0x93: {  	v4 =	vld [tilespmem:s25+$0x10];
	_ =	sdelay $0x2  }
0x94: {  	v5 =	vld [tilespmem:s15+$0xFFFFFF80];
	v2 =	vadd.bf16 v3, v2  }
0x95: {  	v3 =	vld [tilespmem:s1+$0xFFFFFF80]  }
0x96: {  	v2 =	vadd.bf16 v4, v2  }
0x97: {  	v4 =	vld [tilespmem:s25+$0xFFFFFF80]  }
0x98: {  	v6 =	vshll.u32 v2, $0x10  }
0x99: {  	v2 =	vand.u32 $0xFFFF0000, v2;
	[tilespmem:s26+$0x20] =	vst v6  }
0x9a: {  	v3 =	vadd.bf16 v5, v3;
	[tilespmem:s26+$0x30] =	vst v2  }
0x9b: {  	v2 =	vld [tilespmem:s1+$0x20]  }
0x9c: {  	v3 =	vadd.bf16 v4, v3;
	v4 =	vld [tilespmem:s15+$0x20]  }
0x9d: {  	s20 =	sand.u32 $0x300, s8  }
0x9e: {  	s17 =	sor.u32 s20, s6;
	v6 =	vld [tilespmem:s25+$0x20];
	v5 =	vshll.u32 v3, $0x10  }
0x9f: {  	v3 =	vand.u32 $0xFFFF0000, v3;
	[tilespmem:s17+$0x0] =	vst v5  }
0xa0: {  	[tilespmem:s17+$0x10] =	vst v3  }
0xa1: {  	v3 =	vld [tilespmem:s1+$0xFFFFFF90];
	v2 =	vadd.bf16 v4, v2  }
0xa2: {  	v4 =	vld [tilespmem:s15+$0xFFFFFF90]  }
0xa3: {  	v2 =	vadd.bf16 v6, v2  }
0xa4: {  	v5 =	vld [tilespmem:s25+$0xFFFFFF90]  }
0xa5: {  	v6 =	vshll.u32 v2, $0x10  }
0xa6: {  	v2 =	vand.u32 $0xFFFF0000, v2;
	[tilespmem:s26+$0x40] =	vst v6  }
0xa7: {  	v3 =	vadd.bf16 v4, v3;
	[tilespmem:s26+$0x50] =	vst v2  }
0xa8: {  	v2 =	vld [tilespmem:s1+$0x30]  }
0xa9: {  	v4 =	vld [tilespmem:s15+$0x30];
	v3 =	vadd.bf16 v5, v3;
	_ =	sdelay $0x1  }
0xaa: {  	v6 =	vld [tilespmem:s25+$0x30];
	v5 =	vshll.u32 v3, $0x10  }
0xab: {  	v3 =	vand.u32 $0xFFFF0000, v3;
	[tilespmem:s17+$0x20] =	vst v5  }
0xac: {  	[tilespmem:s17+$0x30] =	vst v3  }
0xad: {  	v3 =	vld [tilespmem:s1+$0xFFFFFFA0];
	v2 =	vadd.bf16 v4, v2  }
0xae: {  	s6 =	simm.s32 $0x5980;
	v4 =	vld [tilespmem:s15+$0xFFFFFFA0]  }
0xaf: {  	v7 =	vld [tilespmem:s6+$0x0];
	v2 =	vadd.bf16 v6, v2  }
0xb0: {  	s8 =	simm.s32 $0x3980;
	v5 =	vld [tilespmem:s25+$0xFFFFFFA0]  }
0xb1: {  	v6 =	vld [tilespmem:s8+$0x0];
	v8 =	vshll.u32 v2, $0x10  }
0xb2: {  	s7 =	simm.s32 $0x7980;
	v9 =	vld [tilespmem:s6+$0xFFFFFF80];
	v2 =	vand.u32 $0xFFFF0000, v2;
	[tilespmem:s26+$0x60] =	vst v8  }
0xb3: {  	v3 =	vadd.bf16 v4, v3;
	v4 =	vld [tilespmem:s7+$0x0];
	[tilespmem:s26+$0x70] =	vst v2  }
0xb4: {  	v2 =	vld [tilespmem:s1+$0x40]  }
0xb5: {  	v3 =	vadd.bf16 v5, v3;
	v5 =	vld [tilespmem:s15+$0x40]  }
0xb6: {  	v8 =	vld [tilespmem:s8+$0xFFFFFF80];
	v6 =	vadd.bf16 v7, v6  }
0xb7: {  	s9 =	simm.s32 $0x200;
	v10 =	vld [tilespmem:s25+$0x40];
	v7 =	vshll.u32 v3, $0x10  }
0xb8: {  	s9 =	sand.u32 $0x3800, s9;
	s10 =	simm.s32 $0x180;
	v3 =	vand.u32 $0xFFFF0000, v3;
	[tilespmem:s17+$0x40] =	vst v7;
	v4 =	vadd.bf16 v4, v6  }
0xb9: {  	s12 =	sadd.s32 $0xF800, s9;
	s21 =	sand.u32 $0x380, s10;
	[tilespmem:s17+$0x50] =	vst v3;
	v3 =	vld [tilespmem:s7+$0xFFFFFF80]  }
0xba: {  	s9 =	sor.u32 s21, s12;
	v6 =	vld [tilespmem:s1+$0xFFFFFFB0];
	v7 =	vshll.u32 v4, $0x10;
	v2 =	vadd.bf16 v5, v2  }
0xbb: {  	v5 =	vld [tilespmem:s15+$0xFFFFFFB0];
	v4 =	vand.u32 $0xFFFF0000, v4;
	[tilespmem:s9+$0x0] =	vst v7  }
0xbc: {  	v8 =	vadd.bf16 v9, v8;
	v7 =	vld [tilespmem:s25+$0xFFFFFFB0];
	[tilespmem:s9+$0x10] =	vst v4;
	v2 =	vadd.bf16 v10, v2  }
0xbd: {  	v4 =	vld [tilespmem:s8+$0x10]  }
0xbe: {  	s24 =	simm.s32 $0x100;
	v3 =	vadd.bf16 v3, v8;
	v8 =	vld [tilespmem:s6+$0x10];
	v9 =	vshll.u32 v2, $0x10  }
0xbf: {  	s10 =	sand.u32 $0x300, s24;
	v2 =	vand.u32 $0xFFFF0000, v2;
	[tilespmem:s26+$0x400] =	vst v9  }
0xc0: {  	s10 =	sor.u32 s10, s12;
	v5 =	vadd.bf16 v5, v6;
	v6 =	vshll.u32 v3, $0x10;
	v9 =	vld [tilespmem:s7+$0x10];
	[tilespmem:s26+$0x410] =	vst v2  }
0xc1: {  	v2 =	vand.u32 $0xFFFF0000, v3;
	[tilespmem:s10+$0x0] =	vst v6;
	v3 =	vld [tilespmem:s1+$0x50]  }
0xc2: {  	[tilespmem:s10+$0x10] =	vst v2;
	v2 =	vld [tilespmem:s15+$0x50];
	v5 =	vadd.bf16 v7, v5  }
0xc3: {  	v6 =	vld [tilespmem:s8+$0xFFFFFF90];
	v4 =	vadd.bf16 v8, v4  }
0xc4: {  	v8 =	vld [tilespmem:s25+$0x50];
	v7 =	vshll.u32 v5, $0x10  }
0xc5: {  	v5 =	vand.u32 $0xFFFF0000, v5;
	[tilespmem:s17+$0x60] =	vst v7;
	v7 =	vld [tilespmem:s6+$0xFFFFFF90];
	v4 =	vadd.bf16 v9, v4  }
0xc6: {  	[tilespmem:s17+$0x70] =	vst v5;
	v5 =	vld [tilespmem:s7+$0xFFFFFF90]  }
0xc7: {  	v10 =	vld [tilespmem:s1+$0xFFFFFFC0];
	v9 =	vshll.u32 v4, $0x10  }
0xc8: {  	v2 =	vadd.bf16 v2, v3;
	v3 =	vand.u32 $0xFFFF0000, v4;
	v4 =	vld [tilespmem:s15+$0xFFFFFFC0];
	[tilespmem:s9+$0x20] =	vst v9  }
0xc9: {  	[tilespmem:s9+$0x30] =	vst v3;
	v3 =	vld [tilespmem:s25+$0xFFFFFFC0]  }
0xca: {  	v2 =	vadd.bf16 v8, v2;
	v8 =	vld [tilespmem:s8+$0x20]  }
0xcb: {  	v6 =	vadd.bf16 v7, v6;
	v7 =	vld [tilespmem:s6+$0x20]  }
0xcc: {  	v9 =	vshll.u32 v2, $0x10  }
0xcd: {  	v2 =	vand.u32 $0xFFFF0000, v2;
	[tilespmem:s26+$0x420] =	vst v9;
	v5 =	vadd.bf16 v5, v6;
	v6 =	vld [tilespmem:s7+$0x20]  }
0xce: {  	[tilespmem:s26+$0x430] =	vst v2;
	v4 =	vadd.bf16 v4, v10  }
0xcf: {  	v9 =	vld [tilespmem:s1+$0x60];
	v2 =	vshll.u32 v5, $0x10  }
0xd0: {  	v5 =	vand.u32 $0xFFFF0000, v5;
	[tilespmem:s10+$0x20] =	vst v2;
	v2 =	vadd.bf16 v3, v4;
	v3 =	vld [tilespmem:s15+$0x60];
	v4 =	vadd.bf16 v7, v8  }
0xd1: {  	[tilespmem:s10+$0x30] =	vst v5;
	v5 =	vld [tilespmem:s25+$0x60]  }
0xd2: {  	v8 =	vld [tilespmem:s8+$0xFFFFFFA0];
	v7 =	vshll.u32 v2, $0x10;
	v4 =	vadd.bf16 v6, v4  }
0xd3: {  	v2 =	vand.u32 $0xFFFF0000, v2;
	v6 =	vld [tilespmem:s6+$0xFFFFFFA0];
	[tilespmem:s17+$0x400] =	vst v7  }
0xd4: {  	[tilespmem:s17+$0x410] =	vst v2;
	v2 =	vshll.u32 v4, $0x10  }
0xd5: {  	s20 =	simm.s32 $0x5A80;
	v7 =	vld [tilespmem:s7+$0xFFFFFFA0];
	v4 =	vand.u32 $0xFFFF0000, v4;
	v3 =	vadd.bf16 v3, v9;
	[tilespmem:s9+$0x40] =	vst v2  }
0xd6: {  	v13 =	vld [tilespmem:s20+$0xFFFFFF80];
	[tilespmem:s9+$0x50] =	vst v4  }
0xd7: {  	v2 =	vadd.bf16 v5, v3;
	v3 =	vld [tilespmem:s8+$0x30]  }
0xd8: {  	s13 =	simm.s32 $0x7A80;
	v4 =	vadd.bf16 v6, v8;
	v5 =	vld [tilespmem:s6+$0x30]  }
0xd9: {  	v48 =	vld [tilespmem:s13+$0x0]  }
0xda: {  	v4 =	vadd.bf16 v7, v4;
	v7 =	vld [tilespmem:s7+$0x30]  }
0xdb: {  	v15 =	vld [tilespmem:s13+$0xFFFFFF80]  }
0xdc: {  	v9 =	vld [tilespmem:s1+$0xFFFFFFD0];
	v8 =	vshll.u32 v2, $0x10  }
0xdd: {  	v6 =	vld [tilespmem:s15+$0xFFFFFFD0];
	v2 =	vand.u32 $0xFFFF0000, v2;
	[tilespmem:s26+$0x440] =	vst v8;
	v5 =	vadd.bf16 v5, v3  }
0xde: {  	v8 =	vld [tilespmem:s25+$0xFFFFFFD0];
	[tilespmem:s26+$0x450] =	vst v2  }
0xdf: {  	v2 =	vld [tilespmem:s1+$0x70];
	v11 =	vand.u32 $0xFFFF0000, v4;
	v5 =	vadd.bf16 v7, v5  }
0xe0: {  	s12 =	simm.s32 $0x3A80;
	[tilespmem:s10+$0x50] =	vst v11;
	v11 =	vld [tilespmem:s20+$0x0]  }
0xe1: {  	v7 =	vld [tilespmem:s12+$0x0];
	v12 =	vshll.u32 v5, $0x10  }
0xe2: {  	v10 =	vshll.u32 v4, $0x10;
	v4 =	vld [tilespmem:s15+$0x70];
	v5 =	vand.u32 $0xFFFF0000, v5;
	[tilespmem:s9+$0x60] =	vst v12  }
0xe3: {  	v3 =	vld [tilespmem:s25+$0x70];
	[tilespmem:s9+$0x70] =	vst v5  }
0xe4: {  	v5 =	vadd.bf16 v6, v9;
	v6 =	vld [tilespmem:s8+$0x40]  }
0xe5: {  	[tilespmem:s10+$0x40] =	vst v10;
	v9 =	vld [tilespmem:s6+$0x40]  }
0xe6: {  	v10 =	vld [tilespmem:s8+$0xFFFFFFB0];
	v5 =	vadd.bf16 v8, v5;
	v7 =	vadd.bf16 v11, v7  }
0xe7: {  	s24 =	simm.s32 $0x400;
	v11 =	vld [tilespmem:s7+$0x40]  }
0xe8: {  	s19 =	simm.s32 $0x280;
	s16 =	sand.u32 $0x3800, s24;
	v8 =	vld [tilespmem:s12+$0xFFFFFF80];
	v14 =	vshll.u32 v5, $0x10;
	v7 =	vadd.bf16 v48, v7  }
0xe9: {  	s28 =	sand.u32 $0x380, s19;
	s21 =	sadd.s32 $0xF800, s16;
	v49 =	vld [tilespmem:s6+$0xFFFFFFB0];
	v5 =	vand.u32 $0xFFFF0000, v5;
	[tilespmem:s17+$0x420] =	vst v14  }
0xea: {  	s16 =	sor.u32 s28, s21;
	v50 =	vld [tilespmem:s7+$0xFFFFFFB0];
	[tilespmem:s17+$0x430] =	vst v5;
	v5 =	vshll.u32 v7, $0x10;
	v6 =	vadd.bf16 v9, v6  }
0xeb: {  	v7 =	vand.u32 $0xFFFF0000, v7;
	v52 =	vld [tilespmem:s25+$0xFFFFFFE0];
	[tilespmem:s16+$0x0] =	vst v5  }
0xec: {  	v5 =	vld [tilespmem:s1+$0xFFFFFFE0];
	[tilespmem:s16+$0x10] =	vst v7;
	v6 =	vadd.bf16 v11, v6  }
0xed: {  	v8 =	vadd.bf16 v13, v8;
	v9 =	vld [tilespmem:s12+$0x10]  }
0xee: {  	v11 =	vld [tilespmem:s20+$0x10];
	v51 =	vshll.u32 v6, $0x10  }
0xef: {  	s31 =	simm.s32 $0x200;
	v7 =	vld [tilespmem:s15+$0xFFFFFFE0];
	v8 =	vadd.bf16 v15, v8;
	v6 =	vand.u32 $0xFFFF0000, v6;
	[tilespmem:s9+$0x400] =	vst v51  }
0xf0: {  	s29 =	sand.u32 $0x300, s31;
	v10 =	vadd.bf16 v49, v10;
	v54 =	vld [tilespmem:s13+$0x10];
	[tilespmem:s9+$0x410] =	vst v6  }
0xf1: {  	s19 =	sor.u32 s29, s21;
	v53 =	vshll.u32 v8, $0x10;
	v6 =	vand.u32 $0xFFFF0000, v8;
	v8 =	vld [tilespmem:s8+$0x50]  }
0xf2: {  	v10 =	vadd.bf16 v50, v10;
	[tilespmem:s19+$0x10] =	vst v6;
	v6 =	vld [tilespmem:s6+$0x50]  }
0xf3: {  	[tilespmem:s19+$0x0] =	vst v53;
	v55 =	vld [tilespmem:s7+$0x50];
	v9 =	vadd.bf16 v11, v9  }
0xf4: {  	v5 =	vadd.bf16 v7, v5;
	v7 =	vand.u32 $0xFFFF0000, v10;
	v12 =	vld [tilespmem:s12+$0xFFFFFF90]  }
0xf5: {  	v11 =	vshll.u32 v10, $0x10;
	v10 =	vld [tilespmem:s20+$0xFFFFFF90];
	[tilespmem:s10+$0x70] =	vst v7;
	v9 =	vadd.bf16 v54, v9  }
0xf6: {  	v7 =	vld [tilespmem:s13+$0xFFFFFF90];
	[tilespmem:s10+$0x60] =	vst v11  }
0xf7: {  	v5 =	vadd.bf16 v52, v5;
	v56 =	vld [tilespmem:s8+$0xFFFFFFC0];
	v11 =	vshll.u32 v9, $0x10;
	v6 =	vadd.bf16 v6, v8  }
0xf8: {  	v8 =	vand.u32 $0xFFFF0000, v9;
	v9 =	vld [tilespmem:s6+$0xFFFFFFC0];
	[tilespmem:s16+$0x20] =	vst v11  }
0xf9: {  	v11 =	vshll.u32 v5, $0x10;
	[tilespmem:s16+$0x30] =	vst v8;
	v8 =	vld [tilespmem:s7+$0xFFFFFFC0];
	v6 =	vadd.bf16 v55, v6  }
0xfa: {  	v5 =	vand.u32 $0xFFFF0000, v5;
	[tilespmem:s17+$0x440] =	vst v11;
	v11 =	vld [tilespmem:s12+$0x20]  }
0xfb: {  	v10 =	vadd.bf16 v10, v12;
	[tilespmem:s17+$0x450] =	vst v5;
	v5 =	vld [tilespmem:s20+$0x20];
	v57 =	vshll.u32 v6, $0x10  }
0xfc: {  	v58 =	vld [tilespmem:s1+$0xFFFFFFF0];
	v6 =	vand.u32 $0xFFFF0000, v6;
	[tilespmem:s9+$0x420] =	vst v57  }
0xfd: {  	v7 =	vadd.bf16 v7, v10;
	v10 =	vld [tilespmem:s13+$0x20];
	[tilespmem:s9+$0x430] =	vst v6  }
0xfe: {  	v6 =	vadd.bf16 v9, v56;
	v9 =	vld [tilespmem:s8+$0x60]  }
0xff: {  	v59 =	vshll.u32 v7, $0x10;
	v7 =	vand.u32 $0xFFFF0000, v7;
	v60 =	vld [tilespmem:s6+$0x60]  }
0x100: {  	[tilespmem:s19+$0x30] =	vst v7;
	v7 =	vld [tilespmem:s7+$0x60];
	v6 =	vadd.bf16 v8, v6;
	v5 =	vadd.bf16 v5, v11  }
0x101: {  	[tilespmem:s19+$0x20] =	vst v59;
	v8 =	vld [tilespmem:s15+$0xFFFFFFF0]  }
0x102: {  	v13 =	vld [tilespmem:s12+$0xFFFFFFA0];
	v11 =	vshll.u32 v6, $0x10;
	v5 =	vadd.bf16 v10, v5  }
0x103: {  	v6 =	vand.u32 $0xFFFF0000, v6;
	v10 =	vld [tilespmem:s20+$0xFFFFFFA0];
	[tilespmem:s10+$0x400] =	vst v11  }
0x104: {  	[tilespmem:s10+$0x410] =	vst v6;
	v6 =	vld [tilespmem:s13+$0xFFFFFFA0];
	v11 =	vshll.u32 v5, $0x10;
	v9 =	vadd.bf16 v60, v9  }
0x105: {  	v5 =	vand.u32 $0xFFFF0000, v5;
	[tilespmem:s16+$0x40] =	vst v11;
	v11 =	vld [tilespmem:s8+$0xFFFFFFD0]  }
0x106: {  	[tilespmem:s16+$0x50] =	vst v5;
	v5 =	vld [tilespmem:s6+$0xFFFFFFD0];
	v7 =	vadd.bf16 v7, v9  }
0x107: {  	v2 =	vadd.bf16 v4, v2;
	v9 =	vld [tilespmem:s12+$0x30]  }
0x108: {  	v4 =	vadd.bf16 v10, v13;
	v10 =	vld [tilespmem:s20+$0x30];
	v61 =	vshll.u32 v7, $0x10  }
0x109: {  	v2 =	vadd.bf16 v3, v2;
	v62 =	vld [tilespmem:s7+$0xFFFFFFD0];
	v3 =	vand.u32 $0xFFFF0000, v7;
	[tilespmem:s9+$0x440] =	vst v61  }
0x10a: {  	v63 =	vld [tilespmem:s13+$0x30];
	v6 =	vadd.bf16 v6, v4;
	[tilespmem:s9+$0x450] =	vst v3  }
0x10b: {  	v4 =	vand.u32 $0xFFFF0000, v2;
	v3 =	vld [tilespmem:s8+$0x70]  }
0x10c: {  	[tilespmem:s26+$0x470] =	vst v4;
	v4 =	vld [tilespmem:s6+$0x70];
	v11 =	vadd.bf16 v5, v11;
	v7 =	vshll.u32 v6, $0x10  }
0x10d: {  	v5 =	vld [tilespmem:s25+$0xFFFFFFF0];
	v6 =	vand.u32 $0xFFFF0000, v6;
	[tilespmem:s19+$0x40] =	vst v7;
	v9 =	vadd.bf16 v10, v9  }
0x10e: {  	s1 =	simm.s32 $0x4;
	v7 =	vshll.u32 v2, $0x10;
	v2 =	vadd.bf16 v8, v58;
	[tilespmem:s19+$0x50] =	vst v6;
	v6 =	vld [tilespmem:s7+$0x70];
	v8 =	vadd.bf16 v62, v11  }
0x10f: {  	s15 =	simm.s32 $0x3B80;
	s25 =	simm.s32 $0x7A80;
	[tilespmem:s26+$0x460] =	vst v7;
	v7 =	vld [tilespmem:s12+$0xFFFFFFB0];
	s26 =	simm.s32 $0x5A80;
	v9 =	vadd.bf16 v63, v9  }
.LBB2_5:
0x110: {  	v10 =	vld [tilespmem:s15+$0x0];
	s20 =	sadd.s32 $0x100, s20;
	v11 =	vshll.u32 v8, $0x10;
	v8 =	vand.u32 $0xFFFF0000, v8  }
0x111: {  	v12 =	vld [tilespmem:s20+$0x0];
	v13 =	vshll.u32 v9, $0x10;
	[tilespmem:s10+$0x420] =	vst v11;
	v3 =	vadd.bf16 v4, v3  }
0x112: {  	s13 =	sadd.s32 $0x100, s13;
	v9 =	vand.u32 $0xFFFF0000, v9;
	v4 =	vld [tilespmem:s20+$0xFFFFFF80];
	[tilespmem:s16+$0x60] =	vst v13;
	v2 =	vadd.bf16 v5, v2  }
0x113: {  	v5 =	vld [tilespmem:s13+$0x0];
	[tilespmem:s16+$0x70] =	vst v9;
	v3 =	vadd.bf16 v6, v3  }
0x114: {  	v6 =	vld [tilespmem:s12+$0x40];
	[tilespmem:s10+$0x430] =	vst v8;
	v8 =	vshll.u32 v2, $0x10;
	v2 =	vand.u32 $0xFFFF0000, v2  }
0x115: {  	v9 =	vld [tilespmem:s26+$0x40];
	v11 =	vshll.u32 v3, $0x10;
	v3 =	vand.u32 $0xFFFF0000, v3;
	[tilespmem:s17+$0x460] =	vst v8  }
0x116: {  	v8 =	vld [tilespmem:s15+$0xFFFFFF80];
	v10 =	vadd.bf16 v12, v10;
	[tilespmem:s9+$0x470] =	vst v3  }
0x117: {  	s24 =	sadd.s32 $0x200, s24;
	s31 =	sadd.s32 $0x100, s31;
	v3 =	vld [tilespmem:s25+$0x40];
	[tilespmem:s17+$0x470] =	vst v2;
	s17 =	smov.u32 s10  }
0x118: {  	s21 =	sand.u32 $0x300, s31;
	s28 =	sadd.s32 $0x80, s31;
	s10 =	sand.u32 $0x3800, s24;
	v2 =	vld [tilespmem:s13+$0xFFFFFF80];
	v5 =	vadd.bf16 v5, v10;
	[tilespmem:s9+$0x460] =	vst v11  }
0x119: {  	s28 =	sand.u32 $0x380, s28;
	s29 =	sadd.s32 $0xF800, s10;
	s10 =	smov.u32 s19;
	v10 =	vld [tilespmem:s26+$0xFFFFFFB0]  }
0x11a: {  	s9 =	smov.u32 s16;
	s19 =	sor.u32 s21, s29;
	s16 =	sor.u32 s28, s29;
	v11 =	vshll.u32 v5, $0x10;
	v12 =	vld [tilespmem:s25+$0xFFFFFFB0];
	v6 =	vadd.bf16 v9, v6  }
0x11b: {  	v5 =	vand.u32 $0xFFFF0000, v5;
	v4 =	vadd.bf16 v4, v8;
	[tilespmem:s16+$0x0] =	vst v11;
	v8 =	vld [tilespmem:s8+$0xFFFFFFE0]  }
0x11c: {  	[tilespmem:s16+$0x10] =	vst v5;
	v3 =	vadd.bf16 v3, v6;
	v5 =	vld [tilespmem:s6+$0xFFFFFFE0]  }
0x11d: {  	v2 =	vadd.bf16 v2, v4;
	v4 =	vld [tilespmem:s15+$0x10]  }
0x11e: {  	v6 =	vld [tilespmem:s20+$0x10];
	v7 =	vadd.bf16 v10, v7;
	v9 =	vshll.u32 v3, $0x10  }
0x11f: {  	s1 =	sadd.s32 $0x2, s1;
	v3 =	vand.u32 $0xFFFF0000, v3;
	v10 =	vshll.u32 v2, $0x10;
	v2 =	vand.u32 $0xFFFF0000, v2;
	[tilespmem:s9+$0x400] =	vst v9;
	v9 =	vld [tilespmem:s7+$0xFFFFFFE0]  }
0x120: {  	p1 =	slt.u32 s1, $0x3E;
	v11 =	vld [tilespmem:s13+$0x10];
	v7 =	vadd.bf16 v12, v7;
	[tilespmem:s9+$0x410] =	vst v3  }
0x121: {  	[tilespmem:s19+$0x0] =	vst v10;
	v3 =	vld [tilespmem:s12+$0x50];
	v5 =	vadd.bf16 v5, v8  }
0x122: {  	[tilespmem:s19+$0x10] =	vst v2;
	v2 =	vshll.u32 v7, $0x10;
	v7 =	vand.u32 $0xFFFF0000, v7;
	v8 =	vld [tilespmem:s26+$0x50]  }
0x123: {  	v10 =	vld [tilespmem:s15+$0xFFFFFF90];
	v4 =	vadd.bf16 v6, v4;
	[tilespmem:s10+$0x60] =	vst v2  }
0x124: {  	[tilespmem:s10+$0x70] =	vst v7;
	v2 =	vld [tilespmem:s25+$0x50];
	v5 =	vadd.bf16 v9, v5  }
0x125: {  	v6 =	vld [tilespmem:s20+$0xFFFFFF90];
	v4 =	vadd.bf16 v11, v4  }
0x126: {  	v7 =	vld [tilespmem:s13+$0xFFFFFF90];
	v9 =	vshll.u32 v5, $0x10;
	v5 =	vand.u32 $0xFFFF0000, v5  }
0x127: {  	v11 =	vshll.u32 v4, $0x10;
	v12 =	vld [tilespmem:s12+$0xFFFFFFC0];
	v3 =	vadd.bf16 v8, v3;
	[tilespmem:s17+$0x440] =	vst v9  }
0x128: {  	v4 =	vand.u32 $0xFFFF0000, v4;
	[tilespmem:s16+$0x20] =	vst v11;
	v8 =	vld [tilespmem:s26+$0xFFFFFFC0]  }
0x129: {  	[tilespmem:s16+$0x30] =	vst v4;
	v4 =	vld [tilespmem:s25+$0xFFFFFFC0];
	v2 =	vadd.bf16 v2, v3  }
0x12a: {  	v3 =	vadd.bf16 v6, v10;
	v6 =	vld [tilespmem:s15+$0x20];
	[tilespmem:s17+$0x450] =	vst v5  }
0x12b: {  	v5 =	vld [tilespmem:s20+$0x20];
	v9 =	vshll.u32 v2, $0x10  }
0x12c: {  	v2 =	vand.u32 $0xFFFF0000, v2;
	v3 =	vadd.bf16 v7, v3;
	[tilespmem:s9+$0x420] =	vst v9;
	v7 =	vld [tilespmem:s8+$0xFFFFFFF0];
	s8 =	smov.u32 s12;
	s12 =	smov.u32 s15  }
0x12d: {  	v9 =	vld [tilespmem:s13+$0x20];
	v8 =	vadd.bf16 v8, v12;
	[tilespmem:s9+$0x430] =	vst v2  }
0x12e: {  	v2 =	vshll.u32 v3, $0x10;
	v3 =	vand.u32 $0xFFFF0000, v3;
	v10 =	vld [tilespmem:s8+$0x60]  }
0x12f: {  	[tilespmem:s19+$0x20] =	vst v2;
	v2 =	vadd.bf16 v4, v8;
	v4 =	vld [tilespmem:s26+$0x60]  }
0x130: {  	[tilespmem:s19+$0x30] =	vst v3;
	v3 =	vadd.bf16 v5, v6;
	v5 =	vld [tilespmem:s6+$0xFFFFFFF0];
	s6 =	smov.u32 s26;
	s26 =	smov.u32 s20  }
0x131: {  	v6 =	vshll.u32 v2, $0x10;
	v2 =	vand.u32 $0xFFFF0000, v2;
	v8 =	vld [tilespmem:s25+$0x60]  }
0x132: {  	v11 =	vld [tilespmem:s15+$0xFFFFFFA0];
	v3 =	vadd.bf16 v9, v3;
	[tilespmem:s10+$0x400] =	vst v6  }
0x133: {  	v6 =	vld [tilespmem:s20+$0xFFFFFFA0];
	[tilespmem:s10+$0x410] =	vst v2  }
0x134: {  	v9 =	vld [tilespmem:s13+$0xFFFFFFA0];
	v2 =	vshll.u32 v3, $0x10;
	v4 =	vadd.bf16 v4, v10  }
0x135: {  	v3 =	vand.u32 $0xFFFF0000, v3;
	[tilespmem:s16+$0x40] =	vst v2;
	v10 =	vld [tilespmem:s8+$0xFFFFFFD0];
	v2 =	vadd.bf16 v5, v7  }
0x136: {  	[tilespmem:s16+$0x50] =	vst v3;
	v3 =	vld [tilespmem:s6+$0xFFFFFFD0];
	v4 =	vadd.bf16 v8, v4  }
0x137: {  	v5 =	vld [tilespmem:s15+$0x30]  }
0x138: {  	v6 =	vadd.bf16 v6, v11;
	v7 =	vld [tilespmem:s20+$0x30];
	v8 =	vshll.u32 v4, $0x10  }
0x139: {  	v4 =	vand.u32 $0xFFFF0000, v4;
	v11 =	vld [tilespmem:s25+$0xFFFFFFD0];
	[tilespmem:s9+$0x440] =	vst v8  }
0x13a: {  	v6 =	vadd.bf16 v9, v6;
	v9 =	vld [tilespmem:s13+$0x30];
	[tilespmem:s9+$0x450] =	vst v4  }
.Ltmp1:
0x13b: {  	v8 =	vadd.bf16 v3, v10;
	v3 =	vld [tilespmem:s8+$0x70];
	(pc) =	sbr.rel @p1 .LBB2_5-.Ltmp1, $4  }
0x13c: {  	v10 =	vshll.u32 v6, $0x10;
	v6 =	vand.u32 $0xFFFF0000, v6;
	v4 =	vld [tilespmem:s6+$0x70]  }
0x13d: {  	[tilespmem:s19+$0x40] =	vst v10;
	v10 =	vadd.bf16 v7, v5;
	v5 =	vld [tilespmem:s7+$0xFFFFFFF0];
	s7 =	smov.u32 s25;
	s25 =	smov.u32 s13  }
0x13e: {  	[tilespmem:s19+$0x50] =	vst v6;
	v8 =	vadd.bf16 v11, v8;
	v6 =	vld [tilespmem:s7+$0x70]  }
0x13f: {  	s15 =	sadd.s32 $0x100, s15;
	v7 =	vld [tilespmem:s12+$0xFFFFFFB0];
	v9 =	vadd.bf16 v9, v10  }
0x140: {  	v10 =	vld [tilespmem:s26+$0xFFFFFFB0];
	_ =	sdelay $0x1  }
0x141: {  	v11 =	vld [tilespmem:s25+$0xFFFFFFB0];
	_ =	sdelay $0x2  }
0x142: {  	v7 =	vadd.bf16 v10, v7  }
0x143: {  	v12 =	vshll.u32 v9, $0x10  }
0x144: {  	v9 =	vand.u32 $0xFFFF0000, v9;
	[tilespmem:s16+$0x60] =	vst v12;
	v7 =	vadd.bf16 v11, v7  }
0x145: {  	[tilespmem:s16+$0x70] =	vst v9  }
0x146: {  	v9 =	vld [tilespmem:s12+$0x40];
	v11 =	vshll.u32 v7, $0x10  }
0x147: {  	v10 =	vld [tilespmem:s26+$0x40];
	v7 =	vand.u32 $0xFFFF0000, v7;
	[tilespmem:s19+$0x60] =	vst v11  }
0x148: {  	v11 =	vld [tilespmem:s25+$0x40];
	[tilespmem:s19+$0x70] =	vst v7  }
0x149: {  	v7 =	vld [tilespmem:s12+$0xFFFFFFC0]  }
0x14a: {  	v39 =	vld [tilespmem:s26+$0xFFFFFFC0];
	_ =	sdelay $0x1  }
0x14b: {  	v9 =	vadd.bf16 v10, v9;
	v10 =	vld [tilespmem:s25+$0xFFFFFFC0];
	_ =	sdelay $0x1  }
0x14c: {  	v9 =	vadd.bf16 v11, v9  }
0x14d: {  	v7 =	vadd.bf16 v39, v7  }
0x14e: {  	v11 =	vshll.u32 v9, $0x10  }
0x14f: {  	v9 =	vand.u32 $0xFFFF0000, v9;
	[tilespmem:s16+$0x400] =	vst v11;
	v7 =	vadd.bf16 v10, v7  }
0x150: {  	[tilespmem:s16+$0x410] =	vst v9  }
0x151: {  	v9 =	vld [tilespmem:s12+$0x50];
	v11 =	vshll.u32 v7, $0x10  }
0x152: {  	v10 =	vld [tilespmem:s26+$0x50];
	v7 =	vand.u32 $0xFFFF0000, v7;
	[tilespmem:s19+$0x400] =	vst v11  }
0x153: {  	v11 =	vld [tilespmem:s25+$0x50];
	[tilespmem:s19+$0x410] =	vst v7  }
0x154: {  	v7 =	vld [tilespmem:s12+$0xFFFFFFD0]  }
0x155: {  	v40 =	vld [tilespmem:s26+$0xFFFFFFD0];
	_ =	sdelay $0x1  }
0x156: {  	v13 =	vld [tilespmem:s25+$0xFFFFFFD0];
	v9 =	vadd.bf16 v10, v9  }
0x157: {  	v10 =	vshll.u32 v8, $0x10  }
0x158: {  	v8 =	vand.u32 $0xFFFF0000, v8;
	[tilespmem:s10+$0x420] =	vst v10;
	v9 =	vadd.bf16 v11, v9  }
0x159: {  	[tilespmem:s10+$0x430] =	vst v8;
	v7 =	vadd.bf16 v40, v7  }
0x15a: {  	v8 =	vld [tilespmem:s8+$0xFFFFFFE0];
	v10 =	vshll.u32 v9, $0x10  }
0x15b: {  	v11 =	vld [tilespmem:s6+$0xFFFFFFE0];
	v9 =	vand.u32 $0xFFFF0000, v9;
	[tilespmem:s16+$0x420] =	vst v10;
	v7 =	vadd.bf16 v13, v7  }
0x15c: {  	v10 =	vld [tilespmem:s7+$0xFFFFFFE0];
	[tilespmem:s16+$0x430] =	vst v9  }
0x15d: {  	v9 =	vld [tilespmem:s12+$0x60];
	v13 =	vshll.u32 v7, $0x10  }
0x15e: {  	v41 =	vld [tilespmem:s26+$0x60];
	v7 =	vand.u32 $0xFFFF0000, v7;
	[tilespmem:s19+$0x420] =	vst v13  }
0x15f: {  	v42 =	vld [tilespmem:s25+$0x60];
	[tilespmem:s19+$0x430] =	vst v7  }
0x160: {  	v7 =	vadd.bf16 v11, v8;
	v8 =	vld [tilespmem:s12+$0xFFFFFFE0]  }
0x161: {  	v11 =	vld [tilespmem:s26+$0xFFFFFFE0]  }
0x162: {  	v7 =	vadd.bf16 v10, v7  }
0x163: {  	v10 =	vld [tilespmem:s25+$0xFFFFFFE0];
	v9 =	vadd.bf16 v41, v9  }
0x164: {  	v43 =	vshll.u32 v7, $0x10  }
0x165: {  	v7 =	vand.u32 $0xFFFF0000, v7;
	v9 =	vadd.bf16 v42, v9;
	[tilespmem:s10+$0x440] =	vst v43  }
0x166: {  	[tilespmem:s10+$0x450] =	vst v7;
	v8 =	vadd.bf16 v11, v8  }
0x167: {  	v11 =	vld [tilespmem:s8+$0xFFFFFFF0];
	v7 =	vshll.u32 v9, $0x10  }
0x168: {  	v45 =	vld [tilespmem:s7+$0xFFFFFFF0];
	v9 =	vand.u32 $0xFFFF0000, v9;
	[tilespmem:s16+$0x440] =	vst v7;
	v8 =	vadd.bf16 v10, v8  }
0x169: {  	v7 =	vld [tilespmem:s6+$0xFFFFFFF0];
	[tilespmem:s16+$0x450] =	vst v9  }
0x16a: {  	v9 =	vld [tilespmem:s12+$0x70];
	v44 =	vshll.u32 v8, $0x10  }
0x16b: {  	v10 =	vld [tilespmem:s26+$0x70];
	v8 =	vand.u32 $0xFFFF0000, v8;
	[tilespmem:s19+$0x440] =	vst v44  }
0x16c: {  	v3 =	vadd.bf16 v4, v3;
	v4 =	vld [tilespmem:s25+$0x70];
	[tilespmem:s19+$0x450] =	vst v8  }
0x16d: {  	v2 =	vadd.bf16 v5, v2;
	v5 =	vld [tilespmem:s12+$0xFFFFFFF0]  }
0x16e: {  	v3 =	vadd.bf16 v6, v3;
	v6 =	vld [tilespmem:s26+$0xFFFFFFF0]  }
0x16f: {  	v8 =	vshll.u32 v2, $0x10;
	v7 =	vadd.bf16 v7, v11  }
0x170: {  	v2 =	vand.u32 $0xFFFF0000, v2;
	[tilespmem:s17+$0x460] =	vst v8;
	v8 =	vadd.bf16 v10, v9;
	v9 =	vld [tilespmem:s25+$0xFFFFFFF0]  }
0x171: {  	[tilespmem:s17+$0x470] =	vst v2;
	v11 =	vand.u32 $0xFFFF0000, v3;
	v7 =	vadd.bf16 v45, v7  }
0x172: {  	v3 =	vshll.u32 v3, $0x10;
	[tilespmem:s9+$0x470] =	vst v11;
	v2 =	vadd.bf16 v4, v8  }
0x173: {  	[tilespmem:s9+$0x460] =	vst v3;
	v3 =	vshll.u32 v7, $0x10;
	v4 =	vadd.bf16 v6, v5  }
0x174: {  	v5 =	vand.u32 $0xFFFF0000, v2;
	[tilespmem:s10+$0x460] =	vst v3  }
0x175: {  	v3 =	vand.u32 $0xFFFF0000, v7;
	[tilespmem:s16+$0x470] =	vst v5;
	v4 =	vadd.bf16 v9, v4  }
0x176: {  	v2 =	vshll.u32 v2, $0x10;
	[tilespmem:s10+$0x470] =	vst v3  }
0x177: {  	[tilespmem:s16+$0x460] =	vst v2;
	v2 =	vshll.u32 v4, $0x10  }
0x178: {  	s1 =	sshll.u32 s22, $0xC;
	p1 =	seq.s32 s22, $0x7;
	v3 =	vand.u32 $0xFFFF0000, v4;
	[tilespmem:s19+$0x460] =	vst v2  }
0x179: {  	s1 =	sadd.s32 s1, s11;
	s8 =	simm.s32 $0x0;
	s9 =	simm.s32 $0xF800;
	[tilespmem:s19+$0x470] =	vst v3  }
0x17a: {  	[hbm4b:s1+s8] =	stream.linear.scatter [tilespmem:s9], [sflag:$0x7], $0x4000, $0x38;
	[tilespmem:$0x17800] =	vst v63  }
0x17b: {  	s1 =	sshll.u32 @!p1 s22, $0x8  }
0x17c: {  	s7 =	simm.s32 @!p1 $0x40;
	s8 =	simm.s32 @!p1 $0x3800;
	s6 =	sadd.s32 @!p1 $0x2900, s1  }
0x17d: {  	[tilespmem:s8], [sflag:$0x1] =	stream.indirect.gather @!p1 [hbm4b:s3+s7], $0x80, s6, s7, $0xb8;
	[tilespmem:$0x17800] =	vst v63  }
0x17e: {  	s6 =	sadd.s32 @!p1 $0x3100, s1;
	s8 =	simm.s32 @!p1 $0x5800  }
0x17f: {  	[tilespmem:s8], [sflag:$0x2] =	stream.indirect.gather @!p1 [hbm4b:s4+s7], $0x80, s6, s7, $0xb8;
	[tilespmem:$0x17800] =	vst v63  }
0x180: {  	s1 =	sadd.s32 @!p1 $0x2100, s1;
	s6 =	simm.s32 @!p1 $0x7800  }
0x181: {  	[tilespmem:s6], [sflag:$0x3] =	stream.indirect.gather @!p1 [hbm4b:s5+s7], $0x80, s1, s7, $0xb8;
	[tilespmem:$0x17800] =	vst v63  }
0x182: {  	_ =	swait.ge [sflag:s0], $0x2000  }
0x183: {  	[sflag:s0] =	ssyncset.done $0x0  }
0x184: {  	[sflag:s0] =	ssyncadd.s32 $0xFFFFE000  }
0x185: {  	_ =	swait.ge [sflag:s2], $0x2000  }
0x186: {  	[sflag:s2] =	ssyncset.done $0x0  }
0x187: {  	[sflag:s2] =	ssyncadd.s32 $0xFFFFE000  }
0x188: {  	_ =	swait.ge [sflag:s14], $0x2000  }
0x189: {  	[sflag:s14] =	ssyncset.done $0x0  }
0x18a: {  	s1 =	simm.s32 @!p0 $0x8;
	[sflag:s14] =	ssyncadd.s32 $0xFFFFE000  }
0x18b: {  	_ =	swait.ge @!p0 [sflag:s1], $0x4000  }
0x18c: {  	[sflag:s1] =	ssyncset.done @!p0 $0x0  }
0x18d: {  	[sflag:s1] =	ssyncadd.s32 @!p0 $0xFFFFC000;
	s1 =	simm.s32 $0x9880  }
0x18e: {  	s15 =	simm.s32 $0xB880;
	v2 =	vld [tilespmem:s1+$0x0]  }
0x18f: {  	v3 =	vld [tilespmem:s15+$0x0]  }
0x190: {  	s25 =	simm.s32 $0xD880  }
0x191: {  	v4 =	vld [tilespmem:s25+$0x0];
	_ =	sdelay $0x2  }
0x192: {  	v2 =	vadd.bf16 v3, v2  }
0x193: {  	s10 =	simm.s32 $0x0  }
0x194: {  	s13 =	simm.s32 $0x80;
	s12 =	sand.u32 $0x3800, s10;
	v2 =	vadd.bf16 v4, v2  }
0x195: {  	s8 =	sand.u32 $0x380, s13;
	s7 =	sadd.s32 $0x13800, s12  }
0x196: {  	s26 =	sor.u32 s8, s7;
	v3 =	vshll.u32 v2, $0x10  }
0x197: {  	v2 =	vand.u32 $0xFFFF0000, v2;
	[tilespmem:s26+$0x0] =	vst v3  }
0x198: {  	[tilespmem:s26+$0x10] =	vst v2  }
0x199: {  	v2 =	vld [tilespmem:s1+$0x10]  }
0x19a: {  	v3 =	vld [tilespmem:s15+$0x10];
	_ =	sdelay $0x1  }
0x19b: {  	v4 =	vld [tilespmem:s25+$0x10];
	_ =	sdelay $0x2  }
0x19c: {  	v5 =	vld [tilespmem:s15+$0xFFFFFF80];
	v2 =	vadd.bf16 v3, v2  }
0x19d: {  	v3 =	vld [tilespmem:s1+$0xFFFFFF80]  }
0x19e: {  	v2 =	vadd.bf16 v4, v2  }
0x19f: {  	v4 =	vld [tilespmem:s25+$0xFFFFFF80]  }
0x1a0: {  	v6 =	vshll.u32 v2, $0x10  }
0x1a1: {  	v2 =	vand.u32 $0xFFFF0000, v2;
	[tilespmem:s26+$0x20] =	vst v6  }
0x1a2: {  	v3 =	vadd.bf16 v5, v3;
	[tilespmem:s26+$0x30] =	vst v2  }
0x1a3: {  	v2 =	vld [tilespmem:s1+$0x20]  }
0x1a4: {  	v3 =	vadd.bf16 v4, v3;
	v4 =	vld [tilespmem:s15+$0x20]  }
0x1a5: {  	s6 =	sand.u32 $0x300, s10  }
0x1a6: {  	s17 =	sor.u32 s6, s7;
	v6 =	vld [tilespmem:s25+$0x20];
	v5 =	vshll.u32 v3, $0x10  }
0x1a7: {  	v3 =	vand.u32 $0xFFFF0000, v3;
	[tilespmem:s17+$0x0] =	vst v5  }
0x1a8: {  	[tilespmem:s17+$0x10] =	vst v3  }
0x1a9: {  	v3 =	vld [tilespmem:s1+$0xFFFFFF90];
	v2 =	vadd.bf16 v4, v2  }
0x1aa: {  	v4 =	vld [tilespmem:s15+$0xFFFFFF90]  }
0x1ab: {  	v2 =	vadd.bf16 v6, v2  }
0x1ac: {  	v5 =	vld [tilespmem:s25+$0xFFFFFF90]  }
0x1ad: {  	v6 =	vshll.u32 v2, $0x10  }
0x1ae: {  	v2 =	vand.u32 $0xFFFF0000, v2;
	[tilespmem:s26+$0x40] =	vst v6  }
0x1af: {  	v3 =	vadd.bf16 v4, v3;
	[tilespmem:s26+$0x50] =	vst v2  }
0x1b0: {  	v2 =	vld [tilespmem:s1+$0x30]  }
0x1b1: {  	v4 =	vld [tilespmem:s15+$0x30];
	v3 =	vadd.bf16 v5, v3;
	_ =	sdelay $0x1  }
0x1b2: {  	v6 =	vld [tilespmem:s25+$0x30];
	v5 =	vshll.u32 v3, $0x10  }
0x1b3: {  	v3 =	vand.u32 $0xFFFF0000, v3;
	[tilespmem:s17+$0x20] =	vst v5  }
0x1b4: {  	[tilespmem:s17+$0x30] =	vst v3  }
0x1b5: {  	v3 =	vld [tilespmem:s1+$0xFFFFFFA0];
	v2 =	vadd.bf16 v4, v2  }
0x1b6: {  	s7 =	simm.s32 $0xB980;
	v4 =	vld [tilespmem:s15+$0xFFFFFFA0]  }
0x1b7: {  	v7 =	vld [tilespmem:s7+$0x0];
	v2 =	vadd.bf16 v6, v2  }
0x1b8: {  	s8 =	simm.s32 $0x9980;
	v5 =	vld [tilespmem:s25+$0xFFFFFFA0]  }
0x1b9: {  	v6 =	vld [tilespmem:s8+$0x0];
	v8 =	vshll.u32 v2, $0x10  }
0x1ba: {  	s6 =	simm.s32 $0xD980;
	v9 =	vld [tilespmem:s7+$0xFFFFFF80];
	v2 =	vand.u32 $0xFFFF0000, v2;
	[tilespmem:s26+$0x60] =	vst v8  }
0x1bb: {  	v3 =	vadd.bf16 v4, v3;
	v4 =	vld [tilespmem:s6+$0x0];
	[tilespmem:s26+$0x70] =	vst v2  }
0x1bc: {  	v2 =	vld [tilespmem:s1+$0x40]  }
0x1bd: {  	v3 =	vadd.bf16 v5, v3;
	v5 =	vld [tilespmem:s15+$0x40]  }
0x1be: {  	v8 =	vld [tilespmem:s8+$0xFFFFFF80];
	v6 =	vadd.bf16 v7, v6  }
0x1bf: {  	s16 =	simm.s32 $0x200;
	v10 =	vld [tilespmem:s25+$0x40];
	v7 =	vshll.u32 v3, $0x10  }
0x1c0: {  	s19 =	simm.s32 $0x180;
	s9 =	sand.u32 $0x3800, s16;
	v3 =	vand.u32 $0xFFFF0000, v3;
	[tilespmem:s17+$0x40] =	vst v7;
	v4 =	vadd.bf16 v4, v6  }
0x1c1: {  	s21 =	sand.u32 $0x380, s19;
	s20 =	sadd.s32 $0x13800, s9;
	[tilespmem:s17+$0x50] =	vst v3;
	v3 =	vld [tilespmem:s6+$0xFFFFFF80]  }
0x1c2: {  	s9 =	sor.u32 s21, s20;
	v6 =	vld [tilespmem:s1+$0xFFFFFFB0];
	v7 =	vshll.u32 v4, $0x10;
	v2 =	vadd.bf16 v5, v2  }
0x1c3: {  	v5 =	vld [tilespmem:s15+$0xFFFFFFB0];
	v4 =	vand.u32 $0xFFFF0000, v4;
	[tilespmem:s9+$0x0] =	vst v7  }
0x1c4: {  	v8 =	vadd.bf16 v9, v8;
	v7 =	vld [tilespmem:s25+$0xFFFFFFB0];
	[tilespmem:s9+$0x10] =	vst v4;
	v2 =	vadd.bf16 v10, v2  }
0x1c5: {  	v4 =	vld [tilespmem:s8+$0x10]  }
0x1c6: {  	s24 =	simm.s32 $0x100;
	v3 =	vadd.bf16 v3, v8;
	v8 =	vld [tilespmem:s7+$0x10];
	v9 =	vshll.u32 v2, $0x10  }
0x1c7: {  	s10 =	sand.u32 $0x300, s24;
	v2 =	vand.u32 $0xFFFF0000, v2;
	[tilespmem:s26+$0x400] =	vst v9  }
0x1c8: {  	s10 =	sor.u32 s10, s20;
	v5 =	vadd.bf16 v5, v6;
	v6 =	vshll.u32 v3, $0x10;
	v9 =	vld [tilespmem:s6+$0x10];
	[tilespmem:s26+$0x410] =	vst v2  }
0x1c9: {  	v2 =	vand.u32 $0xFFFF0000, v3;
	[tilespmem:s10+$0x0] =	vst v6;
	v3 =	vld [tilespmem:s1+$0x50]  }
0x1ca: {  	[tilespmem:s10+$0x10] =	vst v2;
	v2 =	vld [tilespmem:s15+$0x50];
	v5 =	vadd.bf16 v7, v5  }
0x1cb: {  	v6 =	vld [tilespmem:s8+$0xFFFFFF90];
	v4 =	vadd.bf16 v8, v4  }
0x1cc: {  	v8 =	vld [tilespmem:s25+$0x50];
	v7 =	vshll.u32 v5, $0x10  }
0x1cd: {  	v5 =	vand.u32 $0xFFFF0000, v5;
	[tilespmem:s17+$0x60] =	vst v7;
	v7 =	vld [tilespmem:s7+$0xFFFFFF90];
	v4 =	vadd.bf16 v9, v4  }
0x1ce: {  	[tilespmem:s17+$0x70] =	vst v5;
	v5 =	vld [tilespmem:s6+$0xFFFFFF90]  }
0x1cf: {  	v10 =	vld [tilespmem:s1+$0xFFFFFFC0];
	v9 =	vshll.u32 v4, $0x10  }
0x1d0: {  	v2 =	vadd.bf16 v2, v3;
	v3 =	vand.u32 $0xFFFF0000, v4;
	v4 =	vld [tilespmem:s15+$0xFFFFFFC0];
	[tilespmem:s9+$0x20] =	vst v9  }
0x1d1: {  	[tilespmem:s9+$0x30] =	vst v3;
	v3 =	vld [tilespmem:s25+$0xFFFFFFC0]  }
0x1d2: {  	v2 =	vadd.bf16 v8, v2;
	v8 =	vld [tilespmem:s8+$0x20]  }
0x1d3: {  	v6 =	vadd.bf16 v7, v6;
	v7 =	vld [tilespmem:s7+$0x20]  }
0x1d4: {  	v9 =	vshll.u32 v2, $0x10  }
0x1d5: {  	v2 =	vand.u32 $0xFFFF0000, v2;
	[tilespmem:s26+$0x420] =	vst v9;
	v5 =	vadd.bf16 v5, v6;
	v6 =	vld [tilespmem:s6+$0x20]  }
0x1d6: {  	[tilespmem:s26+$0x430] =	vst v2;
	v4 =	vadd.bf16 v4, v10  }
0x1d7: {  	v9 =	vld [tilespmem:s1+$0x60];
	v2 =	vshll.u32 v5, $0x10  }
0x1d8: {  	v5 =	vand.u32 $0xFFFF0000, v5;
	[tilespmem:s10+$0x20] =	vst v2;
	v2 =	vadd.bf16 v3, v4;
	v3 =	vld [tilespmem:s15+$0x60];
	v4 =	vadd.bf16 v7, v8  }
0x1d9: {  	[tilespmem:s10+$0x30] =	vst v5;
	v5 =	vld [tilespmem:s25+$0x60]  }
0x1da: {  	v8 =	vld [tilespmem:s8+$0xFFFFFFA0];
	v7 =	vshll.u32 v2, $0x10;
	v4 =	vadd.bf16 v6, v4  }
0x1db: {  	v2 =	vand.u32 $0xFFFF0000, v2;
	v6 =	vld [tilespmem:s7+$0xFFFFFFA0];
	[tilespmem:s17+$0x400] =	vst v7  }
0x1dc: {  	[tilespmem:s17+$0x410] =	vst v2;
	v2 =	vshll.u32 v4, $0x10  }
0x1dd: {  	s20 =	simm.s32 $0xBA80;
	v7 =	vld [tilespmem:s6+$0xFFFFFFA0];
	v4 =	vand.u32 $0xFFFF0000, v4;
	v3 =	vadd.bf16 v3, v9;
	[tilespmem:s9+$0x40] =	vst v2  }
0x1de: {  	v47 =	vld [tilespmem:s20+$0xFFFFFF80];
	[tilespmem:s9+$0x50] =	vst v4  }
0x1df: {  	v2 =	vadd.bf16 v5, v3;
	v3 =	vld [tilespmem:s8+$0x30]  }
0x1e0: {  	s13 =	simm.s32 $0xDA80;
	v4 =	vadd.bf16 v6, v8;
	v5 =	vld [tilespmem:s7+$0x30]  }
0x1e1: {  	v48 =	vld [tilespmem:s13+$0x0]  }
0x1e2: {  	v4 =	vadd.bf16 v7, v4;
	v7 =	vld [tilespmem:s6+$0x30]  }
0x1e3: {  	v15 =	vld [tilespmem:s13+$0xFFFFFF80]  }
0x1e4: {  	v9 =	vld [tilespmem:s1+$0xFFFFFFD0];
	v8 =	vshll.u32 v2, $0x10  }
0x1e5: {  	v6 =	vld [tilespmem:s15+$0xFFFFFFD0];
	v2 =	vand.u32 $0xFFFF0000, v2;
	[tilespmem:s26+$0x440] =	vst v8;
	v5 =	vadd.bf16 v5, v3  }
0x1e6: {  	v8 =	vld [tilespmem:s25+$0xFFFFFFD0];
	[tilespmem:s26+$0x450] =	vst v2  }
0x1e7: {  	v2 =	vld [tilespmem:s1+$0x70];
	v11 =	vand.u32 $0xFFFF0000, v4;
	v5 =	vadd.bf16 v7, v5  }
0x1e8: {  	s12 =	simm.s32 $0x9A80;
	[tilespmem:s10+$0x50] =	vst v11;
	v11 =	vld [tilespmem:s20+$0x0]  }
0x1e9: {  	v7 =	vld [tilespmem:s12+$0x0];
	v46 =	vshll.u32 v5, $0x10  }
0x1ea: {  	v10 =	vshll.u32 v4, $0x10;
	v4 =	vld [tilespmem:s15+$0x70];
	v5 =	vand.u32 $0xFFFF0000, v5;
	[tilespmem:s9+$0x60] =	vst v46  }
0x1eb: {  	v3 =	vld [tilespmem:s25+$0x70];
	[tilespmem:s9+$0x70] =	vst v5  }
0x1ec: {  	v5 =	vadd.bf16 v6, v9;
	v6 =	vld [tilespmem:s8+$0x40]  }
0x1ed: {  	[tilespmem:s10+$0x40] =	vst v10;
	v9 =	vld [tilespmem:s7+$0x40]  }
0x1ee: {  	v10 =	vld [tilespmem:s8+$0xFFFFFFB0];
	v5 =	vadd.bf16 v8, v5;
	v7 =	vadd.bf16 v11, v7  }
0x1ef: {  	s24 =	simm.s32 $0x400;
	v11 =	vld [tilespmem:s6+$0x40]  }
0x1f0: {  	s29 =	simm.s32 $0x280;
	s28 =	sand.u32 $0x3800, s24;
	v8 =	vld [tilespmem:s12+$0xFFFFFF80];
	v14 =	vshll.u32 v5, $0x10;
	v7 =	vadd.bf16 v48, v7  }
0x1f1: {  	s21 =	sadd.s32 $0x13800, s28;
	s28 =	sand.u32 $0x380, s29;
	v49 =	vld [tilespmem:s7+$0xFFFFFFB0];
	v5 =	vand.u32 $0xFFFF0000, v5;
	[tilespmem:s17+$0x420] =	vst v14  }
0x1f2: {  	s16 =	sor.u32 s28, s21;
	v50 =	vld [tilespmem:s6+$0xFFFFFFB0];
	[tilespmem:s17+$0x430] =	vst v5;
	v5 =	vshll.u32 v7, $0x10;
	v6 =	vadd.bf16 v9, v6  }
0x1f3: {  	v7 =	vand.u32 $0xFFFF0000, v7;
	v52 =	vld [tilespmem:s25+$0xFFFFFFE0];
	[tilespmem:s16+$0x0] =	vst v5  }
0x1f4: {  	v5 =	vld [tilespmem:s1+$0xFFFFFFE0];
	[tilespmem:s16+$0x10] =	vst v7;
	v6 =	vadd.bf16 v11, v6  }
0x1f5: {  	v8 =	vadd.bf16 v47, v8;
	v9 =	vld [tilespmem:s12+$0x10]  }
0x1f6: {  	v11 =	vld [tilespmem:s20+$0x10];
	v51 =	vshll.u32 v6, $0x10  }
0x1f7: {  	s31 =	simm.s32 $0x200;
	v7 =	vld [tilespmem:s15+$0xFFFFFFE0];
	v8 =	vadd.bf16 v15, v8;
	v6 =	vand.u32 $0xFFFF0000, v6;
	[tilespmem:s9+$0x400] =	vst v51  }
0x1f8: {  	s29 =	sand.u32 $0x300, s31;
	v10 =	vadd.bf16 v49, v10;
	v54 =	vld [tilespmem:s13+$0x10];
	[tilespmem:s9+$0x410] =	vst v6  }
0x1f9: {  	s19 =	sor.u32 s29, s21;
	v53 =	vshll.u32 v8, $0x10;
	v6 =	vand.u32 $0xFFFF0000, v8;
	v8 =	vld [tilespmem:s8+$0x50]  }
0x1fa: {  	v10 =	vadd.bf16 v50, v10;
	[tilespmem:s19+$0x10] =	vst v6;
	v6 =	vld [tilespmem:s7+$0x50]  }
0x1fb: {  	[tilespmem:s19+$0x0] =	vst v53;
	v55 =	vld [tilespmem:s6+$0x50];
	v9 =	vadd.bf16 v11, v9  }
0x1fc: {  	v5 =	vadd.bf16 v7, v5;
	v7 =	vand.u32 $0xFFFF0000, v10;
	v12 =	vld [tilespmem:s12+$0xFFFFFF90]  }
0x1fd: {  	v11 =	vshll.u32 v10, $0x10;
	v10 =	vld [tilespmem:s20+$0xFFFFFF90];
	[tilespmem:s10+$0x70] =	vst v7;
	v9 =	vadd.bf16 v54, v9  }
0x1fe: {  	v7 =	vld [tilespmem:s13+$0xFFFFFF90];
	[tilespmem:s10+$0x60] =	vst v11  }
0x1ff: {  	v5 =	vadd.bf16 v52, v5;
	v56 =	vld [tilespmem:s8+$0xFFFFFFC0];
	v11 =	vshll.u32 v9, $0x10;
	v6 =	vadd.bf16 v6, v8  }
0x200: {  	v8 =	vand.u32 $0xFFFF0000, v9;
	v9 =	vld [tilespmem:s7+$0xFFFFFFC0];
	[tilespmem:s16+$0x20] =	vst v11  }
0x201: {  	v11 =	vshll.u32 v5, $0x10;
	[tilespmem:s16+$0x30] =	vst v8;
	v8 =	vld [tilespmem:s6+$0xFFFFFFC0];
	v6 =	vadd.bf16 v55, v6  }
0x202: {  	v5 =	vand.u32 $0xFFFF0000, v5;
	[tilespmem:s17+$0x440] =	vst v11;
	v11 =	vld [tilespmem:s12+$0x20]  }
0x203: {  	v10 =	vadd.bf16 v10, v12;
	[tilespmem:s17+$0x450] =	vst v5;
	v5 =	vld [tilespmem:s20+$0x20];
	v57 =	vshll.u32 v6, $0x10  }
0x204: {  	v58 =	vld [tilespmem:s1+$0xFFFFFFF0];
	v6 =	vand.u32 $0xFFFF0000, v6;
	[tilespmem:s9+$0x420] =	vst v57  }
0x205: {  	v7 =	vadd.bf16 v7, v10;
	v10 =	vld [tilespmem:s13+$0x20];
	[tilespmem:s9+$0x430] =	vst v6  }
0x206: {  	v6 =	vadd.bf16 v9, v56;
	v9 =	vld [tilespmem:s8+$0x60]  }
0x207: {  	v59 =	vshll.u32 v7, $0x10;
	v7 =	vand.u32 $0xFFFF0000, v7;
	v60 =	vld [tilespmem:s7+$0x60]  }
0x208: {  	[tilespmem:s19+$0x30] =	vst v7;
	v7 =	vld [tilespmem:s6+$0x60];
	v6 =	vadd.bf16 v8, v6;
	v5 =	vadd.bf16 v5, v11  }
0x209: {  	[tilespmem:s19+$0x20] =	vst v59;
	v8 =	vld [tilespmem:s15+$0xFFFFFFF0]  }
0x20a: {  	v13 =	vld [tilespmem:s12+$0xFFFFFFA0];
	v11 =	vshll.u32 v6, $0x10;
	v5 =	vadd.bf16 v10, v5  }
0x20b: {  	v6 =	vand.u32 $0xFFFF0000, v6;
	v10 =	vld [tilespmem:s20+$0xFFFFFFA0];
	[tilespmem:s10+$0x400] =	vst v11  }
0x20c: {  	[tilespmem:s10+$0x410] =	vst v6;
	v6 =	vld [tilespmem:s13+$0xFFFFFFA0];
	v11 =	vshll.u32 v5, $0x10;
	v9 =	vadd.bf16 v60, v9  }
0x20d: {  	v5 =	vand.u32 $0xFFFF0000, v5;
	[tilespmem:s16+$0x40] =	vst v11;
	v11 =	vld [tilespmem:s8+$0xFFFFFFD0]  }
0x20e: {  	[tilespmem:s16+$0x50] =	vst v5;
	v5 =	vld [tilespmem:s7+$0xFFFFFFD0];
	v7 =	vadd.bf16 v7, v9  }
0x20f: {  	v2 =	vadd.bf16 v4, v2;
	v9 =	vld [tilespmem:s12+$0x30]  }
0x210: {  	v4 =	vadd.bf16 v10, v13;
	v10 =	vld [tilespmem:s20+$0x30];
	v61 =	vshll.u32 v7, $0x10  }
0x211: {  	v2 =	vadd.bf16 v3, v2;
	v62 =	vld [tilespmem:s6+$0xFFFFFFD0];
	v3 =	vand.u32 $0xFFFF0000, v7;
	[tilespmem:s9+$0x440] =	vst v61  }
0x212: {  	v63 =	vld [tilespmem:s13+$0x30];
	v6 =	vadd.bf16 v6, v4;
	[tilespmem:s9+$0x450] =	vst v3  }
0x213: {  	v4 =	vand.u32 $0xFFFF0000, v2;
	v3 =	vld [tilespmem:s8+$0x70]  }
0x214: {  	[tilespmem:s26+$0x470] =	vst v4;
	v4 =	vld [tilespmem:s7+$0x70];
	v11 =	vadd.bf16 v5, v11;
	v7 =	vshll.u32 v6, $0x10  }
0x215: {  	v5 =	vld [tilespmem:s25+$0xFFFFFFF0];
	v6 =	vand.u32 $0xFFFF0000, v6;
	[tilespmem:s19+$0x40] =	vst v7;
	v9 =	vadd.bf16 v10, v9  }
0x216: {  	s1 =	simm.s32 $0x4;
	v7 =	vshll.u32 v2, $0x10;
	v2 =	vadd.bf16 v8, v58;
	[tilespmem:s19+$0x50] =	vst v6;
	v6 =	vld [tilespmem:s6+$0x70];
	v8 =	vadd.bf16 v62, v11  }
0x217: {  	s15 =	simm.s32 $0x9B80;
	s25 =	simm.s32 $0xDA80;
	[tilespmem:s26+$0x460] =	vst v7;
	v7 =	vld [tilespmem:s12+$0xFFFFFFB0];
	s26 =	simm.s32 $0xBA80;
	v9 =	vadd.bf16 v63, v9  }
.LBB2_7:
0x218: {  	v10 =	vld [tilespmem:s15+$0x0];
	s20 =	sadd.s32 $0x100, s20;
	v11 =	vshll.u32 v8, $0x10;
	v8 =	vand.u32 $0xFFFF0000, v8  }
0x219: {  	v12 =	vld [tilespmem:s20+$0x0];
	v13 =	vshll.u32 v9, $0x10;
	[tilespmem:s10+$0x420] =	vst v11;
	v3 =	vadd.bf16 v4, v3  }
0x21a: {  	s13 =	sadd.s32 $0x100, s13;
	v9 =	vand.u32 $0xFFFF0000, v9;
	v4 =	vld [tilespmem:s20+$0xFFFFFF80];
	[tilespmem:s16+$0x60] =	vst v13;
	v2 =	vadd.bf16 v5, v2  }
0x21b: {  	v5 =	vld [tilespmem:s13+$0x0];
	[tilespmem:s16+$0x70] =	vst v9;
	v3 =	vadd.bf16 v6, v3  }
0x21c: {  	v6 =	vld [tilespmem:s12+$0x40];
	[tilespmem:s10+$0x430] =	vst v8;
	v8 =	vshll.u32 v2, $0x10;
	v2 =	vand.u32 $0xFFFF0000, v2  }
0x21d: {  	v9 =	vld [tilespmem:s26+$0x40];
	v11 =	vshll.u32 v3, $0x10;
	v3 =	vand.u32 $0xFFFF0000, v3;
	[tilespmem:s17+$0x460] =	vst v8  }
0x21e: {  	v8 =	vld [tilespmem:s15+$0xFFFFFF80];
	v10 =	vadd.bf16 v12, v10;
	[tilespmem:s9+$0x470] =	vst v3  }
0x21f: {  	s24 =	sadd.s32 $0x200, s24;
	s31 =	sadd.s32 $0x100, s31;
	v3 =	vld [tilespmem:s25+$0x40];
	[tilespmem:s17+$0x470] =	vst v2;
	s17 =	smov.u32 s10  }
0x220: {  	s21 =	sand.u32 $0x300, s31;
	s28 =	sadd.s32 $0x80, s31;
	s10 =	sand.u32 $0x3800, s24;
	v2 =	vld [tilespmem:s13+$0xFFFFFF80];
	v5 =	vadd.bf16 v5, v10;
	[tilespmem:s9+$0x460] =	vst v11  }
0x221: {  	s28 =	sand.u32 $0x380, s28;
	s29 =	sadd.s32 $0x13800, s10;
	s10 =	smov.u32 s19;
	v10 =	vld [tilespmem:s26+$0xFFFFFFB0]  }
0x222: {  	s9 =	smov.u32 s16;
	s19 =	sor.u32 s21, s29;
	s16 =	sor.u32 s28, s29;
	v11 =	vshll.u32 v5, $0x10;
	v12 =	vld [tilespmem:s25+$0xFFFFFFB0];
	v6 =	vadd.bf16 v9, v6  }
0x223: {  	v5 =	vand.u32 $0xFFFF0000, v5;
	v4 =	vadd.bf16 v4, v8;
	[tilespmem:s16+$0x0] =	vst v11;
	v8 =	vld [tilespmem:s8+$0xFFFFFFE0]  }
0x224: {  	[tilespmem:s16+$0x10] =	vst v5;
	v3 =	vadd.bf16 v3, v6;
	v5 =	vld [tilespmem:s7+$0xFFFFFFE0]  }
0x225: {  	v2 =	vadd.bf16 v2, v4;
	v4 =	vld [tilespmem:s15+$0x10]  }
0x226: {  	v6 =	vld [tilespmem:s20+$0x10];
	v7 =	vadd.bf16 v10, v7;
	v9 =	vshll.u32 v3, $0x10  }
0x227: {  	s1 =	sadd.s32 $0x2, s1;
	v3 =	vand.u32 $0xFFFF0000, v3;
	v10 =	vshll.u32 v2, $0x10;
	v2 =	vand.u32 $0xFFFF0000, v2;
	[tilespmem:s9+$0x400] =	vst v9;
	v9 =	vld [tilespmem:s6+$0xFFFFFFE0]  }
0x228: {  	p0 =	slt.u32 s1, $0x3E;
	v11 =	vld [tilespmem:s13+$0x10];
	v7 =	vadd.bf16 v12, v7;
	[tilespmem:s9+$0x410] =	vst v3  }
0x229: {  	[tilespmem:s19+$0x0] =	vst v10;
	v3 =	vld [tilespmem:s12+$0x50];
	v5 =	vadd.bf16 v5, v8  }
0x22a: {  	[tilespmem:s19+$0x10] =	vst v2;
	v2 =	vshll.u32 v7, $0x10;
	v7 =	vand.u32 $0xFFFF0000, v7;
	v8 =	vld [tilespmem:s26+$0x50]  }
0x22b: {  	v10 =	vld [tilespmem:s15+$0xFFFFFF90];
	v4 =	vadd.bf16 v6, v4;
	[tilespmem:s10+$0x60] =	vst v2  }
0x22c: {  	[tilespmem:s10+$0x70] =	vst v7;
	v2 =	vld [tilespmem:s25+$0x50];
	v5 =	vadd.bf16 v9, v5  }
0x22d: {  	v6 =	vld [tilespmem:s20+$0xFFFFFF90];
	v4 =	vadd.bf16 v11, v4  }
0x22e: {  	v7 =	vld [tilespmem:s13+$0xFFFFFF90];
	v9 =	vshll.u32 v5, $0x10;
	v5 =	vand.u32 $0xFFFF0000, v5  }
0x22f: {  	v11 =	vshll.u32 v4, $0x10;
	v12 =	vld [tilespmem:s12+$0xFFFFFFC0];
	v3 =	vadd.bf16 v8, v3;
	[tilespmem:s17+$0x440] =	vst v9  }
0x230: {  	v4 =	vand.u32 $0xFFFF0000, v4;
	[tilespmem:s16+$0x20] =	vst v11;
	v8 =	vld [tilespmem:s26+$0xFFFFFFC0]  }
0x231: {  	[tilespmem:s16+$0x30] =	vst v4;
	v4 =	vld [tilespmem:s25+$0xFFFFFFC0];
	v2 =	vadd.bf16 v2, v3  }
0x232: {  	v3 =	vadd.bf16 v6, v10;
	v6 =	vld [tilespmem:s15+$0x20];
	[tilespmem:s17+$0x450] =	vst v5  }
0x233: {  	v5 =	vld [tilespmem:s20+$0x20];
	v9 =	vshll.u32 v2, $0x10  }
0x234: {  	v2 =	vand.u32 $0xFFFF0000, v2;
	v3 =	vadd.bf16 v7, v3;
	[tilespmem:s9+$0x420] =	vst v9;
	v7 =	vld [tilespmem:s8+$0xFFFFFFF0];
	s8 =	smov.u32 s12;
	s12 =	smov.u32 s15  }
0x235: {  	v9 =	vld [tilespmem:s13+$0x20];
	v8 =	vadd.bf16 v8, v12;
	[tilespmem:s9+$0x430] =	vst v2  }
0x236: {  	v2 =	vshll.u32 v3, $0x10;
	v3 =	vand.u32 $0xFFFF0000, v3;
	v10 =	vld [tilespmem:s8+$0x60]  }
0x237: {  	[tilespmem:s19+$0x20] =	vst v2;
	v2 =	vadd.bf16 v4, v8;
	v4 =	vld [tilespmem:s26+$0x60]  }
0x238: {  	[tilespmem:s19+$0x30] =	vst v3;
	v3 =	vadd.bf16 v5, v6;
	v5 =	vld [tilespmem:s7+$0xFFFFFFF0];
	s7 =	smov.u32 s26;
	s26 =	smov.u32 s20  }
0x239: {  	v6 =	vshll.u32 v2, $0x10;
	v2 =	vand.u32 $0xFFFF0000, v2;
	v8 =	vld [tilespmem:s25+$0x60]  }
0x23a: {  	v11 =	vld [tilespmem:s15+$0xFFFFFFA0];
	v3 =	vadd.bf16 v9, v3;
	[tilespmem:s10+$0x400] =	vst v6  }
0x23b: {  	v6 =	vld [tilespmem:s20+$0xFFFFFFA0];
	[tilespmem:s10+$0x410] =	vst v2  }
0x23c: {  	v9 =	vld [tilespmem:s13+$0xFFFFFFA0];
	v2 =	vshll.u32 v3, $0x10;
	v4 =	vadd.bf16 v4, v10  }
0x23d: {  	v3 =	vand.u32 $0xFFFF0000, v3;
	[tilespmem:s16+$0x40] =	vst v2;
	v10 =	vld [tilespmem:s8+$0xFFFFFFD0];
	v2 =	vadd.bf16 v5, v7  }
0x23e: {  	[tilespmem:s16+$0x50] =	vst v3;
	v3 =	vld [tilespmem:s7+$0xFFFFFFD0];
	v4 =	vadd.bf16 v8, v4  }
0x23f: {  	v5 =	vld [tilespmem:s15+$0x30]  }
0x240: {  	v6 =	vadd.bf16 v6, v11;
	v7 =	vld [tilespmem:s20+$0x30];
	v8 =	vshll.u32 v4, $0x10  }
0x241: {  	v4 =	vand.u32 $0xFFFF0000, v4;
	v11 =	vld [tilespmem:s25+$0xFFFFFFD0];
	[tilespmem:s9+$0x440] =	vst v8  }
0x242: {  	v6 =	vadd.bf16 v9, v6;
	v9 =	vld [tilespmem:s13+$0x30];
	[tilespmem:s9+$0x450] =	vst v4  }
.Ltmp2:
0x243: {  	v8 =	vadd.bf16 v3, v10;
	v3 =	vld [tilespmem:s8+$0x70];
	(pc) =	sbr.rel @p0 .LBB2_7-.Ltmp2, $4  }
0x244: {  	v10 =	vshll.u32 v6, $0x10;
	v6 =	vand.u32 $0xFFFF0000, v6;
	v4 =	vld [tilespmem:s7+$0x70]  }
0x245: {  	[tilespmem:s19+$0x40] =	vst v10;
	v10 =	vadd.bf16 v7, v5;
	v5 =	vld [tilespmem:s6+$0xFFFFFFF0];
	s6 =	smov.u32 s25;
	s25 =	smov.u32 s13  }
0x246: {  	[tilespmem:s19+$0x50] =	vst v6;
	v8 =	vadd.bf16 v11, v8;
	v6 =	vld [tilespmem:s6+$0x70]  }
0x247: {  	s15 =	sadd.s32 $0x100, s15;
	v7 =	vld [tilespmem:s12+$0xFFFFFFB0];
	v9 =	vadd.bf16 v9, v10  }
0x248: {  	v10 =	vld [tilespmem:s26+$0xFFFFFFB0];
	_ =	sdelay $0x1  }
0x249: {  	v11 =	vld [tilespmem:s25+$0xFFFFFFB0];
	_ =	sdelay $0x2  }
0x24a: {  	v12 =	vshll.u32 v9, $0x10;
	v7 =	vadd.bf16 v10, v7  }
0x24b: {  	v29 =	vand.u32 $0xFFFF0000, v9;
	[tilespmem:s16+$0x60] =	vst v12  }
0x24c: {  	[tilespmem:s16+$0x70] =	vst v29;
	v7 =	vadd.bf16 v11, v7  }
0x24d: {  	v9 =	vld [tilespmem:s12+$0x40]  }
0x24e: {  	v30 =	vld [tilespmem:s26+$0x40];
	v11 =	vshll.u32 v7, $0x10  }
0x24f: {  	v7 =	vand.u32 $0xFFFF0000, v7;
	[tilespmem:s19+$0x60] =	vst v11  }
0x250: {  	v31 =	vld [tilespmem:s25+$0x40];
	[tilespmem:s19+$0x70] =	vst v7  }
0x251: {  	v7 =	vld [tilespmem:s12+$0xFFFFFFC0]  }
0x252: {  	v32 =	vld [tilespmem:s26+$0xFFFFFFC0]  }
0x253: {  	v9 =	vadd.bf16 v30, v9  }
0x254: {  	v33 =	vld [tilespmem:s25+$0xFFFFFFC0]  }
0x255: {  	v9 =	vadd.bf16 v31, v9;
	_ =	sdelay $0x1  }
0x256: {  	v11 =	vshll.u32 v9, $0x10;
	v7 =	vadd.bf16 v32, v7  }
0x257: {  	v9 =	vand.u32 $0xFFFF0000, v9;
	[tilespmem:s16+$0x400] =	vst v11  }
0x258: {  	[tilespmem:s16+$0x410] =	vst v9;
	v7 =	vadd.bf16 v33, v7  }
0x259: {  	v9 =	vld [tilespmem:s12+$0x50]  }
0x25a: {  	v34 =	vld [tilespmem:s26+$0x50];
	v35 =	vshll.u32 v7, $0x10  }
0x25b: {  	v7 =	vand.u32 $0xFFFF0000, v7;
	[tilespmem:s19+$0x400] =	vst v35  }
0x25c: {  	v36 =	vld [tilespmem:s25+$0x50];
	[tilespmem:s19+$0x410] =	vst v7  }
0x25d: {  	v7 =	vld [tilespmem:s12+$0xFFFFFFD0]  }
0x25e: {  	v37 =	vld [tilespmem:s26+$0xFFFFFFD0]  }
0x25f: {  	v9 =	vadd.bf16 v34, v9  }
0x260: {  	v38 =	vshll.u32 v8, $0x10;
	v13 =	vld [tilespmem:s25+$0xFFFFFFD0]  }
0x261: {  	v39 =	vand.u32 $0xFFFF0000, v8;
	[tilespmem:s10+$0x420] =	vst v38;
	v9 =	vadd.bf16 v36, v9  }
0x262: {  	[tilespmem:s10+$0x430] =	vst v39  }
0x263: {  	v8 =	vld [tilespmem:s8+$0xFFFFFFE0];
	v40 =	vshll.u32 v9, $0x10;
	v7 =	vadd.bf16 v37, v7  }
0x264: {  	v41 =	vld [tilespmem:s7+$0xFFFFFFE0];
	v9 =	vand.u32 $0xFFFF0000, v9;
	[tilespmem:s16+$0x420] =	vst v40  }
0x265: {  	v42 =	vld [tilespmem:s6+$0xFFFFFFE0];
	[tilespmem:s16+$0x430] =	vst v9;
	v7 =	vadd.bf16 v13, v7  }
0x266: {  	v9 =	vld [tilespmem:s12+$0x60]  }
0x267: {  	v43 =	vld [tilespmem:s26+$0x60];
	v13 =	vshll.u32 v7, $0x10  }
0x268: {  	v7 =	vand.u32 $0xFFFF0000, v7;
	[tilespmem:s19+$0x420] =	vst v13  }
0x269: {  	v44 =	vld [tilespmem:s25+$0x60];
	[tilespmem:s19+$0x430] =	vst v7  }
0x26a: {  	v45 =	vadd.bf16 v41, v8;
	v46 =	vld [tilespmem:s12+$0xFFFFFFE0]  }
0x26b: {  	v47 =	vld [tilespmem:s26+$0xFFFFFFE0]  }
0x26c: {  	v9 =	vadd.bf16 v43, v9;
	v7 =	vadd.bf16 v42, v45  }
0x26d: {  	v48 =	vld [tilespmem:s25+$0xFFFFFFE0]  }
0x26e: {  	v9 =	vadd.bf16 v44, v9;
	v49 =	vshll.u32 v7, $0x10  }
0x26f: {  	v7 =	vand.u32 $0xFFFF0000, v7;
	[tilespmem:s10+$0x440] =	vst v49  }
0x270: {  	v50 =	vshll.u32 v9, $0x10;
	[tilespmem:s10+$0x450] =	vst v7;
	v8 =	vadd.bf16 v47, v46  }
0x271: {  	v9 =	vand.u32 $0xFFFF0000, v9;
	[tilespmem:s16+$0x440] =	vst v50;
	v51 =	vld [tilespmem:s8+$0xFFFFFFF0]  }
0x272: {  	[tilespmem:s16+$0x450] =	vst v9;
	v52 =	vld [tilespmem:s7+$0xFFFFFFF0];
	v8 =	vadd.bf16 v48, v8  }
0x273: {  	v9 =	vld [tilespmem:s12+$0x70]  }
0x274: {  	v53 =	vld [tilespmem:s26+$0x70];
	v54 =	vshll.u32 v8, $0x10  }
0x275: {  	v55 =	vld [tilespmem:s6+$0xFFFFFFF0];
	v8 =	vand.u32 $0xFFFF0000, v8;
	[tilespmem:s19+$0x440] =	vst v54  }
0x276: {  	v56 =	vld [tilespmem:s25+$0x70];
	[tilespmem:s19+$0x450] =	vst v8  }
0x277: {  	v3 =	vadd.bf16 v4, v3;
	v2 =	vadd.bf16 v5, v2;
	v57 =	vld [tilespmem:s12+$0xFFFFFFF0]  }
0x278: {  	v58 =	vld [tilespmem:s26+$0xFFFFFFF0]  }
0x279: {  	v3 =	vadd.bf16 v6, v3;
	v59 =	vshll.u32 v2, $0x10;
	v7 =	vadd.bf16 v52, v51  }
0x27a: {  	v2 =	vand.u32 $0xFFFF0000, v2;
	[tilespmem:s17+$0x460] =	vst v59;
	v9 =	vadd.bf16 v53, v9;
	v61 =	vld [tilespmem:s25+$0xFFFFFFF0]  }
0x27b: {  	v60 =	vand.u32 $0xFFFF0000, v3;
	[tilespmem:s17+$0x470] =	vst v2;
	v7 =	vadd.bf16 v55, v7  }
0x27c: {  	v3 =	vshll.u32 v3, $0x10;
	[tilespmem:s9+$0x470] =	vst v60;
	v2 =	vadd.bf16 v56, v9  }
0x27d: {  	[tilespmem:s9+$0x460] =	vst v3;
	v3 =	vshll.u32 v7, $0x10;
	v62 =	vadd.bf16 v58, v57  }
0x27e: {  	s22 =	sadd.s32 $0x1, s22;
	v63 =	vand.u32 $0xFFFF0000, v2;
	[tilespmem:s10+$0x460] =	vst v3  }
0x27f: {  	p0 =	sne.s32 s22, $0x8;
	v2 =	vshll.u32 v2, $0x10;
	[tilespmem:s16+$0x470] =	vst v63;
	v4 =	vadd.bf16 v61, v62  }
.Ltmp3:
0x280: {  	v3 =	vand.u32 $0xFFFF0000, v7;
	[tilespmem:s16+$0x460] =	vst v2;
	(pc) =	sbr.rel @p0 .LBB2_4-.Ltmp3, $4  }
0x281: {  	[tilespmem:s10+$0x470] =	vst v3;
	v2 =	vshll.u32 v4, $0x10  }
0x282: {  	s1 =	sshll.u32 s23, $0xB;
	v3 =	vand.u32 $0xFFFF0000, v4;
	[tilespmem:s19+$0x460] =	vst v2  }
0x283: {  	s29 =	simm.s32 $0x0;
	s31 =	simm.s32 $0x13800;
	s1 =	sadd.s32 s1, s11;
	[tilespmem:s19+$0x470] =	vst v3  }
0x284: {  	[hbm4b:s1+s29] =	stream.linear.scatter [tilespmem:s31], [sflag:$0x8], $0x4000, $0x38;
	[tilespmem:$0x17800] =	vst v63  }
0x285: {  	s1 =	simm.s32 $0x7  }
0x286: {  	_ =	swait.ge [sflag:s1], $0x4000  }
0x287: {  	[sflag:s1] =	ssyncset.done $0x0  }
0x288: {  	s6 =	simm.s32 $0x8;
	[sflag:s1] =	ssyncadd.s32 $0xFFFFC000  }
0x289: {  	_ =	swait.ge [sflag:s6], $0x4000  }
0x28a: {  	s7 =	rddreg [dreg:$0xe]  }
0x28b: {  	s31 =	rddreg [dreg:$0xd];
	s7 =	sadd.s32 $0x1, s7  }
0x28c: {  	p0 =	sne.s32 s7, s31  }
.Ltmp4:
0x28d: {  	_ = 	snop;
	(pc) =	sbr.rel @p0 .LBB2_1-.Ltmp4, $3  }
0x28e: {  	_ =	sdelay $0x1  }
0x28f: {  	[sflag:s6] =	ssyncset.done $0x0  }
0x290: {  	s9 =	simm.s32 $0x2000;
	[sflag:s6] =	ssyncadd.s32 $0xFFFFC000  }
0x291: {  	_ =	sfence.sel $0x180000  }
0x292: {  	[bflag:$0x0] =	sbarrier.arrive $0xFFFF  }
0x293: {  	_ =	strace $0x9000004A  }
0x294: {  	s0 =	stileid.u32;
	[bflag:$0x2] =	sbarrier.arrive $0xFFFF  }
0x295: {  	p0 =	sne.s32 s0, $0x0;
	s0 =	rddreg [dreg:$0x7]  }
0x296: {  	s0 =	sadd.s32 @!p0 $0x100000, s0  }
0x297: {  	[sflag:s0] =	ssyncadd.tile.s32 @!p0 $0x1;
	_ =	shalt  }
.Lfunc_end2:
_tile_overlayer_lowered:
.L_overlay_start_2:
0x298: {  	(tag) =	ssettag $0x2  }
0x299: {  	s0 =	rddreg [dreg:$0x0];
	s2 =	stileid.u32  }
0x29a: {  	s1 =	rddreg [dreg:$0x1];
	p0 =	sne.s32 s2, $0x0  }
0x29b: {  	s3 =	rddreg [dreg:$0x2];
	[bflag:$0x3] =	sbarrier.arrive $0xFFFF;
	s2 =	simm.s32 @!p0 $0x1C09  }
0x29c: {  	[timem:s3], [sflag:s2] =	dma.local @!p0 [hbm:s0], s1  }
0x29d: {  	s0 =	simm.s32 @!p0 $0x9  }
0x29e: {  	_ =	swait.ge @!p0 [sflag:s0], s1  }
0x29f: {  	s1 =	ssub.s32 @!p0 $0x0, s1;
	[sflag:s0] =	ssyncset.done @!p0 $0x0  }
0x2a0: {  	[sflag:s0] =	ssyncadd.s32 @!p0 s1  }
0x2a1: {  	[bflag:$0x3] =	sbarrier.arrive $0xFFFF  }
0x2a2: {  	_ =	shalt  }

</sc_bundles>
